<compile_context>
chip_gen: v7x
topology: tpu7x:2x2x1
jax: 0.10.2.dev20260603
libtpu: 0.0.44.dev20260713+nightly
codegen_flags: <defaults>
</compile_context>

<pallas_src>
import functools

import jax
import jax.numpy as jnp
from jax import lax
from jax.experimental import pallas as pl
from jax.experimental.pallas import tpu as pltpu
from jax.experimental.pallas import tpu_sc as plsc

NUM_STUDENTS = 1000000
NUM_QUESTIONS = 100000
NUM_DIM = 64
BATCH = 16384

NC = 2
NS = 16
L = 16
NW = NC * NS
B_PER_W = BATCH // NW
CHUNK = 128
N_CHUNKS = B_PER_W // CHUNK

ROWSUM_BW = 16384

TS_SC = 524288
TC_OFF = TS_SC // ROWSUM_BW
COLS_W = TS_SC // NW
SCW = 512
NCHK = COLS_W // SCW
KP = NUM_DIM // 8


def _rowsum_body(xt_ref, o_ref):
    ones = jnp.ones((1, NUM_DIM), jnp.float32)
    acc = jnp.dot(ones, xt_ref[...], preferred_element_type=jnp.float32)
    o_ref[...] = acc.reshape(ROWSUM_BW)


def _rowsum_tc(xt, start_block):
    n = xt.shape[1]
    grid = (n + ROWSUM_BW - 1) // ROWSUM_BW - start_block
    return pl.pallas_call(
        _rowsum_body,
        grid=(grid,),
        in_specs=[pl.BlockSpec((NUM_DIM, ROWSUM_BW),
                               lambda i: (0, i + start_block))],
        out_specs=pl.BlockSpec((ROWSUM_BW,), lambda i: (i + start_block,)),
        out_shape=jax.ShapeDtypeStruct((n,), jnp.float32),
        compiler_params=pltpu.CompilerParams(
            dimension_semantics=("arbitrary",)),
    )(xt)


def _sc_sweep_body(t3_hbm, ts_hbm, buf, out_v, sem):
    wid = lax.axis_index("s") * NC + lax.axis_index("c")
    base = pl.multiple_of(wid * COLS_W, SCW)

    def issue(ch, slot):
        col = pl.multiple_of(base + ch * SCW, SCW)
        pltpu.async_copy(t3_hbm.at[:, :, pl.ds(col, SCW)],
                         buf.at[slot], sem)

    def drain(slot):
        pltpu.make_async_copy(t3_hbm.at[:, :, pl.ds(0, SCW)],
                              buf.at[slot], sem).wait()

    def compute(ch, slot):
        def g_body(g, _):
            vals = [buf[slot, k, r, pl.ds(g * L, L)]
                    for k in range(KP) for r in range(8)]
            while len(vals) > 1:
                vals = [a + b for a, b in zip(vals[::2], vals[1::2])]
            out_v[pl.ds(ch * SCW + g * L, L)] = vals[0]
            return 0
        lax.fori_loop(0, SCW // L, g_body, 0)

    issue(0, 0)

    def chunk_body(ch, _):
        slot = ch % 2

        @pl.when(ch + 1 < NCHK)
        def _():
            issue(ch + 1, 1 - slot)

        drain(slot)
        compute(ch, slot)
        return 0

    lax.fori_loop(0, NCHK, chunk_body, 0, unroll=2)

    pltpu.sync_copy(out_v, ts_hbm.at[pl.ds(wid * COLS_W, COLS_W)])


def _sc_sweep(theta3):
    kern = functools.partial(
        pl.kernel,
        mesh=plsc.VectorSubcoreMesh(core_axis_name="c", subcore_axis_name="s"),
        out_type=jax.ShapeDtypeStruct((TS_SC,), jnp.float32),
        compiler_params=pltpu.CompilerParams(
            needs_layout_passes=False, use_tc_tiling_on_sc=True),
        scratch_types=[
            pltpu.VMEM((2, KP, 8, SCW), jnp.float32),
            pltpu.VMEM((COLS_W,), jnp.float32),
            pltpu.SemaphoreType.DMA,
        ],
    )(_sc_sweep_body)
    return kern(theta3)


def _gather_body(sid_hbm, qid_hbm, tsc_hbm, ttc_hbm, bs_hbm, out_hbm,
                 sid_v, qid_v, scidx_v, tsc_v, ttc_v, bs_v, out_v, sem):
    wid = lax.axis_index("s") * NC + lax.axis_index("c")

    pltpu.sync_copy(sid_hbm.at[pl.ds(wid * N_CHUNKS, N_CHUNKS)], sid_v)
    pltpu.sync_copy(qid_hbm.at[pl.ds(wid * N_CHUNKS, N_CHUNKS)], qid_v)

    for j in range(N_CHUNKS):
        for c in range(CHUNK // L):
            s = sid_v[j, pl.ds(c * L, L)]
            scidx_v[j, pl.ds(c * L, L)] = jnp.where(
                s < TS_SC, s, s - TS_SC)

    copies = []
    for j in range(N_CHUNKS):
        copies.append(pltpu.async_copy(tsc_hbm.at[scidx_v.at[j]],
                                       tsc_v.at[j], sem))
        copies.append(pltpu.async_copy(ttc_hbm.at[sid_v.at[j]],
                                       ttc_v.at[j], sem))
        copies.append(pltpu.async_copy(bs_hbm.at[qid_v.at[j]],
                                       bs_v.at[j], sem))
    for c in copies:
        c.wait()

    for j in range(N_CHUNKS):
        for c in range(CHUNK // L):
            s = sid_v[j, pl.ds(c * L, L)]
            ts = jnp.where(s < TS_SC,
                           tsc_v[j, pl.ds(c * L, L)],
                           ttc_v[j, pl.ds(c * L, L)])
            diff = ts - bs_v[j, pl.ds(c * L, L)]
            pred = 1.0 / (1.0 + jnp.exp(-diff))
            out_v[pl.ds((j * (CHUNK // L) + c) * L, L)] = pred

    pltpu.sync_copy(out_v, out_hbm.at[pl.ds(wid * B_PER_W, B_PER_W)])


def _gather_sigmoid(sid2d, qid2d, ts_sc, ts_tc, bs):
    kern = functools.partial(
        pl.kernel,
        mesh=plsc.VectorSubcoreMesh(core_axis_name="c", subcore_axis_name="s"),
        out_type=jax.ShapeDtypeStruct((BATCH,), jnp.float32),
        compiler_params=pltpu.CompilerParams(
            needs_layout_passes=False, use_tc_tiling_on_sc=False),
        scratch_types=[
            pltpu.VMEM((N_CHUNKS, CHUNK), jnp.int32),
            pltpu.VMEM((N_CHUNKS, CHUNK), jnp.int32),
            pltpu.VMEM((N_CHUNKS, CHUNK), jnp.int32),
            pltpu.VMEM((N_CHUNKS, CHUNK), jnp.float32),
            pltpu.VMEM((N_CHUNKS, CHUNK), jnp.float32),
            pltpu.VMEM((N_CHUNKS, CHUNK), jnp.float32),
            pltpu.VMEM((B_PER_W,), jnp.float32),
            pltpu.SemaphoreType.DMA,
        ],
    )(_gather_body)
    return kern(sid2d, qid2d, ts_sc, ts_tc, bs)


@jax.jit
def _irt(student_ids, question_ids, theta_weight, beta_weight):
    theta_t = theta_weight.T
    theta3 = theta_t.reshape(KP, 8, NUM_STUDENTS)
    ts_sc = _sc_sweep(theta3)
    ts_tc = _rowsum_tc(theta_t, TC_OFF)
    bs = _rowsum_tc(beta_weight.T, 0)
    sid2d = student_ids.astype(jnp.int32).reshape(NW * N_CHUNKS, CHUNK)
    qid2d = question_ids.astype(jnp.int32).reshape(NW * N_CHUNKS, CHUNK)
    return _gather_sigmoid(sid2d, qid2d, ts_sc, ts_tc, bs)


def kernel(student_ids, question_ids, theta_weight, beta_weight):
    out = _irt(student_ids, question_ids, theta_weight, beta_weight)
    return out.reshape(BATCH, 1)

# --- scband reference (transcript-rebuilt; emitter-appended) ---
"""Pipeline reference for scband-irt-1-pl-46213848105086 (READ-ONLY COPY).

The authoritative reference and input builder live on the scoring server;
editing this copy changes nothing except your own understanding.
"""

import jax, jax.numpy as jnp
import numpy as np

NUM_STUDENTS = 1000000
NUM_QUESTIONS = 100000
NUM_DIM = 64
BATCH = 16384

def _xavier_normal(key, shape):
    fan_out, fan_in = shape[0], shape[1]
    std = float(np.sqrt(2.0 / (fan_in + fan_out)))
    return jax.random.normal(key, shape, dtype=jnp.float32) * std

def setup_inputs(seed: int = 0) -> dict:
    key = jax.random.key(seed)
    k1, k2, k3, k4 = jax.random.split(key, 4)
    student_ids = jax.random.randint(k1, (BATCH,), 0, NUM_STUDENTS, dtype=jnp.int64 if jax.config.jax_enable_x64 else jnp.int32)
    question_ids = jax.random.randint(k2, (BATCH,), 0, NUM_QUESTIONS, dtype=jnp.int64 if jax.config.jax_enable_x64 else jnp.int32)
    theta_weight = _xavier_normal(k3, (NUM_STUDENTS, NUM_DIM))
    beta_weight = _xavier_normal(k4, (NUM_QUESTIONS, NUM_DIM))
    return {
        "student_ids": student_ids,
        "question_ids": question_ids,
        "theta_weight": theta_weight,
        "beta_weight": beta_weight,
    }

def reference(student_ids, question_ids, theta_weight, beta_weight):
    theta = jnp.take(theta_weight, student_ids, axis=0)
    beta = jnp.take(beta_weight, question_ids, axis=0)
    pred = jnp.sum(theta - beta, axis=1, keepdims=True)
    pred = jax.nn.sigmoid(pred)
    return pred

if __name__ == "__main__":
    import jax
    _d = setup_inputs()
    print(jax.jit(kernel)(*tuple(_d.values())))

</pallas_src>

<mosaic_0001>
#map = affine_map<(d0, d1) -> (0, 0, 0)>
#map1 = affine_map<(d0, d1) -> (0)>
module attributes {stable_mosaic.version = 14 : i64} {
  func.func @_sc_sweep_body(%arg0: i32, %arg1: i32, %arg2: memref<8x8x1000000xf32, #tpu.memory_space<hbm>>, %arg3: memref<524288xf32, #tpu.memory_space<hbm>>, %arg4: memref<2x8x8x512xf32, #tpu.memory_space<vmem>>, %arg5: memref<16384xf32, #tpu.memory_space<vmem>>, %arg6: memref<!tpu.dma_semaphore, #tpu.memory_space<semaphore_mem>>) attributes {dimension_semantics = [#tpu.dimension_semantics<core_parallel>, #tpu.dimension_semantics<subcore_parallel>], iteration_bounds = array<i64: 2, 16>, scalar_prefetch = 0 : i64, scratch_operands = 3 : i64, tpu.core_type = #tpu.core_type<sc_vector_subcore>, window_params = [{transform_indices = #map}, {transform_indices = #map1}]} {
    %mul3A = arith.constant 2 : i32
    %mul3A_0 = arith.muli %arg1, %mul3A : i32
    %add3A = arith.addi %mul3A_0, %arg0 : i32
    %mul3A_1 = arith.constant 16384 : i32
    %mul3A_2 = arith.muli %add3A, %mul3A_1 : i32
    %multiple_of3A = tpu.assume_multiple %mul3A_2, 512 : i32
    %add3A_3 = arith.constant 0 : i32
    %add3A_4 = arith.addi %multiple_of3A, %add3A_3 : i32
    %multiple_of3A_5 = tpu.assume_multiple %add3A_4, 512 : i32
    %dma_start3A = arith.constant 0 : i32
    %dma_start3A_6 = arith.constant 0 : i32
    %dma_start3A_7 = arith.constant 0 : i32
    %dma_start3A_8 = arith.constant 0 : i32
    %dma_start3A_9 = tpu.memref_slice %arg4[%dma_start3A, %dma_start3A_6, %dma_start3A_7, %dma_start3A_8] : memref<2x8x8x512xf32, #tpu.memory_space<vmem>> -> memref<1x8x8x512xf32, #tpu.memory_space<vmem>>
    %dma_start3A_10 = tpu.memref_squeeze %dma_start3A_9 : memref<1x8x8x512xf32, #tpu.memory_space<vmem>> -> memref<8x8x512xf32, #tpu.memory_space<vmem>>
    %dma_start3A_11 = arith.constant 0 : i32
    %dma_start3A_12 = arith.constant 0 : i32
    %dma_start3A_13 = tpu.memref_slice %arg2[%dma_start3A_11, %dma_start3A_12, %multiple_of3A_5] : memref<8x8x1000000xf32, #tpu.memory_space<hbm>> -> memref<8x8x512xf32, #tpu.memory_space<hbm>>
    %dma_start3A_14 = arith.constant 0 : i32
    %dma_start3A_15 = arith.constant 0 : i32
    %dma_start3A_16 = arith.constant 0 : i32
    %dma_start3A_17 = tpu.memref_slice %arg4[%dma_start3A, %dma_start3A_14, %dma_start3A_15, %dma_start3A_16] : memref<2x8x8x512xf32, #tpu.memory_space<vmem>> -> memref<1x8x8x512xf32, #tpu.memory_space<vmem>>
    %dma_start3A_18 = tpu.memref_squeeze %dma_start3A_17 : memref<1x8x8x512xf32, #tpu.memory_space<vmem>> -> memref<8x8x512xf32, #tpu.memory_space<vmem>>
    %dma_start3A_19 = arith.constant 0 : i32
    %dma_start3A_20 = arith.constant 0 : i32
    %dma_start3A_21 = tpu.memref_slice %arg2[%dma_start3A_19, %dma_start3A_20, %multiple_of3A_5] : memref<8x8x1000000xf32, #tpu.memory_space<hbm>> -> memref<8x8x512xf32, #tpu.memory_space<hbm>>
    tpu.enqueue_dma source(%dma_start3A_21 : memref<8x8x512xf32, #tpu.memory_space<hbm>>) target(%dma_start3A_18 : memref<8x8x512xf32, #tpu.memory_space<vmem>>) target_semaphore(%arg6 : memref<!tpu.dma_semaphore, #tpu.memory_space<semaphore_mem>>)
    %scan3A = arith.constant 0 : i32
    %scan3A_22 = arith.constant 0 : i32
    %scan3A_23 = arith.constant 32 : i32
    %scan3A_24 = arith.addi %scan3A_22, %scan3A_23 : i32
    %scan3A_25 = arith.constant 2 : i32
    %scan3A_26 = scf.for %scan3A_30 = %scan3A_22 to %scan3A_24 step %scan3A_25 iter_args(%scan3A_31 = %scan3A) -> (i32)  : i32 {
      %jit3A = arith.constant 2 : i32
      %eq3A = arith.constant 0 : i32
      %eq3A_32 = arith.cmpi eq, %jit3A, %eq3A : i32
      %jit3A_33 = arith.constant 1 : i32
      %select_n3A = arith.select %eq3A_32, %jit3A_33, %jit3A : i32
      %rem3A = arith.remsi %scan3A_30, %select_n3A : i32
      %ne3A = arith.constant 0 : i32
      %ne3A_34 = arith.cmpi ne, %rem3A, %ne3A : i32
      %lt3A = arith.constant 0 : i32
      %lt3A_35 = arith.cmpi slt, %rem3A, %lt3A : i32
      %lt3A_36 = arith.constant 0 : i32
      %lt3A_37 = arith.cmpi slt, %select_n3A, %lt3A_36 : i32
      %ne3A_38 = arith.xori %lt3A_35, %lt3A_37 : i1
      %and3A = arith.andi %ne3A_38, %ne3A_34 : i1
      %add3A_39 = arith.addi %rem3A, %select_n3A : i32
      %select_n3A_40 = arith.select %and3A, %add3A_39, %rem3A : i32
      %add3A_41 = arith.constant 1 : i32
      %add3A_42 = arith.addi %scan3A_30, %add3A_41 : i32
      %lt3A_43 = arith.constant 32 : i32
      %lt3A_44 = arith.cmpi slt, %add3A_42, %lt3A_43 : i32
      %convert_element_type3A = arith.extui %lt3A_44 : i1 to i32
      %cond3A = arith.constant 0 : i32
      %cond3A_45 = arith.cmpi ne, %convert_element_type3A, %cond3A : i32
      scf.if %cond3A_45 {
        %add3A_122 = arith.constant 1 : i32
        %add3A_123 = arith.addi %scan3A_30, %add3A_122 : i32
        %sub3A = arith.constant 1 : i32
        %sub3A_124 = arith.subi %sub3A, %select_n3A_40 : i32
        %mul3A_125 = arith.constant 512 : i32
        %mul3A_126 = arith.muli %add3A_123, %mul3A_125 : i32
        %add3A_127 = arith.addi %multiple_of3A, %mul3A_126 : i32
        %multiple_of3A_128 = tpu.assume_multiple %add3A_127, 512 : i32
        %dma_start3A_129 = arith.constant 0 : i32
        %dma_start3A_130 = arith.constant 0 : i32
        %dma_start3A_131 = arith.constant 0 : i32
        %dma_start3A_132 = tpu.memref_slice %arg4[%sub3A_124, %dma_start3A_129, %dma_start3A_130, %dma_start3A_131] : memref<2x8x8x512xf32, #tpu.memory_space<vmem>> -> memref<1x8x8x512xf32, #tpu.memory_space<vmem>>
        %dma_start3A_133 = tpu.memref_squeeze %dma_start3A_132 : memref<1x8x8x512xf32, #tpu.memory_space<vmem>> -> memref<8x8x512xf32, #tpu.memory_space<vmem>>
        %dma_start3A_134 = arith.constant 0 : i32
        %dma_start3A_135 = arith.constant 0 : i32
        %dma_start3A_136 = tpu.memref_slice %arg2[%dma_start3A_134, %dma_start3A_135, %multiple_of3A_128] : memref<8x8x1000000xf32, #tpu.memory_space<hbm>> -> memref<8x8x512xf32, #tpu.memory_space<hbm>>
        %dma_start3A_137 = arith.constant 0 : i32
        %dma_start3A_138 = arith.constant 0 : i32
        %dma_start3A_139 = arith.constant 0 : i32
        %dma_start3A_140 = tpu.memref_slice %arg4[%sub3A_124, %dma_start3A_137, %dma_start3A_138, %dma_start3A_139] : memref<2x8x8x512xf32, #tpu.memory_space<vmem>> -> memref<1x8x8x512xf32, #tpu.memory_space<vmem>>
        %dma_start3A_141 = tpu.memref_squeeze %dma_start3A_140 : memref<1x8x8x512xf32, #tpu.memory_space<vmem>> -> memref<8x8x512xf32, #tpu.memory_space<vmem>>
        %dma_start3A_142 = arith.constant 0 : i32
        %dma_start3A_143 = arith.constant 0 : i32
        %dma_start3A_144 = tpu.memref_slice %arg2[%dma_start3A_142, %dma_start3A_143, %multiple_of3A_128] : memref<8x8x1000000xf32, #tpu.memory_space<hbm>> -> memref<8x8x512xf32, #tpu.memory_space<hbm>>
        tpu.enqueue_dma source(%dma_start3A_144 : memref<8x8x512xf32, #tpu.memory_space<hbm>>) target(%dma_start3A_141 : memref<8x8x512xf32, #tpu.memory_space<vmem>>) target_semaphore(%arg6 : memref<!tpu.dma_semaphore, #tpu.memory_space<semaphore_mem>>)
      } else {
      }
      %dma_wait3A = arith.constant 0 : i32
      %dma_wait3A_46 = arith.constant 0 : i32
      %dma_wait3A_47 = arith.constant 0 : i32
      %dma_wait3A_48 = tpu.memref_slice %arg4[%select_n3A_40, %dma_wait3A, %dma_wait3A_46, %dma_wait3A_47] : memref<2x8x8x512xf32, #tpu.memory_space<vmem>> -> memref<1x8x8x512xf32, #tpu.memory_space<vmem>>
      %dma_wait3A_49 = tpu.memref_squeeze %dma_wait3A_48 : memref<1x8x8x512xf32, #tpu.memory_space<vmem>> -> memref<8x8x512xf32, #tpu.memory_space<vmem>>
      %dma_wait3A_50 = arith.constant 0 : i32
      %dma_wait3A_51 = arith.constant 0 : i32
      %dma_wait3A_52 = arith.constant 0 : i32
      %dma_wait3A_53 = tpu.memref_slice %arg2[%dma_wait3A_50, %dma_wait3A_51, %dma_wait3A_52] : memref<8x8x1000000xf32, #tpu.memory_space<hbm>> -> memref<8x8x512xf32, #tpu.memory_space<hbm>>
      %dma_wait3A_54 = arith.constant 0 : i32
      %dma_wait3A_55 = arith.constant 0 : i32
      %dma_wait3A_56 = arith.constant 0 : i32
      %dma_wait3A_57 = tpu.memref_slice %arg4[%select_n3A_40, %dma_wait3A_54, %dma_wait3A_55, %dma_wait3A_56] : memref<2x8x8x512xf32, #tpu.memory_space<vmem>> -> memref<1x8x8x512xf32, #tpu.memory_space<vmem>>
      %dma_wait3A_58 = tpu.memref_squeeze %dma_wait3A_57 : memref<1x8x8x512xf32, #tpu.memory_space<vmem>> -> memref<8x8x512xf32, #tpu.memory_space<vmem>>
      %dma_wait3A_59 = arith.constant 0 : i32
      %dma_wait3A_60 = arith.constant 0 : i32
      %dma_wait3A_61 = arith.constant 0 : i32
      %dma_wait3A_62 = tpu.memref_slice %arg2[%dma_wait3A_59, %dma_wait3A_60, %dma_wait3A_61] : memref<8x8x1000000xf32, #tpu.memory_space<hbm>> -> memref<8x8x512xf32, #tpu.memory_space<hbm>>
      tpu.wait_dma2 semaphore(%arg6 : memref<!tpu.dma_semaphore, #tpu.memory_space<semaphore_mem>>) src(%dma_wait3A_62 : memref<8x8x512xf32, #tpu.memory_space<hbm>>) dst(%dma_wait3A_58 : memref<8x8x512xf32, #tpu.memory_space<vmem>>)
      %scan3A_63 = arith.constant 0 : i32
      %scan3A_64 = arith.constant 0 : i32
      %scan3A_65 = arith.constant 32 : i32
      %scan3A_66 = arith.addi %scan3A_64, %scan3A_65 : i32
      %scan3A_67 = arith.constant 1 : i32
      %scan3A_68 = scf.for %scan3A_122 = %scan3A_64 to %scan3A_66 step %scan3A_67 iter_args(%scan3A_123 = %scan3A_63) -> (i32)  : i32 {
        %mul3A_124 = arith.constant 16 : i32
        %mul3A_125 = arith.muli %scan3A_122, %mul3A_124 : i32
        %get3A = arith.constant 0 : i32
        %get3A_126 = arith.constant 0 : i32
        %get3A_127 = arith.index_cast %select_n3A_40 : i32 to index
        %get3A_128 = arith.index_cast %get3A : i32 to index
        %get3A_129 = arith.index_cast %get3A_126 : i32 to index
        %get3A_130 = arith.index_cast %mul3A_125 : i32 to index
        %get3A_131 = tpu.vector_load %arg4[%get3A_127, %get3A_128, %get3A_129, %get3A_130] {strides = array<i32>} : memref<2x8x8x512xf32, #tpu.memory_space<vmem>>, vector<16xf32>,
        %mul3A_132 = arith.constant 16 : i32
        %mul3A_133 = arith.muli %scan3A_122, %mul3A_132 : i32
        %get3A_134 = arith.constant 0 : i32
        %get3A_135 = arith.constant 1 : i32
        %get3A_136 = arith.index_cast %select_n3A_40 : i32 to index
        %get3A_137 = arith.index_cast %get3A_134 : i32 to index
        %get3A_138 = arith.index_cast %get3A_135 : i32 to index
        %get3A_139 = arith.index_cast %mul3A_133 : i32 to index
        %get3A_140 = tpu.vector_load %arg4[%get3A_136, %get3A_137, %get3A_138, %get3A_139] {strides = array<i32>} : memref<2x8x8x512xf32, #tpu.memory_space<vmem>>, vector<16xf32>,
        %mul3A_141 = arith.constant 16 : i32
        %mul3A_142 = arith.muli %scan3A_122, %mul3A_141 : i32
        %get3A_143 = arith.constant 0 : i32
        %get3A_144 = arith.constant 2 : i32
        %get3A_145 = arith.index_cast %select_n3A_40 : i32 to index
        %get3A_146 = arith.index_cast %get3A_143 : i32 to index
        %get3A_147 = arith.index_cast %get3A_144 : i32 to index
        %get3A_148 = arith.index_cast %mul3A_142 : i32 to index
        %get3A_149 = tpu.vector_load %arg4[%get3A_145, %get3A_146, %get3A_147, %get3A_148] {strides = array<i32>} : memref<2x8x8x512xf32, #tpu.memory_space<vmem>>, vector<16xf32>,
        %mul3A_150 = arith.constant 16 : i32
        %mul3A_151 = arith.muli %scan3A_122, %mul3A_150 : i32
        %get3A_152 = arith.constant 0 : i32
        %get3A_153 = arith.constant 3 : i32
        %get3A_154 = arith.index_cast %select_n3A_40 : i32 to index
        %get3A_155 = arith.index_cast %get3A_152 : i32 to index
        %get3A_156 = arith.index_cast %get3A_153 : i32 to index
        %get3A_157 = arith.index_cast %mul3A_151 : i32 to index
        %get3A_158 = tpu.vector_load %arg4[%get3A_154, %get3A_155, %get3A_156, %get3A_157] {strides = array<i32>} : memref<2x8x8x512xf32, #tpu.memory_space<vmem>>, vector<16xf32>,
        %mul3A_159 = arith.constant 16 : i32
        %mul3A_160 = arith.muli %scan3A_122, %mul3A_159 : i32
        %get3A_161 = arith.constant 0 : i32
        %get3A_162 = arith.constant 4 : i32
        %get3A_163 = arith.index_cast %select_n3A_40 : i32 to index
        %get3A_164 = arith.index_cast %get3A_161 : i32 to index
        %get3A_165 = arith.index_cast %get3A_162 : i32 to index
        %get3A_166 = arith.index_cast %mul3A_160 : i32 to index
        %get3A_167 = tpu.vector_load %arg4[%get3A_163, %get3A_164, %get3A_165, %get3A_166] {strides = array<i32>} : memref<2x8x8x512xf32, #tpu.memory_space<vmem>>, vector<16xf32>,
        %mul3A_168 = arith.constant 16 : i32
        %mul3A_169 = arith.muli %scan3A_122, %mul3A_168 : i32
        %get3A_170 = arith.constant 0 : i32
        %get3A_171 = arith.constant 5 : i32
        %get3A_172 = arith.index_cast %select_n3A_40 : i32 to index
        %get3A_173 = arith.index_cast %get3A_170 : i32 to index
        %get3A_174 = arith.index_cast %get3A_171 : i32 to index
        %get3A_175 = arith.index_cast %mul3A_169 : i32 to index
        %get3A_176 = tpu.vector_load %arg4[%get3A_172, %get3A_173, %get3A_174, %get3A_175] {strides = array<i32>} : memref<2x8x8x512xf32, #tpu.memory_space<vmem>>, vector<16xf32>,
        %mul3A_177 = arith.constant 16 : i32
        %mul3A_178 = arith.muli %scan3A_122, %mul3A_177 : i32
        %get3A_179 = arith.constant 0 : i32
        %get3A_180 = arith.constant 6 : i32
        %get3A_181 = arith.index_cast %select_n3A_40 : i32 to index
        %get3A_182 = arith.index_cast %get3A_179 : i32 to index
        %get3A_183 = arith.index_cast %get3A_180 : i32 to index
        %get3A_184 = arith.index_cast %mul3A_178 : i32 to index
        %get3A_185 = tpu.vector_load %arg4[%get3A_181, %get3A_182, %get3A_183, %get3A_184] {strides = array<i32>} : memref<2x8x8x512xf32, #tpu.memory_space<vmem>>, vector<16xf32>,
        %mul3A_186 = arith.constant 16 : i32
        %mul3A_187 = arith.muli %scan3A_122, %mul3A_186 : i32
        %get3A_188 = arith.constant 0 : i32
        %get3A_189 = arith.constant 7 : i32
        %get3A_190 = arith.index_cast %select_n3A_40 : i32 to index
        %get3A_191 = arith.index_cast %get3A_188 : i32 to index
        %get3A_192 = arith.index_cast %get3A_189 : i32 to index
        %get3A_193 = arith.index_cast %mul3A_187 : i32 to index
        %get3A_194 = tpu.vector_load %arg4[%get3A_190, %get3A_191, %get3A_192, %get3A_193] {strides = array<i32>} : memref<2x8x8x512xf32, #tpu.memory_space<vmem>>, vector<16xf32>,
        %mul3A_195 = arith.constant 16 : i32
        %mul3A_196 = arith.muli %scan3A_122, %mul3A_195 : i32
        %get3A_197 = arith.constant 1 : i32
        %get3A_198 = arith.constant 0 : i32
        %get3A_199 = arith.index_cast %select_n3A_40 : i32 to index
        %get3A_200 = arith.index_cast %get3A_197 : i32 to index
        %get3A_201 = arith.index_cast %get3A_198 : i32 to index
        %get3A_202 = arith.index_cast %mul3A_196 : i32 to index
        %get3A_203 = tpu.vector_load %arg4[%get3A_199, %get3A_200, %get3A_201, %get3A_202] {strides = array<i32>} : memref<2x8x8x512xf32, #tpu.memory_space<vmem>>, vector<16xf32>,
        %mul3A_204 = arith.constant 16 : i32
        %mul3A_205 = arith.muli %scan3A_122, %mul3A_204 : i32
        %get3A_206 = arith.constant 1 : i32
        %get3A_207 = arith.constant 1 : i32
        %get3A_208 = arith.index_cast %select_n3A_40 : i32 to index
        %get3A_209 = arith.index_cast %get3A_206 : i32 to index
        %get3A_210 = arith.index_cast %get3A_207 : i32 to index
        %get3A_211 = arith.index_cast %mul3A_205 : i32 to index
        %get3A_212 = tpu.vector_load %arg4[%get3A_208, %get3A_209, %get3A_210, %get3A_211] {strides = array<i32>} : memref<2x8x8x512xf32, #tpu.memory_space<vmem>>, vector<16xf32>,
        %mul3A_213 = arith.constant 16 : i32
        %mul3A_214 = arith.muli %scan3A_122, %mul3A_213 : i32
        %get3A_215 = arith.constant 1 : i32
        %get3A_216 = arith.constant 2 : i32
        %get3A_217 = arith.index_cast %select_n3A_40 : i32 to index
        %get3A_218 = arith.index_cast %get3A_215 : i32 to index
        %get3A_219 = arith.index_cast %get3A_216 : i32 to index
        %get3A_220 = arith.index_cast %mul3A_214 : i32 to index
        %get3A_221 = tpu.vector_load %arg4[%get3A_217, %get3A_218, %get3A_219, %get3A_220] {strides = array<i32>} : memref<2x8x8x512xf32, #tpu.memory_space<vmem>>, vector<16xf32>,
        %mul3A_222 = arith.constant 16 : i32
        %mul3A_223 = arith.muli %scan3A_122, %mul3A_222 : i32
        %get3A_224 = arith.constant 1 : i32
        %get3A_225 = arith.constant 3 : i32
        %get3A_226 = arith.index_cast %select_n3A_40 : i32 to index
        %get3A_227 = arith.index_cast %get3A_224 : i32 to index
        %get3A_228 = arith.index_cast %get3A_225 : i32 to index
        %get3A_229 = arith.index_cast %mul3A_223 : i32 to index
        %get3A_230 = tpu.vector_load %arg4[%get3A_226, %get3A_227, %get3A_228, %get3A_229] {strides = array<i32>} : memref<2x8x8x512xf32, #tpu.memory_space<vmem>>, vector<16xf32>,
        %mul3A_231 = arith.constant 16 : i32
        %mul3A_232 = arith.muli %scan3A_122, %mul3A_231 : i32
        %get3A_233 = arith.constant 1 : i32
        %get3A_234 = arith.constant 4 : i32
        %get3A_235 = arith.index_cast %select_n3A_40 : i32 to index
        %get3A_236 = arith.index_cast %get3A_233 : i32 to index
        %get3A_237 = arith.index_cast %get3A_234 : i32 to index
        %get3A_238 = arith.index_cast %mul3A_232 : i32 to index
        %get3A_239 = tpu.vector_load %arg4[%get3A_235, %get3A_236, %get3A_237, %get3A_238] {strides = array<i32>} : memref<2x8x8x512xf32, #tpu.memory_space<vmem>>, vector<16xf32>,
        %mul3A_240 = arith.constant 16 : i32
        %mul3A_241 = arith.muli %scan3A_122, %mul3A_240 : i32
        %get3A_242 = arith.constant 1 : i32
        %get3A_243 = arith.constant 5 : i32
        %get3A_244 = arith.index_cast %select_n3A_40 : i32 to index
        %get3A_245 = arith.index_cast %get3A_242 : i32 to index
        %get3A_246 = arith.index_cast %get3A_243 : i32 to index
        %get3A_247 = arith.index_cast %mul3A_241 : i32 to index
        %get3A_248 = tpu.vector_load %arg4[%get3A_244, %get3A_245, %get3A_246, %get3A_247] {strides = array<i32>} : memref<2x8x8x512xf32, #tpu.memory_space<vmem>>, vector<16xf32>,
        %mul3A_249 = arith.constant 16 : i32
        %mul3A_250 = arith.muli %scan3A_122, %mul3A_249 : i32
        %get3A_251 = arith.constant 1 : i32
        %get3A_252 = arith.constant 6 : i32
        %get3A_253 = arith.index_cast %select_n3A_40 : i32 to index
        %get3A_254 = arith.index_cast %get3A_251 : i32 to index
        %get3A_255 = arith.index_cast %get3A_252 : i32 to index
        %get3A_256 = arith.index_cast %mul3A_250 : i32 to index
        %get3A_257 = tpu.vector_load %arg4[%get3A_253, %get3A_254, %get3A_255, %get3A_256] {strides = array<i32>} : memref<2x8x8x512xf32, #tpu.memory_space<vmem>>, vector<16xf32>,
        %mul3A_258 = arith.constant 16 : i32
        %mul3A_259 = arith.muli %scan3A_122, %mul3A_258 : i32
        %get3A_260 = arith.constant 1 : i32
        %get3A_261 = arith.constant 7 : i32
        %get3A_262 = arith.index_cast %select_n3A_40 : i32 to index
        %get3A_263 = arith.index_cast %get3A_260 : i32 to index
        %get3A_264 = arith.index_cast %get3A_261 : i32 to index
        %get3A_265 = arith.index_cast %mul3A_259 : i32 to index
        %get3A_266 = tpu.vector_load %arg4[%get3A_262, %get3A_263, %get3A_264, %get3A_265] {strides = array<i32>} : memref<2x8x8x512xf32, #tpu.memory_space<vmem>>, vector<16xf32>,
        %mul3A_267 = arith.constant 16 : i32
        %mul3A_268 = arith.muli %scan3A_122, %mul3A_267 : i32
        %get3A_269 = arith.constant 2 : i32
        %get3A_270 = arith.constant 0 : i32
        %get3A_271 = arith.index_cast %select_n3A_40 : i32 to index
        %get3A_272 = arith.index_cast %get3A_269 : i32 to index
        %get3A_273 = arith.index_cast %get3A_270 : i32 to index
        %get3A_274 = arith.index_cast %mul3A_268 : i32 to index
        %get3A_275 = tpu.vector_load %arg4[%get3A_271, %get3A_272, %get3A_273, %get3A_274] {strides = array<i32>} : memref<2x8x8x512xf32, #tpu.memory_space<vmem>>, vector<16xf32>,
        %mul3A_276 = arith.constant 16 : i32
        %mul3A_277 = arith.muli %scan3A_122, %mul3A_276 : i32
        %get3A_278 = arith.constant 2 : i32
        %get3A_279 = arith.constant 1 : i32
        %get3A_280 = arith.index_cast %select_n3A_40 : i32 to index
        %get3A_281 = arith.index_cast %get3A_278 : i32 to index
        %get3A_282 = arith.index_cast %get3A_279 : i32 to index
        %get3A_283 = arith.index_cast %mul3A_277 : i32 to index
        %get3A_284 = tpu.vector_load %arg4[%get3A_280, %get3A_281, %get3A_282, %get3A_283] {strides = array<i32>} : memref<2x8x8x512xf32, #tpu.memory_space<vmem>>, vector<16xf32>,
        %mul3A_285 = arith.constant 16 : i32
        %mul3A_286 = arith.muli %scan3A_122, %mul3A_285 : i32
        %get3A_287 = arith.constant 2 : i32
        %get3A_288 = arith.constant 2 : i32
        %get3A_289 = arith.index_cast %select_n3A_40 : i32 to index
        %get3A_290 = arith.index_cast %get3A_287 : i32 to index
        %get3A_291 = arith.index_cast %get3A_288 : i32 to index
        %get3A_292 = arith.index_cast %mul3A_286 : i32 to index
        %get3A_293 = tpu.vector_load %arg4[%get3A_289, %get3A_290, %get3A_291, %get3A_292] {strides = array<i32>} : memref<2x8x8x512xf32, #tpu.memory_space<vmem>>, vector<16xf32>,
        %mul3A_294 = arith.constant 16 : i32
        %mul3A_295 = arith.muli %scan3A_122, %mul3A_294 : i32
        %get3A_296 = arith.constant 2 : i32
        %get3A_297 = arith.constant 3 : i32
        %get3A_298 = arith.index_cast %select_n3A_40 : i32 to index
        %get3A_299 = arith.index_cast %get3A_296 : i32 to index
        %get3A_300 = arith.index_cast %get3A_297 : i32 to index
        %get3A_301 = arith.index_cast %mul3A_295 : i32 to index
        %get3A_302 = tpu.vector_load %arg4[%get3A_298, %get3A_299, %get3A_300, %get3A_301] {strides = array<i32>} : memref<2x8x8x512xf32, #tpu.memory_space<vmem>>, vector<16xf32>,
        %mul3A_303 = arith.constant 16 : i32
        %mul3A_304 = arith.muli %scan3A_122, %mul3A_303 : i32
        %get3A_305 = arith.constant 2 : i32
        %get3A_306 = arith.constant 4 : i32
        %get3A_307 = arith.index_cast %select_n3A_40 : i32 to index
        %get3A_308 = arith.index_cast %get3A_305 : i32 to index
        %get3A_309 = arith.index_cast %get3A_306 : i32 to index
        %get3A_310 = arith.index_cast %mul3A_304 : i32 to index
        %get3A_311 = tpu.vector_load %arg4[%get3A_307, %get3A_308, %get3A_309, %get3A_310] {strides = array<i32>} : memref<2x8x8x512xf32, #tpu.memory_space<vmem>>, vector<16xf32>,
        %mul3A_312 = arith.constant 16 : i32
        %mul3A_313 = arith.muli %scan3A_122, %mul3A_312 : i32
        %get3A_314 = arith.constant 2 : i32
        %get3A_315 = arith.constant 5 : i32
        %get3A_316 = arith.index_cast %select_n3A_40 : i32 to index
        %get3A_317 = arith.index_cast %get3A_314 : i32 to index
        %get3A_318 = arith.index_cast %get3A_315 : i32 to index
        %get3A_319 = arith.index_cast %mul3A_313 : i32 to index
        %get3A_320 = tpu.vector_load %arg4[%get3A_316, %get3A_317, %get3A_318, %get3A_319] {strides = array<i32>} : memref<2x8x8x512xf32, #tpu.memory_space<vmem>>, vector<16xf32>,
        %mul3A_321 = arith.constant 16 : i32
        %mul3A_322 = arith.muli %scan3A_122, %mul3A_321 : i32
        %get3A_323 = arith.constant 2 : i32
        %get3A_324 = arith.constant 6 : i32
        %get3A_325 = arith.index_cast %select_n3A_40 : i32 to index
        %get3A_326 = arith.index_cast %get3A_323 : i32 to index
        %get3A_327 = arith.index_cast %get3A_324 : i32 to index
        %get3A_328 = arith.index_cast %mul3A_322 : i32 to index
        %get3A_329 = tpu.vector_load %arg4[%get3A_325, %get3A_326, %get3A_327, %get3A_328] {strides = array<i32>} : memref<2x8x8x512xf32, #tpu.memory_space<vmem>>, vector<16xf32>,
        %mul3A_330 = arith.constant 16 : i32
        %mul3A_331 = arith.muli %scan3A_122, %mul3A_330 : i32
        %get3A_332 = arith.constant 2 : i32
        %get3A_333 = arith.constant 7 : i32
        %get3A_334 = arith.index_cast %select_n3A_40 : i32 to index
        %get3A_335 = arith.index_cast %get3A_332 : i32 to index
        %get3A_336 = arith.index_cast %get3A_333 : i32 to index
        %get3A_337 = arith.index_cast %mul3A_331 : i32 to index
        %get3A_338 = tpu.vector_load %arg4[%get3A_334, %get3A_335, %get3A_336, %get3A_337] {strides = array<i32>} : memref<2x8x8x512xf32, #tpu.memory_space<vmem>>, vector<16xf32>,
        %mul3A_339 = arith.constant 16 : i32
        %mul3A_340 = arith.muli %scan3A_122, %mul3A_339 : i32
        %get3A_341 = arith.constant 3 : i32
        %get3A_342 = arith.constant 0 : i32
        %get3A_343 = arith.index_cast %select_n3A_40 : i32 to index
        %get3A_344 = arith.index_cast %get3A_341 : i32 to index
        %get3A_345 = arith.index_cast %get3A_342 : i32 to index
        %get3A_346 = arith.index_cast %mul3A_340 : i32 to index
        %get3A_347 = tpu.vector_load %arg4[%get3A_343, %get3A_344, %get3A_345, %get3A_346] {strides = array<i32>} : memref<2x8x8x512xf32, #tpu.memory_space<vmem>>, vector<16xf32>,
        %mul3A_348 = arith.constant 16 : i32
        %mul3A_349 = arith.muli %scan3A_122, %mul3A_348 : i32
        %get3A_350 = arith.constant 3 : i32
        %get3A_351 = arith.constant 1 : i32
        %get3A_352 = arith.index_cast %select_n3A_40 : i32 to index
        %get3A_353 = arith.index_cast %get3A_350 : i32 to index
        %get3A_354 = arith.index_cast %get3A_351 : i32 to index
        %get3A_355 = arith.index_cast %mul3A_349 : i32 to index
        %get3A_356 = tpu.vector_load %arg4[%get3A_352, %get3A_353, %get3A_354, %get3A_355] {strides = array<i32>} : memref<2x8x8x512xf32, #tpu.memory_space<vmem>>, vector<16xf32>,
        %mul3A_357 = arith.constant 16 : i32
        %mul3A_358 = arith.muli %scan3A_122, %mul3A_357 : i32
        %get3A_359 = arith.constant 3 : i32
        %get3A_360 = arith.constant 2 : i32
        %get3A_361 = arith.index_cast %select_n3A_40 : i32 to index
        %get3A_362 = arith.index_cast %get3A_359 : i32 to index
        %get3A_363 = arith.index_cast %get3A_360 : i32 to index
        %get3A_364 = arith.index_cast %mul3A_358 : i32 to index
        %get3A_365 = tpu.vector_load %arg4[%get3A_361, %get3A_362, %get3A_363, %get3A_364] {strides = array<i32>} : memref<2x8x8x512xf32, #tpu.memory_space<vmem>>, vector<16xf32>,
        %mul3A_366 = arith.constant 16 : i32
        %mul3A_367 = arith.muli %scan3A_122, %mul3A_366 : i32
        %get3A_368 = arith.constant 3 : i32
        %get3A_369 = arith.constant 3 : i32
        %get3A_370 = arith.index_cast %select_n3A_40 : i32 to index
        %get3A_371 = arith.index_cast %get3A_368 : i32 to index
        %get3A_372 = arith.index_cast %get3A_369 : i32 to index
        %get3A_373 = arith.index_cast %mul3A_367 : i32 to index
        %get3A_374 = tpu.vector_load %arg4[%get3A_370, %get3A_371, %get3A_372, %get3A_373] {strides = array<i32>} : memref<2x8x8x512xf32, #tpu.memory_space<vmem>>, vector<16xf32>,
        %mul3A_375 = arith.constant 16 : i32
        %mul3A_376 = arith.muli %scan3A_122, %mul3A_375 : i32
        %get3A_377 = arith.constant 3 : i32
        %get3A_378 = arith.constant 4 : i32
        %get3A_379 = arith.index_cast %select_n3A_40 : i32 to index
        %get3A_380 = arith.index_cast %get3A_377 : i32 to index
        %get3A_381 = arith.index_cast %get3A_378 : i32 to index
        %get3A_382 = arith.index_cast %mul3A_376 : i32 to index
        %get3A_383 = tpu.vector_load %arg4[%get3A_379, %get3A_380, %get3A_381, %get3A_382] {strides = array<i32>} : memref<2x8x8x512xf32, #tpu.memory_space<vmem>>, vector<16xf32>,
        %mul3A_384 = arith.constant 16 : i32
        %mul3A_385 = arith.muli %scan3A_122, %mul3A_384 : i32
        %get3A_386 = arith.constant 3 : i32
        %get3A_387 = arith.constant 5 : i32
        %get3A_388 = arith.index_cast %select_n3A_40 : i32 to index
        %get3A_389 = arith.index_cast %get3A_386 : i32 to index
        %get3A_390 = arith.index_cast %get3A_387 : i32 to index
        %get3A_391 = arith.index_cast %mul3A_385 : i32 to index
        %get3A_392 = tpu.vector_load %arg4[%get3A_388, %get3A_389, %get3A_390, %get3A_391] {strides = array<i32>} : memref<2x8x8x512xf32, #tpu.memory_space<vmem>>, vector<16xf32>,
        %mul3A_393 = arith.constant 16 : i32
        %mul3A_394 = arith.muli %scan3A_122, %mul3A_393 : i32
        %get3A_395 = arith.constant 3 : i32
        %get3A_396 = arith.constant 6 : i32
        %get3A_397 = arith.index_cast %select_n3A_40 : i32 to index
        %get3A_398 = arith.index_cast %get3A_395 : i32 to index
        %get3A_399 = arith.index_cast %get3A_396 : i32 to index
        %get3A_400 = arith.index_cast %mul3A_394 : i32 to index
        %get3A_401 = tpu.vector_load %arg4[%get3A_397, %get3A_398, %get3A_399, %get3A_400] {strides = array<i32>} : memref<2x8x8x512xf32, #tpu.memory_space<vmem>>, vector<16xf32>,
        %mul3A_402 = arith.constant 16 : i32
        %mul3A_403 = arith.muli %scan3A_122, %mul3A_402 : i32
        %get3A_404 = arith.constant 3 : i32
        %get3A_405 = arith.constant 7 : i32
        %get3A_406 = arith.index_cast %select_n3A_40 : i32 to index
        %get3A_407 = arith.index_cast %get3A_404 : i32 to index
        %get3A_408 = arith.index_cast %get3A_405 : i32 to index
        %get3A_409 = arith.index_cast %mul3A_403 : i32 to index
        %get3A_410 = tpu.vector_load %arg4[%get3A_406, %get3A_407, %get3A_408, %get3A_409] {strides = array<i32>} : memref<2x8x8x512xf32, #tpu.memory_space<vmem>>, vector<16xf32>,
        %mul3A_411 = arith.constant 16 : i32
        %mul3A_412 = arith.muli %scan3A_122, %mul3A_411 : i32
        %get3A_413 = arith.constant 4 : i32
        %get3A_414 = arith.constant 0 : i32
        %get3A_415 = arith.index_cast %select_n3A_40 : i32 to index
        %get3A_416 = arith.index_cast %get3A_413 : i32 to index
        %get3A_417 = arith.index_cast %get3A_414 : i32 to index
        %get3A_418 = arith.index_cast %mul3A_412 : i32 to index
        %get3A_419 = tpu.vector_load %arg4[%get3A_415, %get3A_416, %get3A_417, %get3A_418] {strides = array<i32>} : memref<2x8x8x512xf32, #tpu.memory_space<vmem>>, vector<16xf32>,
        %mul3A_420 = arith.constant 16 : i32
        %mul3A_421 = arith.muli %scan3A_122, %mul3A_420 : i32
        %get3A_422 = arith.constant 4 : i32
        %get3A_423 = arith.constant 1 : i32
        %get3A_424 = arith.index_cast %select_n3A_40 : i32 to index
        %get3A_425 = arith.index_cast %get3A_422 : i32 to index
        %get3A_426 = arith.index_cast %get3A_423 : i32 to index
        %get3A_427 = arith.index_cast %mul3A_421 : i32 to index
        %get3A_428 = tpu.vector_load %arg4[%get3A_424, %get3A_425, %get3A_426, %get3A_427] {strides = array<i32>} : memref<2x8x8x512xf32, #tpu.memory_space<vmem>>, vector<16xf32>,
        %mul3A_429 = arith.constant 16 : i32
        %mul3A_430 = arith.muli %scan3A_122, %mul3A_429 : i32
        %get3A_431 = arith.constant 4 : i32
        %get3A_432 = arith.constant 2 : i32
        %get3A_433 = arith.index_cast %select_n3A_40 : i32 to index
        %get3A_434 = arith.index_cast %get3A_431 : i32 to index
        %get3A_435 = arith.index_cast %get3A_432 : i32 to index
        %get3A_436 = arith.index_cast %mul3A_430 : i32 to index
        %get3A_437 = tpu.vector_load %arg4[%get3A_433, %get3A_434, %get3A_435, %get3A_436] {strides = array<i32>} : memref<2x8x8x512xf32, #tpu.memory_space<vmem>>, vector<16xf32>,
        %mul3A_438 = arith.constant 16 : i32
        %mul3A_439 = arith.muli %scan3A_122, %mul3A_438 : i32
        %get3A_440 = arith.constant 4 : i32
        %get3A_441 = arith.constant 3 : i32
        %get3A_442 = arith.index_cast %select_n3A_40 : i32 to index
        %get3A_443 = arith.index_cast %get3A_440 : i32 to index
        %get3A_444 = arith.index_cast %get3A_441 : i32 to index
        %get3A_445 = arith.index_cast %mul3A_439 : i32 to index
        %get3A_446 = tpu.vector_load %arg4[%get3A_442, %get3A_443, %get3A_444, %get3A_445] {strides = array<i32>} : memref<2x8x8x512xf32, #tpu.memory_space<vmem>>, vector<16xf32>,
        %mul3A_447 = arith.constant 16 : i32
        %mul3A_448 = arith.muli %scan3A_122, %mul3A_447 : i32
        %get3A_449 = arith.constant 4 : i32
        %get3A_450 = arith.constant 4 : i32
        %get3A_451 = arith.index_cast %select_n3A_40 : i32 to index
        %get3A_452 = arith.index_cast %get3A_449 : i32 to index
        %get3A_453 = arith.index_cast %get3A_450 : i32 to index
        %get3A_454 = arith.index_cast %mul3A_448 : i32 to index
        %get3A_455 = tpu.vector_load %arg4[%get3A_451, %get3A_452, %get3A_453, %get3A_454] {strides = array<i32>} : memref<2x8x8x512xf32, #tpu.memory_space<vmem>>, vector<16xf32>,
        %mul3A_456 = arith.constant 16 : i32
        %mul3A_457 = arith.muli %scan3A_122, %mul3A_456 : i32
        %get3A_458 = arith.constant 4 : i32
        %get3A_459 = arith.constant 5 : i32
        %get3A_460 = arith.index_cast %select_n3A_40 : i32 to index
        %get3A_461 = arith.index_cast %get3A_458 : i32 to index
        %get3A_462 = arith.index_cast %get3A_459 : i32 to index
        %get3A_463 = arith.index_cast %mul3A_457 : i32 to index
        %get3A_464 = tpu.vector_load %arg4[%get3A_460, %get3A_461, %get3A_462, %get3A_463] {strides = array<i32>} : memref<2x8x8x512xf32, #tpu.memory_space<vmem>>, vector<16xf32>,
        %mul3A_465 = arith.constant 16 : i32
        %mul3A_466 = arith.muli %scan3A_122, %mul3A_465 : i32
        %get3A_467 = arith.constant 4 : i32
        %get3A_468 = arith.constant 6 : i32
        %get3A_469 = arith.index_cast %select_n3A_40 : i32 to index
        %get3A_470 = arith.index_cast %get3A_467 : i32 to index
        %get3A_471 = arith.index_cast %get3A_468 : i32 to index
        %get3A_472 = arith.index_cast %mul3A_466 : i32 to index
        %get3A_473 = tpu.vector_load %arg4[%get3A_469, %get3A_470, %get3A_471, %get3A_472] {strides = array<i32>} : memref<2x8x8x512xf32, #tpu.memory_space<vmem>>, vector<16xf32>,
        %mul3A_474 = arith.constant 16 : i32
        %mul3A_475 = arith.muli %scan3A_122, %mul3A_474 : i32
        %get3A_476 = arith.constant 4 : i32
        %get3A_477 = arith.constant 7 : i32
        %get3A_478 = arith.index_cast %select_n3A_40 : i32 to index
        %get3A_479 = arith.index_cast %get3A_476 : i32 to index
        %get3A_480 = arith.index_cast %get3A_477 : i32 to index
        %get3A_481 = arith.index_cast %mul3A_475 : i32 to index
        %get3A_482 = tpu.vector_load %arg4[%get3A_478, %get3A_479, %get3A_480, %get3A_481] {strides = array<i32>} : memref<2x8x8x512xf32, #tpu.memory_space<vmem>>, vector<16xf32>,
        %mul3A_483 = arith.constant 16 : i32
        %mul3A_484 = arith.muli %scan3A_122, %mul3A_483 : i32
        %get3A_485 = arith.constant 5 : i32
        %get3A_486 = arith.constant 0 : i32
        %get3A_487 = arith.index_cast %select_n3A_40 : i32 to index
        %get3A_488 = arith.index_cast %get3A_485 : i32 to index
        %get3A_489 = arith.index_cast %get3A_486 : i32 to index
        %get3A_490 = arith.index_cast %mul3A_484 : i32 to index
        %get3A_491 = tpu.vector_load %arg4[%get3A_487, %get3A_488, %get3A_489, %get3A_490] {strides = array<i32>} : memref<2x8x8x512xf32, #tpu.memory_space<vmem>>, vector<16xf32>,
        %mul3A_492 = arith.constant 16 : i32
        %mul3A_493 = arith.muli %scan3A_122, %mul3A_492 : i32
        %get3A_494 = arith.constant 5 : i32
        %get3A_495 = arith.constant 1 : i32
        %get3A_496 = arith.index_cast %select_n3A_40 : i32 to index
        %get3A_497 = arith.index_cast %get3A_494 : i32 to index
        %get3A_498 = arith.index_cast %get3A_495 : i32 to index
        %get3A_499 = arith.index_cast %mul3A_493 : i32 to index
        %get3A_500 = tpu.vector_load %arg4[%get3A_496, %get3A_497, %get3A_498, %get3A_499] {strides = array<i32>} : memref<2x8x8x512xf32, #tpu.memory_space<vmem>>, vector<16xf32>,
        %mul3A_501 = arith.constant 16 : i32
        %mul3A_502 = arith.muli %scan3A_122, %mul3A_501 : i32
        %get3A_503 = arith.constant 5 : i32
        %get3A_504 = arith.constant 2 : i32
        %get3A_505 = arith.index_cast %select_n3A_40 : i32 to index
        %get3A_506 = arith.index_cast %get3A_503 : i32 to index
        %get3A_507 = arith.index_cast %get3A_504 : i32 to index
        %get3A_508 = arith.index_cast %mul3A_502 : i32 to index
        %get3A_509 = tpu.vector_load %arg4[%get3A_505, %get3A_506, %get3A_507, %get3A_508] {strides = array<i32>} : memref<2x8x8x512xf32, #tpu.memory_space<vmem>>, vector<16xf32>,
        %mul3A_510 = arith.constant 16 : i32
        %mul3A_511 = arith.muli %scan3A_122, %mul3A_510 : i32
        %get3A_512 = arith.constant 5 : i32
        %get3A_513 = arith.constant 3 : i32
        %get3A_514 = arith.index_cast %select_n3A_40 : i32 to index
        %get3A_515 = arith.index_cast %get3A_512 : i32 to index
        %get3A_516 = arith.index_cast %get3A_513 : i32 to index
        %get3A_517 = arith.index_cast %mul3A_511 : i32 to index
        %get3A_518 = tpu.vector_load %arg4[%get3A_514, %get3A_515, %get3A_516, %get3A_517] {strides = array<i32>} : memref<2x8x8x512xf32, #tpu.memory_space<vmem>>, vector<16xf32>,
        %mul3A_519 = arith.constant 16 : i32
        %mul3A_520 = arith.muli %scan3A_122, %mul3A_519 : i32
        %get3A_521 = arith.constant 5 : i32
        %get3A_522 = arith.constant 4 : i32
        %get3A_523 = arith.index_cast %select_n3A_40 : i32 to index
        %get3A_524 = arith.index_cast %get3A_521 : i32 to index
        %get3A_525 = arith.index_cast %get3A_522 : i32 to index
        %get3A_526 = arith.index_cast %mul3A_520 : i32 to index
        %get3A_527 = tpu.vector_load %arg4[%get3A_523, %get3A_524, %get3A_525, %get3A_526] {strides = array<i32>} : memref<2x8x8x512xf32, #tpu.memory_space<vmem>>, vector<16xf32>,
        %mul3A_528 = arith.constant 16 : i32
        %mul3A_529 = arith.muli %scan3A_122, %mul3A_528 : i32
        %get3A_530 = arith.constant 5 : i32
        %get3A_531 = arith.constant 5 : i32
        %get3A_532 = arith.index_cast %select_n3A_40 : i32 to index
        %get3A_533 = arith.index_cast %get3A_530 : i32 to index
        %get3A_534 = arith.index_cast %get3A_531 : i32 to index
        %get3A_535 = arith.index_cast %mul3A_529 : i32 to index
        %get3A_536 = tpu.vector_load %arg4[%get3A_532, %get3A_533, %get3A_534, %get3A_535] {strides = array<i32>} : memref<2x8x8x512xf32, #tpu.memory_space<vmem>>, vector<16xf32>,
        %mul3A_537 = arith.constant 16 : i32
        %mul3A_538 = arith.muli %scan3A_122, %mul3A_537 : i32
        %get3A_539 = arith.constant 5 : i32
        %get3A_540 = arith.constant 6 : i32
        %get3A_541 = arith.index_cast %select_n3A_40 : i32 to index
        %get3A_542 = arith.index_cast %get3A_539 : i32 to index
        %get3A_543 = arith.index_cast %get3A_540 : i32 to index
        %get3A_544 = arith.index_cast %mul3A_538 : i32 to index
        %get3A_545 = tpu.vector_load %arg4[%get3A_541, %get3A_542, %get3A_543, %get3A_544] {strides = array<i32>} : memref<2x8x8x512xf32, #tpu.memory_space<vmem>>, vector<16xf32>,
        %mul3A_546 = arith.constant 16 : i32
        %mul3A_547 = arith.muli %scan3A_122, %mul3A_546 : i32
        %get3A_548 = arith.constant 5 : i32
        %get3A_549 = arith.constant 7 : i32
        %get3A_550 = arith.index_cast %select_n3A_40 : i32 to index
        %get3A_551 = arith.index_cast %get3A_548 : i32 to index
        %get3A_552 = arith.index_cast %get3A_549 : i32 to index
        %get3A_553 = arith.index_cast %mul3A_547 : i32 to index
        %get3A_554 = tpu.vector_load %arg4[%get3A_550, %get3A_551, %get3A_552, %get3A_553] {strides = array<i32>} : memref<2x8x8x512xf32, #tpu.memory_space<vmem>>, vector<16xf32>,
        %mul3A_555 = arith.constant 16 : i32
        %mul3A_556 = arith.muli %scan3A_122, %mul3A_555 : i32
        %get3A_557 = arith.constant 6 : i32
        %get3A_558 = arith.constant 0 : i32
        %get3A_559 = arith.index_cast %select_n3A_40 : i32 to index
        %get3A_560 = arith.index_cast %get3A_557 : i32 to index
        %get3A_561 = arith.index_cast %get3A_558 : i32 to index
        %get3A_562 = arith.index_cast %mul3A_556 : i32 to index
        %get3A_563 = tpu.vector_load %arg4[%get3A_559, %get3A_560, %get3A_561, %get3A_562] {strides = array<i32>} : memref<2x8x8x512xf32, #tpu.memory_space<vmem>>, vector<16xf32>,
        %mul3A_564 = arith.constant 16 : i32
        %mul3A_565 = arith.muli %scan3A_122, %mul3A_564 : i32
        %get3A_566 = arith.constant 6 : i32
        %get3A_567 = arith.constant 1 : i32
        %get3A_568 = arith.index_cast %select_n3A_40 : i32 to index
        %get3A_569 = arith.index_cast %get3A_566 : i32 to index
        %get3A_570 = arith.index_cast %get3A_567 : i32 to index
        %get3A_571 = arith.index_cast %mul3A_565 : i32 to index
        %get3A_572 = tpu.vector_load %arg4[%get3A_568, %get3A_569, %get3A_570, %get3A_571] {strides = array<i32>} : memref<2x8x8x512xf32, #tpu.memory_space<vmem>>, vector<16xf32>,
        %mul3A_573 = arith.constant 16 : i32
        %mul3A_574 = arith.muli %scan3A_122, %mul3A_573 : i32
        %get3A_575 = arith.constant 6 : i32
        %get3A_576 = arith.constant 2 : i32
        %get3A_577 = arith.index_cast %select_n3A_40 : i32 to index
        %get3A_578 = arith.index_cast %get3A_575 : i32 to index
        %get3A_579 = arith.index_cast %get3A_576 : i32 to index
        %get3A_580 = arith.index_cast %mul3A_574 : i32 to index
        %get3A_581 = tpu.vector_load %arg4[%get3A_577, %get3A_578, %get3A_579, %get3A_580] {strides = array<i32>} : memref<2x8x8x512xf32, #tpu.memory_space<vmem>>, vector<16xf32>,
        %mul3A_582 = arith.constant 16 : i32
        %mul3A_583 = arith.muli %scan3A_122, %mul3A_582 : i32
        %get3A_584 = arith.constant 6 : i32
        %get3A_585 = arith.constant 3 : i32
        %get3A_586 = arith.index_cast %select_n3A_40 : i32 to index
        %get3A_587 = arith.index_cast %get3A_584 : i32 to index
        %get3A_588 = arith.index_cast %get3A_585 : i32 to index
        %get3A_589 = arith.index_cast %mul3A_583 : i32 to index
        %get3A_590 = tpu.vector_load %arg4[%get3A_586, %get3A_587, %get3A_588, %get3A_589] {strides = array<i32>} : memref<2x8x8x512xf32, #tpu.memory_space<vmem>>, vector<16xf32>,
        %mul3A_591 = arith.constant 16 : i32
        %mul3A_592 = arith.muli %scan3A_122, %mul3A_591 : i32
        %get3A_593 = arith.constant 6 : i32
        %get3A_594 = arith.constant 4 : i32
        %get3A_595 = arith.index_cast %select_n3A_40 : i32 to index
        %get3A_596 = arith.index_cast %get3A_593 : i32 to index
        %get3A_597 = arith.index_cast %get3A_594 : i32 to index
        %get3A_598 = arith.index_cast %mul3A_592 : i32 to index
        %get3A_599 = tpu.vector_load %arg4[%get3A_595, %get3A_596, %get3A_597, %get3A_598] {strides = array<i32>} : memref<2x8x8x512xf32, #tpu.memory_space<vmem>>, vector<16xf32>,
        %mul3A_600 = arith.constant 16 : i32
        %mul3A_601 = arith.muli %scan3A_122, %mul3A_600 : i32
        %get3A_602 = arith.constant 6 : i32
        %get3A_603 = arith.constant 5 : i32
        %get3A_604 = arith.index_cast %select_n3A_40 : i32 to index
        %get3A_605 = arith.index_cast %get3A_602 : i32 to index
        %get3A_606 = arith.index_cast %get3A_603 : i32 to index
        %get3A_607 = arith.index_cast %mul3A_601 : i32 to index
        %get3A_608 = tpu.vector_load %arg4[%get3A_604, %get3A_605, %get3A_606, %get3A_607] {strides = array<i32>} : memref<2x8x8x512xf32, #tpu.memory_space<vmem>>, vector<16xf32>,
        %mul3A_609 = arith.constant 16 : i32
        %mul3A_610 = arith.muli %scan3A_122, %mul3A_609 : i32
        %get3A_611 = arith.constant 6 : i32
        %get3A_612 = arith.constant 6 : i32
        %get3A_613 = arith.index_cast %select_n3A_40 : i32 to index
        %get3A_614 = arith.index_cast %get3A_611 : i32 to index
        %get3A_615 = arith.index_cast %get3A_612 : i32 to index
        %get3A_616 = arith.index_cast %mul3A_610 : i32 to index
        %get3A_617 = tpu.vector_load %arg4[%get3A_613, %get3A_614, %get3A_615, %get3A_616] {strides = array<i32>} : memref<2x8x8x512xf32, #tpu.memory_space<vmem>>, vector<16xf32>,
        %mul3A_618 = arith.constant 16 : i32
        %mul3A_619 = arith.muli %scan3A_122, %mul3A_618 : i32
        %get3A_620 = arith.constant 6 : i32
        %get3A_621 = arith.constant 7 : i32
        %get3A_622 = arith.index_cast %select_n3A_40 : i32 to index
        %get3A_623 = arith.index_cast %get3A_620 : i32 to index
        %get3A_624 = arith.index_cast %get3A_621 : i32 to index
        %get3A_625 = arith.index_cast %mul3A_619 : i32 to index
        %get3A_626 = tpu.vector_load %arg4[%get3A_622, %get3A_623, %get3A_624, %get3A_625] {strides = array<i32>} : memref<2x8x8x512xf32, #tpu.memory_space<vmem>>, vector<16xf32>,
        %mul3A_627 = arith.constant 16 : i32
        %mul3A_628 = arith.muli %scan3A_122, %mul3A_627 : i32
        %get3A_629 = arith.constant 7 : i32
        %get3A_630 = arith.constant 0 : i32
        %get3A_631 = arith.index_cast %select_n3A_40 : i32 to index
        %get3A_632 = arith.index_cast %get3A_629 : i32 to index
        %get3A_633 = arith.index_cast %get3A_630 : i32 to index
        %get3A_634 = arith.index_cast %mul3A_628 : i32 to index
        %get3A_635 = tpu.vector_load %arg4[%get3A_631, %get3A_632, %get3A_633, %get3A_634] {strides = array<i32>} : memref<2x8x8x512xf32, #tpu.memory_space<vmem>>, vector<16xf32>,
        %mul3A_636 = arith.constant 16 : i32
        %mul3A_637 = arith.muli %scan3A_122, %mul3A_636 : i32
        %get3A_638 = arith.constant 7 : i32
        %get3A_639 = arith.constant 1 : i32
        %get3A_640 = arith.index_cast %select_n3A_40 : i32 to index
        %get3A_641 = arith.index_cast %get3A_638 : i32 to index
        %get3A_642 = arith.index_cast %get3A_639 : i32 to index
        %get3A_643 = arith.index_cast %mul3A_637 : i32 to index
        %get3A_644 = tpu.vector_load %arg4[%get3A_640, %get3A_641, %get3A_642, %get3A_643] {strides = array<i32>} : memref<2x8x8x512xf32, #tpu.memory_space<vmem>>, vector<16xf32>,
        %mul3A_645 = arith.constant 16 : i32
        %mul3A_646 = arith.muli %scan3A_122, %mul3A_645 : i32
        %get3A_647 = arith.constant 7 : i32
        %get3A_648 = arith.constant 2 : i32
        %get3A_649 = arith.index_cast %select_n3A_40 : i32 to index
        %get3A_650 = arith.index_cast %get3A_647 : i32 to index
        %get3A_651 = arith.index_cast %get3A_648 : i32 to index
        %get3A_652 = arith.index_cast %mul3A_646 : i32 to index
        %get3A_653 = tpu.vector_load %arg4[%get3A_649, %get3A_650, %get3A_651, %get3A_652] {strides = array<i32>} : memref<2x8x8x512xf32, #tpu.memory_space<vmem>>, vector<16xf32>,
        %mul3A_654 = arith.constant 16 : i32
        %mul3A_655 = arith.muli %scan3A_122, %mul3A_654 : i32
        %get3A_656 = arith.constant 7 : i32
        %get3A_657 = arith.constant 3 : i32
        %get3A_658 = arith.index_cast %select_n3A_40 : i32 to index
        %get3A_659 = arith.index_cast %get3A_656 : i32 to index
        %get3A_660 = arith.index_cast %get3A_657 : i32 to index
        %get3A_661 = arith.index_cast %mul3A_655 : i32 to index
        %get3A_662 = tpu.vector_load %arg4[%get3A_658, %get3A_659, %get3A_660, %get3A_661] {strides = array<i32>} : memref<2x8x8x512xf32, #tpu.memory_space<vmem>>, vector<16xf32>,
        %mul3A_663 = arith.constant 16 : i32
        %mul3A_664 = arith.muli %scan3A_122, %mul3A_663 : i32
        %get3A_665 = arith.constant 7 : i32
        %get3A_666 = arith.constant 4 : i32
        %get3A_667 = arith.index_cast %select_n3A_40 : i32 to index
        %get3A_668 = arith.index_cast %get3A_665 : i32 to index
        %get3A_669 = arith.index_cast %get3A_666 : i32 to index
        %get3A_670 = arith.index_cast %mul3A_664 : i32 to index
        %get3A_671 = tpu.vector_load %arg4[%get3A_667, %get3A_668, %get3A_669, %get3A_670] {strides = array<i32>} : memref<2x8x8x512xf32, #tpu.memory_space<vmem>>, vector<16xf32>,
        %mul3A_672 = arith.constant 16 : i32
        %mul3A_673 = arith.muli %scan3A_122, %mul3A_672 : i32
        %get3A_674 = arith.constant 7 : i32
        %get3A_675 = arith.constant 5 : i32
        %get3A_676 = arith.index_cast %select_n3A_40 : i32 to index
        %get3A_677 = arith.index_cast %get3A_674 : i32 to index
        %get3A_678 = arith.index_cast %get3A_675 : i32 to index
        %get3A_679 = arith.index_cast %mul3A_673 : i32 to index
        %get3A_680 = tpu.vector_load %arg4[%get3A_676, %get3A_677, %get3A_678, %get3A_679] {strides = array<i32>} : memref<2x8x8x512xf32, #tpu.memory_space<vmem>>, vector<16xf32>,
        %mul3A_681 = arith.constant 16 : i32
        %mul3A_682 = arith.muli %scan3A_122, %mul3A_681 : i32
        %get3A_683 = arith.constant 7 : i32
        %get3A_684 = arith.constant 6 : i32
        %get3A_685 = arith.index_cast %select_n3A_40 : i32 to index
        %get3A_686 = arith.index_cast %get3A_683 : i32 to index
        %get3A_687 = arith.index_cast %get3A_684 : i32 to index
        %get3A_688 = arith.index_cast %mul3A_682 : i32 to index
        %get3A_689 = tpu.vector_load %arg4[%get3A_685, %get3A_686, %get3A_687, %get3A_688] {strides = array<i32>} : memref<2x8x8x512xf32, #tpu.memory_space<vmem>>, vector<16xf32>,
        %mul3A_690 = arith.constant 16 : i32
        %mul3A_691 = arith.muli %scan3A_122, %mul3A_690 : i32
        %get3A_692 = arith.constant 7 : i32
        %get3A_693 = arith.constant 7 : i32
        %get3A_694 = arith.index_cast %select_n3A_40 : i32 to index
        %get3A_695 = arith.index_cast %get3A_692 : i32 to index
        %get3A_696 = arith.index_cast %get3A_693 : i32 to index
        %get3A_697 = arith.index_cast %mul3A_691 : i32 to index
        %get3A_698 = tpu.vector_load %arg4[%get3A_694, %get3A_695, %get3A_696, %get3A_697] {strides = array<i32>} : memref<2x8x8x512xf32, #tpu.memory_space<vmem>>, vector<16xf32>,
        %add3A_699 = arith.addf %get3A_131, %get3A_140 : vector<16xf32>
        %add3A_700 = arith.addf %get3A_149, %get3A_158 : vector<16xf32>
        %add3A_701 = arith.addf %get3A_167, %get3A_176 : vector<16xf32>
        %add3A_702 = arith.addf %get3A_185, %get3A_194 : vector<16xf32>
        %add3A_703 = arith.addf %get3A_203, %get3A_212 : vector<16xf32>
        %add3A_704 = arith.addf %get3A_221, %get3A_230 : vector<16xf32>
        %add3A_705 = arith.addf %get3A_239, %get3A_248 : vector<16xf32>
        %add3A_706 = arith.addf %get3A_257, %get3A_266 : vector<16xf32>
        %add3A_707 = arith.addf %get3A_275, %get3A_284 : vector<16xf32>
        %add3A_708 = arith.addf %get3A_293, %get3A_302 : vector<16xf32>
        %add3A_709 = arith.addf %get3A_311, %get3A_320 : vector<16xf32>
        %add3A_710 = arith.addf %get3A_329, %get3A_338 : vector<16xf32>
        %add3A_711 = arith.addf %get3A_347, %get3A_356 : vector<16xf32>
        %add3A_712 = arith.addf %get3A_365, %get3A_374 : vector<16xf32>
        %add3A_713 = arith.addf %get3A_383, %get3A_392 : vector<16xf32>
        %add3A_714 = arith.addf %get3A_401, %get3A_410 : vector<16xf32>
        %add3A_715 = arith.addf %get3A_419, %get3A_428 : vector<16xf32>
        %add3A_716 = arith.addf %get3A_437, %get3A_446 : vector<16xf32>
        %add3A_717 = arith.addf %get3A_455, %get3A_464 : vector<16xf32>
        %add3A_718 = arith.addf %get3A_473, %get3A_482 : vector<16xf32>
        %add3A_719 = arith.addf %get3A_491, %get3A_500 : vector<16xf32>
        %add3A_720 = arith.addf %get3A_509, %get3A_518 : vector<16xf32>
        %add3A_721 = arith.addf %get3A_527, %get3A_536 : vector<16xf32>
        %add3A_722 = arith.addf %get3A_545, %get3A_554 : vector<16xf32>
        %add3A_723 = arith.addf %get3A_563, %get3A_572 : vector<16xf32>
        %add3A_724 = arith.addf %get3A_581, %get3A_590 : vector<16xf32>
        %add3A_725 = arith.addf %get3A_599, %get3A_608 : vector<16xf32>
        %add3A_726 = arith.addf %get3A_617, %get3A_626 : vector<16xf32>
        %add3A_727 = arith.addf %get3A_635, %get3A_644 : vector<16xf32>
        %add3A_728 = arith.addf %get3A_653, %get3A_662 : vector<16xf32>
        %add3A_729 = arith.addf %get3A_671, %get3A_680 : vector<16xf32>
        %add3A_730 = arith.addf %get3A_689, %get3A_698 : vector<16xf32>
        %add3A_731 = arith.addf %add3A_699, %add3A_700 : vector<16xf32>
        %add3A_732 = arith.addf %add3A_701, %add3A_702 : vector<16xf32>
        %add3A_733 = arith.addf %add3A_703, %add3A_704 : vector<16xf32>
        %add3A_734 = arith.addf %add3A_705, %add3A_706 : vector<16xf32>
        %add3A_735 = arith.addf %add3A_707, %add3A_708 : vector<16xf32>
        %add3A_736 = arith.addf %add3A_709, %add3A_710 : vector<16xf32>
        %add3A_737 = arith.addf %add3A_711, %add3A_712 : vector<16xf32>
        %add3A_738 = arith.addf %add3A_713, %add3A_714 : vector<16xf32>
        %add3A_739 = arith.addf %add3A_715, %add3A_716 : vector<16xf32>
        %add3A_740 = arith.addf %add3A_717, %add3A_718 : vector<16xf32>
        %add3A_741 = arith.addf %add3A_719, %add3A_720 : vector<16xf32>
        %add3A_742 = arith.addf %add3A_721, %add3A_722 : vector<16xf32>
        %add3A_743 = arith.addf %add3A_723, %add3A_724 : vector<16xf32>
        %add3A_744 = arith.addf %add3A_725, %add3A_726 : vector<16xf32>
        %add3A_745 = arith.addf %add3A_727, %add3A_728 : vector<16xf32>
        %add3A_746 = arith.addf %add3A_729, %add3A_730 : vector<16xf32>
        %add3A_747 = arith.addf %add3A_731, %add3A_732 : vector<16xf32>
        %add3A_748 = arith.addf %add3A_733, %add3A_734 : vector<16xf32>
        %add3A_749 = arith.addf %add3A_735, %add3A_736 : vector<16xf32>
        %add3A_750 = arith.addf %add3A_737, %add3A_738 : vector<16xf32>
        %add3A_751 = arith.addf %add3A_739, %add3A_740 : vector<16xf32>
        %add3A_752 = arith.addf %add3A_741, %add3A_742 : vector<16xf32>
        %add3A_753 = arith.addf %add3A_743, %add3A_744 : vector<16xf32>
        %add3A_754 = arith.addf %add3A_745, %add3A_746 : vector<16xf32>
        %add3A_755 = arith.addf %add3A_747, %add3A_748 : vector<16xf32>
        %add3A_756 = arith.addf %add3A_749, %add3A_750 : vector<16xf32>
        %add3A_757 = arith.addf %add3A_751, %add3A_752 : vector<16xf32>
        %add3A_758 = arith.addf %add3A_753, %add3A_754 : vector<16xf32>
        %add3A_759 = arith.addf %add3A_755, %add3A_756 : vector<16xf32>
        %add3A_760 = arith.addf %add3A_757, %add3A_758 : vector<16xf32>
        %add3A_761 = arith.addf %add3A_759, %add3A_760 : vector<16xf32>
        %mul3A_762 = arith.constant 512 : i32
        %mul3A_763 = arith.muli %scan3A_30, %mul3A_762 : i32
        %mul3A_764 = arith.constant 16 : i32
        %mul3A_765 = arith.muli %scan3A_122, %mul3A_764 : i32
        %add3A_766 = arith.addi %mul3A_763, %mul3A_765 : i32
        %swap3A = arith.index_cast %add3A_766 : i32 to index
        %swap3A_767 = tpu.vector_load %arg5[%swap3A] {strides = array<i32>} : memref<16384xf32, #tpu.memory_space<vmem>>, vector<16xf32>,
        tpu.vector_store %arg5[%swap3A], %add3A_761 {strides = array<i32>} : memref<16384xf32, #tpu.memory_space<vmem>>, vector<16xf32>,
        %scan3A_768 = arith.constant 0 : i32
        scf.yield %scan3A_768 : i32
      }
      %scan3A_69 = arith.constant 32 : i32
      %scan3A_70 = arith.constant 0 : i32
      %scan3A_71 = arith.constant 1 : i32
      %scan3A_72 = arith.addi %scan3A_30, %scan3A_71 : i32
      %jit3A_73 = arith.constant 2 : i32
      %eq3A_74 = arith.constant 0 : i32
      %eq3A_75 = arith.cmpi eq, %jit3A_73, %eq3A_74 : i32
      %jit3A_76 = arith.constant 1 : i32
      %select_n3A_77 = arith.select %eq3A_75, %jit3A_76, %jit3A_73 : i32
      %rem3A_78 = arith.remsi %scan3A_72, %select_n3A_77 : i32
      %ne3A_79 = arith.constant 0 : i32
      %ne3A_80 = arith.cmpi ne, %rem3A_78, %ne3A_79 : i32
      %lt3A_81 = arith.constant 0 : i32
      %lt3A_82 = arith.cmpi slt, %rem3A_78, %lt3A_81 : i32
      %lt3A_83 = arith.constant 0 : i32
      %lt3A_84 = arith.cmpi slt, %select_n3A_77, %lt3A_83 : i32
      %ne3A_85 = arith.xori %lt3A_82, %lt3A_84 : i1
      %and3A_86 = arith.andi %ne3A_85, %ne3A_80 : i1
      %add3A_87 = arith.addi %rem3A_78, %select_n3A_77 : i32
      %select_n3A_88 = arith.select %and3A_86, %add3A_87, %rem3A_78 : i32
      %add3A_89 = arith.constant 1 : i32
      %add3A_90 = arith.addi %scan3A_72, %add3A_89 : i32
      %lt3A_91 = arith.constant 32 : i32
      %lt3A_92 = arith.cmpi slt, %add3A_90, %lt3A_91 : i32
      %convert_element_type3A_93 = arith.extui %lt3A_92 : i1 to i32
      %cond3A_94 = arith.constant 0 : i32
      %cond3A_95 = arith.cmpi ne, %convert_element_type3A_93, %cond3A_94 : i32
      scf.if %cond3A_95 {
        %add3A_122 = arith.constant 1 : i32
        %add3A_123 = arith.addi %scan3A_72, %add3A_122 : i32
        %sub3A = arith.constant 1 : i32
        %sub3A_124 = arith.subi %sub3A, %select_n3A_88 : i32
        %mul3A_125 = arith.constant 512 : i32
        %mul3A_126 = arith.muli %add3A_123, %mul3A_125 : i32
        %add3A_127 = arith.addi %multiple_of3A, %mul3A_126 : i32
        %multiple_of3A_128 = tpu.assume_multiple %add3A_127, 512 : i32
        %dma_start3A_129 = arith.constant 0 : i32
        %dma_start3A_130 = arith.constant 0 : i32
        %dma_start3A_131 = arith.constant 0 : i32
        %dma_start3A_132 = tpu.memref_slice %arg4[%sub3A_124, %dma_start3A_129, %dma_start3A_130, %dma_start3A_131] : memref<2x8x8x512xf32, #tpu.memory_space<vmem>> -> memref<1x8x8x512xf32, #tpu.memory_space<vmem>>
        %dma_start3A_133 = tpu.memref_squeeze %dma_start3A_132 : memref<1x8x8x512xf32, #tpu.memory_space<vmem>> -> memref<8x8x512xf32, #tpu.memory_space<vmem>>
        %dma_start3A_134 = arith.constant 0 : i32
        %dma_start3A_135 = arith.constant 0 : i32
        %dma_start3A_136 = tpu.memref_slice %arg2[%dma_start3A_134, %dma_start3A_135, %multiple_of3A_128] : memref<8x8x1000000xf32, #tpu.memory_space<hbm>> -> memref<8x8x512xf32, #tpu.memory_space<hbm>>
        %dma_start3A_137 = arith.constant 0 : i32
        %dma_start3A_138 = arith.constant 0 : i32
        %dma_start3A_139 = arith.constant 0 : i32
        %dma_start3A_140 = tpu.memref_slice %arg4[%sub3A_124, %dma_start3A_137, %dma_start3A_138, %dma_start3A_139] : memref<2x8x8x512xf32, #tpu.memory_space<vmem>> -> memref<1x8x8x512xf32, #tpu.memory_space<vmem>>
        %dma_start3A_141 = tpu.memref_squeeze %dma_start3A_140 : memref<1x8x8x512xf32, #tpu.memory_space<vmem>> -> memref<8x8x512xf32, #tpu.memory_space<vmem>>
        %dma_start3A_142 = arith.constant 0 : i32
        %dma_start3A_143 = arith.constant 0 : i32
        %dma_start3A_144 = tpu.memref_slice %arg2[%dma_start3A_142, %dma_start3A_143, %multiple_of3A_128] : memref<8x8x1000000xf32, #tpu.memory_space<hbm>> -> memref<8x8x512xf32, #tpu.memory_space<hbm>>
        tpu.enqueue_dma source(%dma_start3A_144 : memref<8x8x512xf32, #tpu.memory_space<hbm>>) target(%dma_start3A_141 : memref<8x8x512xf32, #tpu.memory_space<vmem>>) target_semaphore(%arg6 : memref<!tpu.dma_semaphore, #tpu.memory_space<semaphore_mem>>)
      } else {
      }
      %dma_wait3A_96 = arith.constant 0 : i32
      %dma_wait3A_97 = arith.constant 0 : i32
      %dma_wait3A_98 = arith.constant 0 : i32
      %dma_wait3A_99 = tpu.memref_slice %arg4[%select_n3A_88, %dma_wait3A_96, %dma_wait3A_97, %dma_wait3A_98] : memref<2x8x8x512xf32, #tpu.memory_space<vmem>> -> memref<1x8x8x512xf32, #tpu.memory_space<vmem>>
      %dma_wait3A_100 = tpu.memref_squeeze %dma_wait3A_99 : memref<1x8x8x512xf32, #tpu.memory_space<vmem>> -> memref<8x8x512xf32, #tpu.memory_space<vmem>>
      %dma_wait3A_101 = arith.constant 0 : i32
      %dma_wait3A_102 = arith.constant 0 : i32
      %dma_wait3A_103 = arith.constant 0 : i32
      %dma_wait3A_104 = tpu.memref_slice %arg2[%dma_wait3A_101, %dma_wait3A_102, %dma_wait3A_103] : memref<8x8x1000000xf32, #tpu.memory_space<hbm>> -> memref<8x8x512xf32, #tpu.memory_space<hbm>>
      %dma_wait3A_105 = arith.constant 0 : i32
      %dma_wait3A_106 = arith.constant 0 : i32
      %dma_wait3A_107 = arith.constant 0 : i32
      %dma_wait3A_108 = tpu.memref_slice %arg4[%select_n3A_88, %dma_wait3A_105, %dma_wait3A_106, %dma_wait3A_107] : memref<2x8x8x512xf32, #tpu.memory_space<vmem>> -> memref<1x8x8x512xf32, #tpu.memory_space<vmem>>
      %dma_wait3A_109 = tpu.memref_squeeze %dma_wait3A_108 : memref<1x8x8x512xf32, #tpu.memory_space<vmem>> -> memref<8x8x512xf32, #tpu.memory_space<vmem>>
      %dma_wait3A_110 = arith.constant 0 : i32
      %dma_wait3A_111 = arith.constant 0 : i32
      %dma_wait3A_112 = arith.constant 0 : i32
      %dma_wait3A_113 = tpu.memref_slice %arg2[%dma_wait3A_110, %dma_wait3A_111, %dma_wait3A_112] : memref<8x8x1000000xf32, #tpu.memory_space<hbm>> -> memref<8x8x512xf32, #tpu.memory_space<hbm>>
      tpu.wait_dma2 semaphore(%arg6 : memref<!tpu.dma_semaphore, #tpu.memory_space<semaphore_mem>>) src(%dma_wait3A_113 : memref<8x8x512xf32, #tpu.memory_space<hbm>>) dst(%dma_wait3A_109 : memref<8x8x512xf32, #tpu.memory_space<vmem>>)
      %scan3A_114 = arith.constant 0 : i32
      %scan3A_115 = arith.constant 0 : i32
      %scan3A_116 = arith.constant 32 : i32
      %scan3A_117 = arith.addi %scan3A_115, %scan3A_116 : i32
      %scan3A_118 = arith.constant 1 : i32
      %scan3A_119 = scf.for %scan3A_122 = %scan3A_115 to %scan3A_117 step %scan3A_118 iter_args(%scan3A_123 = %scan3A_114) -> (i32)  : i32 {
        %mul3A_124 = arith.constant 16 : i32
        %mul3A_125 = arith.muli %scan3A_122, %mul3A_124 : i32
        %get3A = arith.constant 0 : i32
        %get3A_126 = arith.constant 0 : i32
        %get3A_127 = arith.index_cast %select_n3A_88 : i32 to index
        %get3A_128 = arith.index_cast %get3A : i32 to index
        %get3A_129 = arith.index_cast %get3A_126 : i32 to index
        %get3A_130 = arith.index_cast %mul3A_125 : i32 to index
        %get3A_131 = tpu.vector_load %arg4[%get3A_127, %get3A_128, %get3A_129, %get3A_130] {strides = array<i32>} : memref<2x8x8x512xf32, #tpu.memory_space<vmem>>, vector<16xf32>,
        %mul3A_132 = arith.constant 16 : i32
        %mul3A_133 = arith.muli %scan3A_122, %mul3A_132 : i32
        %get3A_134 = arith.constant 0 : i32
        %get3A_135 = arith.constant 1 : i32
        %get3A_136 = arith.index_cast %select_n3A_88 : i32 to index
        %get3A_137 = arith.index_cast %get3A_134 : i32 to index
        %get3A_138 = arith.index_cast %get3A_135 : i32 to index
        %get3A_139 = arith.index_cast %mul3A_133 : i32 to index
        %get3A_140 = tpu.vector_load %arg4[%get3A_136, %get3A_137, %get3A_138, %get3A_139] {strides = array<i32>} : memref<2x8x8x512xf32, #tpu.memory_space<vmem>>, vector<16xf32>,
        %mul3A_141 = arith.constant 16 : i32
        %mul3A_142 = arith.muli %scan3A_122, %mul3A_141 : i32
        %get3A_143 = arith.constant 0 : i32
        %get3A_144 = arith.constant 2 : i32
        %get3A_145 = arith.index_cast %select_n3A_88 : i32 to index
        %get3A_146 = arith.index_cast %get3A_143 : i32 to index
        %get3A_147 = arith.index_cast %get3A_144 : i32 to index
        %get3A_148 = arith.index_cast %mul3A_142 : i32 to index
        %get3A_149 = tpu.vector_load %arg4[%get3A_145, %get3A_146, %get3A_147, %get3A_148] {strides = array<i32>} : memref<2x8x8x512xf32, #tpu.memory_space<vmem>>, vector<16xf32>,
        %mul3A_150 = arith.constant 16 : i32
        %mul3A_151 = arith.muli %scan3A_122, %mul3A_150 : i32
        %get3A_152 = arith.constant 0 : i32
        %get3A_153 = arith.constant 3 : i32
        %get3A_154 = arith.index_cast %select_n3A_88 : i32 to index
        %get3A_155 = arith.index_cast %get3A_152 : i32 to index
        %get3A_156 = arith.index_cast %get3A_153 : i32 to index
        %get3A_157 = arith.index_cast %mul3A_151 : i32 to index
        %get3A_158 = tpu.vector_load %arg4[%get3A_154, %get3A_155, %get3A_156, %get3A_157] {strides = array<i32>} : memref<2x8x8x512xf32, #tpu.memory_space<vmem>>, vector<16xf32>,
        %mul3A_159 = arith.constant 16 : i32
        %mul3A_160 = arith.muli %scan3A_122, %mul3A_159 : i32
        %get3A_161 = arith.constant 0 : i32
        %get3A_162 = arith.constant 4 : i32
        %get3A_163 = arith.index_cast %select_n3A_88 : i32 to index
        %get3A_164 = arith.index_cast %get3A_161 : i32 to index
        %get3A_165 = arith.index_cast %get3A_162 : i32 to index
        %get3A_166 = arith.index_cast %mul3A_160 : i32 to index
        %get3A_167 = tpu.vector_load %arg4[%get3A_163, %get3A_164, %get3A_165, %get3A_166] {strides = array<i32>} : memref<2x8x8x512xf32, #tpu.memory_space<vmem>>, vector<16xf32>,
        %mul3A_168 = arith.constant 16 : i32
        %mul3A_169 = arith.muli %scan3A_122, %mul3A_168 : i32
        %get3A_170 = arith.constant 0 : i32
        %get3A_171 = arith.constant 5 : i32
        %get3A_172 = arith.index_cast %select_n3A_88 : i32 to index
        %get3A_173 = arith.index_cast %get3A_170 : i32 to index
        %get3A_174 = arith.index_cast %get3A_171 : i32 to index
        %get3A_175 = arith.index_cast %mul3A_169 : i32 to index
        %get3A_176 = tpu.vector_load %arg4[%get3A_172, %get3A_173, %get3A_174, %get3A_175] {strides = array<i32>} : memref<2x8x8x512xf32, #tpu.memory_space<vmem>>, vector<16xf32>,
        %mul3A_177 = arith.constant 16 : i32
        %mul3A_178 = arith.muli %scan3A_122, %mul3A_177 : i32
        %get3A_179 = arith.constant 0 : i32
        %get3A_180 = arith.constant 6 : i32
        %get3A_181 = arith.index_cast %select_n3A_88 : i32 to index
        %get3A_182 = arith.index_cast %get3A_179 : i32 to index
        %get3A_183 = arith.index_cast %get3A_180 : i32 to index
        %get3A_184 = arith.index_cast %mul3A_178 : i32 to index
        %get3A_185 = tpu.vector_load %arg4[%get3A_181, %get3A_182, %get3A_183, %get3A_184] {strides = array<i32>} : memref<2x8x8x512xf32, #tpu.memory_space<vmem>>, vector<16xf32>,
        %mul3A_186 = arith.constant 16 : i32
        %mul3A_187 = arith.muli %scan3A_122, %mul3A_186 : i32
        %get3A_188 = arith.constant 0 : i32
        %get3A_189 = arith.constant 7 : i32
        %get3A_190 = arith.index_cast %select_n3A_88 : i32 to index
        %get3A_191 = arith.index_cast %get3A_188 : i32 to index
        %get3A_192 = arith.index_cast %get3A_189 : i32 to index
        %get3A_193 = arith.index_cast %mul3A_187 : i32 to index
        %get3A_194 = tpu.vector_load %arg4[%get3A_190, %get3A_191, %get3A_192, %get3A_193] {strides = array<i32>} : memref<2x8x8x512xf32, #tpu.memory_space<vmem>>, vector<16xf32>,
        %mul3A_195 = arith.constant 16 : i32
        %mul3A_196 = arith.muli %scan3A_122, %mul3A_195 : i32
        %get3A_197 = arith.constant 1 : i32
        %get3A_198 = arith.constant 0 : i32
        %get3A_199 = arith.index_cast %select_n3A_88 : i32 to index
        %get3A_200 = arith.index_cast %get3A_197 : i32 to index
        %get3A_201 = arith.index_cast %get3A_198 : i32 to index
        %get3A_202 = arith.index_cast %mul3A_196 : i32 to index
        %get3A_203 = tpu.vector_load %arg4[%get3A_199, %get3A_200, %get3A_201, %get3A_202] {strides = array<i32>} : memref<2x8x8x512xf32, #tpu.memory_space<vmem>>, vector<16xf32>,
        %mul3A_204 = arith.constant 16 : i32
        %mul3A_205 = arith.muli %scan3A_122, %mul3A_204 : i32
        %get3A_206 = arith.constant 1 : i32
        %get3A_207 = arith.constant 1 : i32
        %get3A_208 = arith.index_cast %select_n3A_88 : i32 to index
        %get3A_209 = arith.index_cast %get3A_206 : i32 to index
        %get3A_210 = arith.index_cast %get3A_207 : i32 to index
        %get3A_211 = arith.index_cast %mul3A_205 : i32 to index
        %get3A_212 = tpu.vector_load %arg4[%get3A_208, %get3A_209, %get3A_210, %get3A_211] {strides = array<i32>} : memref<2x8x8x512xf32, #tpu.memory_space<vmem>>, vector<16xf32>,
        %mul3A_213 = arith.constant 16 : i32
        %mul3A_214 = arith.muli %scan3A_122, %mul3A_213 : i32
        %get3A_215 = arith.constant 1 : i32
        %get3A_216 = arith.constant 2 : i32
        %get3A_217 = arith.index_cast %select_n3A_88 : i32 to index
        %get3A_218 = arith.index_cast %get3A_215 : i32 to index
        %get3A_219 = arith.index_cast %get3A_216 : i32 to index
        %get3A_220 = arith.index_cast %mul3A_214 : i32 to index
        %get3A_221 = tpu.vector_load %arg4[%get3A_217, %get3A_218, %get3A_219, %get3A_220] {strides = array<i32>} : memref<2x8x8x512xf32, #tpu.memory_space<vmem>>, vector<16xf32>,
        %mul3A_222 = arith.constant 16 : i32
        %mul3A_223 = arith.muli %scan3A_122, %mul3A_222 : i32
        %get3A_224 = arith.constant 1 : i32
        %get3A_225 = arith.constant 3 : i32
        %get3A_226 = arith.index_cast %select_n3A_88 : i32 to index
        %get3A_227 = arith.index_cast %get3A_224 : i32 to index
        %get3A_228 = arith.index_cast %get3A_225 : i32 to index
        %get3A_229 = arith.index_cast %mul3A_223 : i32 to index
        %get3A_230 = tpu.vector_load %arg4[%get3A_226, %get3A_227, %get3A_228, %get3A_229] {strides = array<i32>} : memref<2x8x8x512xf32, #tpu.memory_space<vmem>>, vector<16xf32>,
        %mul3A_231 = arith.constant 16 : i32
        %mul3A_232 = arith.muli %scan3A_122, %mul3A_231 : i32
        %get3A_233 = arith.constant 1 : i32
        %get3A_234 = arith.constant 4 : i32
        %get3A_235 = arith.index_cast %select_n3A_88 : i32 to index
        %get3A_236 = arith.index_cast %get3A_233 : i32 to index
        %get3A_237 = arith.index_cast %get3A_234 : i32 to index
        %get3A_238 = arith.index_cast %mul3A_232 : i32 to index
        %get3A_239 = tpu.vector_load %arg4[%get3A_235, %get3A_236, %get3A_237, %get3A_238] {strides = array<i32>} : memref<2x8x8x512xf32, #tpu.memory_space<vmem>>, vector<16xf32>,
        %mul3A_240 = arith.constant 16 : i32
        %mul3A_241 = arith.muli %scan3A_122, %mul3A_240 : i32
        %get3A_242 = arith.constant 1 : i32
        %get3A_243 = arith.constant 5 : i32
        %get3A_244 = arith.index_cast %select_n3A_88 : i32 to index
        %get3A_245 = arith.index_cast %get3A_242 : i32 to index
        %get3A_246 = arith.index_cast %get3A_243 : i32 to index
        %get3A_247 = arith.index_cast %mul3A_241 : i32 to index
        %get3A_248 = tpu.vector_load %arg4[%get3A_244, %get3A_245, %get3A_246, %get3A_247] {strides = array<i32>} : memref<2x8x8x512xf32, #tpu.memory_space<vmem>>, vector<16xf32>,
        %mul3A_249 = arith.constant 16 : i32
        %mul3A_250 = arith.muli %scan3A_122, %mul3A_249 : i32
        %get3A_251 = arith.constant 1 : i32
        %get3A_252 = arith.constant 6 : i32
        %get3A_253 = arith.index_cast %select_n3A_88 : i32 to index
        %get3A_254 = arith.index_cast %get3A_251 : i32 to index
        %get3A_255 = arith.index_cast %get3A_252 : i32 to index
        %get3A_256 = arith.index_cast %mul3A_250 : i32 to index
        %get3A_257 = tpu.vector_load %arg4[%get3A_253, %get3A_254, %get3A_255, %get3A_256] {strides = array<i32>} : memref<2x8x8x512xf32, #tpu.memory_space<vmem>>, vector<16xf32>,
        %mul3A_258 = arith.constant 16 : i32
        %mul3A_259 = arith.muli %scan3A_122, %mul3A_258 : i32
        %get3A_260 = arith.constant 1 : i32
        %get3A_261 = arith.constant 7 : i32
        %get3A_262 = arith.index_cast %select_n3A_88 : i32 to index
        %get3A_263 = arith.index_cast %get3A_260 : i32 to index
        %get3A_264 = arith.index_cast %get3A_261 : i32 to index
        %get3A_265 = arith.index_cast %mul3A_259 : i32 to index
        %get3A_266 = tpu.vector_load %arg4[%get3A_262, %get3A_263, %get3A_264, %get3A_265] {strides = array<i32>} : memref<2x8x8x512xf32, #tpu.memory_space<vmem>>, vector<16xf32>,
        %mul3A_267 = arith.constant 16 : i32
        %mul3A_268 = arith.muli %scan3A_122, %mul3A_267 : i32
        %get3A_269 = arith.constant 2 : i32
        %get3A_270 = arith.constant 0 : i32
        %get3A_271 = arith.index_cast %select_n3A_88 : i32 to index
        %get3A_272 = arith.index_cast %get3A_269 : i32 to index
        %get3A_273 = arith.index_cast %get3A_270 : i32 to index
        %get3A_274 = arith.index_cast %mul3A_268 : i32 to index
        %get3A_275 = tpu.vector_load %arg4[%get3A_271, %get3A_272, %get3A_273, %get3A_274] {strides = array<i32>} : memref<2x8x8x512xf32, #tpu.memory_space<vmem>>, vector<16xf32>,
        %mul3A_276 = arith.constant 16 : i32
        %mul3A_277 = arith.muli %scan3A_122, %mul3A_276 : i32
        %get3A_278 = arith.constant 2 : i32
        %get3A_279 = arith.constant 1 : i32
        %get3A_280 = arith.index_cast %select_n3A_88 : i32 to index
        %get3A_281 = arith.index_cast %get3A_278 : i32 to index
        %get3A_282 = arith.index_cast %get3A_279 : i32 to index
        %get3A_283 = arith.index_cast %mul3A_277 : i32 to index
        %get3A_284 = tpu.vector_load %arg4[%get3A_280, %get3A_281, %get3A_282, %get3A_283] {strides = array<i32>} : memref<2x8x8x512xf32, #tpu.memory_space<vmem>>, vector<16xf32>,
        %mul3A_285 = arith.constant 16 : i32
        %mul3A_286 = arith.muli %scan3A_122, %mul3A_285 : i32
        %get3A_287 = arith.constant 2 : i32
        %get3A_288 = arith.constant 2 : i32
        %get3A_289 = arith.index_cast %select_n3A_88 : i32 to index
        %get3A_290 = arith.index_cast %get3A_287 : i32 to index
        %get3A_291 = arith.index_cast %get3A_288 : i32 to index
        %get3A_292 = arith.index_cast %mul3A_286 : i32 to index
        %get3A_293 = tpu.vector_load %arg4[%get3A_289, %get3A_290, %get3A_291, %get3A_292] {strides = array<i32>} : memref<2x8x8x512xf32, #tpu.memory_space<vmem>>, vector<16xf32>,
        %mul3A_294 = arith.constant 16 : i32
        %mul3A_295 = arith.muli %scan3A_122, %mul3A_294 : i32
        %get3A_296 = arith.constant 2 : i32
        %get3A_297 = arith.constant 3 : i32
        %get3A_298 = arith.index_cast %select_n3A_88 : i32 to index
        %get3A_299 = arith.index_cast %get3A_296 : i32 to index
        %get3A_300 = arith.index_cast %get3A_297 : i32 to index
        %get3A_301 = arith.index_cast %mul3A_295 : i32 to index
        %get3A_302 = tpu.vector_load %arg4[%get3A_298, %get3A_299, %get3A_300, %get3A_301] {strides = array<i32>} : memref<2x8x8x512xf32, #tpu.memory_space<vmem>>, vector<16xf32>,
        %mul3A_303 = arith.constant 16 : i32
        %mul3A_304 = arith.muli %scan3A_122, %mul3A_303 : i32
        %get3A_305 = arith.constant 2 : i32
        %get3A_306 = arith.constant 4 : i32
        %get3A_307 = arith.index_cast %select_n3A_88 : i32 to index
        %get3A_308 = arith.index_cast %get3A_305 : i32 to index
        %get3A_309 = arith.index_cast %get3A_306 : i32 to index
        %get3A_310 = arith.index_cast %mul3A_304 : i32 to index
        %get3A_311 = tpu.vector_load %arg4[%get3A_307, %get3A_308, %get3A_309, %get3A_310] {strides = array<i32>} : memref<2x8x8x512xf32, #tpu.memory_space<vmem>>, vector<16xf32>,
        %mul3A_312 = arith.constant 16 : i32
        %mul3A_313 = arith.muli %scan3A_122, %mul3A_312 : i32
        %get3A_314 = arith.constant 2 : i32
        %get3A_315 = arith.constant 5 : i32
        %get3A_316 = arith.index_cast %select_n3A_88 : i32 to index
        %get3A_317 = arith.index_cast %get3A_314 : i32 to index
        %get3A_318 = arith.index_cast %get3A_315 : i32 to index
        %get3A_319 = arith.index_cast %mul3A_313 : i32 to index
        %get3A_320 = tpu.vector_load %arg4[%get3A_316, %get3A_317, %get3A_318, %get3A_319] {strides = array<i32>} : memref<2x8x8x512xf32, #tpu.memory_space<vmem>>, vector<16xf32>,
        %mul3A_321 = arith.constant 16 : i32
        %mul3A_322 = arith.muli %scan3A_122, %mul3A_321 : i32
        %get3A_323 = arith.constant 2 : i32
        %get3A_324 = arith.constant 6 : i32
        %get3A_325 = arith.index_cast %select_n3A_88 : i32 to index
        %get3A_326 = arith.index_cast %get3A_323 : i32 to index
        %get3A_327 = arith.index_cast %get3A_324 : i32 to index
        %get3A_328 = arith.index_cast %mul3A_322 : i32 to index
        %get3A_329 = tpu.vector_load %arg4[%get3A_325, %get3A_326, %get3A_327, %get3A_328] {strides = array<i32>} : memref<2x8x8x512xf32, #tpu.memory_space<vmem>>, vector<16xf32>,
        %mul3A_330 = arith.constant 16 : i32
        %mul3A_331 = arith.muli %scan3A_122, %mul3A_330 : i32
        %get3A_332 = arith.constant 2 : i32
        %get3A_333 = arith.constant 7 : i32
        %get3A_334 = arith.index_cast %select_n3A_88 : i32 to index
        %get3A_335 = arith.index_cast %get3A_332 : i32 to index
        %get3A_336 = arith.index_cast %get3A_333 : i32 to index
        %get3A_337 = arith.index_cast %mul3A_331 : i32 to index
        %get3A_338 = tpu.vector_load %arg4[%get3A_334, %get3A_335, %get3A_336, %get3A_337] {strides = array<i32>} : memref<2x8x8x512xf32, #tpu.memory_space<vmem>>, vector<16xf32>,
        %mul3A_339 = arith.constant 16 : i32
        %mul3A_340 = arith.muli %scan3A_122, %mul3A_339 : i32
        %get3A_341 = arith.constant 3 : i32
        %get3A_342 = arith.constant 0 : i32
        %get3A_343 = arith.index_cast %select_n3A_88 : i32 to index
        %get3A_344 = arith.index_cast %get3A_341 : i32 to index
        %get3A_345 = arith.index_cast %get3A_342 : i32 to index
        %get3A_346 = arith.index_cast %mul3A_340 : i32 to index
        %get3A_347 = tpu.vector_load %arg4[%get3A_343, %get3A_344, %get3A_345, %get3A_346] {strides = array<i32>} : memref<2x8x8x512xf32, #tpu.memory_space<vmem>>, vector<16xf32>,
        %mul3A_348 = arith.constant 16 : i32
        %mul3A_349 = arith.muli %scan3A_122, %mul3A_348 : i32
        %get3A_350 = arith.constant 3 : i32
        %get3A_351 = arith.constant 1 : i32
        %get3A_352 = arith.index_cast %select_n3A_88 : i32 to index
        %get3A_353 = arith.index_cast %get3A_350 : i32 to index
        %get3A_354 = arith.index_cast %get3A_351 : i32 to index
        %get3A_355 = arith.index_cast %mul3A_349 : i32 to index
        %get3A_356 = tpu.vector_load %arg4[%get3A_352, %get3A_353, %get3A_354, %get3A_355] {strides = array<i32>} : memref<2x8x8x512xf32, #tpu.memory_space<vmem>>, vector<16xf32>,
        %mul3A_357 = arith.constant 16 : i32
        %mul3A_358 = arith.muli %scan3A_122, %mul3A_357 : i32
        %get3A_359 = arith.constant 3 : i32
        %get3A_360 = arith.constant 2 : i32
        %get3A_361 = arith.index_cast %select_n3A_88 : i32 to index
        %get3A_362 = arith.index_cast %get3A_359 : i32 to index
        %get3A_363 = arith.index_cast %get3A_360 : i32 to index
        %get3A_364 = arith.index_cast %mul3A_358 : i32 to index
        %get3A_365 = tpu.vector_load %arg4[%get3A_361, %get3A_362, %get3A_363, %get3A_364] {strides = array<i32>} : memref<2x8x8x512xf32, #tpu.memory_space<vmem>>, vector<16xf32>,
        %mul3A_366 = arith.constant 16 : i32
        %mul3A_367 = arith.muli %scan3A_122, %mul3A_366 : i32
        %get3A_368 = arith.constant 3 : i32
        %get3A_369 = arith.constant 3 : i32
        %get3A_370 = arith.index_cast %select_n3A_88 : i32 to index
        %get3A_371 = arith.index_cast %get3A_368 : i32 to index
        %get3A_372 = arith.index_cast %get3A_369 : i32 to index
        %get3A_373 = arith.index_cast %mul3A_367 : i32 to index
        %get3A_374 = tpu.vector_load %arg4[%get3A_370, %get3A_371, %get3A_372, %get3A_373] {strides = array<i32>} : memref<2x8x8x512xf32, #tpu.memory_space<vmem>>, vector<16xf32>,
        %mul3A_375 = arith.constant 16 : i32
        %mul3A_376 = arith.muli %scan3A_122, %mul3A_375 : i32
        %get3A_377 = arith.constant 3 : i32
        %get3A_378 = arith.constant 4 : i32
        %get3A_379 = arith.index_cast %select_n3A_88 : i32 to index
        %get3A_380 = arith.index_cast %get3A_377 : i32 to index
        %get3A_381 = arith.index_cast %get3A_378 : i32 to index
        %get3A_382 = arith.index_cast %mul3A_376 : i32 to index
        %get3A_383 = tpu.vector_load %arg4[%get3A_379, %get3A_380, %get3A_381, %get3A_382] {strides = array<i32>} : memref<2x8x8x512xf32, #tpu.memory_space<vmem>>, vector<16xf32>,
        %mul3A_384 = arith.constant 16 : i32
        %mul3A_385 = arith.muli %scan3A_122, %mul3A_384 : i32
        %get3A_386 = arith.constant 3 : i32
        %get3A_387 = arith.constant 5 : i32
        %get3A_388 = arith.index_cast %select_n3A_88 : i32 to index
        %get3A_389 = arith.index_cast %get3A_386 : i32 to index
        %get3A_390 = arith.index_cast %get3A_387 : i32 to index
        %get3A_391 = arith.index_cast %mul3A_385 : i32 to index
        %get3A_392 = tpu.vector_load %arg4[%get3A_388, %get3A_389, %get3A_390, %get3A_391] {strides = array<i32>} : memref<2x8x8x512xf32, #tpu.memory_space<vmem>>, vector<16xf32>,
        %mul3A_393 = arith.constant 16 : i32
        %mul3A_394 = arith.muli %scan3A_122, %mul3A_393 : i32
        %get3A_395 = arith.constant 3 : i32
        %get3A_396 = arith.constant 6 : i32
        %get3A_397 = arith.index_cast %select_n3A_88 : i32 to index
        %get3A_398 = arith.index_cast %get3A_395 : i32 to index
        %get3A_399 = arith.index_cast %get3A_396 : i32 to index
        %get3A_400 = arith.index_cast %mul3A_394 : i32 to index
        %get3A_401 = tpu.vector_load %arg4[%get3A_397, %get3A_398, %get3A_399, %get3A_400] {strides = array<i32>} : memref<2x8x8x512xf32, #tpu.memory_space<vmem>>, vector<16xf32>,
        %mul3A_402 = arith.constant 16 : i32
        %mul3A_403 = arith.muli %scan3A_122, %mul3A_402 : i32
        %get3A_404 = arith.constant 3 : i32
        %get3A_405 = arith.constant 7 : i32
        %get3A_406 = arith.index_cast %select_n3A_88 : i32 to index
        %get3A_407 = arith.index_cast %get3A_404 : i32 to index
        %get3A_408 = arith.index_cast %get3A_405 : i32 to index
        %get3A_409 = arith.index_cast %mul3A_403 : i32 to index
        %get3A_410 = tpu.vector_load %arg4[%get3A_406, %get3A_407, %get3A_408, %get3A_409] {strides = array<i32>} : memref<2x8x8x512xf32, #tpu.memory_space<vmem>>, vector<16xf32>,
        %mul3A_411 = arith.constant 16 : i32
        %mul3A_412 = arith.muli %scan3A_122, %mul3A_411 : i32
        %get3A_413 = arith.constant 4 : i32
        %get3A_414 = arith.constant 0 : i32
        %get3A_415 = arith.index_cast %select_n3A_88 : i32 to index
        %get3A_416 = arith.index_cast %get3A_413 : i32 to index
        %get3A_417 = arith.index_cast %get3A_414 : i32 to index
        %get3A_418 = arith.index_cast %mul3A_412 : i32 to index
        %get3A_419 = tpu.vector_load %arg4[%get3A_415, %get3A_416, %get3A_417, %get3A_418] {strides = array<i32>} : memref<2x8x8x512xf32, #tpu.memory_space<vmem>>, vector<16xf32>,
        %mul3A_420 = arith.constant 16 : i32
        %mul3A_421 = arith.muli %scan3A_122, %mul3A_420 : i32
        %get3A_422 = arith.constant 4 : i32
        %get3A_423 = arith.constant 1 : i32
        %get3A_424 = arith.index_cast %select_n3A_88 : i32 to index
        %get3A_425 = arith.index_cast %get3A_422 : i32 to index
        %get3A_426 = arith.index_cast %get3A_423 : i32 to index
        %get3A_427 = arith.index_cast %mul3A_421 : i32 to index
        %get3A_428 = tpu.vector_load %arg4[%get3A_424, %get3A_425, %get3A_426, %get3A_427] {strides = array<i32>} : memref<2x8x8x512xf32, #tpu.memory_space<vmem>>, vector<16xf32>,
        %mul3A_429 = arith.constant 16 : i32
        %mul3A_430 = arith.muli %scan3A_122, %mul3A_429 : i32
        %get3A_431 = arith.constant 4 : i32
        %get3A_432 = arith.constant 2 : i32
        %get3A_433 = arith.index_cast %select_n3A_88 : i32 to index
        %get3A_434 = arith.index_cast %get3A_431 : i32 to index
        %get3A_435 = arith.index_cast %get3A_432 : i32 to index
        %get3A_436 = arith.index_cast %mul3A_430 : i32 to index
        %get3A_437 = tpu.vector_load %arg4[%get3A_433, %get3A_434, %get3A_435, %get3A_436] {strides = array<i32>} : memref<2x8x8x512xf32, #tpu.memory_space<vmem>>, vector<16xf32>,
        %mul3A_438 = arith.constant 16 : i32
        %mul3A_439 = arith.muli %scan3A_122, %mul3A_438 : i32
        %get3A_440 = arith.constant 4 : i32
        %get3A_441 = arith.constant 3 : i32
        %get3A_442 = arith.index_cast %select_n3A_88 : i32 to index
        %get3A_443 = arith.index_cast %get3A_440 : i32 to index
        %get3A_444 = arith.index_cast %get3A_441 : i32 to index
        %get3A_445 = arith.index_cast %mul3A_439 : i32 to index
        %get3A_446 = tpu.vector_load %arg4[%get3A_442, %get3A_443, %get3A_444, %get3A_445] {strides = array<i32>} : memref<2x8x8x512xf32, #tpu.memory_space<vmem>>, vector<16xf32>,
        %mul3A_447 = arith.constant 16 : i32
        %mul3A_448 = arith.muli %scan3A_122, %mul3A_447 : i32
        %get3A_449 = arith.constant 4 : i32
        %get3A_450 = arith.constant 4 : i32
        %get3A_451 = arith.index_cast %select_n3A_88 : i32 to index
        %get3A_452 = arith.index_cast %get3A_449 : i32 to index
        %get3A_453 = arith.index_cast %get3A_450 : i32 to index
        %get3A_454 = arith.index_cast %mul3A_448 : i32 to index
        %get3A_455 = tpu.vector_load %arg4[%get3A_451, %get3A_452, %get3A_453, %get3A_454] {strides = array<i32>} : memref<2x8x8x512xf32, #tpu.memory_space<vmem>>, vector<16xf32>,
        %mul3A_456 = arith.constant 16 : i32
        %mul3A_457 = arith.muli %scan3A_122, %mul3A_456 : i32
        %get3A_458 = arith.constant 4 : i32
        %get3A_459 = arith.constant 5 : i32
        %get3A_460 = arith.index_cast %select_n3A_88 : i32 to index
        %get3A_461 = arith.index_cast %get3A_458 : i32 to index
        %get3A_462 = arith.index_cast %get3A_459 : i32 to index
        %get3A_463 = arith.index_cast %mul3A_457 : i32 to index
        %get3A_464 = tpu.vector_load %arg4[%get3A_460, %get3A_461, %get3A_462, %get3A_463] {strides = array<i32>} : memref<2x8x8x512xf32, #tpu.memory_space<vmem>>, vector<16xf32>,
        %mul3A_465 = arith.constant 16 : i32
        %mul3A_466 = arith.muli %scan3A_122, %mul3A_465 : i32
        %get3A_467 = arith.constant 4 : i32
        %get3A_468 = arith.constant 6 : i32
        %get3A_469 = arith.index_cast %select_n3A_88 : i32 to index
        %get3A_470 = arith.index_cast %get3A_467 : i32 to index
        %get3A_471 = arith.index_cast %get3A_468 : i32 to index
        %get3A_472 = arith.index_cast %mul3A_466 : i32 to index
        %get3A_473 = tpu.vector_load %arg4[%get3A_469, %get3A_470, %get3A_471, %get3A_472] {strides = array<i32>} : memref<2x8x8x512xf32, #tpu.memory_space<vmem>>, vector<16xf32>,
        %mul3A_474 = arith.constant 16 : i32
        %mul3A_475 = arith.muli %scan3A_122, %mul3A_474 : i32
        %get3A_476 = arith.constant 4 : i32
        %get3A_477 = arith.constant 7 : i32
        %get3A_478 = arith.index_cast %select_n3A_88 : i32 to index
        %get3A_479 = arith.index_cast %get3A_476 : i32 to index
        %get3A_480 = arith.index_cast %get3A_477 : i32 to index
        %get3A_481 = arith.index_cast %mul3A_475 : i32 to index
        %get3A_482 = tpu.vector_load %arg4[%get3A_478, %get3A_479, %get3A_480, %get3A_481] {strides = array<i32>} : memref<2x8x8x512xf32, #tpu.memory_space<vmem>>, vector<16xf32>,
        %mul3A_483 = arith.constant 16 : i32
        %mul3A_484 = arith.muli %scan3A_122, %mul3A_483 : i32
        %get3A_485 = arith.constant 5 : i32
        %get3A_486 = arith.constant 0 : i32
        %get3A_487 = arith.index_cast %select_n3A_88 : i32 to index
        %get3A_488 = arith.index_cast %get3A_485 : i32 to index
        %get3A_489 = arith.index_cast %get3A_486 : i32 to index
        %get3A_490 = arith.index_cast %mul3A_484 : i32 to index
        %get3A_491 = tpu.vector_load %arg4[%get3A_487, %get3A_488, %get3A_489, %get3A_490] {strides = array<i32>} : memref<2x8x8x512xf32, #tpu.memory_space<vmem>>, vector<16xf32>,
        %mul3A_492 = arith.constant 16 : i32
        %mul3A_493 = arith.muli %scan3A_122, %mul3A_492 : i32
        %get3A_494 = arith.constant 5 : i32
        %get3A_495 = arith.constant 1 : i32
        %get3A_496 = arith.index_cast %select_n3A_88 : i32 to index
        %get3A_497 = arith.index_cast %get3A_494 : i32 to index
        %get3A_498 = arith.index_cast %get3A_495 : i32 to index
        %get3A_499 = arith.index_cast %mul3A_493 : i32 to index
        %get3A_500 = tpu.vector_load %arg4[%get3A_496, %get3A_497, %get3A_498, %get3A_499] {strides = array<i32>} : memref<2x8x8x512xf32, #tpu.memory_space<vmem>>, vector<16xf32>,
        %mul3A_501 = arith.constant 16 : i32
        %mul3A_502 = arith.muli %scan3A_122, %mul3A_501 : i32
        %get3A_503 = arith.constant 5 : i32
        %get3A_504 = arith.constant 2 : i32
        %get3A_505 = arith.index_cast %select_n3A_88 : i32 to index
        %get3A_506 = arith.index_cast %get3A_503 : i32 to index
        %get3A_507 = arith.index_cast %get3A_504 : i32 to index
        %get3A_508 = arith.index_cast %mul3A_502 : i32 to index
        %get3A_509 = tpu.vector_load %arg4[%get3A_505, %get3A_506, %get3A_507, %get3A_508] {strides = array<i32>} : memref<2x8x8x512xf32, #tpu.memory_space<vmem>>, vector<16xf32>,
        %mul3A_510 = arith.constant 16 : i32
        %mul3A_511 = arith.muli %scan3A_122, %mul3A_510 : i32
        %get3A_512 = arith.constant 5 : i32
        %get3A_513 = arith.constant 3 : i32
        %get3A_514 = arith.index_cast %select_n3A_88 : i32 to index
        %get3A_515 = arith.index_cast %get3A_512 : i32 to index
        %get3A_516 = arith.index_cast %get3A_513 : i32 to index
        %get3A_517 = arith.index_cast %mul3A_511 : i32 to index
        %get3A_518 = tpu.vector_load %arg4[%get3A_514, %get3A_515, %get3A_516, %get3A_517] {strides = array<i32>} : memref<2x8x8x512xf32, #tpu.memory_space<vmem>>, vector<16xf32>,
        %mul3A_519 = arith.constant 16 : i32
        %mul3A_520 = arith.muli %scan3A_122, %mul3A_519 : i32
        %get3A_521 = arith.constant 5 : i32
        %get3A_522 = arith.constant 4 : i32
        %get3A_523 = arith.index_cast %select_n3A_88 : i32 to index
        %get3A_524 = arith.index_cast %get3A_521 : i32 to index
        %get3A_525 = arith.index_cast %get3A_522 : i32 to index
        %get3A_526 = arith.index_cast %mul3A_520 : i32 to index
        %get3A_527 = tpu.vector_load %arg4[%get3A_523, %get3A_524, %get3A_525, %get3A_526] {strides = array<i32>} : memref<2x8x8x512xf32, #tpu.memory_space<vmem>>, vector<16xf32>,
        %mul3A_528 = arith.constant 16 : i32
        %mul3A_529 = arith.muli %scan3A_122, %mul3A_528 : i32
        %get3A_530 = arith.constant 5 : i32
        %get3A_531 = arith.constant 5 : i32
        %get3A_532 = arith.index_cast %select_n3A_88 : i32 to index
        %get3A_533 = arith.index_cast %get3A_530 : i32 to index
        %get3A_534 = arith.index_cast %get3A_531 : i32 to index
        %get3A_535 = arith.index_cast %mul3A_529 : i32 to index
        %get3A_536 = tpu.vector_load %arg4[%get3A_532, %get3A_533, %get3A_534, %get3A_535] {strides = array<i32>} : memref<2x8x8x512xf32, #tpu.memory_space<vmem>>, vector<16xf32>,
        %mul3A_537 = arith.constant 16 : i32
        %mul3A_538 = arith.muli %scan3A_122, %mul3A_537 : i32
        %get3A_539 = arith.constant 5 : i32
        %get3A_540 = arith.constant 6 : i32
        %get3A_541 = arith.index_cast %select_n3A_88 : i32 to index
        %get3A_542 = arith.index_cast %get3A_539 : i32 to index
        %get3A_543 = arith.index_cast %get3A_540 : i32 to index
        %get3A_544 = arith.index_cast %mul3A_538 : i32 to index
        %get3A_545 = tpu.vector_load %arg4[%get3A_541, %get3A_542, %get3A_543, %get3A_544] {strides = array<i32>} : memref<2x8x8x512xf32, #tpu.memory_space<vmem>>, vector<16xf32>,
        %mul3A_546 = arith.constant 16 : i32
        %mul3A_547 = arith.muli %scan3A_122, %mul3A_546 : i32
        %get3A_548 = arith.constant 5 : i32
        %get3A_549 = arith.constant 7 : i32
        %get3A_550 = arith.index_cast %select_n3A_88 : i32 to index
        %get3A_551 = arith.index_cast %get3A_548 : i32 to index
        %get3A_552 = arith.index_cast %get3A_549 : i32 to index
        %get3A_553 = arith.index_cast %mul3A_547 : i32 to index
        %get3A_554 = tpu.vector_load %arg4[%get3A_550, %get3A_551, %get3A_552, %get3A_553] {strides = array<i32>} : memref<2x8x8x512xf32, #tpu.memory_space<vmem>>, vector<16xf32>,
        %mul3A_555 = arith.constant 16 : i32
        %mul3A_556 = arith.muli %scan3A_122, %mul3A_555 : i32
        %get3A_557 = arith.constant 6 : i32
        %get3A_558 = arith.constant 0 : i32
        %get3A_559 = arith.index_cast %select_n3A_88 : i32 to index
        %get3A_560 = arith.index_cast %get3A_557 : i32 to index
        %get3A_561 = arith.index_cast %get3A_558 : i32 to index
        %get3A_562 = arith.index_cast %mul3A_556 : i32 to index
        %get3A_563 = tpu.vector_load %arg4[%get3A_559, %get3A_560, %get3A_561, %get3A_562] {strides = array<i32>} : memref<2x8x8x512xf32, #tpu.memory_space<vmem>>, vector<16xf32>,
        %mul3A_564 = arith.constant 16 : i32
        %mul3A_565 = arith.muli %scan3A_122, %mul3A_564 : i32
        %get3A_566 = arith.constant 6 : i32
        %get3A_567 = arith.constant 1 : i32
        %get3A_568 = arith.index_cast %select_n3A_88 : i32 to index
        %get3A_569 = arith.index_cast %get3A_566 : i32 to index
        %get3A_570 = arith.index_cast %get3A_567 : i32 to index
        %get3A_571 = arith.index_cast %mul3A_565 : i32 to index
        %get3A_572 = tpu.vector_load %arg4[%get3A_568, %get3A_569, %get3A_570, %get3A_571] {strides = array<i32>} : memref<2x8x8x512xf32, #tpu.memory_space<vmem>>, vector<16xf32>,
        %mul3A_573 = arith.constant 16 : i32
        %mul3A_574 = arith.muli %scan3A_122, %mul3A_573 : i32
        %get3A_575 = arith.constant 6 : i32
        %get3A_576 = arith.constant 2 : i32
        %get3A_577 = arith.index_cast %select_n3A_88 : i32 to index
        %get3A_578 = arith.index_cast %get3A_575 : i32 to index
        %get3A_579 = arith.index_cast %get3A_576 : i32 to index
        %get3A_580 = arith.index_cast %mul3A_574 : i32 to index
        %get3A_581 = tpu.vector_load %arg4[%get3A_577, %get3A_578, %get3A_579, %get3A_580] {strides = array<i32>} : memref<2x8x8x512xf32, #tpu.memory_space<vmem>>, vector<16xf32>,
        %mul3A_582 = arith.constant 16 : i32
        %mul3A_583 = arith.muli %scan3A_122, %mul3A_582 : i32
        %get3A_584 = arith.constant 6 : i32
        %get3A_585 = arith.constant 3 : i32
        %get3A_586 = arith.index_cast %select_n3A_88 : i32 to index
        %get3A_587 = arith.index_cast %get3A_584 : i32 to index
        %get3A_588 = arith.index_cast %get3A_585 : i32 to index
        %get3A_589 = arith.index_cast %mul3A_583 : i32 to index
        %get3A_590 = tpu.vector_load %arg4[%get3A_586, %get3A_587, %get3A_588, %get3A_589] {strides = array<i32>} : memref<2x8x8x512xf32, #tpu.memory_space<vmem>>, vector<16xf32>,
        %mul3A_591 = arith.constant 16 : i32
        %mul3A_592 = arith.muli %scan3A_122, %mul3A_591 : i32
        %get3A_593 = arith.constant 6 : i32
        %get3A_594 = arith.constant 4 : i32
        %get3A_595 = arith.index_cast %select_n3A_88 : i32 to index
        %get3A_596 = arith.index_cast %get3A_593 : i32 to index
        %get3A_597 = arith.index_cast %get3A_594 : i32 to index
        %get3A_598 = arith.index_cast %mul3A_592 : i32 to index
        %get3A_599 = tpu.vector_load %arg4[%get3A_595, %get3A_596, %get3A_597, %get3A_598] {strides = array<i32>} : memref<2x8x8x512xf32, #tpu.memory_space<vmem>>, vector<16xf32>,
        %mul3A_600 = arith.constant 16 : i32
        %mul3A_601 = arith.muli %scan3A_122, %mul3A_600 : i32
        %get3A_602 = arith.constant 6 : i32
        %get3A_603 = arith.constant 5 : i32
        %get3A_604 = arith.index_cast %select_n3A_88 : i32 to index
        %get3A_605 = arith.index_cast %get3A_602 : i32 to index
        %get3A_606 = arith.index_cast %get3A_603 : i32 to index
        %get3A_607 = arith.index_cast %mul3A_601 : i32 to index
        %get3A_608 = tpu.vector_load %arg4[%get3A_604, %get3A_605, %get3A_606, %get3A_607] {strides = array<i32>} : memref<2x8x8x512xf32, #tpu.memory_space<vmem>>, vector<16xf32>,
        %mul3A_609 = arith.constant 16 : i32
        %mul3A_610 = arith.muli %scan3A_122, %mul3A_609 : i32
        %get3A_611 = arith.constant 6 : i32
        %get3A_612 = arith.constant 6 : i32
        %get3A_613 = arith.index_cast %select_n3A_88 : i32 to index
        %get3A_614 = arith.index_cast %get3A_611 : i32 to index
        %get3A_615 = arith.index_cast %get3A_612 : i32 to index
        %get3A_616 = arith.index_cast %mul3A_610 : i32 to index
        %get3A_617 = tpu.vector_load %arg4[%get3A_613, %get3A_614, %get3A_615, %get3A_616] {strides = array<i32>} : memref<2x8x8x512xf32, #tpu.memory_space<vmem>>, vector<16xf32>,
        %mul3A_618 = arith.constant 16 : i32
        %mul3A_619 = arith.muli %scan3A_122, %mul3A_618 : i32
        %get3A_620 = arith.constant 6 : i32
        %get3A_621 = arith.constant 7 : i32
        %get3A_622 = arith.index_cast %select_n3A_88 : i32 to index
        %get3A_623 = arith.index_cast %get3A_620 : i32 to index
        %get3A_624 = arith.index_cast %get3A_621 : i32 to index
        %get3A_625 = arith.index_cast %mul3A_619 : i32 to index
        %get3A_626 = tpu.vector_load %arg4[%get3A_622, %get3A_623, %get3A_624, %get3A_625] {strides = array<i32>} : memref<2x8x8x512xf32, #tpu.memory_space<vmem>>, vector<16xf32>,
        %mul3A_627 = arith.constant 16 : i32
        %mul3A_628 = arith.muli %scan3A_122, %mul3A_627 : i32
        %get3A_629 = arith.constant 7 : i32
        %get3A_630 = arith.constant 0 : i32
        %get3A_631 = arith.index_cast %select_n3A_88 : i32 to index
        %get3A_632 = arith.index_cast %get3A_629 : i32 to index
        %get3A_633 = arith.index_cast %get3A_630 : i32 to index
        %get3A_634 = arith.index_cast %mul3A_628 : i32 to index
        %get3A_635 = tpu.vector_load %arg4[%get3A_631, %get3A_632, %get3A_633, %get3A_634] {strides = array<i32>} : memref<2x8x8x512xf32, #tpu.memory_space<vmem>>, vector<16xf32>,
        %mul3A_636 = arith.constant 16 : i32
        %mul3A_637 = arith.muli %scan3A_122, %mul3A_636 : i32
        %get3A_638 = arith.constant 7 : i32
        %get3A_639 = arith.constant 1 : i32
        %get3A_640 = arith.index_cast %select_n3A_88 : i32 to index
        %get3A_641 = arith.index_cast %get3A_638 : i32 to index
        %get3A_642 = arith.index_cast %get3A_639 : i32 to index
        %get3A_643 = arith.index_cast %mul3A_637 : i32 to index
        %get3A_644 = tpu.vector_load %arg4[%get3A_640, %get3A_641, %get3A_642, %get3A_643] {strides = array<i32>} : memref<2x8x8x512xf32, #tpu.memory_space<vmem>>, vector<16xf32>,
        %mul3A_645 = arith.constant 16 : i32
        %mul3A_646 = arith.muli %scan3A_122, %mul3A_645 : i32
        %get3A_647 = arith.constant 7 : i32
        %get3A_648 = arith.constant 2 : i32
        %get3A_649 = arith.index_cast %select_n3A_88 : i32 to index
        %get3A_650 = arith.index_cast %get3A_647 : i32 to index
        %get3A_651 = arith.index_cast %get3A_648 : i32 to index
        %get3A_652 = arith.index_cast %mul3A_646 : i32 to index
        %get3A_653 = tpu.vector_load %arg4[%get3A_649, %get3A_650, %get3A_651, %get3A_652] {strides = array<i32>} : memref<2x8x8x512xf32, #tpu.memory_space<vmem>>, vector<16xf32>,
        %mul3A_654 = arith.constant 16 : i32
        %mul3A_655 = arith.muli %scan3A_122, %mul3A_654 : i32
        %get3A_656 = arith.constant 7 : i32
        %get3A_657 = arith.constant 3 : i32
        %get3A_658 = arith.index_cast %select_n3A_88 : i32 to index
        %get3A_659 = arith.index_cast %get3A_656 : i32 to index
        %get3A_660 = arith.index_cast %get3A_657 : i32 to index
        %get3A_661 = arith.index_cast %mul3A_655 : i32 to index
        %get3A_662 = tpu.vector_load %arg4[%get3A_658, %get3A_659, %get3A_660, %get3A_661] {strides = array<i32>} : memref<2x8x8x512xf32, #tpu.memory_space<vmem>>, vector<16xf32>,
        %mul3A_663 = arith.constant 16 : i32
        %mul3A_664 = arith.muli %scan3A_122, %mul3A_663 : i32
        %get3A_665 = arith.constant 7 : i32
        %get3A_666 = arith.constant 4 : i32
        %get3A_667 = arith.index_cast %select_n3A_88 : i32 to index
        %get3A_668 = arith.index_cast %get3A_665 : i32 to index
        %get3A_669 = arith.index_cast %get3A_666 : i32 to index
        %get3A_670 = arith.index_cast %mul3A_664 : i32 to index
        %get3A_671 = tpu.vector_load %arg4[%get3A_667, %get3A_668, %get3A_669, %get3A_670] {strides = array<i32>} : memref<2x8x8x512xf32, #tpu.memory_space<vmem>>, vector<16xf32>,
        %mul3A_672 = arith.constant 16 : i32
        %mul3A_673 = arith.muli %scan3A_122, %mul3A_672 : i32
        %get3A_674 = arith.constant 7 : i32
        %get3A_675 = arith.constant 5 : i32
        %get3A_676 = arith.index_cast %select_n3A_88 : i32 to index
        %get3A_677 = arith.index_cast %get3A_674 : i32 to index
        %get3A_678 = arith.index_cast %get3A_675 : i32 to index
        %get3A_679 = arith.index_cast %mul3A_673 : i32 to index
        %get3A_680 = tpu.vector_load %arg4[%get3A_676, %get3A_677, %get3A_678, %get3A_679] {strides = array<i32>} : memref<2x8x8x512xf32, #tpu.memory_space<vmem>>, vector<16xf32>,
        %mul3A_681 = arith.constant 16 : i32
        %mul3A_682 = arith.muli %scan3A_122, %mul3A_681 : i32
        %get3A_683 = arith.constant 7 : i32
        %get3A_684 = arith.constant 6 : i32
        %get3A_685 = arith.index_cast %select_n3A_88 : i32 to index
        %get3A_686 = arith.index_cast %get3A_683 : i32 to index
        %get3A_687 = arith.index_cast %get3A_684 : i32 to index
        %get3A_688 = arith.index_cast %mul3A_682 : i32 to index
        %get3A_689 = tpu.vector_load %arg4[%get3A_685, %get3A_686, %get3A_687, %get3A_688] {strides = array<i32>} : memref<2x8x8x512xf32, #tpu.memory_space<vmem>>, vector<16xf32>,
        %mul3A_690 = arith.constant 16 : i32
        %mul3A_691 = arith.muli %scan3A_122, %mul3A_690 : i32
        %get3A_692 = arith.constant 7 : i32
        %get3A_693 = arith.constant 7 : i32
        %get3A_694 = arith.index_cast %select_n3A_88 : i32 to index
        %get3A_695 = arith.index_cast %get3A_692 : i32 to index
        %get3A_696 = arith.index_cast %get3A_693 : i32 to index
        %get3A_697 = arith.index_cast %mul3A_691 : i32 to index
        %get3A_698 = tpu.vector_load %arg4[%get3A_694, %get3A_695, %get3A_696, %get3A_697] {strides = array<i32>} : memref<2x8x8x512xf32, #tpu.memory_space<vmem>>, vector<16xf32>,
        %add3A_699 = arith.addf %get3A_131, %get3A_140 : vector<16xf32>
        %add3A_700 = arith.addf %get3A_149, %get3A_158 : vector<16xf32>
        %add3A_701 = arith.addf %get3A_167, %get3A_176 : vector<16xf32>
        %add3A_702 = arith.addf %get3A_185, %get3A_194 : vector<16xf32>
        %add3A_703 = arith.addf %get3A_203, %get3A_212 : vector<16xf32>
        %add3A_704 = arith.addf %get3A_221, %get3A_230 : vector<16xf32>
        %add3A_705 = arith.addf %get3A_239, %get3A_248 : vector<16xf32>
        %add3A_706 = arith.addf %get3A_257, %get3A_266 : vector<16xf32>
        %add3A_707 = arith.addf %get3A_275, %get3A_284 : vector<16xf32>
        %add3A_708 = arith.addf %get3A_293, %get3A_302 : vector<16xf32>
        %add3A_709 = arith.addf %get3A_311, %get3A_320 : vector<16xf32>
        %add3A_710 = arith.addf %get3A_329, %get3A_338 : vector<16xf32>
        %add3A_711 = arith.addf %get3A_347, %get3A_356 : vector<16xf32>
        %add3A_712 = arith.addf %get3A_365, %get3A_374 : vector<16xf32>
        %add3A_713 = arith.addf %get3A_383, %get3A_392 : vector<16xf32>
        %add3A_714 = arith.addf %get3A_401, %get3A_410 : vector<16xf32>
        %add3A_715 = arith.addf %get3A_419, %get3A_428 : vector<16xf32>
        %add3A_716 = arith.addf %get3A_437, %get3A_446 : vector<16xf32>
        %add3A_717 = arith.addf %get3A_455, %get3A_464 : vector<16xf32>
        %add3A_718 = arith.addf %get3A_473, %get3A_482 : vector<16xf32>
        %add3A_719 = arith.addf %get3A_491, %get3A_500 : vector<16xf32>
        %add3A_720 = arith.addf %get3A_509, %get3A_518 : vector<16xf32>
        %add3A_721 = arith.addf %get3A_527, %get3A_536 : vector<16xf32>
        %add3A_722 = arith.addf %get3A_545, %get3A_554 : vector<16xf32>
        %add3A_723 = arith.addf %get3A_563, %get3A_572 : vector<16xf32>
        %add3A_724 = arith.addf %get3A_581, %get3A_590 : vector<16xf32>
        %add3A_725 = arith.addf %get3A_599, %get3A_608 : vector<16xf32>
        %add3A_726 = arith.addf %get3A_617, %get3A_626 : vector<16xf32>
        %add3A_727 = arith.addf %get3A_635, %get3A_644 : vector<16xf32>
        %add3A_728 = arith.addf %get3A_653, %get3A_662 : vector<16xf32>
        %add3A_729 = arith.addf %get3A_671, %get3A_680 : vector<16xf32>
        %add3A_730 = arith.addf %get3A_689, %get3A_698 : vector<16xf32>
        %add3A_731 = arith.addf %add3A_699, %add3A_700 : vector<16xf32>
        %add3A_732 = arith.addf %add3A_701, %add3A_702 : vector<16xf32>
        %add3A_733 = arith.addf %add3A_703, %add3A_704 : vector<16xf32>
        %add3A_734 = arith.addf %add3A_705, %add3A_706 : vector<16xf32>
        %add3A_735 = arith.addf %add3A_707, %add3A_708 : vector<16xf32>
        %add3A_736 = arith.addf %add3A_709, %add3A_710 : vector<16xf32>
        %add3A_737 = arith.addf %add3A_711, %add3A_712 : vector<16xf32>
        %add3A_738 = arith.addf %add3A_713, %add3A_714 : vector<16xf32>
        %add3A_739 = arith.addf %add3A_715, %add3A_716 : vector<16xf32>
        %add3A_740 = arith.addf %add3A_717, %add3A_718 : vector<16xf32>
        %add3A_741 = arith.addf %add3A_719, %add3A_720 : vector<16xf32>
        %add3A_742 = arith.addf %add3A_721, %add3A_722 : vector<16xf32>
        %add3A_743 = arith.addf %add3A_723, %add3A_724 : vector<16xf32>
        %add3A_744 = arith.addf %add3A_725, %add3A_726 : vector<16xf32>
        %add3A_745 = arith.addf %add3A_727, %add3A_728 : vector<16xf32>
        %add3A_746 = arith.addf %add3A_729, %add3A_730 : vector<16xf32>
        %add3A_747 = arith.addf %add3A_731, %add3A_732 : vector<16xf32>
        %add3A_748 = arith.addf %add3A_733, %add3A_734 : vector<16xf32>
        %add3A_749 = arith.addf %add3A_735, %add3A_736 : vector<16xf32>
        %add3A_750 = arith.addf %add3A_737, %add3A_738 : vector<16xf32>
        %add3A_751 = arith.addf %add3A_739, %add3A_740 : vector<16xf32>
        %add3A_752 = arith.addf %add3A_741, %add3A_742 : vector<16xf32>
        %add3A_753 = arith.addf %add3A_743, %add3A_744 : vector<16xf32>
        %add3A_754 = arith.addf %add3A_745, %add3A_746 : vector<16xf32>
        %add3A_755 = arith.addf %add3A_747, %add3A_748 : vector<16xf32>
        %add3A_756 = arith.addf %add3A_749, %add3A_750 : vector<16xf32>
        %add3A_757 = arith.addf %add3A_751, %add3A_752 : vector<16xf32>
        %add3A_758 = arith.addf %add3A_753, %add3A_754 : vector<16xf32>
        %add3A_759 = arith.addf %add3A_755, %add3A_756 : vector<16xf32>
        %add3A_760 = arith.addf %add3A_757, %add3A_758 : vector<16xf32>
        %add3A_761 = arith.addf %add3A_759, %add3A_760 : vector<16xf32>
        %mul3A_762 = arith.constant 512 : i32
        %mul3A_763 = arith.muli %scan3A_72, %mul3A_762 : i32
        %mul3A_764 = arith.constant 16 : i32
        %mul3A_765 = arith.muli %scan3A_122, %mul3A_764 : i32
        %add3A_766 = arith.addi %mul3A_763, %mul3A_765 : i32
        %swap3A = arith.index_cast %add3A_766 : i32 to index
        %swap3A_767 = tpu.vector_load %arg5[%swap3A] {strides = array<i32>} : memref<16384xf32, #tpu.memory_space<vmem>>, vector<16xf32>,
        tpu.vector_store %arg5[%swap3A], %add3A_761 {strides = array<i32>} : memref<16384xf32, #tpu.memory_space<vmem>>, vector<16xf32>,
        %scan3A_768 = arith.constant 0 : i32
        scf.yield %scan3A_768 : i32
      }
      %scan3A_120 = arith.constant 32 : i32
      %scan3A_121 = arith.constant 0 : i32
      scf.yield %scan3A_121 : i32
    }
    %scan3A_27 = arith.constant 32 : i32
    %mul3A_28 = arith.constant 16384 : i32
    %mul3A_29 = arith.muli %add3A, %mul3A_28 : i32
    "tpu.region"() ({
      %run_scoped3A = tpu.sem_alloc : memref<!tpu.dma_semaphore, #tpu.memory_space<semaphore_mem>>
      %dma_start3A_30 = tpu.memref_slice %arg3[%mul3A_29] : memref<524288xf32, #tpu.memory_space<hbm>> -> memref<16384xf32, #tpu.memory_space<hbm>>
      %dma_start3A_31 = tpu.memref_slice %arg3[%mul3A_29] : memref<524288xf32, #tpu.memory_space<hbm>> -> memref<16384xf32, #tpu.memory_space<hbm>>
      tpu.enqueue_dma source(%arg5 : memref<16384xf32, #tpu.memory_space<vmem>>) target(%dma_start3A_31 : memref<16384xf32, #tpu.memory_space<hbm>>) target_semaphore(%run_scoped3A : memref<!tpu.dma_semaphore, #tpu.memory_space<semaphore_mem>>)
      %dma_wait3A = tpu.memref_slice %arg3[%mul3A_29] : memref<524288xf32, #tpu.memory_space<hbm>> -> memref<16384xf32, #tpu.memory_space<hbm>>
      %dma_wait3A_32 = tpu.memref_slice %arg3[%mul3A_29] : memref<524288xf32, #tpu.memory_space<hbm>> -> memref<16384xf32, #tpu.memory_space<hbm>>
      tpu.wait_dma2 semaphore(%run_scoped3A : memref<!tpu.dma_semaphore, #tpu.memory_space<semaphore_mem>>) src(%arg5 : memref<16384xf32, #tpu.memory_space<vmem>>) dst(%dma_wait3A_32 : memref<16384xf32, #tpu.memory_space<hbm>>)
      tpu.yield
    }) : () -> ()
    return
  }
}

#map = affine_map<(d0, d1) -> (0, 0)>
#map1 = affine_map<(d0, d1) -> (0)>
module attributes {stable_mosaic.version = 14 : i64} {
  func.func @_gather_body(%arg0: i32, %arg1: i32, %arg2: memref<128x128xi32, #tpu.memory_space<hbm>>, %arg3: memref<128x128xi32, #tpu.memory_space<hbm>>, %arg4: memref<524288xf32, #tpu.memory_space<hbm>>, %arg5: memref<1000000xf32, #tpu.memory_space<hbm>>, %arg6: memref<100000xf32, #tpu.memory_space<hbm>>, %arg7: memref<16384xf32, #tpu.memory_space<hbm>>, %arg8: memref<4x128xi32, #tpu.memory_space<vmem>>, %arg9: memref<4x128xi32, #tpu.memory_space<vmem>>, %arg10: memref<4x128xi32, #tpu.memory_space<vmem>>, %arg11: memref<4x128xf32, #tpu.memory_space<vmem>>, %arg12: memref<4x128xf32, #tpu.memory_space<vmem>>, %arg13: memref<4x128xf32, #tpu.memory_space<vmem>>, %arg14: memref<512xf32, #tpu.memory_space<vmem>>, %arg15: memref<!tpu.dma_semaphore, #tpu.memory_space<semaphore_mem>>) attributes {dimension_semantics = [#tpu.dimension_semantics<core_parallel>, #tpu.dimension_semantics<subcore_parallel>], iteration_bounds = array<i64: 2, 16>, scalar_prefetch = 0 : i64, scratch_operands = 8 : i64, tpu.core_type = #tpu.core_type<sc_vector_subcore>, window_params = [{transform_indices = #map}, {transform_indices = #map}, {transform_indices = #map1}, {transform_indices = #map1}, {transform_indices = #map1}, {transform_indices = #map1}]} {
    %mul3A = arith.constant 2 : i32
    %mul3A_0 = arith.muli %arg1, %mul3A : i32
    %add3A = arith.addi %mul3A_0, %arg0 : i32
    %mul3A_1 = arith.constant 4 : i32
    %mul3A_2 = arith.muli %add3A, %mul3A_1 : i32
    "tpu.region"() ({
      %run_scoped3A = tpu.sem_alloc : memref<!tpu.dma_semaphore, #tpu.memory_space<semaphore_mem>>
      %dma_start3A_1773 = arith.constant 0 : i32
      %dma_start3A_1774 = tpu.memref_slice %arg2[%mul3A_2, %dma_start3A_1773] : memref<128x128xi32, #tpu.memory_space<hbm>> -> memref<4x128xi32, #tpu.memory_space<hbm>>
      %dma_start3A_1775 = arith.constant 0 : i32
      %dma_start3A_1776 = tpu.memref_slice %arg2[%mul3A_2, %dma_start3A_1775] : memref<128x128xi32, #tpu.memory_space<hbm>> -> memref<4x128xi32, #tpu.memory_space<hbm>>
      tpu.enqueue_dma source(%dma_start3A_1776 : memref<4x128xi32, #tpu.memory_space<hbm>>) target(%arg8 : memref<4x128xi32, #tpu.memory_space<vmem>>) target_semaphore(%run_scoped3A : memref<!tpu.dma_semaphore, #tpu.memory_space<semaphore_mem>>)
      %dma_wait3A_1777 = arith.constant 0 : i32
      %dma_wait3A_1778 = tpu.memref_slice %arg2[%mul3A_2, %dma_wait3A_1777] : memref<128x128xi32, #tpu.memory_space<hbm>> -> memref<4x128xi32, #tpu.memory_space<hbm>>
      %dma_wait3A_1779 = arith.constant 0 : i32
      %dma_wait3A_1780 = tpu.memref_slice %arg2[%mul3A_2, %dma_wait3A_1779] : memref<128x128xi32, #tpu.memory_space<hbm>> -> memref<4x128xi32, #tpu.memory_space<hbm>>
      tpu.wait_dma2 semaphore(%run_scoped3A : memref<!tpu.dma_semaphore, #tpu.memory_space<semaphore_mem>>) src(%dma_wait3A_1780 : memref<4x128xi32, #tpu.memory_space<hbm>>) dst(%arg8 : memref<4x128xi32, #tpu.memory_space<vmem>>)
      tpu.yield
    }) : () -> ()
    %mul3A_3 = arith.constant 4 : i32
    %mul3A_4 = arith.muli %add3A, %mul3A_3 : i32
    "tpu.region"() ({
      %run_scoped3A = tpu.sem_alloc : memref<!tpu.dma_semaphore, #tpu.memory_space<semaphore_mem>>
      %dma_start3A_1773 = arith.constant 0 : i32
      %dma_start3A_1774 = tpu.memref_slice %arg3[%mul3A_4, %dma_start3A_1773] : memref<128x128xi32, #tpu.memory_space<hbm>> -> memref<4x128xi32, #tpu.memory_space<hbm>>
      %dma_start3A_1775 = arith.constant 0 : i32
      %dma_start3A_1776 = tpu.memref_slice %arg3[%mul3A_4, %dma_start3A_1775] : memref<128x128xi32, #tpu.memory_space<hbm>> -> memref<4x128xi32, #tpu.memory_space<hbm>>
      tpu.enqueue_dma source(%dma_start3A_1776 : memref<4x128xi32, #tpu.memory_space<hbm>>) target(%arg9 : memref<4x128xi32, #tpu.memory_space<vmem>>) target_semaphore(%run_scoped3A : memref<!tpu.dma_semaphore, #tpu.memory_space<semaphore_mem>>)
      %dma_wait3A_1777 = arith.constant 0 : i32
      %dma_wait3A_1778 = tpu.memref_slice %arg3[%mul3A_4, %dma_wait3A_1777] : memref<128x128xi32, #tpu.memory_space<hbm>> -> memref<4x128xi32, #tpu.memory_space<hbm>>
      %dma_wait3A_1779 = arith.constant 0 : i32
      %dma_wait3A_1780 = tpu.memref_slice %arg3[%mul3A_4, %dma_wait3A_1779] : memref<128x128xi32, #tpu.memory_space<hbm>> -> memref<4x128xi32, #tpu.memory_space<hbm>>
      tpu.wait_dma2 semaphore(%run_scoped3A : memref<!tpu.dma_semaphore, #tpu.memory_space<semaphore_mem>>) src(%dma_wait3A_1780 : memref<4x128xi32, #tpu.memory_space<hbm>>) dst(%arg9 : memref<4x128xi32, #tpu.memory_space<vmem>>)
      tpu.yield
    }) : () -> ()
    %get3A = arith.constant 0 : i32
    %get3A_5 = arith.index_cast %get3A : i32 to index
    %get3A_6 = arith.constant 0 : index
    %get3A_7 = tpu.vector_load %arg8[%get3A_5, %get3A_6] {strides = array<i32>} : memref<4x128xi32, #tpu.memory_space<vmem>>, vector<16xi32>,
    %lt3A = arith.constant 524288 : i32
    %lt3A_8 = vector.broadcast %lt3A : i32 to vector<16xi32>
    %lt3A_9 = arith.cmpi slt, %get3A_7, %lt3A_8 : vector<16xi32>
    %sub3A = arith.constant 524288 : i32
    %sub3A_10 = vector.broadcast %sub3A : i32 to vector<16xi32>
    %sub3A_11 = arith.subi %get3A_7, %sub3A_10 : vector<16xi32>
    %select_n3A = arith.select %lt3A_9, %get3A_7, %sub3A_11 : vector<16xi1>, vector<16xi32>
    %swap3A = arith.constant 0 : i32
    %swap3A_12 = arith.index_cast %swap3A : i32 to index
    %swap3A_13 = arith.constant 0 : index
    %swap3A_14 = tpu.vector_load %arg10[%swap3A_12, %swap3A_13] {strides = array<i32>} : memref<4x128xi32, #tpu.memory_space<vmem>>, vector<16xi32>,
    tpu.vector_store %arg10[%swap3A_12, %swap3A_13], %select_n3A {strides = array<i32>} : memref<4x128xi32, #tpu.memory_space<vmem>>, vector<16xi32>,
    %get3A_15 = arith.constant 0 : i32
    %get3A_16 = arith.index_cast %get3A_15 : i32 to index
    %get3A_17 = arith.constant 16 : index
    %get3A_18 = tpu.vector_load %arg8[%get3A_16, %get3A_17] {strides = array<i32>} : memref<4x128xi32, #tpu.memory_space<vmem>>, vector<16xi32>,
    %lt3A_19 = arith.constant 524288 : i32
    %lt3A_20 = vector.broadcast %lt3A_19 : i32 to vector<16xi32>
    %lt3A_21 = arith.cmpi slt, %get3A_18, %lt3A_20 : vector<16xi32>
    %sub3A_22 = arith.constant 524288 : i32
    %sub3A_23 = vector.broadcast %sub3A_22 : i32 to vector<16xi32>
    %sub3A_24 = arith.subi %get3A_18, %sub3A_23 : vector<16xi32>
    %select_n3A_25 = arith.select %lt3A_21, %get3A_18, %sub3A_24 : vector<16xi1>, vector<16xi32>
    %swap3A_26 = arith.constant 0 : i32
    %swap3A_27 = arith.index_cast %swap3A_26 : i32 to index
    %swap3A_28 = arith.constant 16 : index
    %swap3A_29 = tpu.vector_load %arg10[%swap3A_27, %swap3A_28] {strides = array<i32>} : memref<4x128xi32, #tpu.memory_space<vmem>>, vector<16xi32>,
    tpu.vector_store %arg10[%swap3A_27, %swap3A_28], %select_n3A_25 {strides = array<i32>} : memref<4x128xi32, #tpu.memory_space<vmem>>, vector<16xi32>,
    %get3A_30 = arith.constant 0 : i32
    %get3A_31 = arith.index_cast %get3A_30 : i32 to index
    %get3A_32 = arith.constant 32 : index
    %get3A_33 = tpu.vector_load %arg8[%get3A_31, %get3A_32] {strides = array<i32>} : memref<4x128xi32, #tpu.memory_space<vmem>>, vector<16xi32>,
    %lt3A_34 = arith.constant 524288 : i32
    %lt3A_35 = vector.broadcast %lt3A_34 : i32 to vector<16xi32>
    %lt3A_36 = arith.cmpi slt, %get3A_33, %lt3A_35 : vector<16xi32>
    %sub3A_37 = arith.constant 524288 : i32
    %sub3A_38 = vector.broadcast %sub3A_37 : i32 to vector<16xi32>
    %sub3A_39 = arith.subi %get3A_33, %sub3A_38 : vector<16xi32>
    %select_n3A_40 = arith.select %lt3A_36, %get3A_33, %sub3A_39 : vector<16xi1>, vector<16xi32>
    %swap3A_41 = arith.constant 0 : i32
    %swap3A_42 = arith.index_cast %swap3A_41 : i32 to index
    %swap3A_43 = arith.constant 32 : index
    %swap3A_44 = tpu.vector_load %arg10[%swap3A_42, %swap3A_43] {strides = array<i32>} : memref<4x128xi32, #tpu.memory_space<vmem>>, vector<16xi32>,
    tpu.vector_store %arg10[%swap3A_42, %swap3A_43], %select_n3A_40 {strides = array<i32>} : memref<4x128xi32, #tpu.memory_space<vmem>>, vector<16xi32>,
    %get3A_45 = arith.constant 0 : i32
    %get3A_46 = arith.index_cast %get3A_45 : i32 to index
    %get3A_47 = arith.constant 48 : index
    %get3A_48 = tpu.vector_load %arg8[%get3A_46, %get3A_47] {strides = array<i32>} : memref<4x128xi32, #tpu.memory_space<vmem>>, vector<16xi32>,
    %lt3A_49 = arith.constant 524288 : i32
    %lt3A_50 = vector.broadcast %lt3A_49 : i32 to vector<16xi32>
    %lt3A_51 = arith.cmpi slt, %get3A_48, %lt3A_50 : vector<16xi32>
    %sub3A_52 = arith.constant 524288 : i32
    %sub3A_53 = vector.broadcast %sub3A_52 : i32 to vector<16xi32>
    %sub3A_54 = arith.subi %get3A_48, %sub3A_53 : vector<16xi32>
    %select_n3A_55 = arith.select %lt3A_51, %get3A_48, %sub3A_54 : vector<16xi1>, vector<16xi32>
    %swap3A_56 = arith.constant 0 : i32
    %swap3A_57 = arith.index_cast %swap3A_56 : i32 to index
    %swap3A_58 = arith.constant 48 : index
    %swap3A_59 = tpu.vector_load %arg10[%swap3A_57, %swap3A_58] {strides = array<i32>} : memref<4x128xi32, #tpu.memory_space<vmem>>, vector<16xi32>,
    tpu.vector_store %arg10[%swap3A_57, %swap3A_58], %select_n3A_55 {strides = array<i32>} : memref<4x128xi32, #tpu.memory_space<vmem>>, vector<16xi32>,
    %get3A_60 = arith.constant 0 : i32
    %get3A_61 = arith.index_cast %get3A_60 : i32 to index
    %get3A_62 = arith.constant 64 : index
    %get3A_63 = tpu.vector_load %arg8[%get3A_61, %get3A_62] {strides = array<i32>} : memref<4x128xi32, #tpu.memory_space<vmem>>, vector<16xi32>,
    %lt3A_64 = arith.constant 524288 : i32
    %lt3A_65 = vector.broadcast %lt3A_64 : i32 to vector<16xi32>
    %lt3A_66 = arith.cmpi slt, %get3A_63, %lt3A_65 : vector<16xi32>
    %sub3A_67 = arith.constant 524288 : i32
    %sub3A_68 = vector.broadcast %sub3A_67 : i32 to vector<16xi32>
    %sub3A_69 = arith.subi %get3A_63, %sub3A_68 : vector<16xi32>
    %select_n3A_70 = arith.select %lt3A_66, %get3A_63, %sub3A_69 : vector<16xi1>, vector<16xi32>
    %swap3A_71 = arith.constant 0 : i32
    %swap3A_72 = arith.index_cast %swap3A_71 : i32 to index
    %swap3A_73 = arith.constant 64 : index
    %swap3A_74 = tpu.vector_load %arg10[%swap3A_72, %swap3A_73] {strides = array<i32>} : memref<4x128xi32, #tpu.memory_space<vmem>>, vector<16xi32>,
    tpu.vector_store %arg10[%swap3A_72, %swap3A_73], %select_n3A_70 {strides = array<i32>} : memref<4x128xi32, #tpu.memory_space<vmem>>, vector<16xi32>,
    %get3A_75 = arith.constant 0 : i32
    %get3A_76 = arith.index_cast %get3A_75 : i32 to index
    %get3A_77 = arith.constant 80 : index
    %get3A_78 = tpu.vector_load %arg8[%get3A_76, %get3A_77] {strides = array<i32>} : memref<4x128xi32, #tpu.memory_space<vmem>>, vector<16xi32>,
    %lt3A_79 = arith.constant 524288 : i32
    %lt3A_80 = vector.broadcast %lt3A_79 : i32 to vector<16xi32>
    %lt3A_81 = arith.cmpi slt, %get3A_78, %lt3A_80 : vector<16xi32>
    %sub3A_82 = arith.constant 524288 : i32
    %sub3A_83 = vector.broadcast %sub3A_82 : i32 to vector<16xi32>
    %sub3A_84 = arith.subi %get3A_78, %sub3A_83 : vector<16xi32>
    %select_n3A_85 = arith.select %lt3A_81, %get3A_78, %sub3A_84 : vector<16xi1>, vector<16xi32>
    %swap3A_86 = arith.constant 0 : i32
    %swap3A_87 = arith.index_cast %swap3A_86 : i32 to index
    %swap3A_88 = arith.constant 80 : index
    %swap3A_89 = tpu.vector_load %arg10[%swap3A_87, %swap3A_88] {strides = array<i32>} : memref<4x128xi32, #tpu.memory_space<vmem>>, vector<16xi32>,
    tpu.vector_store %arg10[%swap3A_87, %swap3A_88], %select_n3A_85 {strides = array<i32>} : memref<4x128xi32, #tpu.memory_space<vmem>>, vector<16xi32>,
    %get3A_90 = arith.constant 0 : i32
    %get3A_91 = arith.index_cast %get3A_90 : i32 to index
    %get3A_92 = arith.constant 96 : index
    %get3A_93 = tpu.vector_load %arg8[%get3A_91, %get3A_92] {strides = array<i32>} : memref<4x128xi32, #tpu.memory_space<vmem>>, vector<16xi32>,
    %lt3A_94 = arith.constant 524288 : i32
    %lt3A_95 = vector.broadcast %lt3A_94 : i32 to vector<16xi32>
    %lt3A_96 = arith.cmpi slt, %get3A_93, %lt3A_95 : vector<16xi32>
    %sub3A_97 = arith.constant 524288 : i32
    %sub3A_98 = vector.broadcast %sub3A_97 : i32 to vector<16xi32>
    %sub3A_99 = arith.subi %get3A_93, %sub3A_98 : vector<16xi32>
    %select_n3A_100 = arith.select %lt3A_96, %get3A_93, %sub3A_99 : vector<16xi1>, vector<16xi32>
    %swap3A_101 = arith.constant 0 : i32
    %swap3A_102 = arith.index_cast %swap3A_101 : i32 to index
    %swap3A_103 = arith.constant 96 : index
    %swap3A_104 = tpu.vector_load %arg10[%swap3A_102, %swap3A_103] {strides = array<i32>} : memref<4x128xi32, #tpu.memory_space<vmem>>, vector<16xi32>,
    tpu.vector_store %arg10[%swap3A_102, %swap3A_103], %select_n3A_100 {strides = array<i32>} : memref<4x128xi32, #tpu.memory_space<vmem>>, vector<16xi32>,
    %get3A_105 = arith.constant 0 : i32
    %get3A_106 = arith.index_cast %get3A_105 : i32 to index
    %get3A_107 = arith.constant 112 : index
    %get3A_108 = tpu.vector_load %arg8[%get3A_106, %get3A_107] {strides = array<i32>} : memref<4x128xi32, #tpu.memory_space<vmem>>, vector<16xi32>,
    %lt3A_109 = arith.constant 524288 : i32
    %lt3A_110 = vector.broadcast %lt3A_109 : i32 to vector<16xi32>
    %lt3A_111 = arith.cmpi slt, %get3A_108, %lt3A_110 : vector<16xi32>
    %sub3A_112 = arith.constant 524288 : i32
    %sub3A_113 = vector.broadcast %sub3A_112 : i32 to vector<16xi32>
    %sub3A_114 = arith.subi %get3A_108, %sub3A_113 : vector<16xi32>
    %select_n3A_115 = arith.select %lt3A_111, %get3A_108, %sub3A_114 : vector<16xi1>, vector<16xi32>
    %swap3A_116 = arith.constant 0 : i32
    %swap3A_117 = arith.index_cast %swap3A_116 : i32 to index
    %swap3A_118 = arith.constant 112 : index
    %swap3A_119 = tpu.vector_load %arg10[%swap3A_117, %swap3A_118] {strides = array<i32>} : memref<4x128xi32, #tpu.memory_space<vmem>>, vector<16xi32>,
    tpu.vector_store %arg10[%swap3A_117, %swap3A_118], %select_n3A_115 {strides = array<i32>} : memref<4x128xi32, #tpu.memory_space<vmem>>, vector<16xi32>,
    %get3A_120 = arith.constant 1 : i32
    %get3A_121 = arith.index_cast %get3A_120 : i32 to index
    %get3A_122 = arith.constant 0 : index
    %get3A_123 = tpu.vector_load %arg8[%get3A_121, %get3A_122] {strides = array<i32>} : memref<4x128xi32, #tpu.memory_space<vmem>>, vector<16xi32>,
    %lt3A_124 = arith.constant 524288 : i32
    %lt3A_125 = vector.broadcast %lt3A_124 : i32 to vector<16xi32>
    %lt3A_126 = arith.cmpi slt, %get3A_123, %lt3A_125 : vector<16xi32>
    %sub3A_127 = arith.constant 524288 : i32
    %sub3A_128 = vector.broadcast %sub3A_127 : i32 to vector<16xi32>
    %sub3A_129 = arith.subi %get3A_123, %sub3A_128 : vector<16xi32>
    %select_n3A_130 = arith.select %lt3A_126, %get3A_123, %sub3A_129 : vector<16xi1>, vector<16xi32>
    %swap3A_131 = arith.constant 1 : i32
    %swap3A_132 = arith.index_cast %swap3A_131 : i32 to index
    %swap3A_133 = arith.constant 0 : index
    %swap3A_134 = tpu.vector_load %arg10[%swap3A_132, %swap3A_133] {strides = array<i32>} : memref<4x128xi32, #tpu.memory_space<vmem>>, vector<16xi32>,
    tpu.vector_store %arg10[%swap3A_132, %swap3A_133], %select_n3A_130 {strides = array<i32>} : memref<4x128xi32, #tpu.memory_space<vmem>>, vector<16xi32>,
    %get3A_135 = arith.constant 1 : i32
    %get3A_136 = arith.index_cast %get3A_135 : i32 to index
    %get3A_137 = arith.constant 16 : index
    %get3A_138 = tpu.vector_load %arg8[%get3A_136, %get3A_137] {strides = array<i32>} : memref<4x128xi32, #tpu.memory_space<vmem>>, vector<16xi32>,
    %lt3A_139 = arith.constant 524288 : i32
    %lt3A_140 = vector.broadcast %lt3A_139 : i32 to vector<16xi32>
    %lt3A_141 = arith.cmpi slt, %get3A_138, %lt3A_140 : vector<16xi32>
    %sub3A_142 = arith.constant 524288 : i32
    %sub3A_143 = vector.broadcast %sub3A_142 : i32 to vector<16xi32>
    %sub3A_144 = arith.subi %get3A_138, %sub3A_143 : vector<16xi32>
    %select_n3A_145 = arith.select %lt3A_141, %get3A_138, %sub3A_144 : vector<16xi1>, vector<16xi32>
    %swap3A_146 = arith.constant 1 : i32
    %swap3A_147 = arith.index_cast %swap3A_146 : i32 to index
    %swap3A_148 = arith.constant 16 : index
    %swap3A_149 = tpu.vector_load %arg10[%swap3A_147, %swap3A_148] {strides = array<i32>} : memref<4x128xi32, #tpu.memory_space<vmem>>, vector<16xi32>,
    tpu.vector_store %arg10[%swap3A_147, %swap3A_148], %select_n3A_145 {strides = array<i32>} : memref<4x128xi32, #tpu.memory_space<vmem>>, vector<16xi32>,
    %get3A_150 = arith.constant 1 : i32
    %get3A_151 = arith.index_cast %get3A_150 : i32 to index
    %get3A_152 = arith.constant 32 : index
    %get3A_153 = tpu.vector_load %arg8[%get3A_151, %get3A_152] {strides = array<i32>} : memref<4x128xi32, #tpu.memory_space<vmem>>, vector<16xi32>,
    %lt3A_154 = arith.constant 524288 : i32
    %lt3A_155 = vector.broadcast %lt3A_154 : i32 to vector<16xi32>
    %lt3A_156 = arith.cmpi slt, %get3A_153, %lt3A_155 : vector<16xi32>
    %sub3A_157 = arith.constant 524288 : i32
    %sub3A_158 = vector.broadcast %sub3A_157 : i32 to vector<16xi32>
    %sub3A_159 = arith.subi %get3A_153, %sub3A_158 : vector<16xi32>
    %select_n3A_160 = arith.select %lt3A_156, %get3A_153, %sub3A_159 : vector<16xi1>, vector<16xi32>
    %swap3A_161 = arith.constant 1 : i32
    %swap3A_162 = arith.index_cast %swap3A_161 : i32 to index
    %swap3A_163 = arith.constant 32 : index
    %swap3A_164 = tpu.vector_load %arg10[%swap3A_162, %swap3A_163] {strides = array<i32>} : memref<4x128xi32, #tpu.memory_space<vmem>>, vector<16xi32>,
    tpu.vector_store %arg10[%swap3A_162, %swap3A_163], %select_n3A_160 {strides = array<i32>} : memref<4x128xi32, #tpu.memory_space<vmem>>, vector<16xi32>,
    %get3A_165 = arith.constant 1 : i32
    %get3A_166 = arith.index_cast %get3A_165 : i32 to index
    %get3A_167 = arith.constant 48 : index
    %get3A_168 = tpu.vector_load %arg8[%get3A_166, %get3A_167] {strides = array<i32>} : memref<4x128xi32, #tpu.memory_space<vmem>>, vector<16xi32>,
    %lt3A_169 = arith.constant 524288 : i32
    %lt3A_170 = vector.broadcast %lt3A_169 : i32 to vector<16xi32>
    %lt3A_171 = arith.cmpi slt, %get3A_168, %lt3A_170 : vector<16xi32>
    %sub3A_172 = arith.constant 524288 : i32
    %sub3A_173 = vector.broadcast %sub3A_172 : i32 to vector<16xi32>
    %sub3A_174 = arith.subi %get3A_168, %sub3A_173 : vector<16xi32>
    %select_n3A_175 = arith.select %lt3A_171, %get3A_168, %sub3A_174 : vector<16xi1>, vector<16xi32>
    %swap3A_176 = arith.constant 1 : i32
    %swap3A_177 = arith.index_cast %swap3A_176 : i32 to index
    %swap3A_178 = arith.constant 48 : index
    %swap3A_179 = tpu.vector_load %arg10[%swap3A_177, %swap3A_178] {strides = array<i32>} : memref<4x128xi32, #tpu.memory_space<vmem>>, vector<16xi32>,
    tpu.vector_store %arg10[%swap3A_177, %swap3A_178], %select_n3A_175 {strides = array<i32>} : memref<4x128xi32, #tpu.memory_space<vmem>>, vector<16xi32>,
    %get3A_180 = arith.constant 1 : i32
    %get3A_181 = arith.index_cast %get3A_180 : i32 to index
    %get3A_182 = arith.constant 64 : index
    %get3A_183 = tpu.vector_load %arg8[%get3A_181, %get3A_182] {strides = array<i32>} : memref<4x128xi32, #tpu.memory_space<vmem>>, vector<16xi32>,
    %lt3A_184 = arith.constant 524288 : i32
    %lt3A_185 = vector.broadcast %lt3A_184 : i32 to vector<16xi32>
    %lt3A_186 = arith.cmpi slt, %get3A_183, %lt3A_185 : vector<16xi32>
    %sub3A_187 = arith.constant 524288 : i32
    %sub3A_188 = vector.broadcast %sub3A_187 : i32 to vector<16xi32>
    %sub3A_189 = arith.subi %get3A_183, %sub3A_188 : vector<16xi32>
    %select_n3A_190 = arith.select %lt3A_186, %get3A_183, %sub3A_189 : vector<16xi1>, vector<16xi32>
    %swap3A_191 = arith.constant 1 : i32
    %swap3A_192 = arith.index_cast %swap3A_191 : i32 to index
    %swap3A_193 = arith.constant 64 : index
    %swap3A_194 = tpu.vector_load %arg10[%swap3A_192, %swap3A_193] {strides = array<i32>} : memref<4x128xi32, #tpu.memory_space<vmem>>, vector<16xi32>,
    tpu.vector_store %arg10[%swap3A_192, %swap3A_193], %select_n3A_190 {strides = array<i32>} : memref<4x128xi32, #tpu.memory_space<vmem>>, vector<16xi32>,
    %get3A_195 = arith.constant 1 : i32
    %get3A_196 = arith.index_cast %get3A_195 : i32 to index
    %get3A_197 = arith.constant 80 : index
    %get3A_198 = tpu.vector_load %arg8[%get3A_196, %get3A_197] {strides = array<i32>} : memref<4x128xi32, #tpu.memory_space<vmem>>, vector<16xi32>,
    %lt3A_199 = arith.constant 524288 : i32
    %lt3A_200 = vector.broadcast %lt3A_199 : i32 to vector<16xi32>
    %lt3A_201 = arith.cmpi slt, %get3A_198, %lt3A_200 : vector<16xi32>
    %sub3A_202 = arith.constant 524288 : i32
    %sub3A_203 = vector.broadcast %sub3A_202 : i32 to vector<16xi32>
    %sub3A_204 = arith.subi %get3A_198, %sub3A_203 : vector<16xi32>
    %select_n3A_205 = arith.select %lt3A_201, %get3A_198, %sub3A_204 : vector<16xi1>, vector<16xi32>
    %swap3A_206 = arith.constant 1 : i32
    %swap3A_207 = arith.index_cast %swap3A_206 : i32 to index
    %swap3A_208 = arith.constant 80 : index
    %swap3A_209 = tpu.vector_load %arg10[%swap3A_207, %swap3A_208] {strides = array<i32>} : memref<4x128xi32, #tpu.memory_space<vmem>>, vector<16xi32>,
    tpu.vector_store %arg10[%swap3A_207, %swap3A_208], %select_n3A_205 {strides = array<i32>} : memref<4x128xi32, #tpu.memory_space<vmem>>, vector<16xi32>,
    %get3A_210 = arith.constant 1 : i32
    %get3A_211 = arith.index_cast %get3A_210 : i32 to index
    %get3A_212 = arith.constant 96 : index
    %get3A_213 = tpu.vector_load %arg8[%get3A_211, %get3A_212] {strides = array<i32>} : memref<4x128xi32, #tpu.memory_space<vmem>>, vector<16xi32>,
    %lt3A_214 = arith.constant 524288 : i32
    %lt3A_215 = vector.broadcast %lt3A_214 : i32 to vector<16xi32>
    %lt3A_216 = arith.cmpi slt, %get3A_213, %lt3A_215 : vector<16xi32>
    %sub3A_217 = arith.constant 524288 : i32
    %sub3A_218 = vector.broadcast %sub3A_217 : i32 to vector<16xi32>
    %sub3A_219 = arith.subi %get3A_213, %sub3A_218 : vector<16xi32>
    %select_n3A_220 = arith.select %lt3A_216, %get3A_213, %sub3A_219 : vector<16xi1>, vector<16xi32>
    %swap3A_221 = arith.constant 1 : i32
    %swap3A_222 = arith.index_cast %swap3A_221 : i32 to index
    %swap3A_223 = arith.constant 96 : index
    %swap3A_224 = tpu.vector_load %arg10[%swap3A_222, %swap3A_223] {strides = array<i32>} : memref<4x128xi32, #tpu.memory_space<vmem>>, vector<16xi32>,
    tpu.vector_store %arg10[%swap3A_222, %swap3A_223], %select_n3A_220 {strides = array<i32>} : memref<4x128xi32, #tpu.memory_space<vmem>>, vector<16xi32>,
    %get3A_225 = arith.constant 1 : i32
    %get3A_226 = arith.index_cast %get3A_225 : i32 to index
    %get3A_227 = arith.constant 112 : index
    %get3A_228 = tpu.vector_load %arg8[%get3A_226, %get3A_227] {strides = array<i32>} : memref<4x128xi32, #tpu.memory_space<vmem>>, vector<16xi32>,
    %lt3A_229 = arith.constant 524288 : i32
    %lt3A_230 = vector.broadcast %lt3A_229 : i32 to vector<16xi32>
    %lt3A_231 = arith.cmpi slt, %get3A_228, %lt3A_230 : vector<16xi32>
    %sub3A_232 = arith.constant 524288 : i32
    %sub3A_233 = vector.broadcast %sub3A_232 : i32 to vector<16xi32>
    %sub3A_234 = arith.subi %get3A_228, %sub3A_233 : vector<16xi32>
    %select_n3A_235 = arith.select %lt3A_231, %get3A_228, %sub3A_234 : vector<16xi1>, vector<16xi32>
    %swap3A_236 = arith.constant 1 : i32
    %swap3A_237 = arith.index_cast %swap3A_236 : i32 to index
    %swap3A_238 = arith.constant 112 : index
    %swap3A_239 = tpu.vector_load %arg10[%swap3A_237, %swap3A_238] {strides = array<i32>} : memref<4x128xi32, #tpu.memory_space<vmem>>, vector<16xi32>,
    tpu.vector_store %arg10[%swap3A_237, %swap3A_238], %select_n3A_235 {strides = array<i32>} : memref<4x128xi32, #tpu.memory_space<vmem>>, vector<16xi32>,
    %get3A_240 = arith.constant 2 : i32
    %get3A_241 = arith.index_cast %get3A_240 : i32 to index
    %get3A_242 = arith.constant 0 : index
    %get3A_243 = tpu.vector_load %arg8[%get3A_241, %get3A_242] {strides = array<i32>} : memref<4x128xi32, #tpu.memory_space<vmem>>, vector<16xi32>,
    %lt3A_244 = arith.constant 524288 : i32
    %lt3A_245 = vector.broadcast %lt3A_244 : i32 to vector<16xi32>
    %lt3A_246 = arith.cmpi slt, %get3A_243, %lt3A_245 : vector<16xi32>
    %sub3A_247 = arith.constant 524288 : i32
    %sub3A_248 = vector.broadcast %sub3A_247 : i32 to vector<16xi32>
    %sub3A_249 = arith.subi %get3A_243, %sub3A_248 : vector<16xi32>
    %select_n3A_250 = arith.select %lt3A_246, %get3A_243, %sub3A_249 : vector<16xi1>, vector<16xi32>
    %swap3A_251 = arith.constant 2 : i32
    %swap3A_252 = arith.index_cast %swap3A_251 : i32 to index
    %swap3A_253 = arith.constant 0 : index
    %swap3A_254 = tpu.vector_load %arg10[%swap3A_252, %swap3A_253] {strides = array<i32>} : memref<4x128xi32, #tpu.memory_space<vmem>>, vector<16xi32>,
    tpu.vector_store %arg10[%swap3A_252, %swap3A_253], %select_n3A_250 {strides = array<i32>} : memref<4x128xi32, #tpu.memory_space<vmem>>, vector<16xi32>,
    %get3A_255 = arith.constant 2 : i32
    %get3A_256 = arith.index_cast %get3A_255 : i32 to index
    %get3A_257 = arith.constant 16 : index
    %get3A_258 = tpu.vector_load %arg8[%get3A_256, %get3A_257] {strides = array<i32>} : memref<4x128xi32, #tpu.memory_space<vmem>>, vector<16xi32>,
    %lt3A_259 = arith.constant 524288 : i32
    %lt3A_260 = vector.broadcast %lt3A_259 : i32 to vector<16xi32>
    %lt3A_261 = arith.cmpi slt, %get3A_258, %lt3A_260 : vector<16xi32>
    %sub3A_262 = arith.constant 524288 : i32
    %sub3A_263 = vector.broadcast %sub3A_262 : i32 to vector<16xi32>
    %sub3A_264 = arith.subi %get3A_258, %sub3A_263 : vector<16xi32>
    %select_n3A_265 = arith.select %lt3A_261, %get3A_258, %sub3A_264 : vector<16xi1>, vector<16xi32>
    %swap3A_266 = arith.constant 2 : i32
    %swap3A_267 = arith.index_cast %swap3A_266 : i32 to index
    %swap3A_268 = arith.constant 16 : index
    %swap3A_269 = tpu.vector_load %arg10[%swap3A_267, %swap3A_268] {strides = array<i32>} : memref<4x128xi32, #tpu.memory_space<vmem>>, vector<16xi32>,
    tpu.vector_store %arg10[%swap3A_267, %swap3A_268], %select_n3A_265 {strides = array<i32>} : memref<4x128xi32, #tpu.memory_space<vmem>>, vector<16xi32>,
    %get3A_270 = arith.constant 2 : i32
    %get3A_271 = arith.index_cast %get3A_270 : i32 to index
    %get3A_272 = arith.constant 32 : index
    %get3A_273 = tpu.vector_load %arg8[%get3A_271, %get3A_272] {strides = array<i32>} : memref<4x128xi32, #tpu.memory_space<vmem>>, vector<16xi32>,
    %lt3A_274 = arith.constant 524288 : i32
    %lt3A_275 = vector.broadcast %lt3A_274 : i32 to vector<16xi32>
    %lt3A_276 = arith.cmpi slt, %get3A_273, %lt3A_275 : vector<16xi32>
    %sub3A_277 = arith.constant 524288 : i32
    %sub3A_278 = vector.broadcast %sub3A_277 : i32 to vector<16xi32>
    %sub3A_279 = arith.subi %get3A_273, %sub3A_278 : vector<16xi32>
    %select_n3A_280 = arith.select %lt3A_276, %get3A_273, %sub3A_279 : vector<16xi1>, vector<16xi32>
    %swap3A_281 = arith.constant 2 : i32
    %swap3A_282 = arith.index_cast %swap3A_281 : i32 to index
    %swap3A_283 = arith.constant 32 : index
    %swap3A_284 = tpu.vector_load %arg10[%swap3A_282, %swap3A_283] {strides = array<i32>} : memref<4x128xi32, #tpu.memory_space<vmem>>, vector<16xi32>,
    tpu.vector_store %arg10[%swap3A_282, %swap3A_283], %select_n3A_280 {strides = array<i32>} : memref<4x128xi32, #tpu.memory_space<vmem>>, vector<16xi32>,
    %get3A_285 = arith.constant 2 : i32
    %get3A_286 = arith.index_cast %get3A_285 : i32 to index
    %get3A_287 = arith.constant 48 : index
    %get3A_288 = tpu.vector_load %arg8[%get3A_286, %get3A_287] {strides = array<i32>} : memref<4x128xi32, #tpu.memory_space<vmem>>, vector<16xi32>,
    %lt3A_289 = arith.constant 524288 : i32
    %lt3A_290 = vector.broadcast %lt3A_289 : i32 to vector<16xi32>
    %lt3A_291 = arith.cmpi slt, %get3A_288, %lt3A_290 : vector<16xi32>
    %sub3A_292 = arith.constant 524288 : i32
    %sub3A_293 = vector.broadcast %sub3A_292 : i32 to vector<16xi32>
    %sub3A_294 = arith.subi %get3A_288, %sub3A_293 : vector<16xi32>
    %select_n3A_295 = arith.select %lt3A_291, %get3A_288, %sub3A_294 : vector<16xi1>, vector<16xi32>
    %swap3A_296 = arith.constant 2 : i32
    %swap3A_297 = arith.index_cast %swap3A_296 : i32 to index
    %swap3A_298 = arith.constant 48 : index
    %swap3A_299 = tpu.vector_load %arg10[%swap3A_297, %swap3A_298] {strides = array<i32>} : memref<4x128xi32, #tpu.memory_space<vmem>>, vector<16xi32>,
    tpu.vector_store %arg10[%swap3A_297, %swap3A_298], %select_n3A_295 {strides = array<i32>} : memref<4x128xi32, #tpu.memory_space<vmem>>, vector<16xi32>,
    %get3A_300 = arith.constant 2 : i32
    %get3A_301 = arith.index_cast %get3A_300 : i32 to index
    %get3A_302 = arith.constant 64 : index
    %get3A_303 = tpu.vector_load %arg8[%get3A_301, %get3A_302] {strides = array<i32>} : memref<4x128xi32, #tpu.memory_space<vmem>>, vector<16xi32>,
    %lt3A_304 = arith.constant 524288 : i32
    %lt3A_305 = vector.broadcast %lt3A_304 : i32 to vector<16xi32>
    %lt3A_306 = arith.cmpi slt, %get3A_303, %lt3A_305 : vector<16xi32>
    %sub3A_307 = arith.constant 524288 : i32
    %sub3A_308 = vector.broadcast %sub3A_307 : i32 to vector<16xi32>
    %sub3A_309 = arith.subi %get3A_303, %sub3A_308 : vector<16xi32>
    %select_n3A_310 = arith.select %lt3A_306, %get3A_303, %sub3A_309 : vector<16xi1>, vector<16xi32>
    %swap3A_311 = arith.constant 2 : i32
    %swap3A_312 = arith.index_cast %swap3A_311 : i32 to index
    %swap3A_313 = arith.constant 64 : index
    %swap3A_314 = tpu.vector_load %arg10[%swap3A_312, %swap3A_313] {strides = array<i32>} : memref<4x128xi32, #tpu.memory_space<vmem>>, vector<16xi32>,
    tpu.vector_store %arg10[%swap3A_312, %swap3A_313], %select_n3A_310 {strides = array<i32>} : memref<4x128xi32, #tpu.memory_space<vmem>>, vector<16xi32>,
    %get3A_315 = arith.constant 2 : i32
    %get3A_316 = arith.index_cast %get3A_315 : i32 to index
    %get3A_317 = arith.constant 80 : index
    %get3A_318 = tpu.vector_load %arg8[%get3A_316, %get3A_317] {strides = array<i32>} : memref<4x128xi32, #tpu.memory_space<vmem>>, vector<16xi32>,
    %lt3A_319 = arith.constant 524288 : i32
    %lt3A_320 = vector.broadcast %lt3A_319 : i32 to vector<16xi32>
    %lt3A_321 = arith.cmpi slt, %get3A_318, %lt3A_320 : vector<16xi32>
    %sub3A_322 = arith.constant 524288 : i32
    %sub3A_323 = vector.broadcast %sub3A_322 : i32 to vector<16xi32>
    %sub3A_324 = arith.subi %get3A_318, %sub3A_323 : vector<16xi32>
    %select_n3A_325 = arith.select %lt3A_321, %get3A_318, %sub3A_324 : vector<16xi1>, vector<16xi32>
    %swap3A_326 = arith.constant 2 : i32
    %swap3A_327 = arith.index_cast %swap3A_326 : i32 to index
    %swap3A_328 = arith.constant 80 : index
    %swap3A_329 = tpu.vector_load %arg10[%swap3A_327, %swap3A_328] {strides = array<i32>} : memref<4x128xi32, #tpu.memory_space<vmem>>, vector<16xi32>,
    tpu.vector_store %arg10[%swap3A_327, %swap3A_328], %select_n3A_325 {strides = array<i32>} : memref<4x128xi32, #tpu.memory_space<vmem>>, vector<16xi32>,
    %get3A_330 = arith.constant 2 : i32
    %get3A_331 = arith.index_cast %get3A_330 : i32 to index
    %get3A_332 = arith.constant 96 : index
    %get3A_333 = tpu.vector_load %arg8[%get3A_331, %get3A_332] {strides = array<i32>} : memref<4x128xi32, #tpu.memory_space<vmem>>, vector<16xi32>,
    %lt3A_334 = arith.constant 524288 : i32
    %lt3A_335 = vector.broadcast %lt3A_334 : i32 to vector<16xi32>
    %lt3A_336 = arith.cmpi slt, %get3A_333, %lt3A_335 : vector<16xi32>
    %sub3A_337 = arith.constant 524288 : i32
    %sub3A_338 = vector.broadcast %sub3A_337 : i32 to vector<16xi32>
    %sub3A_339 = arith.subi %get3A_333, %sub3A_338 : vector<16xi32>
    %select_n3A_340 = arith.select %lt3A_336, %get3A_333, %sub3A_339 : vector<16xi1>, vector<16xi32>
    %swap3A_341 = arith.constant 2 : i32
    %swap3A_342 = arith.index_cast %swap3A_341 : i32 to index
    %swap3A_343 = arith.constant 96 : index
    %swap3A_344 = tpu.vector_load %arg10[%swap3A_342, %swap3A_343] {strides = array<i32>} : memref<4x128xi32, #tpu.memory_space<vmem>>, vector<16xi32>,
    tpu.vector_store %arg10[%swap3A_342, %swap3A_343], %select_n3A_340 {strides = array<i32>} : memref<4x128xi32, #tpu.memory_space<vmem>>, vector<16xi32>,
    %get3A_345 = arith.constant 2 : i32
    %get3A_346 = arith.index_cast %get3A_345 : i32 to index
    %get3A_347 = arith.constant 112 : index
    %get3A_348 = tpu.vector_load %arg8[%get3A_346, %get3A_347] {strides = array<i32>} : memref<4x128xi32, #tpu.memory_space<vmem>>, vector<16xi32>,
    %lt3A_349 = arith.constant 524288 : i32
    %lt3A_350 = vector.broadcast %lt3A_349 : i32 to vector<16xi32>
    %lt3A_351 = arith.cmpi slt, %get3A_348, %lt3A_350 : vector<16xi32>
    %sub3A_352 = arith.constant 524288 : i32
    %sub3A_353 = vector.broadcast %sub3A_352 : i32 to vector<16xi32>
    %sub3A_354 = arith.subi %get3A_348, %sub3A_353 : vector<16xi32>
    %select_n3A_355 = arith.select %lt3A_351, %get3A_348, %sub3A_354 : vector<16xi1>, vector<16xi32>
    %swap3A_356 = arith.constant 2 : i32
    %swap3A_357 = arith.index_cast %swap3A_356 : i32 to index
    %swap3A_358 = arith.constant 112 : index
    %swap3A_359 = tpu.vector_load %arg10[%swap3A_357, %swap3A_358] {strides = array<i32>} : memref<4x128xi32, #tpu.memory_space<vmem>>, vector<16xi32>,
    tpu.vector_store %arg10[%swap3A_357, %swap3A_358], %select_n3A_355 {strides = array<i32>} : memref<4x128xi32, #tpu.memory_space<vmem>>, vector<16xi32>,
    %get3A_360 = arith.constant 3 : i32
    %get3A_361 = arith.index_cast %get3A_360 : i32 to index
    %get3A_362 = arith.constant 0 : index
    %get3A_363 = tpu.vector_load %arg8[%get3A_361, %get3A_362] {strides = array<i32>} : memref<4x128xi32, #tpu.memory_space<vmem>>, vector<16xi32>,
    %lt3A_364 = arith.constant 524288 : i32
    %lt3A_365 = vector.broadcast %lt3A_364 : i32 to vector<16xi32>
    %lt3A_366 = arith.cmpi slt, %get3A_363, %lt3A_365 : vector<16xi32>
    %sub3A_367 = arith.constant 524288 : i32
    %sub3A_368 = vector.broadcast %sub3A_367 : i32 to vector<16xi32>
    %sub3A_369 = arith.subi %get3A_363, %sub3A_368 : vector<16xi32>
    %select_n3A_370 = arith.select %lt3A_366, %get3A_363, %sub3A_369 : vector<16xi1>, vector<16xi32>
    %swap3A_371 = arith.constant 3 : i32
    %swap3A_372 = arith.index_cast %swap3A_371 : i32 to index
    %swap3A_373 = arith.constant 0 : index
    %swap3A_374 = tpu.vector_load %arg10[%swap3A_372, %swap3A_373] {strides = array<i32>} : memref<4x128xi32, #tpu.memory_space<vmem>>, vector<16xi32>,
    tpu.vector_store %arg10[%swap3A_372, %swap3A_373], %select_n3A_370 {strides = array<i32>} : memref<4x128xi32, #tpu.memory_space<vmem>>, vector<16xi32>,
    %get3A_375 = arith.constant 3 : i32
    %get3A_376 = arith.index_cast %get3A_375 : i32 to index
    %get3A_377 = arith.constant 16 : index
    %get3A_378 = tpu.vector_load %arg8[%get3A_376, %get3A_377] {strides = array<i32>} : memref<4x128xi32, #tpu.memory_space<vmem>>, vector<16xi32>,
    %lt3A_379 = arith.constant 524288 : i32
    %lt3A_380 = vector.broadcast %lt3A_379 : i32 to vector<16xi32>
    %lt3A_381 = arith.cmpi slt, %get3A_378, %lt3A_380 : vector<16xi32>
    %sub3A_382 = arith.constant 524288 : i32
    %sub3A_383 = vector.broadcast %sub3A_382 : i32 to vector<16xi32>
    %sub3A_384 = arith.subi %get3A_378, %sub3A_383 : vector<16xi32>
    %select_n3A_385 = arith.select %lt3A_381, %get3A_378, %sub3A_384 : vector<16xi1>, vector<16xi32>
    %swap3A_386 = arith.constant 3 : i32
    %swap3A_387 = arith.index_cast %swap3A_386 : i32 to index
    %swap3A_388 = arith.constant 16 : index
    %swap3A_389 = tpu.vector_load %arg10[%swap3A_387, %swap3A_388] {strides = array<i32>} : memref<4x128xi32, #tpu.memory_space<vmem>>, vector<16xi32>,
    tpu.vector_store %arg10[%swap3A_387, %swap3A_388], %select_n3A_385 {strides = array<i32>} : memref<4x128xi32, #tpu.memory_space<vmem>>, vector<16xi32>,
    %get3A_390 = arith.constant 3 : i32
    %get3A_391 = arith.index_cast %get3A_390 : i32 to index
    %get3A_392 = arith.constant 32 : index
    %get3A_393 = tpu.vector_load %arg8[%get3A_391, %get3A_392] {strides = array<i32>} : memref<4x128xi32, #tpu.memory_space<vmem>>, vector<16xi32>,
    %lt3A_394 = arith.constant 524288 : i32
    %lt3A_395 = vector.broadcast %lt3A_394 : i32 to vector<16xi32>
    %lt3A_396 = arith.cmpi slt, %get3A_393, %lt3A_395 : vector<16xi32>
    %sub3A_397 = arith.constant 524288 : i32
    %sub3A_398 = vector.broadcast %sub3A_397 : i32 to vector<16xi32>
    %sub3A_399 = arith.subi %get3A_393, %sub3A_398 : vector<16xi32>
    %select_n3A_400 = arith.select %lt3A_396, %get3A_393, %sub3A_399 : vector<16xi1>, vector<16xi32>
    %swap3A_401 = arith.constant 3 : i32
    %swap3A_402 = arith.index_cast %swap3A_401 : i32 to index
    %swap3A_403 = arith.constant 32 : index
    %swap3A_404 = tpu.vector_load %arg10[%swap3A_402, %swap3A_403] {strides = array<i32>} : memref<4x128xi32, #tpu.memory_space<vmem>>, vector<16xi32>,
    tpu.vector_store %arg10[%swap3A_402, %swap3A_403], %select_n3A_400 {strides = array<i32>} : memref<4x128xi32, #tpu.memory_space<vmem>>, vector<16xi32>,
    %get3A_405 = arith.constant 3 : i32
    %get3A_406 = arith.index_cast %get3A_405 : i32 to index
    %get3A_407 = arith.constant 48 : index
    %get3A_408 = tpu.vector_load %arg8[%get3A_406, %get3A_407] {strides = array<i32>} : memref<4x128xi32, #tpu.memory_space<vmem>>, vector<16xi32>,
    %lt3A_409 = arith.constant 524288 : i32
    %lt3A_410 = vector.broadcast %lt3A_409 : i32 to vector<16xi32>
    %lt3A_411 = arith.cmpi slt, %get3A_408, %lt3A_410 : vector<16xi32>
    %sub3A_412 = arith.constant 524288 : i32
    %sub3A_413 = vector.broadcast %sub3A_412 : i32 to vector<16xi32>
    %sub3A_414 = arith.subi %get3A_408, %sub3A_413 : vector<16xi32>
    %select_n3A_415 = arith.select %lt3A_411, %get3A_408, %sub3A_414 : vector<16xi1>, vector<16xi32>
    %swap3A_416 = arith.constant 3 : i32
    %swap3A_417 = arith.index_cast %swap3A_416 : i32 to index
    %swap3A_418 = arith.constant 48 : index
    %swap3A_419 = tpu.vector_load %arg10[%swap3A_417, %swap3A_418] {strides = array<i32>} : memref<4x128xi32, #tpu.memory_space<vmem>>, vector<16xi32>,
    tpu.vector_store %arg10[%swap3A_417, %swap3A_418], %select_n3A_415 {strides = array<i32>} : memref<4x128xi32, #tpu.memory_space<vmem>>, vector<16xi32>,
    %get3A_420 = arith.constant 3 : i32
    %get3A_421 = arith.index_cast %get3A_420 : i32 to index
    %get3A_422 = arith.constant 64 : index
    %get3A_423 = tpu.vector_load %arg8[%get3A_421, %get3A_422] {strides = array<i32>} : memref<4x128xi32, #tpu.memory_space<vmem>>, vector<16xi32>,
    %lt3A_424 = arith.constant 524288 : i32
    %lt3A_425 = vector.broadcast %lt3A_424 : i32 to vector<16xi32>
    %lt3A_426 = arith.cmpi slt, %get3A_423, %lt3A_425 : vector<16xi32>
    %sub3A_427 = arith.constant 524288 : i32
    %sub3A_428 = vector.broadcast %sub3A_427 : i32 to vector<16xi32>
    %sub3A_429 = arith.subi %get3A_423, %sub3A_428 : vector<16xi32>
    %select_n3A_430 = arith.select %lt3A_426, %get3A_423, %sub3A_429 : vector<16xi1>, vector<16xi32>
    %swap3A_431 = arith.constant 3 : i32
    %swap3A_432 = arith.index_cast %swap3A_431 : i32 to index
    %swap3A_433 = arith.constant 64 : index
    %swap3A_434 = tpu.vector_load %arg10[%swap3A_432, %swap3A_433] {strides = array<i32>} : memref<4x128xi32, #tpu.memory_space<vmem>>, vector<16xi32>,
    tpu.vector_store %arg10[%swap3A_432, %swap3A_433], %select_n3A_430 {strides = array<i32>} : memref<4x128xi32, #tpu.memory_space<vmem>>, vector<16xi32>,
    %get3A_435 = arith.constant 3 : i32
    %get3A_436 = arith.index_cast %get3A_435 : i32 to index
    %get3A_437 = arith.constant 80 : index
    %get3A_438 = tpu.vector_load %arg8[%get3A_436, %get3A_437] {strides = array<i32>} : memref<4x128xi32, #tpu.memory_space<vmem>>, vector<16xi32>,
    %lt3A_439 = arith.constant 524288 : i32
    %lt3A_440 = vector.broadcast %lt3A_439 : i32 to vector<16xi32>
    %lt3A_441 = arith.cmpi slt, %get3A_438, %lt3A_440 : vector<16xi32>
    %sub3A_442 = arith.constant 524288 : i32
    %sub3A_443 = vector.broadcast %sub3A_442 : i32 to vector<16xi32>
    %sub3A_444 = arith.subi %get3A_438, %sub3A_443 : vector<16xi32>
    %select_n3A_445 = arith.select %lt3A_441, %get3A_438, %sub3A_444 : vector<16xi1>, vector<16xi32>
    %swap3A_446 = arith.constant 3 : i32
    %swap3A_447 = arith.index_cast %swap3A_446 : i32 to index
    %swap3A_448 = arith.constant 80 : index
    %swap3A_449 = tpu.vector_load %arg10[%swap3A_447, %swap3A_448] {strides = array<i32>} : memref<4x128xi32, #tpu.memory_space<vmem>>, vector<16xi32>,
    tpu.vector_store %arg10[%swap3A_447, %swap3A_448], %select_n3A_445 {strides = array<i32>} : memref<4x128xi32, #tpu.memory_space<vmem>>, vector<16xi32>,
    %get3A_450 = arith.constant 3 : i32
    %get3A_451 = arith.index_cast %get3A_450 : i32 to index
    %get3A_452 = arith.constant 96 : index
    %get3A_453 = tpu.vector_load %arg8[%get3A_451, %get3A_452] {strides = array<i32>} : memref<4x128xi32, #tpu.memory_space<vmem>>, vector<16xi32>,
    %lt3A_454 = arith.constant 524288 : i32
    %lt3A_455 = vector.broadcast %lt3A_454 : i32 to vector<16xi32>
    %lt3A_456 = arith.cmpi slt, %get3A_453, %lt3A_455 : vector<16xi32>
    %sub3A_457 = arith.constant 524288 : i32
    %sub3A_458 = vector.broadcast %sub3A_457 : i32 to vector<16xi32>
    %sub3A_459 = arith.subi %get3A_453, %sub3A_458 : vector<16xi32>
    %select_n3A_460 = arith.select %lt3A_456, %get3A_453, %sub3A_459 : vector<16xi1>, vector<16xi32>
    %swap3A_461 = arith.constant 3 : i32
    %swap3A_462 = arith.index_cast %swap3A_461 : i32 to index
    %swap3A_463 = arith.constant 96 : index
    %swap3A_464 = tpu.vector_load %arg10[%swap3A_462, %swap3A_463] {strides = array<i32>} : memref<4x128xi32, #tpu.memory_space<vmem>>, vector<16xi32>,
    tpu.vector_store %arg10[%swap3A_462, %swap3A_463], %select_n3A_460 {strides = array<i32>} : memref<4x128xi32, #tpu.memory_space<vmem>>, vector<16xi32>,
    %get3A_465 = arith.constant 3 : i32
    %get3A_466 = arith.index_cast %get3A_465 : i32 to index
    %get3A_467 = arith.constant 112 : index
    %get3A_468 = tpu.vector_load %arg8[%get3A_466, %get3A_467] {strides = array<i32>} : memref<4x128xi32, #tpu.memory_space<vmem>>, vector<16xi32>,
    %lt3A_469 = arith.constant 524288 : i32
    %lt3A_470 = vector.broadcast %lt3A_469 : i32 to vector<16xi32>
    %lt3A_471 = arith.cmpi slt, %get3A_468, %lt3A_470 : vector<16xi32>
    %sub3A_472 = arith.constant 524288 : i32
    %sub3A_473 = vector.broadcast %sub3A_472 : i32 to vector<16xi32>
    %sub3A_474 = arith.subi %get3A_468, %sub3A_473 : vector<16xi32>
    %select_n3A_475 = arith.select %lt3A_471, %get3A_468, %sub3A_474 : vector<16xi1>, vector<16xi32>
    %swap3A_476 = arith.constant 3 : i32
    %swap3A_477 = arith.index_cast %swap3A_476 : i32 to index
    %swap3A_478 = arith.constant 112 : index
    %swap3A_479 = tpu.vector_load %arg10[%swap3A_477, %swap3A_478] {strides = array<i32>} : memref<4x128xi32, #tpu.memory_space<vmem>>, vector<16xi32>,
    tpu.vector_store %arg10[%swap3A_477, %swap3A_478], %select_n3A_475 {strides = array<i32>} : memref<4x128xi32, #tpu.memory_space<vmem>>, vector<16xi32>,
    %dma_start3A = arith.constant 0 : i32
    %dma_start3A_480 = arith.constant 0 : i32
    %dma_start3A_481 = arith.constant 0 : i32
    %dma_start3A_482 = tpu.memref_slice %arg11[%dma_start3A_480, %dma_start3A_481] : memref<4x128xf32, #tpu.memory_space<vmem>> -> memref<1x128xf32, #tpu.memory_space<vmem>>
    %dma_start3A_483 = tpu.memref_squeeze %dma_start3A_482 : memref<1x128xf32, #tpu.memory_space<vmem>> -> memref<128xf32, #tpu.memory_space<vmem>>
    %dma_start3A_484 = arith.constant 0 : i32
    %dma_start3A_485 = tpu.memref_slice %arg10[%dma_start3A, %dma_start3A_484] : memref<4x128xi32, #tpu.memory_space<vmem>> -> memref<1x128xi32, #tpu.memory_space<vmem>>
    %dma_start3A_486 = tpu.memref_squeeze %dma_start3A_485 : memref<1x128xi32, #tpu.memory_space<vmem>> -> memref<128xi32, #tpu.memory_space<vmem>>
    %dma_start3A_487 = arith.constant 0 : i32
    %dma_start3A_488 = tpu.memref_slice %arg4[%dma_start3A_487] : memref<524288xf32, #tpu.memory_space<hbm>> -> memref<524288xf32, #tpu.memory_space<hbm>>
    tpu.enqueue_indirect_dma source(%dma_start3A_488 : memref<524288xf32, #tpu.memory_space<hbm>>) target(%dma_start3A_483 : memref<128xf32, #tpu.memory_space<vmem>>) offsets(%dma_start3A_486 : memref<128xi32, #tpu.memory_space<vmem>>) semaphore(%arg15 : memref<!tpu.dma_semaphore, #tpu.memory_space<semaphore_mem>>)
    %dma_start3A_489 = arith.constant 0 : i32
    %dma_start3A_490 = arith.constant 0 : i32
    %dma_start3A_491 = arith.constant 0 : i32
    %dma_start3A_492 = tpu.memref_slice %arg12[%dma_start3A_490, %dma_start3A_491] : memref<4x128xf32, #tpu.memory_space<vmem>> -> memref<1x128xf32, #tpu.memory_space<vmem>>
    %dma_start3A_493 = tpu.memref_squeeze %dma_start3A_492 : memref<1x128xf32, #tpu.memory_space<vmem>> -> memref<128xf32, #tpu.memory_space<vmem>>
    %dma_start3A_494 = arith.constant 0 : i32
    %dma_start3A_495 = tpu.memref_slice %arg8[%dma_start3A_489, %dma_start3A_494] : memref<4x128xi32, #tpu.memory_space<vmem>> -> memref<1x128xi32, #tpu.memory_space<vmem>>
    %dma_start3A_496 = tpu.memref_squeeze %dma_start3A_495 : memref<1x128xi32, #tpu.memory_space<vmem>> -> memref<128xi32, #tpu.memory_space<vmem>>
    %dma_start3A_497 = arith.constant 0 : i32
    %dma_start3A_498 = tpu.memref_slice %arg5[%dma_start3A_497] : memref<1000000xf32, #tpu.memory_space<hbm>> -> memref<1000000xf32, #tpu.memory_space<hbm>>
    tpu.enqueue_indirect_dma source(%dma_start3A_498 : memref<1000000xf32, #tpu.memory_space<hbm>>) target(%dma_start3A_493 : memref<128xf32, #tpu.memory_space<vmem>>) offsets(%dma_start3A_496 : memref<128xi32, #tpu.memory_space<vmem>>) semaphore(%arg15 : memref<!tpu.dma_semaphore, #tpu.memory_space<semaphore_mem>>)
    %dma_start3A_499 = arith.constant 0 : i32
    %dma_start3A_500 = arith.constant 0 : i32
    %dma_start3A_501 = arith.constant 0 : i32
    %dma_start3A_502 = tpu.memref_slice %arg13[%dma_start3A_500, %dma_start3A_501] : memref<4x128xf32, #tpu.memory_space<vmem>> -> memref<1x128xf32, #tpu.memory_space<vmem>>
    %dma_start3A_503 = tpu.memref_squeeze %dma_start3A_502 : memref<1x128xf32, #tpu.memory_space<vmem>> -> memref<128xf32, #tpu.memory_space<vmem>>
    %dma_start3A_504 = arith.constant 0 : i32
    %dma_start3A_505 = tpu.memref_slice %arg9[%dma_start3A_499, %dma_start3A_504] : memref<4x128xi32, #tpu.memory_space<vmem>> -> memref<1x128xi32, #tpu.memory_space<vmem>>
    %dma_start3A_506 = tpu.memref_squeeze %dma_start3A_505 : memref<1x128xi32, #tpu.memory_space<vmem>> -> memref<128xi32, #tpu.memory_space<vmem>>
    %dma_start3A_507 = arith.constant 0 : i32
    %dma_start3A_508 = tpu.memref_slice %arg6[%dma_start3A_507] : memref<100000xf32, #tpu.memory_space<hbm>> -> memref<100000xf32, #tpu.memory_space<hbm>>
    tpu.enqueue_indirect_dma source(%dma_start3A_508 : memref<100000xf32, #tpu.memory_space<hbm>>) target(%dma_start3A_503 : memref<128xf32, #tpu.memory_space<vmem>>) offsets(%dma_start3A_506 : memref<128xi32, #tpu.memory_space<vmem>>) semaphore(%arg15 : memref<!tpu.dma_semaphore, #tpu.memory_space<semaphore_mem>>)
    %dma_start3A_509 = arith.constant 1 : i32
    %dma_start3A_510 = arith.constant 1 : i32
    %dma_start3A_511 = arith.constant 0 : i32
    %dma_start3A_512 = tpu.memref_slice %arg11[%dma_start3A_510, %dma_start3A_511] : memref<4x128xf32, #tpu.memory_space<vmem>> -> memref<1x128xf32, #tpu.memory_space<vmem>>
    %dma_start3A_513 = tpu.memref_squeeze %dma_start3A_512 : memref<1x128xf32, #tpu.memory_space<vmem>> -> memref<128xf32, #tpu.memory_space<vmem>>
    %dma_start3A_514 = arith.constant 0 : i32
    %dma_start3A_515 = tpu.memref_slice %arg10[%dma_start3A_509, %dma_start3A_514] : memref<4x128xi32, #tpu.memory_space<vmem>> -> memref<1x128xi32, #tpu.memory_space<vmem>>
    %dma_start3A_516 = tpu.memref_squeeze %dma_start3A_515 : memref<1x128xi32, #tpu.memory_space<vmem>> -> memref<128xi32, #tpu.memory_space<vmem>>
    %dma_start3A_517 = arith.constant 0 : i32
    %dma_start3A_518 = tpu.memref_slice %arg4[%dma_start3A_517] : memref<524288xf32, #tpu.memory_space<hbm>> -> memref<524288xf32, #tpu.memory_space<hbm>>
    tpu.enqueue_indirect_dma source(%dma_start3A_518 : memref<524288xf32, #tpu.memory_space<hbm>>) target(%dma_start3A_513 : memref<128xf32, #tpu.memory_space<vmem>>) offsets(%dma_start3A_516 : memref<128xi32, #tpu.memory_space<vmem>>) semaphore(%arg15 : memref<!tpu.dma_semaphore, #tpu.memory_space<semaphore_mem>>)
    %dma_start3A_519 = arith.constant 1 : i32
    %dma_start3A_520 = arith.constant 1 : i32
    %dma_start3A_521 = arith.constant 0 : i32
    %dma_start3A_522 = tpu.memref_slice %arg12[%dma_start3A_520, %dma_start3A_521] : memref<4x128xf32, #tpu.memory_space<vmem>> -> memref<1x128xf32, #tpu.memory_space<vmem>>
    %dma_start3A_523 = tpu.memref_squeeze %dma_start3A_522 : memref<1x128xf32, #tpu.memory_space<vmem>> -> memref<128xf32, #tpu.memory_space<vmem>>
    %dma_start3A_524 = arith.constant 0 : i32
    %dma_start3A_525 = tpu.memref_slice %arg8[%dma_start3A_519, %dma_start3A_524] : memref<4x128xi32, #tpu.memory_space<vmem>> -> memref<1x128xi32, #tpu.memory_space<vmem>>
    %dma_start3A_526 = tpu.memref_squeeze %dma_start3A_525 : memref<1x128xi32, #tpu.memory_space<vmem>> -> memref<128xi32, #tpu.memory_space<vmem>>
    %dma_start3A_527 = arith.constant 0 : i32
    %dma_start3A_528 = tpu.memref_slice %arg5[%dma_start3A_527] : memref<1000000xf32, #tpu.memory_space<hbm>> -> memref<1000000xf32, #tpu.memory_space<hbm>>
    tpu.enqueue_indirect_dma source(%dma_start3A_528 : memref<1000000xf32, #tpu.memory_space<hbm>>) target(%dma_start3A_523 : memref<128xf32, #tpu.memory_space<vmem>>) offsets(%dma_start3A_526 : memref<128xi32, #tpu.memory_space<vmem>>) semaphore(%arg15 : memref<!tpu.dma_semaphore, #tpu.memory_space<semaphore_mem>>)
    %dma_start3A_529 = arith.constant 1 : i32
    %dma_start3A_530 = arith.constant 1 : i32
    %dma_start3A_531 = arith.constant 0 : i32
    %dma_start3A_532 = tpu.memref_slice %arg13[%dma_start3A_530, %dma_start3A_531] : memref<4x128xf32, #tpu.memory_space<vmem>> -> memref<1x128xf32, #tpu.memory_space<vmem>>
    %dma_start3A_533 = tpu.memref_squeeze %dma_start3A_532 : memref<1x128xf32, #tpu.memory_space<vmem>> -> memref<128xf32, #tpu.memory_space<vmem>>
    %dma_start3A_534 = arith.constant 0 : i32
    %dma_start3A_535 = tpu.memref_slice %arg9[%dma_start3A_529, %dma_start3A_534] : memref<4x128xi32, #tpu.memory_space<vmem>> -> memref<1x128xi32, #tpu.memory_space<vmem>>
    %dma_start3A_536 = tpu.memref_squeeze %dma_start3A_535 : memref<1x128xi32, #tpu.memory_space<vmem>> -> memref<128xi32, #tpu.memory_space<vmem>>
    %dma_start3A_537 = arith.constant 0 : i32
    %dma_start3A_538 = tpu.memref_slice %arg6[%dma_start3A_537] : memref<100000xf32, #tpu.memory_space<hbm>> -> memref<100000xf32, #tpu.memory_space<hbm>>
    tpu.enqueue_indirect_dma source(%dma_start3A_538 : memref<100000xf32, #tpu.memory_space<hbm>>) target(%dma_start3A_533 : memref<128xf32, #tpu.memory_space<vmem>>) offsets(%dma_start3A_536 : memref<128xi32, #tpu.memory_space<vmem>>) semaphore(%arg15 : memref<!tpu.dma_semaphore, #tpu.memory_space<semaphore_mem>>)
    %dma_start3A_539 = arith.constant 2 : i32
    %dma_start3A_540 = arith.constant 2 : i32
    %dma_start3A_541 = arith.constant 0 : i32
    %dma_start3A_542 = tpu.memref_slice %arg11[%dma_start3A_540, %dma_start3A_541] : memref<4x128xf32, #tpu.memory_space<vmem>> -> memref<1x128xf32, #tpu.memory_space<vmem>>
    %dma_start3A_543 = tpu.memref_squeeze %dma_start3A_542 : memref<1x128xf32, #tpu.memory_space<vmem>> -> memref<128xf32, #tpu.memory_space<vmem>>
    %dma_start3A_544 = arith.constant 0 : i32
    %dma_start3A_545 = tpu.memref_slice %arg10[%dma_start3A_539, %dma_start3A_544] : memref<4x128xi32, #tpu.memory_space<vmem>> -> memref<1x128xi32, #tpu.memory_space<vmem>>
    %dma_start3A_546 = tpu.memref_squeeze %dma_start3A_545 : memref<1x128xi32, #tpu.memory_space<vmem>> -> memref<128xi32, #tpu.memory_space<vmem>>
    %dma_start3A_547 = arith.constant 0 : i32
    %dma_start3A_548 = tpu.memref_slice %arg4[%dma_start3A_547] : memref<524288xf32, #tpu.memory_space<hbm>> -> memref<524288xf32, #tpu.memory_space<hbm>>
    tpu.enqueue_indirect_dma source(%dma_start3A_548 : memref<524288xf32, #tpu.memory_space<hbm>>) target(%dma_start3A_543 : memref<128xf32, #tpu.memory_space<vmem>>) offsets(%dma_start3A_546 : memref<128xi32, #tpu.memory_space<vmem>>) semaphore(%arg15 : memref<!tpu.dma_semaphore, #tpu.memory_space<semaphore_mem>>)
    %dma_start3A_549 = arith.constant 2 : i32
    %dma_start3A_550 = arith.constant 2 : i32
    %dma_start3A_551 = arith.constant 0 : i32
    %dma_start3A_552 = tpu.memref_slice %arg12[%dma_start3A_550, %dma_start3A_551] : memref<4x128xf32, #tpu.memory_space<vmem>> -> memref<1x128xf32, #tpu.memory_space<vmem>>
    %dma_start3A_553 = tpu.memref_squeeze %dma_start3A_552 : memref<1x128xf32, #tpu.memory_space<vmem>> -> memref<128xf32, #tpu.memory_space<vmem>>
    %dma_start3A_554 = arith.constant 0 : i32
    %dma_start3A_555 = tpu.memref_slice %arg8[%dma_start3A_549, %dma_start3A_554] : memref<4x128xi32, #tpu.memory_space<vmem>> -> memref<1x128xi32, #tpu.memory_space<vmem>>
    %dma_start3A_556 = tpu.memref_squeeze %dma_start3A_555 : memref<1x128xi32, #tpu.memory_space<vmem>> -> memref<128xi32, #tpu.memory_space<vmem>>
    %dma_start3A_557 = arith.constant 0 : i32
    %dma_start3A_558 = tpu.memref_slice %arg5[%dma_start3A_557] : memref<1000000xf32, #tpu.memory_space<hbm>> -> memref<1000000xf32, #tpu.memory_space<hbm>>
    tpu.enqueue_indirect_dma source(%dma_start3A_558 : memref<1000000xf32, #tpu.memory_space<hbm>>) target(%dma_start3A_553 : memref<128xf32, #tpu.memory_space<vmem>>) offsets(%dma_start3A_556 : memref<128xi32, #tpu.memory_space<vmem>>) semaphore(%arg15 : memref<!tpu.dma_semaphore, #tpu.memory_space<semaphore_mem>>)
    %dma_start3A_559 = arith.constant 2 : i32
    %dma_start3A_560 = arith.constant 2 : i32
    %dma_start3A_561 = arith.constant 0 : i32
    %dma_start3A_562 = tpu.memref_slice %arg13[%dma_start3A_560, %dma_start3A_561] : memref<4x128xf32, #tpu.memory_space<vmem>> -> memref<1x128xf32, #tpu.memory_space<vmem>>
    %dma_start3A_563 = tpu.memref_squeeze %dma_start3A_562 : memref<1x128xf32, #tpu.memory_space<vmem>> -> memref<128xf32, #tpu.memory_space<vmem>>
    %dma_start3A_564 = arith.constant 0 : i32
    %dma_start3A_565 = tpu.memref_slice %arg9[%dma_start3A_559, %dma_start3A_564] : memref<4x128xi32, #tpu.memory_space<vmem>> -> memref<1x128xi32, #tpu.memory_space<vmem>>
    %dma_start3A_566 = tpu.memref_squeeze %dma_start3A_565 : memref<1x128xi32, #tpu.memory_space<vmem>> -> memref<128xi32, #tpu.memory_space<vmem>>
    %dma_start3A_567 = arith.constant 0 : i32
    %dma_start3A_568 = tpu.memref_slice %arg6[%dma_start3A_567] : memref<100000xf32, #tpu.memory_space<hbm>> -> memref<100000xf32, #tpu.memory_space<hbm>>
    tpu.enqueue_indirect_dma source(%dma_start3A_568 : memref<100000xf32, #tpu.memory_space<hbm>>) target(%dma_start3A_563 : memref<128xf32, #tpu.memory_space<vmem>>) offsets(%dma_start3A_566 : memref<128xi32, #tpu.memory_space<vmem>>) semaphore(%arg15 : memref<!tpu.dma_semaphore, #tpu.memory_space<semaphore_mem>>)
    %dma_start3A_569 = arith.constant 3 : i32
    %dma_start3A_570 = arith.constant 3 : i32
    %dma_start3A_571 = arith.constant 0 : i32
    %dma_start3A_572 = tpu.memref_slice %arg11[%dma_start3A_570, %dma_start3A_571] : memref<4x128xf32, #tpu.memory_space<vmem>> -> memref<1x128xf32, #tpu.memory_space<vmem>>
    %dma_start3A_573 = tpu.memref_squeeze %dma_start3A_572 : memref<1x128xf32, #tpu.memory_space<vmem>> -> memref<128xf32, #tpu.memory_space<vmem>>
    %dma_start3A_574 = arith.constant 0 : i32
    %dma_start3A_575 = tpu.memref_slice %arg10[%dma_start3A_569, %dma_start3A_574] : memref<4x128xi32, #tpu.memory_space<vmem>> -> memref<1x128xi32, #tpu.memory_space<vmem>>
    %dma_start3A_576 = tpu.memref_squeeze %dma_start3A_575 : memref<1x128xi32, #tpu.memory_space<vmem>> -> memref<128xi32, #tpu.memory_space<vmem>>
    %dma_start3A_577 = arith.constant 0 : i32
    %dma_start3A_578 = tpu.memref_slice %arg4[%dma_start3A_577] : memref<524288xf32, #tpu.memory_space<hbm>> -> memref<524288xf32, #tpu.memory_space<hbm>>
    tpu.enqueue_indirect_dma source(%dma_start3A_578 : memref<524288xf32, #tpu.memory_space<hbm>>) target(%dma_start3A_573 : memref<128xf32, #tpu.memory_space<vmem>>) offsets(%dma_start3A_576 : memref<128xi32, #tpu.memory_space<vmem>>) semaphore(%arg15 : memref<!tpu.dma_semaphore, #tpu.memory_space<semaphore_mem>>)
    %dma_start3A_579 = arith.constant 3 : i32
    %dma_start3A_580 = arith.constant 3 : i32
    %dma_start3A_581 = arith.constant 0 : i32
    %dma_start3A_582 = tpu.memref_slice %arg12[%dma_start3A_580, %dma_start3A_581] : memref<4x128xf32, #tpu.memory_space<vmem>> -> memref<1x128xf32, #tpu.memory_space<vmem>>
    %dma_start3A_583 = tpu.memref_squeeze %dma_start3A_582 : memref<1x128xf32, #tpu.memory_space<vmem>> -> memref<128xf32, #tpu.memory_space<vmem>>
    %dma_start3A_584 = arith.constant 0 : i32
    %dma_start3A_585 = tpu.memref_slice %arg8[%dma_start3A_579, %dma_start3A_584] : memref<4x128xi32, #tpu.memory_space<vmem>> -> memref<1x128xi32, #tpu.memory_space<vmem>>
    %dma_start3A_586 = tpu.memref_squeeze %dma_start3A_585 : memref<1x128xi32, #tpu.memory_space<vmem>> -> memref<128xi32, #tpu.memory_space<vmem>>
    %dma_start3A_587 = arith.constant 0 : i32
    %dma_start3A_588 = tpu.memref_slice %arg5[%dma_start3A_587] : memref<1000000xf32, #tpu.memory_space<hbm>> -> memref<1000000xf32, #tpu.memory_space<hbm>>
    tpu.enqueue_indirect_dma source(%dma_start3A_588 : memref<1000000xf32, #tpu.memory_space<hbm>>) target(%dma_start3A_583 : memref<128xf32, #tpu.memory_space<vmem>>) offsets(%dma_start3A_586 : memref<128xi32, #tpu.memory_space<vmem>>) semaphore(%arg15 : memref<!tpu.dma_semaphore, #tpu.memory_space<semaphore_mem>>)
    %dma_start3A_589 = arith.constant 3 : i32
    %dma_start3A_590 = arith.constant 3 : i32
    %dma_start3A_591 = arith.constant 0 : i32
    %dma_start3A_592 = tpu.memref_slice %arg13[%dma_start3A_590, %dma_start3A_591] : memref<4x128xf32, #tpu.memory_space<vmem>> -> memref<1x128xf32, #tpu.memory_space<vmem>>
    %dma_start3A_593 = tpu.memref_squeeze %dma_start3A_592 : memref<1x128xf32, #tpu.memory_space<vmem>> -> memref<128xf32, #tpu.memory_space<vmem>>
    %dma_start3A_594 = arith.constant 0 : i32
    %dma_start3A_595 = tpu.memref_slice %arg9[%dma_start3A_589, %dma_start3A_594] : memref<4x128xi32, #tpu.memory_space<vmem>> -> memref<1x128xi32, #tpu.memory_space<vmem>>
    %dma_start3A_596 = tpu.memref_squeeze %dma_start3A_595 : memref<1x128xi32, #tpu.memory_space<vmem>> -> memref<128xi32, #tpu.memory_space<vmem>>
    %dma_start3A_597 = arith.constant 0 : i32
    %dma_start3A_598 = tpu.memref_slice %arg6[%dma_start3A_597] : memref<100000xf32, #tpu.memory_space<hbm>> -> memref<100000xf32, #tpu.memory_space<hbm>>
    tpu.enqueue_indirect_dma source(%dma_start3A_598 : memref<100000xf32, #tpu.memory_space<hbm>>) target(%dma_start3A_593 : memref<128xf32, #tpu.memory_space<vmem>>) offsets(%dma_start3A_596 : memref<128xi32, #tpu.memory_space<vmem>>) semaphore(%arg15 : memref<!tpu.dma_semaphore, #tpu.memory_space<semaphore_mem>>)
    %dma_wait3A = arith.constant 0 : i32
    %dma_wait3A_599 = arith.constant 0 : i32
    %dma_wait3A_600 = arith.constant 0 : i32
    %dma_wait3A_601 = tpu.memref_slice %arg11[%dma_wait3A_599, %dma_wait3A_600] : memref<4x128xf32, #tpu.memory_space<vmem>> -> memref<1x128xf32, #tpu.memory_space<vmem>>
    %dma_wait3A_602 = tpu.memref_squeeze %dma_wait3A_601 : memref<1x128xf32, #tpu.memory_space<vmem>> -> memref<128xf32, #tpu.memory_space<vmem>>
    %dma_wait3A_603 = arith.constant 0 : i32
    %dma_wait3A_604 = tpu.memref_slice %arg10[%dma_wait3A, %dma_wait3A_603] : memref<4x128xi32, #tpu.memory_space<vmem>> -> memref<1x128xi32, #tpu.memory_space<vmem>>
    %dma_wait3A_605 = tpu.memref_squeeze %dma_wait3A_604 : memref<1x128xi32, #tpu.memory_space<vmem>> -> memref<128xi32, #tpu.memory_space<vmem>>
    %dma_wait3A_606 = arith.constant 0 : i32
    %dma_wait3A_607 = tpu.memref_slice %arg4[%dma_wait3A_606] : memref<524288xf32, #tpu.memory_space<hbm>> -> memref<524288xf32, #tpu.memory_space<hbm>>
    tpu.wait_indirect_dma semaphore(%arg15 : memref<!tpu.dma_semaphore, #tpu.memory_space<semaphore_mem>>) src(%dma_wait3A_607 : memref<524288xf32, #tpu.memory_space<hbm>>) dst(%dma_wait3A_602 : memref<128xf32, #tpu.memory_space<vmem>>)
    %dma_wait3A_608 = arith.constant 0 : i32
    %dma_wait3A_609 = arith.constant 0 : i32
    %dma_wait3A_610 = arith.constant 0 : i32
    %dma_wait3A_611 = tpu.memref_slice %arg12[%dma_wait3A_609, %dma_wait3A_610] : memref<4x128xf32, #tpu.memory_space<vmem>> -> memref<1x128xf32, #tpu.memory_space<vmem>>
    %dma_wait3A_612 = tpu.memref_squeeze %dma_wait3A_611 : memref<1x128xf32, #tpu.memory_space<vmem>> -> memref<128xf32, #tpu.memory_space<vmem>>
    %dma_wait3A_613 = arith.constant 0 : i32
    %dma_wait3A_614 = tpu.memref_slice %arg8[%dma_wait3A_608, %dma_wait3A_613] : memref<4x128xi32, #tpu.memory_space<vmem>> -> memref<1x128xi32, #tpu.memory_space<vmem>>
    %dma_wait3A_615 = tpu.memref_squeeze %dma_wait3A_614 : memref<1x128xi32, #tpu.memory_space<vmem>> -> memref<128xi32, #tpu.memory_space<vmem>>
    %dma_wait3A_616 = arith.constant 0 : i32
    %dma_wait3A_617 = tpu.memref_slice %arg5[%dma_wait3A_616] : memref<1000000xf32, #tpu.memory_space<hbm>> -> memref<1000000xf32, #tpu.memory_space<hbm>>
    tpu.wait_indirect_dma semaphore(%arg15 : memref<!tpu.dma_semaphore, #tpu.memory_space<semaphore_mem>>) src(%dma_wait3A_617 : memref<1000000xf32, #tpu.memory_space<hbm>>) dst(%dma_wait3A_612 : memref<128xf32, #tpu.memory_space<vmem>>)
    %dma_wait3A_618 = arith.constant 0 : i32
    %dma_wait3A_619 = arith.constant 0 : i32
    %dma_wait3A_620 = arith.constant 0 : i32
    %dma_wait3A_621 = tpu.memref_slice %arg13[%dma_wait3A_619, %dma_wait3A_620] : memref<4x128xf32, #tpu.memory_space<vmem>> -> memref<1x128xf32, #tpu.memory_space<vmem>>
    %dma_wait3A_622 = tpu.memref_squeeze %dma_wait3A_621 : memref<1x128xf32, #tpu.memory_space<vmem>> -> memref<128xf32, #tpu.memory_space<vmem>>
    %dma_wait3A_623 = arith.constant 0 : i32
    %dma_wait3A_624 = tpu.memref_slice %arg9[%dma_wait3A_618, %dma_wait3A_623] : memref<4x128xi32, #tpu.memory_space<vmem>> -> memref<1x128xi32, #tpu.memory_space<vmem>>
    %dma_wait3A_625 = tpu.memref_squeeze %dma_wait3A_624 : memref<1x128xi32, #tpu.memory_space<vmem>> -> memref<128xi32, #tpu.memory_space<vmem>>
    %dma_wait3A_626 = arith.constant 0 : i32
    %dma_wait3A_627 = tpu.memref_slice %arg6[%dma_wait3A_626] : memref<100000xf32, #tpu.memory_space<hbm>> -> memref<100000xf32, #tpu.memory_space<hbm>>
    tpu.wait_indirect_dma semaphore(%arg15 : memref<!tpu.dma_semaphore, #tpu.memory_space<semaphore_mem>>) src(%dma_wait3A_627 : memref<100000xf32, #tpu.memory_space<hbm>>) dst(%dma_wait3A_622 : memref<128xf32, #tpu.memory_space<vmem>>)
    %dma_wait3A_628 = arith.constant 1 : i32
    %dma_wait3A_629 = arith.constant 1 : i32
    %dma_wait3A_630 = arith.constant 0 : i32
    %dma_wait3A_631 = tpu.memref_slice %arg11[%dma_wait3A_629, %dma_wait3A_630] : memref<4x128xf32, #tpu.memory_space<vmem>> -> memref<1x128xf32, #tpu.memory_space<vmem>>
    %dma_wait3A_632 = tpu.memref_squeeze %dma_wait3A_631 : memref<1x128xf32, #tpu.memory_space<vmem>> -> memref<128xf32, #tpu.memory_space<vmem>>
    %dma_wait3A_633 = arith.constant 0 : i32
    %dma_wait3A_634 = tpu.memref_slice %arg10[%dma_wait3A_628, %dma_wait3A_633] : memref<4x128xi32, #tpu.memory_space<vmem>> -> memref<1x128xi32, #tpu.memory_space<vmem>>
    %dma_wait3A_635 = tpu.memref_squeeze %dma_wait3A_634 : memref<1x128xi32, #tpu.memory_space<vmem>> -> memref<128xi32, #tpu.memory_space<vmem>>
    %dma_wait3A_636 = arith.constant 0 : i32
    %dma_wait3A_637 = tpu.memref_slice %arg4[%dma_wait3A_636] : memref<524288xf32, #tpu.memory_space<hbm>> -> memref<524288xf32, #tpu.memory_space<hbm>>
    tpu.wait_indirect_dma semaphore(%arg15 : memref<!tpu.dma_semaphore, #tpu.memory_space<semaphore_mem>>) src(%dma_wait3A_637 : memref<524288xf32, #tpu.memory_space<hbm>>) dst(%dma_wait3A_632 : memref<128xf32, #tpu.memory_space<vmem>>)
    %dma_wait3A_638 = arith.constant 1 : i32
    %dma_wait3A_639 = arith.constant 1 : i32
    %dma_wait3A_640 = arith.constant 0 : i32
    %dma_wait3A_641 = tpu.memref_slice %arg12[%dma_wait3A_639, %dma_wait3A_640] : memref<4x128xf32, #tpu.memory_space<vmem>> -> memref<1x128xf32, #tpu.memory_space<vmem>>
    %dma_wait3A_642 = tpu.memref_squeeze %dma_wait3A_641 : memref<1x128xf32, #tpu.memory_space<vmem>> -> memref<128xf32, #tpu.memory_space<vmem>>
    %dma_wait3A_643 = arith.constant 0 : i32
    %dma_wait3A_644 = tpu.memref_slice %arg8[%dma_wait3A_638, %dma_wait3A_643] : memref<4x128xi32, #tpu.memory_space<vmem>> -> memref<1x128xi32, #tpu.memory_space<vmem>>
    %dma_wait3A_645 = tpu.memref_squeeze %dma_wait3A_644 : memref<1x128xi32, #tpu.memory_space<vmem>> -> memref<128xi32, #tpu.memory_space<vmem>>
    %dma_wait3A_646 = arith.constant 0 : i32
    %dma_wait3A_647 = tpu.memref_slice %arg5[%dma_wait3A_646] : memref<1000000xf32, #tpu.memory_space<hbm>> -> memref<1000000xf32, #tpu.memory_space<hbm>>
    tpu.wait_indirect_dma semaphore(%arg15 : memref<!tpu.dma_semaphore, #tpu.memory_space<semaphore_mem>>) src(%dma_wait3A_647 : memref<1000000xf32, #tpu.memory_space<hbm>>) dst(%dma_wait3A_642 : memref<128xf32, #tpu.memory_space<vmem>>)
    %dma_wait3A_648 = arith.constant 1 : i32
    %dma_wait3A_649 = arith.constant 1 : i32
    %dma_wait3A_650 = arith.constant 0 : i32
    %dma_wait3A_651 = tpu.memref_slice %arg13[%dma_wait3A_649, %dma_wait3A_650] : memref<4x128xf32, #tpu.memory_space<vmem>> -> memref<1x128xf32, #tpu.memory_space<vmem>>
    %dma_wait3A_652 = tpu.memref_squeeze %dma_wait3A_651 : memref<1x128xf32, #tpu.memory_space<vmem>> -> memref<128xf32, #tpu.memory_space<vmem>>
    %dma_wait3A_653 = arith.constant 0 : i32
    %dma_wait3A_654 = tpu.memref_slice %arg9[%dma_wait3A_648, %dma_wait3A_653] : memref<4x128xi32, #tpu.memory_space<vmem>> -> memref<1x128xi32, #tpu.memory_space<vmem>>
    %dma_wait3A_655 = tpu.memref_squeeze %dma_wait3A_654 : memref<1x128xi32, #tpu.memory_space<vmem>> -> memref<128xi32, #tpu.memory_space<vmem>>
    %dma_wait3A_656 = arith.constant 0 : i32
    %dma_wait3A_657 = tpu.memref_slice %arg6[%dma_wait3A_656] : memref<100000xf32, #tpu.memory_space<hbm>> -> memref<100000xf32, #tpu.memory_space<hbm>>
    tpu.wait_indirect_dma semaphore(%arg15 : memref<!tpu.dma_semaphore, #tpu.memory_space<semaphore_mem>>) src(%dma_wait3A_657 : memref<100000xf32, #tpu.memory_space<hbm>>) dst(%dma_wait3A_652 : memref<128xf32, #tpu.memory_space<vmem>>)
    %dma_wait3A_658 = arith.constant 2 : i32
    %dma_wait3A_659 = arith.constant 2 : i32
    %dma_wait3A_660 = arith.constant 0 : i32
    %dma_wait3A_661 = tpu.memref_slice %arg11[%dma_wait3A_659, %dma_wait3A_660] : memref<4x128xf32, #tpu.memory_space<vmem>> -> memref<1x128xf32, #tpu.memory_space<vmem>>
    %dma_wait3A_662 = tpu.memref_squeeze %dma_wait3A_661 : memref<1x128xf32, #tpu.memory_space<vmem>> -> memref<128xf32, #tpu.memory_space<vmem>>
    %dma_wait3A_663 = arith.constant 0 : i32
    %dma_wait3A_664 = tpu.memref_slice %arg10[%dma_wait3A_658, %dma_wait3A_663] : memref<4x128xi32, #tpu.memory_space<vmem>> -> memref<1x128xi32, #tpu.memory_space<vmem>>
    %dma_wait3A_665 = tpu.memref_squeeze %dma_wait3A_664 : memref<1x128xi32, #tpu.memory_space<vmem>> -> memref<128xi32, #tpu.memory_space<vmem>>
    %dma_wait3A_666 = arith.constant 0 : i32
    %dma_wait3A_667 = tpu.memref_slice %arg4[%dma_wait3A_666] : memref<524288xf32, #tpu.memory_space<hbm>> -> memref<524288xf32, #tpu.memory_space<hbm>>
    tpu.wait_indirect_dma semaphore(%arg15 : memref<!tpu.dma_semaphore, #tpu.memory_space<semaphore_mem>>) src(%dma_wait3A_667 : memref<524288xf32, #tpu.memory_space<hbm>>) dst(%dma_wait3A_662 : memref<128xf32, #tpu.memory_space<vmem>>)
    %dma_wait3A_668 = arith.constant 2 : i32
    %dma_wait3A_669 = arith.constant 2 : i32
    %dma_wait3A_670 = arith.constant 0 : i32
    %dma_wait3A_671 = tpu.memref_slice %arg12[%dma_wait3A_669, %dma_wait3A_670] : memref<4x128xf32, #tpu.memory_space<vmem>> -> memref<1x128xf32, #tpu.memory_space<vmem>>
    %dma_wait3A_672 = tpu.memref_squeeze %dma_wait3A_671 : memref<1x128xf32, #tpu.memory_space<vmem>> -> memref<128xf32, #tpu.memory_space<vmem>>
    %dma_wait3A_673 = arith.constant 0 : i32
    %dma_wait3A_674 = tpu.memref_slice %arg8[%dma_wait3A_668, %dma_wait3A_673] : memref<4x128xi32, #tpu.memory_space<vmem>> -> memref<1x128xi32, #tpu.memory_space<vmem>>
    %dma_wait3A_675 = tpu.memref_squeeze %dma_wait3A_674 : memref<1x128xi32, #tpu.memory_space<vmem>> -> memref<128xi32, #tpu.memory_space<vmem>>
    %dma_wait3A_676 = arith.constant 0 : i32
    %dma_wait3A_677 = tpu.memref_slice %arg5[%dma_wait3A_676] : memref<1000000xf32, #tpu.memory_space<hbm>> -> memref<1000000xf32, #tpu.memory_space<hbm>>
    tpu.wait_indirect_dma semaphore(%arg15 : memref<!tpu.dma_semaphore, #tpu.memory_space<semaphore_mem>>) src(%dma_wait3A_677 : memref<1000000xf32, #tpu.memory_space<hbm>>) dst(%dma_wait3A_672 : memref<128xf32, #tpu.memory_space<vmem>>)
    %dma_wait3A_678 = arith.constant 2 : i32
    %dma_wait3A_679 = arith.constant 2 : i32
    %dma_wait3A_680 = arith.constant 0 : i32
    %dma_wait3A_681 = tpu.memref_slice %arg13[%dma_wait3A_679, %dma_wait3A_680] : memref<4x128xf32, #tpu.memory_space<vmem>> -> memref<1x128xf32, #tpu.memory_space<vmem>>
    %dma_wait3A_682 = tpu.memref_squeeze %dma_wait3A_681 : memref<1x128xf32, #tpu.memory_space<vmem>> -> memref<128xf32, #tpu.memory_space<vmem>>
    %dma_wait3A_683 = arith.constant 0 : i32
    %dma_wait3A_684 = tpu.memref_slice %arg9[%dma_wait3A_678, %dma_wait3A_683] : memref<4x128xi32, #tpu.memory_space<vmem>> -> memref<1x128xi32, #tpu.memory_space<vmem>>
    %dma_wait3A_685 = tpu.memref_squeeze %dma_wait3A_684 : memref<1x128xi32, #tpu.memory_space<vmem>> -> memref<128xi32, #tpu.memory_space<vmem>>
    %dma_wait3A_686 = arith.constant 0 : i32
    %dma_wait3A_687 = tpu.memref_slice %arg6[%dma_wait3A_686] : memref<100000xf32, #tpu.memory_space<hbm>> -> memref<100000xf32, #tpu.memory_space<hbm>>
    tpu.wait_indirect_dma semaphore(%arg15 : memref<!tpu.dma_semaphore, #tpu.memory_space<semaphore_mem>>) src(%dma_wait3A_687 : memref<100000xf32, #tpu.memory_space<hbm>>) dst(%dma_wait3A_682 : memref<128xf32, #tpu.memory_space<vmem>>)
    %dma_wait3A_688 = arith.constant 3 : i32
    %dma_wait3A_689 = arith.constant 3 : i32
    %dma_wait3A_690 = arith.constant 0 : i32
    %dma_wait3A_691 = tpu.memref_slice %arg11[%dma_wait3A_689, %dma_wait3A_690] : memref<4x128xf32, #tpu.memory_space<vmem>> -> memref<1x128xf32, #tpu.memory_space<vmem>>
    %dma_wait3A_692 = tpu.memref_squeeze %dma_wait3A_691 : memref<1x128xf32, #tpu.memory_space<vmem>> -> memref<128xf32, #tpu.memory_space<vmem>>
    %dma_wait3A_693 = arith.constant 0 : i32
    %dma_wait3A_694 = tpu.memref_slice %arg10[%dma_wait3A_688, %dma_wait3A_693] : memref<4x128xi32, #tpu.memory_space<vmem>> -> memref<1x128xi32, #tpu.memory_space<vmem>>
    %dma_wait3A_695 = tpu.memref_squeeze %dma_wait3A_694 : memref<1x128xi32, #tpu.memory_space<vmem>> -> memref<128xi32, #tpu.memory_space<vmem>>
    %dma_wait3A_696 = arith.constant 0 : i32
    %dma_wait3A_697 = tpu.memref_slice %arg4[%dma_wait3A_696] : memref<524288xf32, #tpu.memory_space<hbm>> -> memref<524288xf32, #tpu.memory_space<hbm>>
    tpu.wait_indirect_dma semaphore(%arg15 : memref<!tpu.dma_semaphore, #tpu.memory_space<semaphore_mem>>) src(%dma_wait3A_697 : memref<524288xf32, #tpu.memory_space<hbm>>) dst(%dma_wait3A_692 : memref<128xf32, #tpu.memory_space<vmem>>)
    %dma_wait3A_698 = arith.constant 3 : i32
    %dma_wait3A_699 = arith.constant 3 : i32
    %dma_wait3A_700 = arith.constant 0 : i32
    %dma_wait3A_701 = tpu.memref_slice %arg12[%dma_wait3A_699, %dma_wait3A_700] : memref<4x128xf32, #tpu.memory_space<vmem>> -> memref<1x128xf32, #tpu.memory_space<vmem>>
    %dma_wait3A_702 = tpu.memref_squeeze %dma_wait3A_701 : memref<1x128xf32, #tpu.memory_space<vmem>> -> memref<128xf32, #tpu.memory_space<vmem>>
    %dma_wait3A_703 = arith.constant 0 : i32
    %dma_wait3A_704 = tpu.memref_slice %arg8[%dma_wait3A_698, %dma_wait3A_703] : memref<4x128xi32, #tpu.memory_space<vmem>> -> memref<1x128xi32, #tpu.memory_space<vmem>>
    %dma_wait3A_705 = tpu.memref_squeeze %dma_wait3A_704 : memref<1x128xi32, #tpu.memory_space<vmem>> -> memref<128xi32, #tpu.memory_space<vmem>>
    %dma_wait3A_706 = arith.constant 0 : i32
    %dma_wait3A_707 = tpu.memref_slice %arg5[%dma_wait3A_706] : memref<1000000xf32, #tpu.memory_space<hbm>> -> memref<1000000xf32, #tpu.memory_space<hbm>>
    tpu.wait_indirect_dma semaphore(%arg15 : memref<!tpu.dma_semaphore, #tpu.memory_space<semaphore_mem>>) src(%dma_wait3A_707 : memref<1000000xf32, #tpu.memory_space<hbm>>) dst(%dma_wait3A_702 : memref<128xf32, #tpu.memory_space<vmem>>)
    %dma_wait3A_708 = arith.constant 3 : i32
    %dma_wait3A_709 = arith.constant 3 : i32
    %dma_wait3A_710 = arith.constant 0 : i32
    %dma_wait3A_711 = tpu.memref_slice %arg13[%dma_wait3A_709, %dma_wait3A_710] : memref<4x128xf32, #tpu.memory_space<vmem>> -> memref<1x128xf32, #tpu.memory_space<vmem>>
    %dma_wait3A_712 = tpu.memref_squeeze %dma_wait3A_711 : memref<1x128xf32, #tpu.memory_space<vmem>> -> memref<128xf32, #tpu.memory_space<vmem>>
    %dma_wait3A_713 = arith.constant 0 : i32
    %dma_wait3A_714 = tpu.memref_slice %arg9[%dma_wait3A_708, %dma_wait3A_713] : memref<4x128xi32, #tpu.memory_space<vmem>> -> memref<1x128xi32, #tpu.memory_space<vmem>>
    %dma_wait3A_715 = tpu.memref_squeeze %dma_wait3A_714 : memref<1x128xi32, #tpu.memory_space<vmem>> -> memref<128xi32, #tpu.memory_space<vmem>>
    %dma_wait3A_716 = arith.constant 0 : i32
    %dma_wait3A_717 = tpu.memref_slice %arg6[%dma_wait3A_716] : memref<100000xf32, #tpu.memory_space<hbm>> -> memref<100000xf32, #tpu.memory_space<hbm>>
    tpu.wait_indirect_dma semaphore(%arg15 : memref<!tpu.dma_semaphore, #tpu.memory_space<semaphore_mem>>) src(%dma_wait3A_717 : memref<100000xf32, #tpu.memory_space<hbm>>) dst(%dma_wait3A_712 : memref<128xf32, #tpu.memory_space<vmem>>)
    %get3A_718 = arith.constant 0 : i32
    %get3A_719 = arith.index_cast %get3A_718 : i32 to index
    %get3A_720 = arith.constant 0 : index
    %get3A_721 = tpu.vector_load %arg8[%get3A_719, %get3A_720] {strides = array<i32>} : memref<4x128xi32, #tpu.memory_space<vmem>>, vector<16xi32>,
    %lt3A_722 = arith.constant 524288 : i32
    %lt3A_723 = vector.broadcast %lt3A_722 : i32 to vector<16xi32>
    %lt3A_724 = arith.cmpi slt, %get3A_721, %lt3A_723 : vector<16xi32>
    %get3A_725 = arith.constant 0 : i32
    %get3A_726 = arith.index_cast %get3A_725 : i32 to index
    %get3A_727 = arith.constant 0 : index
    %get3A_728 = tpu.vector_load %arg11[%get3A_726, %get3A_727] {strides = array<i32>} : memref<4x128xf32, #tpu.memory_space<vmem>>, vector<16xf32>,
    %get3A_729 = arith.constant 0 : i32
    %get3A_730 = arith.index_cast %get3A_729 : i32 to index
    %get3A_731 = arith.constant 0 : index
    %get3A_732 = tpu.vector_load %arg12[%get3A_730, %get3A_731] {strides = array<i32>} : memref<4x128xf32, #tpu.memory_space<vmem>>, vector<16xf32>,
    %select_n3A_733 = arith.select %lt3A_724, %get3A_728, %get3A_732 : vector<16xi1>, vector<16xf32>
    %get3A_734 = arith.constant 0 : i32
    %get3A_735 = arith.index_cast %get3A_734 : i32 to index
    %get3A_736 = arith.constant 0 : index
    %get3A_737 = tpu.vector_load %arg13[%get3A_735, %get3A_736] {strides = array<i32>} : memref<4x128xf32, #tpu.memory_space<vmem>>, vector<16xf32>,
    %sub3A_738 = arith.subf %select_n3A_733, %get3A_737 : vector<16xf32>
    %neg3A = arith.constant 0.000000e+00 : f32
    %neg3A_739 = vector.broadcast %neg3A : f32 to vector<16xf32>
    %neg3A_740 = arith.subf %neg3A_739, %sub3A_738 : vector<16xf32>
    %exp3A = math.exp %neg3A_740 : vector<16xf32>
    %add3A_741 = arith.constant 1.000000e+00 : f32
    %add3A_742 = vector.broadcast %add3A_741 : f32 to vector<16xf32>
    %add3A_743 = arith.addf %add3A_742, %exp3A : vector<16xf32>
    %div3A = arith.constant 1.000000e+00 : f32
    %div3A_744 = vector.broadcast %div3A : f32 to vector<16xf32>
    %div3A_745 = arith.divf %div3A_744, %add3A_743 : vector<16xf32>
    %swap3A_746 = arith.constant 0 : index
    %swap3A_747 = tpu.vector_load %arg14[%swap3A_746] {strides = array<i32>} : memref<512xf32, #tpu.memory_space<vmem>>, vector<16xf32>,
    tpu.vector_store %arg14[%swap3A_746], %div3A_745 {strides = array<i32>} : memref<512xf32, #tpu.memory_space<vmem>>, vector<16xf32>,
    %get3A_748 = arith.constant 0 : i32
    %get3A_749 = arith.index_cast %get3A_748 : i32 to index
    %get3A_750 = arith.constant 16 : index
    %get3A_751 = tpu.vector_load %arg8[%get3A_749, %get3A_750] {strides = array<i32>} : memref<4x128xi32, #tpu.memory_space<vmem>>, vector<16xi32>,
    %lt3A_752 = arith.constant 524288 : i32
    %lt3A_753 = vector.broadcast %lt3A_752 : i32 to vector<16xi32>
    %lt3A_754 = arith.cmpi slt, %get3A_751, %lt3A_753 : vector<16xi32>
    %get3A_755 = arith.constant 0 : i32
    %get3A_756 = arith.index_cast %get3A_755 : i32 to index
    %get3A_757 = arith.constant 16 : index
    %get3A_758 = tpu.vector_load %arg11[%get3A_756, %get3A_757] {strides = array<i32>} : memref<4x128xf32, #tpu.memory_space<vmem>>, vector<16xf32>,
    %get3A_759 = arith.constant 0 : i32
    %get3A_760 = arith.index_cast %get3A_759 : i32 to index
    %get3A_761 = arith.constant 16 : index
    %get3A_762 = tpu.vector_load %arg12[%get3A_760, %get3A_761] {strides = array<i32>} : memref<4x128xf32, #tpu.memory_space<vmem>>, vector<16xf32>,
    %select_n3A_763 = arith.select %lt3A_754, %get3A_758, %get3A_762 : vector<16xi1>, vector<16xf32>
    %get3A_764 = arith.constant 0 : i32
    %get3A_765 = arith.index_cast %get3A_764 : i32 to index
    %get3A_766 = arith.constant 16 : index
    %get3A_767 = tpu.vector_load %arg13[%get3A_765, %get3A_766] {strides = array<i32>} : memref<4x128xf32, #tpu.memory_space<vmem>>, vector<16xf32>,
    %sub3A_768 = arith.subf %select_n3A_763, %get3A_767 : vector<16xf32>
    %neg3A_769 = arith.constant 0.000000e+00 : f32
    %neg3A_770 = vector.broadcast %neg3A_769 : f32 to vector<16xf32>
    %neg3A_771 = arith.subf %neg3A_770, %sub3A_768 : vector<16xf32>
    %exp3A_772 = math.exp %neg3A_771 : vector<16xf32>
    %add3A_773 = arith.constant 1.000000e+00 : f32
    %add3A_774 = vector.broadcast %add3A_773 : f32 to vector<16xf32>
    %add3A_775 = arith.addf %add3A_774, %exp3A_772 : vector<16xf32>
    %div3A_776 = arith.constant 1.000000e+00 : f32
    %div3A_777 = vector.broadcast %div3A_776 : f32 to vector<16xf32>
    %div3A_778 = arith.divf %div3A_777, %add3A_775 : vector<16xf32>
    %swap3A_779 = arith.constant 16 : index
    %swap3A_780 = tpu.vector_load %arg14[%swap3A_779] {strides = array<i32>} : memref<512xf32, #tpu.memory_space<vmem>>, vector<16xf32>,
    tpu.vector_store %arg14[%swap3A_779], %div3A_778 {strides = array<i32>} : memref<512xf32, #tpu.memory_space<vmem>>, vector<16xf32>,
    %get3A_781 = arith.constant 0 : i32
    %get3A_782 = arith.index_cast %get3A_781 : i32 to index
    %get3A_783 = arith.constant 32 : index
    %get3A_784 = tpu.vector_load %arg8[%get3A_782, %get3A_783] {strides = array<i32>} : memref<4x128xi32, #tpu.memory_space<vmem>>, vector<16xi32>,
    %lt3A_785 = arith.constant 524288 : i32
    %lt3A_786 = vector.broadcast %lt3A_785 : i32 to vector<16xi32>
    %lt3A_787 = arith.cmpi slt, %get3A_784, %lt3A_786 : vector<16xi32>
    %get3A_788 = arith.constant 0 : i32
    %get3A_789 = arith.index_cast %get3A_788 : i32 to index
    %get3A_790 = arith.constant 32 : index
    %get3A_791 = tpu.vector_load %arg11[%get3A_789, %get3A_790] {strides = array<i32>} : memref<4x128xf32, #tpu.memory_space<vmem>>, vector<16xf32>,
    %get3A_792 = arith.constant 0 : i32
    %get3A_793 = arith.index_cast %get3A_792 : i32 to index
    %get3A_794 = arith.constant 32 : index
    %get3A_795 = tpu.vector_load %arg12[%get3A_793, %get3A_794] {strides = array<i32>} : memref<4x128xf32, #tpu.memory_space<vmem>>, vector<16xf32>,
    %select_n3A_796 = arith.select %lt3A_787, %get3A_791, %get3A_795 : vector<16xi1>, vector<16xf32>
    %get3A_797 = arith.constant 0 : i32
    %get3A_798 = arith.index_cast %get3A_797 : i32 to index
    %get3A_799 = arith.constant 32 : index
    %get3A_800 = tpu.vector_load %arg13[%get3A_798, %get3A_799] {strides = array<i32>} : memref<4x128xf32, #tpu.memory_space<vmem>>, vector<16xf32>,
    %sub3A_801 = arith.subf %select_n3A_796, %get3A_800 : vector<16xf32>
    %neg3A_802 = arith.constant 0.000000e+00 : f32
    %neg3A_803 = vector.broadcast %neg3A_802 : f32 to vector<16xf32>
    %neg3A_804 = arith.subf %neg3A_803, %sub3A_801 : vector<16xf32>
    %exp3A_805 = math.exp %neg3A_804 : vector<16xf32>
    %add3A_806 = arith.constant 1.000000e+00 : f32
    %add3A_807 = vector.broadcast %add3A_806 : f32 to vector<16xf32>
    %add3A_808 = arith.addf %add3A_807, %exp3A_805 : vector<16xf32>
    %div3A_809 = arith.constant 1.000000e+00 : f32
    %div3A_810 = vector.broadcast %div3A_809 : f32 to vector<16xf32>
    %div3A_811 = arith.divf %div3A_810, %add3A_808 : vector<16xf32>
    %swap3A_812 = arith.constant 32 : index
    %swap3A_813 = tpu.vector_load %arg14[%swap3A_812] {strides = array<i32>} : memref<512xf32, #tpu.memory_space<vmem>>, vector<16xf32>,
    tpu.vector_store %arg14[%swap3A_812], %div3A_811 {strides = array<i32>} : memref<512xf32, #tpu.memory_space<vmem>>, vector<16xf32>,
    %get3A_814 = arith.constant 0 : i32
    %get3A_815 = arith.index_cast %get3A_814 : i32 to index
    %get3A_816 = arith.constant 48 : index
    %get3A_817 = tpu.vector_load %arg8[%get3A_815, %get3A_816] {strides = array<i32>} : memref<4x128xi32, #tpu.memory_space<vmem>>, vector<16xi32>,
    %lt3A_818 = arith.constant 524288 : i32
    %lt3A_819 = vector.broadcast %lt3A_818 : i32 to vector<16xi32>
    %lt3A_820 = arith.cmpi slt, %get3A_817, %lt3A_819 : vector<16xi32>
    %get3A_821 = arith.constant 0 : i32
    %get3A_822 = arith.index_cast %get3A_821 : i32 to index
    %get3A_823 = arith.constant 48 : index
    %get3A_824 = tpu.vector_load %arg11[%get3A_822, %get3A_823] {strides = array<i32>} : memref<4x128xf32, #tpu.memory_space<vmem>>, vector<16xf32>,
    %get3A_825 = arith.constant 0 : i32
    %get3A_826 = arith.index_cast %get3A_825 : i32 to index
    %get3A_827 = arith.constant 48 : index
    %get3A_828 = tpu.vector_load %arg12[%get3A_826, %get3A_827] {strides = array<i32>} : memref<4x128xf32, #tpu.memory_space<vmem>>, vector<16xf32>,
    %select_n3A_829 = arith.select %lt3A_820, %get3A_824, %get3A_828 : vector<16xi1>, vector<16xf32>
    %get3A_830 = arith.constant 0 : i32
    %get3A_831 = arith.index_cast %get3A_830 : i32 to index
    %get3A_832 = arith.constant 48 : index
    %get3A_833 = tpu.vector_load %arg13[%get3A_831, %get3A_832] {strides = array<i32>} : memref<4x128xf32, #tpu.memory_space<vmem>>, vector<16xf32>,
    %sub3A_834 = arith.subf %select_n3A_829, %get3A_833 : vector<16xf32>
    %neg3A_835 = arith.constant 0.000000e+00 : f32
    %neg3A_836 = vector.broadcast %neg3A_835 : f32 to vector<16xf32>
    %neg3A_837 = arith.subf %neg3A_836, %sub3A_834 : vector<16xf32>
    %exp3A_838 = math.exp %neg3A_837 : vector<16xf32>
    %add3A_839 = arith.constant 1.000000e+00 : f32
    %add3A_840 = vector.broadcast %add3A_839 : f32 to vector<16xf32>
    %add3A_841 = arith.addf %add3A_840, %exp3A_838 : vector<16xf32>
    %div3A_842 = arith.constant 1.000000e+00 : f32
    %div3A_843 = vector.broadcast %div3A_842 : f32 to vector<16xf32>
    %div3A_844 = arith.divf %div3A_843, %add3A_841 : vector<16xf32>
    %swap3A_845 = arith.constant 48 : index
    %swap3A_846 = tpu.vector_load %arg14[%swap3A_845] {strides = array<i32>} : memref<512xf32, #tpu.memory_space<vmem>>, vector<16xf32>,
    tpu.vector_store %arg14[%swap3A_845], %div3A_844 {strides = array<i32>} : memref<512xf32, #tpu.memory_space<vmem>>, vector<16xf32>,
    %get3A_847 = arith.constant 0 : i32
    %get3A_848 = arith.index_cast %get3A_847 : i32 to index
    %get3A_849 = arith.constant 64 : index
    %get3A_850 = tpu.vector_load %arg8[%get3A_848, %get3A_849] {strides = array<i32>} : memref<4x128xi32, #tpu.memory_space<vmem>>, vector<16xi32>,
    %lt3A_851 = arith.constant 524288 : i32
    %lt3A_852 = vector.broadcast %lt3A_851 : i32 to vector<16xi32>
    %lt3A_853 = arith.cmpi slt, %get3A_850, %lt3A_852 : vector<16xi32>
    %get3A_854 = arith.constant 0 : i32
    %get3A_855 = arith.index_cast %get3A_854 : i32 to index
    %get3A_856 = arith.constant 64 : index
    %get3A_857 = tpu.vector_load %arg11[%get3A_855, %get3A_856] {strides = array<i32>} : memref<4x128xf32, #tpu.memory_space<vmem>>, vector<16xf32>,
    %get3A_858 = arith.constant 0 : i32
    %get3A_859 = arith.index_cast %get3A_858 : i32 to index
    %get3A_860 = arith.constant 64 : index
    %get3A_861 = tpu.vector_load %arg12[%get3A_859, %get3A_860] {strides = array<i32>} : memref<4x128xf32, #tpu.memory_space<vmem>>, vector<16xf32>,
    %select_n3A_862 = arith.select %lt3A_853, %get3A_857, %get3A_861 : vector<16xi1>, vector<16xf32>
    %get3A_863 = arith.constant 0 : i32
    %get3A_864 = arith.index_cast %get3A_863 : i32 to index
    %get3A_865 = arith.constant 64 : index
    %get3A_866 = tpu.vector_load %arg13[%get3A_864, %get3A_865] {strides = array<i32>} : memref<4x128xf32, #tpu.memory_space<vmem>>, vector<16xf32>,
    %sub3A_867 = arith.subf %select_n3A_862, %get3A_866 : vector<16xf32>
    %neg3A_868 = arith.constant 0.000000e+00 : f32
    %neg3A_869 = vector.broadcast %neg3A_868 : f32 to vector<16xf32>
    %neg3A_870 = arith.subf %neg3A_869, %sub3A_867 : vector<16xf32>
    %exp3A_871 = math.exp %neg3A_870 : vector<16xf32>
    %add3A_872 = arith.constant 1.000000e+00 : f32
    %add3A_873 = vector.broadcast %add3A_872 : f32 to vector<16xf32>
    %add3A_874 = arith.addf %add3A_873, %exp3A_871 : vector<16xf32>
    %div3A_875 = arith.constant 1.000000e+00 : f32
    %div3A_876 = vector.broadcast %div3A_875 : f32 to vector<16xf32>
    %div3A_877 = arith.divf %div3A_876, %add3A_874 : vector<16xf32>
    %swap3A_878 = arith.constant 64 : index
    %swap3A_879 = tpu.vector_load %arg14[%swap3A_878] {strides = array<i32>} : memref<512xf32, #tpu.memory_space<vmem>>, vector<16xf32>,
    tpu.vector_store %arg14[%swap3A_878], %div3A_877 {strides = array<i32>} : memref<512xf32, #tpu.memory_space<vmem>>, vector<16xf32>,
    %get3A_880 = arith.constant 0 : i32
    %get3A_881 = arith.index_cast %get3A_880 : i32 to index
    %get3A_882 = arith.constant 80 : index
    %get3A_883 = tpu.vector_load %arg8[%get3A_881, %get3A_882] {strides = array<i32>} : memref<4x128xi32, #tpu.memory_space<vmem>>, vector<16xi32>,
    %lt3A_884 = arith.constant 524288 : i32
    %lt3A_885 = vector.broadcast %lt3A_884 : i32 to vector<16xi32>
    %lt3A_886 = arith.cmpi slt, %get3A_883, %lt3A_885 : vector<16xi32>
    %get3A_887 = arith.constant 0 : i32
    %get3A_888 = arith.index_cast %get3A_887 : i32 to index
    %get3A_889 = arith.constant 80 : index
    %get3A_890 = tpu.vector_load %arg11[%get3A_888, %get3A_889] {strides = array<i32>} : memref<4x128xf32, #tpu.memory_space<vmem>>, vector<16xf32>,
    %get3A_891 = arith.constant 0 : i32
    %get3A_892 = arith.index_cast %get3A_891 : i32 to index
    %get3A_893 = arith.constant 80 : index
    %get3A_894 = tpu.vector_load %arg12[%get3A_892, %get3A_893] {strides = array<i32>} : memref<4x128xf32, #tpu.memory_space<vmem>>, vector<16xf32>,
    %select_n3A_895 = arith.select %lt3A_886, %get3A_890, %get3A_894 : vector<16xi1>, vector<16xf32>
    %get3A_896 = arith.constant 0 : i32
    %get3A_897 = arith.index_cast %get3A_896 : i32 to index
    %get3A_898 = arith.constant 80 : index
    %get3A_899 = tpu.vector_load %arg13[%get3A_897, %get3A_898] {strides = array<i32>} : memref<4x128xf32, #tpu.memory_space<vmem>>, vector<16xf32>,
    %sub3A_900 = arith.subf %select_n3A_895, %get3A_899 : vector<16xf32>
    %neg3A_901 = arith.constant 0.000000e+00 : f32
    %neg3A_902 = vector.broadcast %neg3A_901 : f32 to vector<16xf32>
    %neg3A_903 = arith.subf %neg3A_902, %sub3A_900 : vector<16xf32>
    %exp3A_904 = math.exp %neg3A_903 : vector<16xf32>
    %add3A_905 = arith.constant 1.000000e+00 : f32
    %add3A_906 = vector.broadcast %add3A_905 : f32 to vector<16xf32>
    %add3A_907 = arith.addf %add3A_906, %exp3A_904 : vector<16xf32>
    %div3A_908 = arith.constant 1.000000e+00 : f32
    %div3A_909 = vector.broadcast %div3A_908 : f32 to vector<16xf32>
    %div3A_910 = arith.divf %div3A_909, %add3A_907 : vector<16xf32>
    %swap3A_911 = arith.constant 80 : index
    %swap3A_912 = tpu.vector_load %arg14[%swap3A_911] {strides = array<i32>} : memref<512xf32, #tpu.memory_space<vmem>>, vector<16xf32>,
    tpu.vector_store %arg14[%swap3A_911], %div3A_910 {strides = array<i32>} : memref<512xf32, #tpu.memory_space<vmem>>, vector<16xf32>,
    %get3A_913 = arith.constant 0 : i32
    %get3A_914 = arith.index_cast %get3A_913 : i32 to index
    %get3A_915 = arith.constant 96 : index
    %get3A_916 = tpu.vector_load %arg8[%get3A_914, %get3A_915] {strides = array<i32>} : memref<4x128xi32, #tpu.memory_space<vmem>>, vector<16xi32>,
    %lt3A_917 = arith.constant 524288 : i32
    %lt3A_918 = vector.broadcast %lt3A_917 : i32 to vector<16xi32>
    %lt3A_919 = arith.cmpi slt, %get3A_916, %lt3A_918 : vector<16xi32>
    %get3A_920 = arith.constant 0 : i32
    %get3A_921 = arith.index_cast %get3A_920 : i32 to index
    %get3A_922 = arith.constant 96 : index
    %get3A_923 = tpu.vector_load %arg11[%get3A_921, %get3A_922] {strides = array<i32>} : memref<4x128xf32, #tpu.memory_space<vmem>>, vector<16xf32>,
    %get3A_924 = arith.constant 0 : i32
    %get3A_925 = arith.index_cast %get3A_924 : i32 to index
    %get3A_926 = arith.constant 96 : index
    %get3A_927 = tpu.vector_load %arg12[%get3A_925, %get3A_926] {strides = array<i32>} : memref<4x128xf32, #tpu.memory_space<vmem>>, vector<16xf32>,
    %select_n3A_928 = arith.select %lt3A_919, %get3A_923, %get3A_927 : vector<16xi1>, vector<16xf32>
    %get3A_929 = arith.constant 0 : i32
    %get3A_930 = arith.index_cast %get3A_929 : i32 to index
    %get3A_931 = arith.constant 96 : index
    %get3A_932 = tpu.vector_load %arg13[%get3A_930, %get3A_931] {strides = array<i32>} : memref<4x128xf32, #tpu.memory_space<vmem>>, vector<16xf32>,
    %sub3A_933 = arith.subf %select_n3A_928, %get3A_932 : vector<16xf32>
    %neg3A_934 = arith.constant 0.000000e+00 : f32
    %neg3A_935 = vector.broadcast %neg3A_934 : f32 to vector<16xf32>
    %neg3A_936 = arith.subf %neg3A_935, %sub3A_933 : vector<16xf32>
    %exp3A_937 = math.exp %neg3A_936 : vector<16xf32>
    %add3A_938 = arith.constant 1.000000e+00 : f32
    %add3A_939 = vector.broadcast %add3A_938 : f32 to vector<16xf32>
    %add3A_940 = arith.addf %add3A_939, %exp3A_937 : vector<16xf32>
    %div3A_941 = arith.constant 1.000000e+00 : f32
    %div3A_942 = vector.broadcast %div3A_941 : f32 to vector<16xf32>
    %div3A_943 = arith.divf %div3A_942, %add3A_940 : vector<16xf32>
    %swap3A_944 = arith.constant 96 : index
    %swap3A_945 = tpu.vector_load %arg14[%swap3A_944] {strides = array<i32>} : memref<512xf32, #tpu.memory_space<vmem>>, vector<16xf32>,
    tpu.vector_store %arg14[%swap3A_944], %div3A_943 {strides = array<i32>} : memref<512xf32, #tpu.memory_space<vmem>>, vector<16xf32>,
    %get3A_946 = arith.constant 0 : i32
    %get3A_947 = arith.index_cast %get3A_946 : i32 to index
    %get3A_948 = arith.constant 112 : index
    %get3A_949 = tpu.vector_load %arg8[%get3A_947, %get3A_948] {strides = array<i32>} : memref<4x128xi32, #tpu.memory_space<vmem>>, vector<16xi32>,
    %lt3A_950 = arith.constant 524288 : i32
    %lt3A_951 = vector.broadcast %lt3A_950 : i32 to vector<16xi32>
    %lt3A_952 = arith.cmpi slt, %get3A_949, %lt3A_951 : vector<16xi32>
    %get3A_953 = arith.constant 0 : i32
    %get3A_954 = arith.index_cast %get3A_953 : i32 to index
    %get3A_955 = arith.constant 112 : index
    %get3A_956 = tpu.vector_load %arg11[%get3A_954, %get3A_955] {strides = array<i32>} : memref<4x128xf32, #tpu.memory_space<vmem>>, vector<16xf32>,
    %get3A_957 = arith.constant 0 : i32
    %get3A_958 = arith.index_cast %get3A_957 : i32 to index
    %get3A_959 = arith.constant 112 : index
    %get3A_960 = tpu.vector_load %arg12[%get3A_958, %get3A_959] {strides = array<i32>} : memref<4x128xf32, #tpu.memory_space<vmem>>, vector<16xf32>,
    %select_n3A_961 = arith.select %lt3A_952, %get3A_956, %get3A_960 : vector<16xi1>, vector<16xf32>
    %get3A_962 = arith.constant 0 : i32
    %get3A_963 = arith.index_cast %get3A_962 : i32 to index
    %get3A_964 = arith.constant 112 : index
    %get3A_965 = tpu.vector_load %arg13[%get3A_963, %get3A_964] {strides = array<i32>} : memref<4x128xf32, #tpu.memory_space<vmem>>, vector<16xf32>,
    %sub3A_966 = arith.subf %select_n3A_961, %get3A_965 : vector<16xf32>
    %neg3A_967 = arith.constant 0.000000e+00 : f32
    %neg3A_968 = vector.broadcast %neg3A_967 : f32 to vector<16xf32>
    %neg3A_969 = arith.subf %neg3A_968, %sub3A_966 : vector<16xf32>
    %exp3A_970 = math.exp %neg3A_969 : vector<16xf32>
    %add3A_971 = arith.constant 1.000000e+00 : f32
    %add3A_972 = vector.broadcast %add3A_971 : f32 to vector<16xf32>
    %add3A_973 = arith.addf %add3A_972, %exp3A_970 : vector<16xf32>
    %div3A_974 = arith.constant 1.000000e+00 : f32
    %div3A_975 = vector.broadcast %div3A_974 : f32 to vector<16xf32>
    %div3A_976 = arith.divf %div3A_975, %add3A_973 : vector<16xf32>
    %swap3A_977 = arith.constant 112 : index
    %swap3A_978 = tpu.vector_load %arg14[%swap3A_977] {strides = array<i32>} : memref<512xf32, #tpu.memory_space<vmem>>, vector<16xf32>,
    tpu.vector_store %arg14[%swap3A_977], %div3A_976 {strides = array<i32>} : memref<512xf32, #tpu.memory_space<vmem>>, vector<16xf32>,
    %get3A_979 = arith.constant 1 : i32
    %get3A_980 = arith.index_cast %get3A_979 : i32 to index
    %get3A_981 = arith.constant 0 : index
    %get3A_982 = tpu.vector_load %arg8[%get3A_980, %get3A_981] {strides = array<i32>} : memref<4x128xi32, #tpu.memory_space<vmem>>, vector<16xi32>,
    %lt3A_983 = arith.constant 524288 : i32
    %lt3A_984 = vector.broadcast %lt3A_983 : i32 to vector<16xi32>
    %lt3A_985 = arith.cmpi slt, %get3A_982, %lt3A_984 : vector<16xi32>
    %get3A_986 = arith.constant 1 : i32
    %get3A_987 = arith.index_cast %get3A_986 : i32 to index
    %get3A_988 = arith.constant 0 : index
    %get3A_989 = tpu.vector_load %arg11[%get3A_987, %get3A_988] {strides = array<i32>} : memref<4x128xf32, #tpu.memory_space<vmem>>, vector<16xf32>,
    %get3A_990 = arith.constant 1 : i32
    %get3A_991 = arith.index_cast %get3A_990 : i32 to index
    %get3A_992 = arith.constant 0 : index
    %get3A_993 = tpu.vector_load %arg12[%get3A_991, %get3A_992] {strides = array<i32>} : memref<4x128xf32, #tpu.memory_space<vmem>>, vector<16xf32>,
    %select_n3A_994 = arith.select %lt3A_985, %get3A_989, %get3A_993 : vector<16xi1>, vector<16xf32>
    %get3A_995 = arith.constant 1 : i32
    %get3A_996 = arith.index_cast %get3A_995 : i32 to index
    %get3A_997 = arith.constant 0 : index
    %get3A_998 = tpu.vector_load %arg13[%get3A_996, %get3A_997] {strides = array<i32>} : memref<4x128xf32, #tpu.memory_space<vmem>>, vector<16xf32>,
    %sub3A_999 = arith.subf %select_n3A_994, %get3A_998 : vector<16xf32>
    %neg3A_1000 = arith.constant 0.000000e+00 : f32
    %neg3A_1001 = vector.broadcast %neg3A_1000 : f32 to vector<16xf32>
    %neg3A_1002 = arith.subf %neg3A_1001, %sub3A_999 : vector<16xf32>
    %exp3A_1003 = math.exp %neg3A_1002 : vector<16xf32>
    %add3A_1004 = arith.constant 1.000000e+00 : f32
    %add3A_1005 = vector.broadcast %add3A_1004 : f32 to vector<16xf32>
    %add3A_1006 = arith.addf %add3A_1005, %exp3A_1003 : vector<16xf32>
    %div3A_1007 = arith.constant 1.000000e+00 : f32
    %div3A_1008 = vector.broadcast %div3A_1007 : f32 to vector<16xf32>
    %div3A_1009 = arith.divf %div3A_1008, %add3A_1006 : vector<16xf32>
    %swap3A_1010 = arith.constant 128 : index
    %swap3A_1011 = tpu.vector_load %arg14[%swap3A_1010] {strides = array<i32>} : memref<512xf32, #tpu.memory_space<vmem>>, vector<16xf32>,
    tpu.vector_store %arg14[%swap3A_1010], %div3A_1009 {strides = array<i32>} : memref<512xf32, #tpu.memory_space<vmem>>, vector<16xf32>,
    %get3A_1012 = arith.constant 1 : i32
    %get3A_1013 = arith.index_cast %get3A_1012 : i32 to index
    %get3A_1014 = arith.constant 16 : index
    %get3A_1015 = tpu.vector_load %arg8[%get3A_1013, %get3A_1014] {strides = array<i32>} : memref<4x128xi32, #tpu.memory_space<vmem>>, vector<16xi32>,
    %lt3A_1016 = arith.constant 524288 : i32
    %lt3A_1017 = vector.broadcast %lt3A_1016 : i32 to vector<16xi32>
    %lt3A_1018 = arith.cmpi slt, %get3A_1015, %lt3A_1017 : vector<16xi32>
    %get3A_1019 = arith.constant 1 : i32
    %get3A_1020 = arith.index_cast %get3A_1019 : i32 to index
    %get3A_1021 = arith.constant 16 : index
    %get3A_1022 = tpu.vector_load %arg11[%get3A_1020, %get3A_1021] {strides = array<i32>} : memref<4x128xf32, #tpu.memory_space<vmem>>, vector<16xf32>,
    %get3A_1023 = arith.constant 1 : i32
    %get3A_1024 = arith.index_cast %get3A_1023 : i32 to index
    %get3A_1025 = arith.constant 16 : index
    %get3A_1026 = tpu.vector_load %arg12[%get3A_1024, %get3A_1025] {strides = array<i32>} : memref<4x128xf32, #tpu.memory_space<vmem>>, vector<16xf32>,
    %select_n3A_1027 = arith.select %lt3A_1018, %get3A_1022, %get3A_1026 : vector<16xi1>, vector<16xf32>
    %get3A_1028 = arith.constant 1 : i32
    %get3A_1029 = arith.index_cast %get3A_1028 : i32 to index
    %get3A_1030 = arith.constant 16 : index
    %get3A_1031 = tpu.vector_load %arg13[%get3A_1029, %get3A_1030] {strides = array<i32>} : memref<4x128xf32, #tpu.memory_space<vmem>>, vector<16xf32>,
    %sub3A_1032 = arith.subf %select_n3A_1027, %get3A_1031 : vector<16xf32>
    %neg3A_1033 = arith.constant 0.000000e+00 : f32
    %neg3A_1034 = vector.broadcast %neg3A_1033 : f32 to vector<16xf32>
    %neg3A_1035 = arith.subf %neg3A_1034, %sub3A_1032 : vector<16xf32>
    %exp3A_1036 = math.exp %neg3A_1035 : vector<16xf32>
    %add3A_1037 = arith.constant 1.000000e+00 : f32
    %add3A_1038 = vector.broadcast %add3A_1037 : f32 to vector<16xf32>
    %add3A_1039 = arith.addf %add3A_1038, %exp3A_1036 : vector<16xf32>
    %div3A_1040 = arith.constant 1.000000e+00 : f32
    %div3A_1041 = vector.broadcast %div3A_1040 : f32 to vector<16xf32>
    %div3A_1042 = arith.divf %div3A_1041, %add3A_1039 : vector<16xf32>
    %swap3A_1043 = arith.constant 144 : index
    %swap3A_1044 = tpu.vector_load %arg14[%swap3A_1043] {strides = array<i32>} : memref<512xf32, #tpu.memory_space<vmem>>, vector<16xf32>,
    tpu.vector_store %arg14[%swap3A_1043], %div3A_1042 {strides = array<i32>} : memref<512xf32, #tpu.memory_space<vmem>>, vector<16xf32>,
    %get3A_1045 = arith.constant 1 : i32
    %get3A_1046 = arith.index_cast %get3A_1045 : i32 to index
    %get3A_1047 = arith.constant 32 : index
    %get3A_1048 = tpu.vector_load %arg8[%get3A_1046, %get3A_1047] {strides = array<i32>} : memref<4x128xi32, #tpu.memory_space<vmem>>, vector<16xi32>,
    %lt3A_1049 = arith.constant 524288 : i32
    %lt3A_1050 = vector.broadcast %lt3A_1049 : i32 to vector<16xi32>
    %lt3A_1051 = arith.cmpi slt, %get3A_1048, %lt3A_1050 : vector<16xi32>
    %get3A_1052 = arith.constant 1 : i32
    %get3A_1053 = arith.index_cast %get3A_1052 : i32 to index
    %get3A_1054 = arith.constant 32 : index
    %get3A_1055 = tpu.vector_load %arg11[%get3A_1053, %get3A_1054] {strides = array<i32>} : memref<4x128xf32, #tpu.memory_space<vmem>>, vector<16xf32>,
    %get3A_1056 = arith.constant 1 : i32
    %get3A_1057 = arith.index_cast %get3A_1056 : i32 to index
    %get3A_1058 = arith.constant 32 : index
    %get3A_1059 = tpu.vector_load %arg12[%get3A_1057, %get3A_1058] {strides = array<i32>} : memref<4x128xf32, #tpu.memory_space<vmem>>, vector<16xf32>,
    %select_n3A_1060 = arith.select %lt3A_1051, %get3A_1055, %get3A_1059 : vector<16xi1>, vector<16xf32>
    %get3A_1061 = arith.constant 1 : i32
    %get3A_1062 = arith.index_cast %get3A_1061 : i32 to index
    %get3A_1063 = arith.constant 32 : index
    %get3A_1064 = tpu.vector_load %arg13[%get3A_1062, %get3A_1063] {strides = array<i32>} : memref<4x128xf32, #tpu.memory_space<vmem>>, vector<16xf32>,
    %sub3A_1065 = arith.subf %select_n3A_1060, %get3A_1064 : vector<16xf32>
    %neg3A_1066 = arith.constant 0.000000e+00 : f32
    %neg3A_1067 = vector.broadcast %neg3A_1066 : f32 to vector<16xf32>
    %neg3A_1068 = arith.subf %neg3A_1067, %sub3A_1065 : vector<16xf32>
    %exp3A_1069 = math.exp %neg3A_1068 : vector<16xf32>
    %add3A_1070 = arith.constant 1.000000e+00 : f32
    %add3A_1071 = vector.broadcast %add3A_1070 : f32 to vector<16xf32>
    %add3A_1072 = arith.addf %add3A_1071, %exp3A_1069 : vector<16xf32>
    %div3A_1073 = arith.constant 1.000000e+00 : f32
    %div3A_1074 = vector.broadcast %div3A_1073 : f32 to vector<16xf32>
    %div3A_1075 = arith.divf %div3A_1074, %add3A_1072 : vector<16xf32>
    %swap3A_1076 = arith.constant 160 : index
    %swap3A_1077 = tpu.vector_load %arg14[%swap3A_1076] {strides = array<i32>} : memref<512xf32, #tpu.memory_space<vmem>>, vector<16xf32>,
    tpu.vector_store %arg14[%swap3A_1076], %div3A_1075 {strides = array<i32>} : memref<512xf32, #tpu.memory_space<vmem>>, vector<16xf32>,
    %get3A_1078 = arith.constant 1 : i32
    %get3A_1079 = arith.index_cast %get3A_1078 : i32 to index
    %get3A_1080 = arith.constant 48 : index
    %get3A_1081 = tpu.vector_load %arg8[%get3A_1079, %get3A_1080] {strides = array<i32>} : memref<4x128xi32, #tpu.memory_space<vmem>>, vector<16xi32>,
    %lt3A_1082 = arith.constant 524288 : i32
    %lt3A_1083 = vector.broadcast %lt3A_1082 : i32 to vector<16xi32>
    %lt3A_1084 = arith.cmpi slt, %get3A_1081, %lt3A_1083 : vector<16xi32>
    %get3A_1085 = arith.constant 1 : i32
    %get3A_1086 = arith.index_cast %get3A_1085 : i32 to index
    %get3A_1087 = arith.constant 48 : index
    %get3A_1088 = tpu.vector_load %arg11[%get3A_1086, %get3A_1087] {strides = array<i32>} : memref<4x128xf32, #tpu.memory_space<vmem>>, vector<16xf32>,
    %get3A_1089 = arith.constant 1 : i32
    %get3A_1090 = arith.index_cast %get3A_1089 : i32 to index
    %get3A_1091 = arith.constant 48 : index
    %get3A_1092 = tpu.vector_load %arg12[%get3A_1090, %get3A_1091] {strides = array<i32>} : memref<4x128xf32, #tpu.memory_space<vmem>>, vector<16xf32>,
    %select_n3A_1093 = arith.select %lt3A_1084, %get3A_1088, %get3A_1092 : vector<16xi1>, vector<16xf32>
    %get3A_1094 = arith.constant 1 : i32
    %get3A_1095 = arith.index_cast %get3A_1094 : i32 to index
    %get3A_1096 = arith.constant 48 : index
    %get3A_1097 = tpu.vector_load %arg13[%get3A_1095, %get3A_1096] {strides = array<i32>} : memref<4x128xf32, #tpu.memory_space<vmem>>, vector<16xf32>,
    %sub3A_1098 = arith.subf %select_n3A_1093, %get3A_1097 : vector<16xf32>
    %neg3A_1099 = arith.constant 0.000000e+00 : f32
    %neg3A_1100 = vector.broadcast %neg3A_1099 : f32 to vector<16xf32>
    %neg3A_1101 = arith.subf %neg3A_1100, %sub3A_1098 : vector<16xf32>
    %exp3A_1102 = math.exp %neg3A_1101 : vector<16xf32>
    %add3A_1103 = arith.constant 1.000000e+00 : f32
    %add3A_1104 = vector.broadcast %add3A_1103 : f32 to vector<16xf32>
    %add3A_1105 = arith.addf %add3A_1104, %exp3A_1102 : vector<16xf32>
    %div3A_1106 = arith.constant 1.000000e+00 : f32
    %div3A_1107 = vector.broadcast %div3A_1106 : f32 to vector<16xf32>
    %div3A_1108 = arith.divf %div3A_1107, %add3A_1105 : vector<16xf32>
    %swap3A_1109 = arith.constant 176 : index
    %swap3A_1110 = tpu.vector_load %arg14[%swap3A_1109] {strides = array<i32>} : memref<512xf32, #tpu.memory_space<vmem>>, vector<16xf32>,
    tpu.vector_store %arg14[%swap3A_1109], %div3A_1108 {strides = array<i32>} : memref<512xf32, #tpu.memory_space<vmem>>, vector<16xf32>,
    %get3A_1111 = arith.constant 1 : i32
    %get3A_1112 = arith.index_cast %get3A_1111 : i32 to index
    %get3A_1113 = arith.constant 64 : index
    %get3A_1114 = tpu.vector_load %arg8[%get3A_1112, %get3A_1113] {strides = array<i32>} : memref<4x128xi32, #tpu.memory_space<vmem>>, vector<16xi32>,
    %lt3A_1115 = arith.constant 524288 : i32
    %lt3A_1116 = vector.broadcast %lt3A_1115 : i32 to vector<16xi32>
    %lt3A_1117 = arith.cmpi slt, %get3A_1114, %lt3A_1116 : vector<16xi32>
    %get3A_1118 = arith.constant 1 : i32
    %get3A_1119 = arith.index_cast %get3A_1118 : i32 to index
    %get3A_1120 = arith.constant 64 : index
    %get3A_1121 = tpu.vector_load %arg11[%get3A_1119, %get3A_1120] {strides = array<i32>} : memref<4x128xf32, #tpu.memory_space<vmem>>, vector<16xf32>,
    %get3A_1122 = arith.constant 1 : i32
    %get3A_1123 = arith.index_cast %get3A_1122 : i32 to index
    %get3A_1124 = arith.constant 64 : index
    %get3A_1125 = tpu.vector_load %arg12[%get3A_1123, %get3A_1124] {strides = array<i32>} : memref<4x128xf32, #tpu.memory_space<vmem>>, vector<16xf32>,
    %select_n3A_1126 = arith.select %lt3A_1117, %get3A_1121, %get3A_1125 : vector<16xi1>, vector<16xf32>
    %get3A_1127 = arith.constant 1 : i32
    %get3A_1128 = arith.index_cast %get3A_1127 : i32 to index
    %get3A_1129 = arith.constant 64 : index
    %get3A_1130 = tpu.vector_load %arg13[%get3A_1128, %get3A_1129] {strides = array<i32>} : memref<4x128xf32, #tpu.memory_space<vmem>>, vector<16xf32>,
    %sub3A_1131 = arith.subf %select_n3A_1126, %get3A_1130 : vector<16xf32>
    %neg3A_1132 = arith.constant 0.000000e+00 : f32
    %neg3A_1133 = vector.broadcast %neg3A_1132 : f32 to vector<16xf32>
    %neg3A_1134 = arith.subf %neg3A_1133, %sub3A_1131 : vector<16xf32>
    %exp3A_1135 = math.exp %neg3A_1134 : vector<16xf32>
    %add3A_1136 = arith.constant 1.000000e+00 : f32
    %add3A_1137 = vector.broadcast %add3A_1136 : f32 to vector<16xf32>
    %add3A_1138 = arith.addf %add3A_1137, %exp3A_1135 : vector<16xf32>
    %div3A_1139 = arith.constant 1.000000e+00 : f32
    %div3A_1140 = vector.broadcast %div3A_1139 : f32 to vector<16xf32>
    %div3A_1141 = arith.divf %div3A_1140, %add3A_1138 : vector<16xf32>
    %swap3A_1142 = arith.constant 192 : index
    %swap3A_1143 = tpu.vector_load %arg14[%swap3A_1142] {strides = array<i32>} : memref<512xf32, #tpu.memory_space<vmem>>, vector<16xf32>,
    tpu.vector_store %arg14[%swap3A_1142], %div3A_1141 {strides = array<i32>} : memref<512xf32, #tpu.memory_space<vmem>>, vector<16xf32>,
    %get3A_1144 = arith.constant 1 : i32
    %get3A_1145 = arith.index_cast %get3A_1144 : i32 to index
    %get3A_1146 = arith.constant 80 : index
    %get3A_1147 = tpu.vector_load %arg8[%get3A_1145, %get3A_1146] {strides = array<i32>} : memref<4x128xi32, #tpu.memory_space<vmem>>, vector<16xi32>,
    %lt3A_1148 = arith.constant 524288 : i32
    %lt3A_1149 = vector.broadcast %lt3A_1148 : i32 to vector<16xi32>
    %lt3A_1150 = arith.cmpi slt, %get3A_1147, %lt3A_1149 : vector<16xi32>
    %get3A_1151 = arith.constant 1 : i32
    %get3A_1152 = arith.index_cast %get3A_1151 : i32 to index
    %get3A_1153 = arith.constant 80 : index
    %get3A_1154 = tpu.vector_load %arg11[%get3A_1152, %get3A_1153] {strides = array<i32>} : memref<4x128xf32, #tpu.memory_space<vmem>>, vector<16xf32>,
    %get3A_1155 = arith.constant 1 : i32
    %get3A_1156 = arith.index_cast %get3A_1155 : i32 to index
    %get3A_1157 = arith.constant 80 : index
    %get3A_1158 = tpu.vector_load %arg12[%get3A_1156, %get3A_1157] {strides = array<i32>} : memref<4x128xf32, #tpu.memory_space<vmem>>, vector<16xf32>,
    %select_n3A_1159 = arith.select %lt3A_1150, %get3A_1154, %get3A_1158 : vector<16xi1>, vector<16xf32>
    %get3A_1160 = arith.constant 1 : i32
    %get3A_1161 = arith.index_cast %get3A_1160 : i32 to index
    %get3A_1162 = arith.constant 80 : index
    %get3A_1163 = tpu.vector_load %arg13[%get3A_1161, %get3A_1162] {strides = array<i32>} : memref<4x128xf32, #tpu.memory_space<vmem>>, vector<16xf32>,
    %sub3A_1164 = arith.subf %select_n3A_1159, %get3A_1163 : vector<16xf32>
    %neg3A_1165 = arith.constant 0.000000e+00 : f32
    %neg3A_1166 = vector.broadcast %neg3A_1165 : f32 to vector<16xf32>
    %neg3A_1167 = arith.subf %neg3A_1166, %sub3A_1164 : vector<16xf32>
    %exp3A_1168 = math.exp %neg3A_1167 : vector<16xf32>
    %add3A_1169 = arith.constant 1.000000e+00 : f32
    %add3A_1170 = vector.broadcast %add3A_1169 : f32 to vector<16xf32>
    %add3A_1171 = arith.addf %add3A_1170, %exp3A_1168 : vector<16xf32>
    %div3A_1172 = arith.constant 1.000000e+00 : f32
    %div3A_1173 = vector.broadcast %div3A_1172 : f32 to vector<16xf32>
    %div3A_1174 = arith.divf %div3A_1173, %add3A_1171 : vector<16xf32>
    %swap3A_1175 = arith.constant 208 : index
    %swap3A_1176 = tpu.vector_load %arg14[%swap3A_1175] {strides = array<i32>} : memref<512xf32, #tpu.memory_space<vmem>>, vector<16xf32>,
    tpu.vector_store %arg14[%swap3A_1175], %div3A_1174 {strides = array<i32>} : memref<512xf32, #tpu.memory_space<vmem>>, vector<16xf32>,
    %get3A_1177 = arith.constant 1 : i32
    %get3A_1178 = arith.index_cast %get3A_1177 : i32 to index
    %get3A_1179 = arith.constant 96 : index
    %get3A_1180 = tpu.vector_load %arg8[%get3A_1178, %get3A_1179] {strides = array<i32>} : memref<4x128xi32, #tpu.memory_space<vmem>>, vector<16xi32>,
    %lt3A_1181 = arith.constant 524288 : i32
    %lt3A_1182 = vector.broadcast %lt3A_1181 : i32 to vector<16xi32>
    %lt3A_1183 = arith.cmpi slt, %get3A_1180, %lt3A_1182 : vector<16xi32>
    %get3A_1184 = arith.constant 1 : i32
    %get3A_1185 = arith.index_cast %get3A_1184 : i32 to index
    %get3A_1186 = arith.constant 96 : index
    %get3A_1187 = tpu.vector_load %arg11[%get3A_1185, %get3A_1186] {strides = array<i32>} : memref<4x128xf32, #tpu.memory_space<vmem>>, vector<16xf32>,
    %get3A_1188 = arith.constant 1 : i32
    %get3A_1189 = arith.index_cast %get3A_1188 : i32 to index
    %get3A_1190 = arith.constant 96 : index
    %get3A_1191 = tpu.vector_load %arg12[%get3A_1189, %get3A_1190] {strides = array<i32>} : memref<4x128xf32, #tpu.memory_space<vmem>>, vector<16xf32>,
    %select_n3A_1192 = arith.select %lt3A_1183, %get3A_1187, %get3A_1191 : vector<16xi1>, vector<16xf32>
    %get3A_1193 = arith.constant 1 : i32
    %get3A_1194 = arith.index_cast %get3A_1193 : i32 to index
    %get3A_1195 = arith.constant 96 : index
    %get3A_1196 = tpu.vector_load %arg13[%get3A_1194, %get3A_1195] {strides = array<i32>} : memref<4x128xf32, #tpu.memory_space<vmem>>, vector<16xf32>,
    %sub3A_1197 = arith.subf %select_n3A_1192, %get3A_1196 : vector<16xf32>
    %neg3A_1198 = arith.constant 0.000000e+00 : f32
    %neg3A_1199 = vector.broadcast %neg3A_1198 : f32 to vector<16xf32>
    %neg3A_1200 = arith.subf %neg3A_1199, %sub3A_1197 : vector<16xf32>
    %exp3A_1201 = math.exp %neg3A_1200 : vector<16xf32>
    %add3A_1202 = arith.constant 1.000000e+00 : f32
    %add3A_1203 = vector.broadcast %add3A_1202 : f32 to vector<16xf32>
    %add3A_1204 = arith.addf %add3A_1203, %exp3A_1201 : vector<16xf32>
    %div3A_1205 = arith.constant 1.000000e+00 : f32
    %div3A_1206 = vector.broadcast %div3A_1205 : f32 to vector<16xf32>
    %div3A_1207 = arith.divf %div3A_1206, %add3A_1204 : vector<16xf32>
    %swap3A_1208 = arith.constant 224 : index
    %swap3A_1209 = tpu.vector_load %arg14[%swap3A_1208] {strides = array<i32>} : memref<512xf32, #tpu.memory_space<vmem>>, vector<16xf32>,
    tpu.vector_store %arg14[%swap3A_1208], %div3A_1207 {strides = array<i32>} : memref<512xf32, #tpu.memory_space<vmem>>, vector<16xf32>,
    %get3A_1210 = arith.constant 1 : i32
    %get3A_1211 = arith.index_cast %get3A_1210 : i32 to index
    %get3A_1212 = arith.constant 112 : index
    %get3A_1213 = tpu.vector_load %arg8[%get3A_1211, %get3A_1212] {strides = array<i32>} : memref<4x128xi32, #tpu.memory_space<vmem>>, vector<16xi32>,
    %lt3A_1214 = arith.constant 524288 : i32
    %lt3A_1215 = vector.broadcast %lt3A_1214 : i32 to vector<16xi32>
    %lt3A_1216 = arith.cmpi slt, %get3A_1213, %lt3A_1215 : vector<16xi32>
    %get3A_1217 = arith.constant 1 : i32
    %get3A_1218 = arith.index_cast %get3A_1217 : i32 to index
    %get3A_1219 = arith.constant 112 : index
    %get3A_1220 = tpu.vector_load %arg11[%get3A_1218, %get3A_1219] {strides = array<i32>} : memref<4x128xf32, #tpu.memory_space<vmem>>, vector<16xf32>,
    %get3A_1221 = arith.constant 1 : i32
    %get3A_1222 = arith.index_cast %get3A_1221 : i32 to index
    %get3A_1223 = arith.constant 112 : index
    %get3A_1224 = tpu.vector_load %arg12[%get3A_1222, %get3A_1223] {strides = array<i32>} : memref<4x128xf32, #tpu.memory_space<vmem>>, vector<16xf32>,
    %select_n3A_1225 = arith.select %lt3A_1216, %get3A_1220, %get3A_1224 : vector<16xi1>, vector<16xf32>
    %get3A_1226 = arith.constant 1 : i32
    %get3A_1227 = arith.index_cast %get3A_1226 : i32 to index
    %get3A_1228 = arith.constant 112 : index
    %get3A_1229 = tpu.vector_load %arg13[%get3A_1227, %get3A_1228] {strides = array<i32>} : memref<4x128xf32, #tpu.memory_space<vmem>>, vector<16xf32>,
    %sub3A_1230 = arith.subf %select_n3A_1225, %get3A_1229 : vector<16xf32>
    %neg3A_1231 = arith.constant 0.000000e+00 : f32
    %neg3A_1232 = vector.broadcast %neg3A_1231 : f32 to vector<16xf32>
    %neg3A_1233 = arith.subf %neg3A_1232, %sub3A_1230 : vector<16xf32>
    %exp3A_1234 = math.exp %neg3A_1233 : vector<16xf32>
    %add3A_1235 = arith.constant 1.000000e+00 : f32
    %add3A_1236 = vector.broadcast %add3A_1235 : f32 to vector<16xf32>
    %add3A_1237 = arith.addf %add3A_1236, %exp3A_1234 : vector<16xf32>
    %div3A_1238 = arith.constant 1.000000e+00 : f32
    %div3A_1239 = vector.broadcast %div3A_1238 : f32 to vector<16xf32>
    %div3A_1240 = arith.divf %div3A_1239, %add3A_1237 : vector<16xf32>
    %swap3A_1241 = arith.constant 240 : index
    %swap3A_1242 = tpu.vector_load %arg14[%swap3A_1241] {strides = array<i32>} : memref<512xf32, #tpu.memory_space<vmem>>, vector<16xf32>,
    tpu.vector_store %arg14[%swap3A_1241], %div3A_1240 {strides = array<i32>} : memref<512xf32, #tpu.memory_space<vmem>>, vector<16xf32>,
    %get3A_1243 = arith.constant 2 : i32
    %get3A_1244 = arith.index_cast %get3A_1243 : i32 to index
    %get3A_1245 = arith.constant 0 : index
    %get3A_1246 = tpu.vector_load %arg8[%get3A_1244, %get3A_1245] {strides = array<i32>} : memref<4x128xi32, #tpu.memory_space<vmem>>, vector<16xi32>,
    %lt3A_1247 = arith.constant 524288 : i32
    %lt3A_1248 = vector.broadcast %lt3A_1247 : i32 to vector<16xi32>
    %lt3A_1249 = arith.cmpi slt, %get3A_1246, %lt3A_1248 : vector<16xi32>
    %get3A_1250 = arith.constant 2 : i32
    %get3A_1251 = arith.index_cast %get3A_1250 : i32 to index
    %get3A_1252 = arith.constant 0 : index
    %get3A_1253 = tpu.vector_load %arg11[%get3A_1251, %get3A_1252] {strides = array<i32>} : memref<4x128xf32, #tpu.memory_space<vmem>>, vector<16xf32>,
    %get3A_1254 = arith.constant 2 : i32
    %get3A_1255 = arith.index_cast %get3A_1254 : i32 to index
    %get3A_1256 = arith.constant 0 : index
    %get3A_1257 = tpu.vector_load %arg12[%get3A_1255, %get3A_1256] {strides = array<i32>} : memref<4x128xf32, #tpu.memory_space<vmem>>, vector<16xf32>,
    %select_n3A_1258 = arith.select %lt3A_1249, %get3A_1253, %get3A_1257 : vector<16xi1>, vector<16xf32>
    %get3A_1259 = arith.constant 2 : i32
    %get3A_1260 = arith.index_cast %get3A_1259 : i32 to index
    %get3A_1261 = arith.constant 0 : index
    %get3A_1262 = tpu.vector_load %arg13[%get3A_1260, %get3A_1261] {strides = array<i32>} : memref<4x128xf32, #tpu.memory_space<vmem>>, vector<16xf32>,
    %sub3A_1263 = arith.subf %select_n3A_1258, %get3A_1262 : vector<16xf32>
    %neg3A_1264 = arith.constant 0.000000e+00 : f32
    %neg3A_1265 = vector.broadcast %neg3A_1264 : f32 to vector<16xf32>
    %neg3A_1266 = arith.subf %neg3A_1265, %sub3A_1263 : vector<16xf32>
    %exp3A_1267 = math.exp %neg3A_1266 : vector<16xf32>
    %add3A_1268 = arith.constant 1.000000e+00 : f32
    %add3A_1269 = vector.broadcast %add3A_1268 : f32 to vector<16xf32>
    %add3A_1270 = arith.addf %add3A_1269, %exp3A_1267 : vector<16xf32>
    %div3A_1271 = arith.constant 1.000000e+00 : f32
    %div3A_1272 = vector.broadcast %div3A_1271 : f32 to vector<16xf32>
    %div3A_1273 = arith.divf %div3A_1272, %add3A_1270 : vector<16xf32>
    %swap3A_1274 = arith.constant 256 : index
    %swap3A_1275 = tpu.vector_load %arg14[%swap3A_1274] {strides = array<i32>} : memref<512xf32, #tpu.memory_space<vmem>>, vector<16xf32>,
    tpu.vector_store %arg14[%swap3A_1274], %div3A_1273 {strides = array<i32>} : memref<512xf32, #tpu.memory_space<vmem>>, vector<16xf32>,
    %get3A_1276 = arith.constant 2 : i32
    %get3A_1277 = arith.index_cast %get3A_1276 : i32 to index
    %get3A_1278 = arith.constant 16 : index
    %get3A_1279 = tpu.vector_load %arg8[%get3A_1277, %get3A_1278] {strides = array<i32>} : memref<4x128xi32, #tpu.memory_space<vmem>>, vector<16xi32>,
    %lt3A_1280 = arith.constant 524288 : i32
    %lt3A_1281 = vector.broadcast %lt3A_1280 : i32 to vector<16xi32>
    %lt3A_1282 = arith.cmpi slt, %get3A_1279, %lt3A_1281 : vector<16xi32>
    %get3A_1283 = arith.constant 2 : i32
    %get3A_1284 = arith.index_cast %get3A_1283 : i32 to index
    %get3A_1285 = arith.constant 16 : index
    %get3A_1286 = tpu.vector_load %arg11[%get3A_1284, %get3A_1285] {strides = array<i32>} : memref<4x128xf32, #tpu.memory_space<vmem>>, vector<16xf32>,
    %get3A_1287 = arith.constant 2 : i32
    %get3A_1288 = arith.index_cast %get3A_1287 : i32 to index
    %get3A_1289 = arith.constant 16 : index
    %get3A_1290 = tpu.vector_load %arg12[%get3A_1288, %get3A_1289] {strides = array<i32>} : memref<4x128xf32, #tpu.memory_space<vmem>>, vector<16xf32>,
    %select_n3A_1291 = arith.select %lt3A_1282, %get3A_1286, %get3A_1290 : vector<16xi1>, vector<16xf32>
    %get3A_1292 = arith.constant 2 : i32
    %get3A_1293 = arith.index_cast %get3A_1292 : i32 to index
    %get3A_1294 = arith.constant 16 : index
    %get3A_1295 = tpu.vector_load %arg13[%get3A_1293, %get3A_1294] {strides = array<i32>} : memref<4x128xf32, #tpu.memory_space<vmem>>, vector<16xf32>,
    %sub3A_1296 = arith.subf %select_n3A_1291, %get3A_1295 : vector<16xf32>
    %neg3A_1297 = arith.constant 0.000000e+00 : f32
    %neg3A_1298 = vector.broadcast %neg3A_1297 : f32 to vector<16xf32>
    %neg3A_1299 = arith.subf %neg3A_1298, %sub3A_1296 : vector<16xf32>
    %exp3A_1300 = math.exp %neg3A_1299 : vector<16xf32>
    %add3A_1301 = arith.constant 1.000000e+00 : f32
    %add3A_1302 = vector.broadcast %add3A_1301 : f32 to vector<16xf32>
    %add3A_1303 = arith.addf %add3A_1302, %exp3A_1300 : vector<16xf32>
    %div3A_1304 = arith.constant 1.000000e+00 : f32
    %div3A_1305 = vector.broadcast %div3A_1304 : f32 to vector<16xf32>
    %div3A_1306 = arith.divf %div3A_1305, %add3A_1303 : vector<16xf32>
    %swap3A_1307 = arith.constant 272 : index
    %swap3A_1308 = tpu.vector_load %arg14[%swap3A_1307] {strides = array<i32>} : memref<512xf32, #tpu.memory_space<vmem>>, vector<16xf32>,
    tpu.vector_store %arg14[%swap3A_1307], %div3A_1306 {strides = array<i32>} : memref<512xf32, #tpu.memory_space<vmem>>, vector<16xf32>,
    %get3A_1309 = arith.constant 2 : i32
    %get3A_1310 = arith.index_cast %get3A_1309 : i32 to index
    %get3A_1311 = arith.constant 32 : index
    %get3A_1312 = tpu.vector_load %arg8[%get3A_1310, %get3A_1311] {strides = array<i32>} : memref<4x128xi32, #tpu.memory_space<vmem>>, vector<16xi32>,
    %lt3A_1313 = arith.constant 524288 : i32
    %lt3A_1314 = vector.broadcast %lt3A_1313 : i32 to vector<16xi32>
    %lt3A_1315 = arith.cmpi slt, %get3A_1312, %lt3A_1314 : vector<16xi32>
    %get3A_1316 = arith.constant 2 : i32
    %get3A_1317 = arith.index_cast %get3A_1316 : i32 to index
    %get3A_1318 = arith.constant 32 : index
    %get3A_1319 = tpu.vector_load %arg11[%get3A_1317, %get3A_1318] {strides = array<i32>} : memref<4x128xf32, #tpu.memory_space<vmem>>, vector<16xf32>,
    %get3A_1320 = arith.constant 2 : i32
    %get3A_1321 = arith.index_cast %get3A_1320 : i32 to index
    %get3A_1322 = arith.constant 32 : index
    %get3A_1323 = tpu.vector_load %arg12[%get3A_1321, %get3A_1322] {strides = array<i32>} : memref<4x128xf32, #tpu.memory_space<vmem>>, vector<16xf32>,
    %select_n3A_1324 = arith.select %lt3A_1315, %get3A_1319, %get3A_1323 : vector<16xi1>, vector<16xf32>
    %get3A_1325 = arith.constant 2 : i32
    %get3A_1326 = arith.index_cast %get3A_1325 : i32 to index
    %get3A_1327 = arith.constant 32 : index
    %get3A_1328 = tpu.vector_load %arg13[%get3A_1326, %get3A_1327] {strides = array<i32>} : memref<4x128xf32, #tpu.memory_space<vmem>>, vector<16xf32>,
    %sub3A_1329 = arith.subf %select_n3A_1324, %get3A_1328 : vector<16xf32>
    %neg3A_1330 = arith.constant 0.000000e+00 : f32
    %neg3A_1331 = vector.broadcast %neg3A_1330 : f32 to vector<16xf32>
    %neg3A_1332 = arith.subf %neg3A_1331, %sub3A_1329 : vector<16xf32>
    %exp3A_1333 = math.exp %neg3A_1332 : vector<16xf32>
    %add3A_1334 = arith.constant 1.000000e+00 : f32
    %add3A_1335 = vector.broadcast %add3A_1334 : f32 to vector<16xf32>
    %add3A_1336 = arith.addf %add3A_1335, %exp3A_1333 : vector<16xf32>
    %div3A_1337 = arith.constant 1.000000e+00 : f32
    %div3A_1338 = vector.broadcast %div3A_1337 : f32 to vector<16xf32>
    %div3A_1339 = arith.divf %div3A_1338, %add3A_1336 : vector<16xf32>
    %swap3A_1340 = arith.constant 288 : index
    %swap3A_1341 = tpu.vector_load %arg14[%swap3A_1340] {strides = array<i32>} : memref<512xf32, #tpu.memory_space<vmem>>, vector<16xf32>,
    tpu.vector_store %arg14[%swap3A_1340], %div3A_1339 {strides = array<i32>} : memref<512xf32, #tpu.memory_space<vmem>>, vector<16xf32>,
    %get3A_1342 = arith.constant 2 : i32
    %get3A_1343 = arith.index_cast %get3A_1342 : i32 to index
    %get3A_1344 = arith.constant 48 : index
    %get3A_1345 = tpu.vector_load %arg8[%get3A_1343, %get3A_1344] {strides = array<i32>} : memref<4x128xi32, #tpu.memory_space<vmem>>, vector<16xi32>,
    %lt3A_1346 = arith.constant 524288 : i32
    %lt3A_1347 = vector.broadcast %lt3A_1346 : i32 to vector<16xi32>
    %lt3A_1348 = arith.cmpi slt, %get3A_1345, %lt3A_1347 : vector<16xi32>
    %get3A_1349 = arith.constant 2 : i32
    %get3A_1350 = arith.index_cast %get3A_1349 : i32 to index
    %get3A_1351 = arith.constant 48 : index
    %get3A_1352 = tpu.vector_load %arg11[%get3A_1350, %get3A_1351] {strides = array<i32>} : memref<4x128xf32, #tpu.memory_space<vmem>>, vector<16xf32>,
    %get3A_1353 = arith.constant 2 : i32
    %get3A_1354 = arith.index_cast %get3A_1353 : i32 to index
    %get3A_1355 = arith.constant 48 : index
    %get3A_1356 = tpu.vector_load %arg12[%get3A_1354, %get3A_1355] {strides = array<i32>} : memref<4x128xf32, #tpu.memory_space<vmem>>, vector<16xf32>,
    %select_n3A_1357 = arith.select %lt3A_1348, %get3A_1352, %get3A_1356 : vector<16xi1>, vector<16xf32>
    %get3A_1358 = arith.constant 2 : i32
    %get3A_1359 = arith.index_cast %get3A_1358 : i32 to index
    %get3A_1360 = arith.constant 48 : index
    %get3A_1361 = tpu.vector_load %arg13[%get3A_1359, %get3A_1360] {strides = array<i32>} : memref<4x128xf32, #tpu.memory_space<vmem>>, vector<16xf32>,
    %sub3A_1362 = arith.subf %select_n3A_1357, %get3A_1361 : vector<16xf32>
    %neg3A_1363 = arith.constant 0.000000e+00 : f32
    %neg3A_1364 = vector.broadcast %neg3A_1363 : f32 to vector<16xf32>
    %neg3A_1365 = arith.subf %neg3A_1364, %sub3A_1362 : vector<16xf32>
    %exp3A_1366 = math.exp %neg3A_1365 : vector<16xf32>
    %add3A_1367 = arith.constant 1.000000e+00 : f32
    %add3A_1368 = vector.broadcast %add3A_1367 : f32 to vector<16xf32>
    %add3A_1369 = arith.addf %add3A_1368, %exp3A_1366 : vector<16xf32>
    %div3A_1370 = arith.constant 1.000000e+00 : f32
    %div3A_1371 = vector.broadcast %div3A_1370 : f32 to vector<16xf32>
    %div3A_1372 = arith.divf %div3A_1371, %add3A_1369 : vector<16xf32>
    %swap3A_1373 = arith.constant 304 : index
    %swap3A_1374 = tpu.vector_load %arg14[%swap3A_1373] {strides = array<i32>} : memref<512xf32, #tpu.memory_space<vmem>>, vector<16xf32>,
    tpu.vector_store %arg14[%swap3A_1373], %div3A_1372 {strides = array<i32>} : memref<512xf32, #tpu.memory_space<vmem>>, vector<16xf32>,
    %get3A_1375 = arith.constant 2 : i32
    %get3A_1376 = arith.index_cast %get3A_1375 : i32 to index
    %get3A_1377 = arith.constant 64 : index
    %get3A_1378 = tpu.vector_load %arg8[%get3A_1376, %get3A_1377] {strides = array<i32>} : memref<4x128xi32, #tpu.memory_space<vmem>>, vector<16xi32>,
    %lt3A_1379 = arith.constant 524288 : i32
    %lt3A_1380 = vector.broadcast %lt3A_1379 : i32 to vector<16xi32>
    %lt3A_1381 = arith.cmpi slt, %get3A_1378, %lt3A_1380 : vector<16xi32>
    %get3A_1382 = arith.constant 2 : i32
    %get3A_1383 = arith.index_cast %get3A_1382 : i32 to index
    %get3A_1384 = arith.constant 64 : index
    %get3A_1385 = tpu.vector_load %arg11[%get3A_1383, %get3A_1384] {strides = array<i32>} : memref<4x128xf32, #tpu.memory_space<vmem>>, vector<16xf32>,
    %get3A_1386 = arith.constant 2 : i32
    %get3A_1387 = arith.index_cast %get3A_1386 : i32 to index
    %get3A_1388 = arith.constant 64 : index
    %get3A_1389 = tpu.vector_load %arg12[%get3A_1387, %get3A_1388] {strides = array<i32>} : memref<4x128xf32, #tpu.memory_space<vmem>>, vector<16xf32>,
    %select_n3A_1390 = arith.select %lt3A_1381, %get3A_1385, %get3A_1389 : vector<16xi1>, vector<16xf32>
    %get3A_1391 = arith.constant 2 : i32
    %get3A_1392 = arith.index_cast %get3A_1391 : i32 to index
    %get3A_1393 = arith.constant 64 : index
    %get3A_1394 = tpu.vector_load %arg13[%get3A_1392, %get3A_1393] {strides = array<i32>} : memref<4x128xf32, #tpu.memory_space<vmem>>, vector<16xf32>,
    %sub3A_1395 = arith.subf %select_n3A_1390, %get3A_1394 : vector<16xf32>
    %neg3A_1396 = arith.constant 0.000000e+00 : f32
    %neg3A_1397 = vector.broadcast %neg3A_1396 : f32 to vector<16xf32>
    %neg3A_1398 = arith.subf %neg3A_1397, %sub3A_1395 : vector<16xf32>
    %exp3A_1399 = math.exp %neg3A_1398 : vector<16xf32>
    %add3A_1400 = arith.constant 1.000000e+00 : f32
    %add3A_1401 = vector.broadcast %add3A_1400 : f32 to vector<16xf32>
    %add3A_1402 = arith.addf %add3A_1401, %exp3A_1399 : vector<16xf32>
    %div3A_1403 = arith.constant 1.000000e+00 : f32
    %div3A_1404 = vector.broadcast %div3A_1403 : f32 to vector<16xf32>
    %div3A_1405 = arith.divf %div3A_1404, %add3A_1402 : vector<16xf32>
    %swap3A_1406 = arith.constant 320 : index
    %swap3A_1407 = tpu.vector_load %arg14[%swap3A_1406] {strides = array<i32>} : memref<512xf32, #tpu.memory_space<vmem>>, vector<16xf32>,
    tpu.vector_store %arg14[%swap3A_1406], %div3A_1405 {strides = array<i32>} : memref<512xf32, #tpu.memory_space<vmem>>, vector<16xf32>,
    %get3A_1408 = arith.constant 2 : i32
    %get3A_1409 = arith.index_cast %get3A_1408 : i32 to index
    %get3A_1410 = arith.constant 80 : index
    %get3A_1411 = tpu.vector_load %arg8[%get3A_1409, %get3A_1410] {strides = array<i32>} : memref<4x128xi32, #tpu.memory_space<vmem>>, vector<16xi32>,
    %lt3A_1412 = arith.constant 524288 : i32
    %lt3A_1413 = vector.broadcast %lt3A_1412 : i32 to vector<16xi32>
    %lt3A_1414 = arith.cmpi slt, %get3A_1411, %lt3A_1413 : vector<16xi32>
    %get3A_1415 = arith.constant 2 : i32
    %get3A_1416 = arith.index_cast %get3A_1415 : i32 to index
    %get3A_1417 = arith.constant 80 : index
    %get3A_1418 = tpu.vector_load %arg11[%get3A_1416, %get3A_1417] {strides = array<i32>} : memref<4x128xf32, #tpu.memory_space<vmem>>, vector<16xf32>,
    %get3A_1419 = arith.constant 2 : i32
    %get3A_1420 = arith.index_cast %get3A_1419 : i32 to index
    %get3A_1421 = arith.constant 80 : index
    %get3A_1422 = tpu.vector_load %arg12[%get3A_1420, %get3A_1421] {strides = array<i32>} : memref<4x128xf32, #tpu.memory_space<vmem>>, vector<16xf32>,
    %select_n3A_1423 = arith.select %lt3A_1414, %get3A_1418, %get3A_1422 : vector<16xi1>, vector<16xf32>
    %get3A_1424 = arith.constant 2 : i32
    %get3A_1425 = arith.index_cast %get3A_1424 : i32 to index
    %get3A_1426 = arith.constant 80 : index
    %get3A_1427 = tpu.vector_load %arg13[%get3A_1425, %get3A_1426] {strides = array<i32>} : memref<4x128xf32, #tpu.memory_space<vmem>>, vector<16xf32>,
    %sub3A_1428 = arith.subf %select_n3A_1423, %get3A_1427 : vector<16xf32>
    %neg3A_1429 = arith.constant 0.000000e+00 : f32
    %neg3A_1430 = vector.broadcast %neg3A_1429 : f32 to vector<16xf32>
    %neg3A_1431 = arith.subf %neg3A_1430, %sub3A_1428 : vector<16xf32>
    %exp3A_1432 = math.exp %neg3A_1431 : vector<16xf32>
    %add3A_1433 = arith.constant 1.000000e+00 : f32
    %add3A_1434 = vector.broadcast %add3A_1433 : f32 to vector<16xf32>
    %add3A_1435 = arith.addf %add3A_1434, %exp3A_1432 : vector<16xf32>
    %div3A_1436 = arith.constant 1.000000e+00 : f32
    %div3A_1437 = vector.broadcast %div3A_1436 : f32 to vector<16xf32>
    %div3A_1438 = arith.divf %div3A_1437, %add3A_1435 : vector<16xf32>
    %swap3A_1439 = arith.constant 336 : index
    %swap3A_1440 = tpu.vector_load %arg14[%swap3A_1439] {strides = array<i32>} : memref<512xf32, #tpu.memory_space<vmem>>, vector<16xf32>,
    tpu.vector_store %arg14[%swap3A_1439], %div3A_1438 {strides = array<i32>} : memref<512xf32, #tpu.memory_space<vmem>>, vector<16xf32>,
    %get3A_1441 = arith.constant 2 : i32
    %get3A_1442 = arith.index_cast %get3A_1441 : i32 to index
    %get3A_1443 = arith.constant 96 : index
    %get3A_1444 = tpu.vector_load %arg8[%get3A_1442, %get3A_1443] {strides = array<i32>} : memref<4x128xi32, #tpu.memory_space<vmem>>, vector<16xi32>,
    %lt3A_1445 = arith.constant 524288 : i32
    %lt3A_1446 = vector.broadcast %lt3A_1445 : i32 to vector<16xi32>
    %lt3A_1447 = arith.cmpi slt, %get3A_1444, %lt3A_1446 : vector<16xi32>
    %get3A_1448 = arith.constant 2 : i32
    %get3A_1449 = arith.index_cast %get3A_1448 : i32 to index
    %get3A_1450 = arith.constant 96 : index
    %get3A_1451 = tpu.vector_load %arg11[%get3A_1449, %get3A_1450] {strides = array<i32>} : memref<4x128xf32, #tpu.memory_space<vmem>>, vector<16xf32>,
    %get3A_1452 = arith.constant 2 : i32
    %get3A_1453 = arith.index_cast %get3A_1452 : i32 to index
    %get3A_1454 = arith.constant 96 : index
    %get3A_1455 = tpu.vector_load %arg12[%get3A_1453, %get3A_1454] {strides = array<i32>} : memref<4x128xf32, #tpu.memory_space<vmem>>, vector<16xf32>,
    %select_n3A_1456 = arith.select %lt3A_1447, %get3A_1451, %get3A_1455 : vector<16xi1>, vector<16xf32>
    %get3A_1457 = arith.constant 2 : i32
    %get3A_1458 = arith.index_cast %get3A_1457 : i32 to index
    %get3A_1459 = arith.constant 96 : index
    %get3A_1460 = tpu.vector_load %arg13[%get3A_1458, %get3A_1459] {strides = array<i32>} : memref<4x128xf32, #tpu.memory_space<vmem>>, vector<16xf32>,
    %sub3A_1461 = arith.subf %select_n3A_1456, %get3A_1460 : vector<16xf32>
    %neg3A_1462 = arith.constant 0.000000e+00 : f32
    %neg3A_1463 = vector.broadcast %neg3A_1462 : f32 to vector<16xf32>
    %neg3A_1464 = arith.subf %neg3A_1463, %sub3A_1461 : vector<16xf32>
    %exp3A_1465 = math.exp %neg3A_1464 : vector<16xf32>
    %add3A_1466 = arith.constant 1.000000e+00 : f32
    %add3A_1467 = vector.broadcast %add3A_1466 : f32 to vector<16xf32>
    %add3A_1468 = arith.addf %add3A_1467, %exp3A_1465 : vector<16xf32>
    %div3A_1469 = arith.constant 1.000000e+00 : f32
    %div3A_1470 = vector.broadcast %div3A_1469 : f32 to vector<16xf32>
    %div3A_1471 = arith.divf %div3A_1470, %add3A_1468 : vector<16xf32>
    %swap3A_1472 = arith.constant 352 : index
    %swap3A_1473 = tpu.vector_load %arg14[%swap3A_1472] {strides = array<i32>} : memref<512xf32, #tpu.memory_space<vmem>>, vector<16xf32>,
    tpu.vector_store %arg14[%swap3A_1472], %div3A_1471 {strides = array<i32>} : memref<512xf32, #tpu.memory_space<vmem>>, vector<16xf32>,
    %get3A_1474 = arith.constant 2 : i32
    %get3A_1475 = arith.index_cast %get3A_1474 : i32 to index
    %get3A_1476 = arith.constant 112 : index
    %get3A_1477 = tpu.vector_load %arg8[%get3A_1475, %get3A_1476] {strides = array<i32>} : memref<4x128xi32, #tpu.memory_space<vmem>>, vector<16xi32>,
    %lt3A_1478 = arith.constant 524288 : i32
    %lt3A_1479 = vector.broadcast %lt3A_1478 : i32 to vector<16xi32>
    %lt3A_1480 = arith.cmpi slt, %get3A_1477, %lt3A_1479 : vector<16xi32>
    %get3A_1481 = arith.constant 2 : i32
    %get3A_1482 = arith.index_cast %get3A_1481 : i32 to index
    %get3A_1483 = arith.constant 112 : index
    %get3A_1484 = tpu.vector_load %arg11[%get3A_1482, %get3A_1483] {strides = array<i32>} : memref<4x128xf32, #tpu.memory_space<vmem>>, vector<16xf32>,
    %get3A_1485 = arith.constant 2 : i32
    %get3A_1486 = arith.index_cast %get3A_1485 : i32 to index
    %get3A_1487 = arith.constant 112 : index
    %get3A_1488 = tpu.vector_load %arg12[%get3A_1486, %get3A_1487] {strides = array<i32>} : memref<4x128xf32, #tpu.memory_space<vmem>>, vector<16xf32>,
    %select_n3A_1489 = arith.select %lt3A_1480, %get3A_1484, %get3A_1488 : vector<16xi1>, vector<16xf32>
    %get3A_1490 = arith.constant 2 : i32
    %get3A_1491 = arith.index_cast %get3A_1490 : i32 to index
    %get3A_1492 = arith.constant 112 : index
    %get3A_1493 = tpu.vector_load %arg13[%get3A_1491, %get3A_1492] {strides = array<i32>} : memref<4x128xf32, #tpu.memory_space<vmem>>, vector<16xf32>,
    %sub3A_1494 = arith.subf %select_n3A_1489, %get3A_1493 : vector<16xf32>
    %neg3A_1495 = arith.constant 0.000000e+00 : f32
    %neg3A_1496 = vector.broadcast %neg3A_1495 : f32 to vector<16xf32>
    %neg3A_1497 = arith.subf %neg3A_1496, %sub3A_1494 : vector<16xf32>
    %exp3A_1498 = math.exp %neg3A_1497 : vector<16xf32>
    %add3A_1499 = arith.constant 1.000000e+00 : f32
    %add3A_1500 = vector.broadcast %add3A_1499 : f32 to vector<16xf32>
    %add3A_1501 = arith.addf %add3A_1500, %exp3A_1498 : vector<16xf32>
    %div3A_1502 = arith.constant 1.000000e+00 : f32
    %div3A_1503 = vector.broadcast %div3A_1502 : f32 to vector<16xf32>
    %div3A_1504 = arith.divf %div3A_1503, %add3A_1501 : vector<16xf32>
    %swap3A_1505 = arith.constant 368 : index
    %swap3A_1506 = tpu.vector_load %arg14[%swap3A_1505] {strides = array<i32>} : memref<512xf32, #tpu.memory_space<vmem>>, vector<16xf32>,
    tpu.vector_store %arg14[%swap3A_1505], %div3A_1504 {strides = array<i32>} : memref<512xf32, #tpu.memory_space<vmem>>, vector<16xf32>,
    %get3A_1507 = arith.constant 3 : i32
    %get3A_1508 = arith.index_cast %get3A_1507 : i32 to index
    %get3A_1509 = arith.constant 0 : index
    %get3A_1510 = tpu.vector_load %arg8[%get3A_1508, %get3A_1509] {strides = array<i32>} : memref<4x128xi32, #tpu.memory_space<vmem>>, vector<16xi32>,
    %lt3A_1511 = arith.constant 524288 : i32
    %lt3A_1512 = vector.broadcast %lt3A_1511 : i32 to vector<16xi32>
    %lt3A_1513 = arith.cmpi slt, %get3A_1510, %lt3A_1512 : vector<16xi32>
    %get3A_1514 = arith.constant 3 : i32
    %get3A_1515 = arith.index_cast %get3A_1514 : i32 to index
    %get3A_1516 = arith.constant 0 : index
    %get3A_1517 = tpu.vector_load %arg11[%get3A_1515, %get3A_1516] {strides = array<i32>} : memref<4x128xf32, #tpu.memory_space<vmem>>, vector<16xf32>,
    %get3A_1518 = arith.constant 3 : i32
    %get3A_1519 = arith.index_cast %get3A_1518 : i32 to index
    %get3A_1520 = arith.constant 0 : index
    %get3A_1521 = tpu.vector_load %arg12[%get3A_1519, %get3A_1520] {strides = array<i32>} : memref<4x128xf32, #tpu.memory_space<vmem>>, vector<16xf32>,
    %select_n3A_1522 = arith.select %lt3A_1513, %get3A_1517, %get3A_1521 : vector<16xi1>, vector<16xf32>
    %get3A_1523 = arith.constant 3 : i32
    %get3A_1524 = arith.index_cast %get3A_1523 : i32 to index
    %get3A_1525 = arith.constant 0 : index
    %get3A_1526 = tpu.vector_load %arg13[%get3A_1524, %get3A_1525] {strides = array<i32>} : memref<4x128xf32, #tpu.memory_space<vmem>>, vector<16xf32>,
    %sub3A_1527 = arith.subf %select_n3A_1522, %get3A_1526 : vector<16xf32>
    %neg3A_1528 = arith.constant 0.000000e+00 : f32
    %neg3A_1529 = vector.broadcast %neg3A_1528 : f32 to vector<16xf32>
    %neg3A_1530 = arith.subf %neg3A_1529, %sub3A_1527 : vector<16xf32>
    %exp3A_1531 = math.exp %neg3A_1530 : vector<16xf32>
    %add3A_1532 = arith.constant 1.000000e+00 : f32
    %add3A_1533 = vector.broadcast %add3A_1532 : f32 to vector<16xf32>
    %add3A_1534 = arith.addf %add3A_1533, %exp3A_1531 : vector<16xf32>
    %div3A_1535 = arith.constant 1.000000e+00 : f32
    %div3A_1536 = vector.broadcast %div3A_1535 : f32 to vector<16xf32>
    %div3A_1537 = arith.divf %div3A_1536, %add3A_1534 : vector<16xf32>
    %swap3A_1538 = arith.constant 384 : index
    %swap3A_1539 = tpu.vector_load %arg14[%swap3A_1538] {strides = array<i32>} : memref<512xf32, #tpu.memory_space<vmem>>, vector<16xf32>,
    tpu.vector_store %arg14[%swap3A_1538], %div3A_1537 {strides = array<i32>} : memref<512xf32, #tpu.memory_space<vmem>>, vector<16xf32>,
    %get3A_1540 = arith.constant 3 : i32
    %get3A_1541 = arith.index_cast %get3A_1540 : i32 to index
    %get3A_1542 = arith.constant 16 : index
    %get3A_1543 = tpu.vector_load %arg8[%get3A_1541, %get3A_1542] {strides = array<i32>} : memref<4x128xi32, #tpu.memory_space<vmem>>, vector<16xi32>,
    %lt3A_1544 = arith.constant 524288 : i32
    %lt3A_1545 = vector.broadcast %lt3A_1544 : i32 to vector<16xi32>
    %lt3A_1546 = arith.cmpi slt, %get3A_1543, %lt3A_1545 : vector<16xi32>
    %get3A_1547 = arith.constant 3 : i32
    %get3A_1548 = arith.index_cast %get3A_1547 : i32 to index
    %get3A_1549 = arith.constant 16 : index
    %get3A_1550 = tpu.vector_load %arg11[%get3A_1548, %get3A_1549] {strides = array<i32>} : memref<4x128xf32, #tpu.memory_space<vmem>>, vector<16xf32>,
    %get3A_1551 = arith.constant 3 : i32
    %get3A_1552 = arith.index_cast %get3A_1551 : i32 to index
    %get3A_1553 = arith.constant 16 : index
    %get3A_1554 = tpu.vector_load %arg12[%get3A_1552, %get3A_1553] {strides = array<i32>} : memref<4x128xf32, #tpu.memory_space<vmem>>, vector<16xf32>,
    %select_n3A_1555 = arith.select %lt3A_1546, %get3A_1550, %get3A_1554 : vector<16xi1>, vector<16xf32>
    %get3A_1556 = arith.constant 3 : i32
    %get3A_1557 = arith.index_cast %get3A_1556 : i32 to index
    %get3A_1558 = arith.constant 16 : index
    %get3A_1559 = tpu.vector_load %arg13[%get3A_1557, %get3A_1558] {strides = array<i32>} : memref<4x128xf32, #tpu.memory_space<vmem>>, vector<16xf32>,
    %sub3A_1560 = arith.subf %select_n3A_1555, %get3A_1559 : vector<16xf32>
    %neg3A_1561 = arith.constant 0.000000e+00 : f32
    %neg3A_1562 = vector.broadcast %neg3A_1561 : f32 to vector<16xf32>
    %neg3A_1563 = arith.subf %neg3A_1562, %sub3A_1560 : vector<16xf32>
    %exp3A_1564 = math.exp %neg3A_1563 : vector<16xf32>
    %add3A_1565 = arith.constant 1.000000e+00 : f32
    %add3A_1566 = vector.broadcast %add3A_1565 : f32 to vector<16xf32>
    %add3A_1567 = arith.addf %add3A_1566, %exp3A_1564 : vector<16xf32>
    %div3A_1568 = arith.constant 1.000000e+00 : f32
    %div3A_1569 = vector.broadcast %div3A_1568 : f32 to vector<16xf32>
    %div3A_1570 = arith.divf %div3A_1569, %add3A_1567 : vector<16xf32>
    %swap3A_1571 = arith.constant 400 : index
    %swap3A_1572 = tpu.vector_load %arg14[%swap3A_1571] {strides = array<i32>} : memref<512xf32, #tpu.memory_space<vmem>>, vector<16xf32>,
    tpu.vector_store %arg14[%swap3A_1571], %div3A_1570 {strides = array<i32>} : memref<512xf32, #tpu.memory_space<vmem>>, vector<16xf32>,
    %get3A_1573 = arith.constant 3 : i32
    %get3A_1574 = arith.index_cast %get3A_1573 : i32 to index
    %get3A_1575 = arith.constant 32 : index
    %get3A_1576 = tpu.vector_load %arg8[%get3A_1574, %get3A_1575] {strides = array<i32>} : memref<4x128xi32, #tpu.memory_space<vmem>>, vector<16xi32>,
    %lt3A_1577 = arith.constant 524288 : i32
    %lt3A_1578 = vector.broadcast %lt3A_1577 : i32 to vector<16xi32>
    %lt3A_1579 = arith.cmpi slt, %get3A_1576, %lt3A_1578 : vector<16xi32>
    %get3A_1580 = arith.constant 3 : i32
    %get3A_1581 = arith.index_cast %get3A_1580 : i32 to index
    %get3A_1582 = arith.constant 32 : index
    %get3A_1583 = tpu.vector_load %arg11[%get3A_1581, %get3A_1582] {strides = array<i32>} : memref<4x128xf32, #tpu.memory_space<vmem>>, vector<16xf32>,
    %get3A_1584 = arith.constant 3 : i32
    %get3A_1585 = arith.index_cast %get3A_1584 : i32 to index
    %get3A_1586 = arith.constant 32 : index
    %get3A_1587 = tpu.vector_load %arg12[%get3A_1585, %get3A_1586] {strides = array<i32>} : memref<4x128xf32, #tpu.memory_space<vmem>>, vector<16xf32>,
    %select_n3A_1588 = arith.select %lt3A_1579, %get3A_1583, %get3A_1587 : vector<16xi1>, vector<16xf32>
    %get3A_1589 = arith.constant 3 : i32
    %get3A_1590 = arith.index_cast %get3A_1589 : i32 to index
    %get3A_1591 = arith.constant 32 : index
    %get3A_1592 = tpu.vector_load %arg13[%get3A_1590, %get3A_1591] {strides = array<i32>} : memref<4x128xf32, #tpu.memory_space<vmem>>, vector<16xf32>,
    %sub3A_1593 = arith.subf %select_n3A_1588, %get3A_1592 : vector<16xf32>
    %neg3A_1594 = arith.constant 0.000000e+00 : f32
    %neg3A_1595 = vector.broadcast %neg3A_1594 : f32 to vector<16xf32>
    %neg3A_1596 = arith.subf %neg3A_1595, %sub3A_1593 : vector<16xf32>
    %exp3A_1597 = math.exp %neg3A_1596 : vector<16xf32>
    %add3A_1598 = arith.constant 1.000000e+00 : f32
    %add3A_1599 = vector.broadcast %add3A_1598 : f32 to vector<16xf32>
    %add3A_1600 = arith.addf %add3A_1599, %exp3A_1597 : vector<16xf32>
    %div3A_1601 = arith.constant 1.000000e+00 : f32
    %div3A_1602 = vector.broadcast %div3A_1601 : f32 to vector<16xf32>
    %div3A_1603 = arith.divf %div3A_1602, %add3A_1600 : vector<16xf32>
    %swap3A_1604 = arith.constant 416 : index
    %swap3A_1605 = tpu.vector_load %arg14[%swap3A_1604] {strides = array<i32>} : memref<512xf32, #tpu.memory_space<vmem>>, vector<16xf32>,
    tpu.vector_store %arg14[%swap3A_1604], %div3A_1603 {strides = array<i32>} : memref<512xf32, #tpu.memory_space<vmem>>, vector<16xf32>,
    %get3A_1606 = arith.constant 3 : i32
    %get3A_1607 = arith.index_cast %get3A_1606 : i32 to index
    %get3A_1608 = arith.constant 48 : index
    %get3A_1609 = tpu.vector_load %arg8[%get3A_1607, %get3A_1608] {strides = array<i32>} : memref<4x128xi32, #tpu.memory_space<vmem>>, vector<16xi32>,
    %lt3A_1610 = arith.constant 524288 : i32
    %lt3A_1611 = vector.broadcast %lt3A_1610 : i32 to vector<16xi32>
    %lt3A_1612 = arith.cmpi slt, %get3A_1609, %lt3A_1611 : vector<16xi32>
    %get3A_1613 = arith.constant 3 : i32
    %get3A_1614 = arith.index_cast %get3A_1613 : i32 to index
    %get3A_1615 = arith.constant 48 : index
    %get3A_1616 = tpu.vector_load %arg11[%get3A_1614, %get3A_1615] {strides = array<i32>} : memref<4x128xf32, #tpu.memory_space<vmem>>, vector<16xf32>,
    %get3A_1617 = arith.constant 3 : i32
    %get3A_1618 = arith.index_cast %get3A_1617 : i32 to index
    %get3A_1619 = arith.constant 48 : index
    %get3A_1620 = tpu.vector_load %arg12[%get3A_1618, %get3A_1619] {strides = array<i32>} : memref<4x128xf32, #tpu.memory_space<vmem>>, vector<16xf32>,
    %select_n3A_1621 = arith.select %lt3A_1612, %get3A_1616, %get3A_1620 : vector<16xi1>, vector<16xf32>
    %get3A_1622 = arith.constant 3 : i32
    %get3A_1623 = arith.index_cast %get3A_1622 : i32 to index
    %get3A_1624 = arith.constant 48 : index
    %get3A_1625 = tpu.vector_load %arg13[%get3A_1623, %get3A_1624] {strides = array<i32>} : memref<4x128xf32, #tpu.memory_space<vmem>>, vector<16xf32>,
    %sub3A_1626 = arith.subf %select_n3A_1621, %get3A_1625 : vector<16xf32>
    %neg3A_1627 = arith.constant 0.000000e+00 : f32
    %neg3A_1628 = vector.broadcast %neg3A_1627 : f32 to vector<16xf32>
    %neg3A_1629 = arith.subf %neg3A_1628, %sub3A_1626 : vector<16xf32>
    %exp3A_1630 = math.exp %neg3A_1629 : vector<16xf32>
    %add3A_1631 = arith.constant 1.000000e+00 : f32
    %add3A_1632 = vector.broadcast %add3A_1631 : f32 to vector<16xf32>
    %add3A_1633 = arith.addf %add3A_1632, %exp3A_1630 : vector<16xf32>
    %div3A_1634 = arith.constant 1.000000e+00 : f32
    %div3A_1635 = vector.broadcast %div3A_1634 : f32 to vector<16xf32>
    %div3A_1636 = arith.divf %div3A_1635, %add3A_1633 : vector<16xf32>
    %swap3A_1637 = arith.constant 432 : index
    %swap3A_1638 = tpu.vector_load %arg14[%swap3A_1637] {strides = array<i32>} : memref<512xf32, #tpu.memory_space<vmem>>, vector<16xf32>,
    tpu.vector_store %arg14[%swap3A_1637], %div3A_1636 {strides = array<i32>} : memref<512xf32, #tpu.memory_space<vmem>>, vector<16xf32>,
    %get3A_1639 = arith.constant 3 : i32
    %get3A_1640 = arith.index_cast %get3A_1639 : i32 to index
    %get3A_1641 = arith.constant 64 : index
    %get3A_1642 = tpu.vector_load %arg8[%get3A_1640, %get3A_1641] {strides = array<i32>} : memref<4x128xi32, #tpu.memory_space<vmem>>, vector<16xi32>,
    %lt3A_1643 = arith.constant 524288 : i32
    %lt3A_1644 = vector.broadcast %lt3A_1643 : i32 to vector<16xi32>
    %lt3A_1645 = arith.cmpi slt, %get3A_1642, %lt3A_1644 : vector<16xi32>
    %get3A_1646 = arith.constant 3 : i32
    %get3A_1647 = arith.index_cast %get3A_1646 : i32 to index
    %get3A_1648 = arith.constant 64 : index
    %get3A_1649 = tpu.vector_load %arg11[%get3A_1647, %get3A_1648] {strides = array<i32>} : memref<4x128xf32, #tpu.memory_space<vmem>>, vector<16xf32>,
    %get3A_1650 = arith.constant 3 : i32
    %get3A_1651 = arith.index_cast %get3A_1650 : i32 to index
    %get3A_1652 = arith.constant 64 : index
    %get3A_1653 = tpu.vector_load %arg12[%get3A_1651, %get3A_1652] {strides = array<i32>} : memref<4x128xf32, #tpu.memory_space<vmem>>, vector<16xf32>,
    %select_n3A_1654 = arith.select %lt3A_1645, %get3A_1649, %get3A_1653 : vector<16xi1>, vector<16xf32>
    %get3A_1655 = arith.constant 3 : i32
    %get3A_1656 = arith.index_cast %get3A_1655 : i32 to index
    %get3A_1657 = arith.constant 64 : index
    %get3A_1658 = tpu.vector_load %arg13[%get3A_1656, %get3A_1657] {strides = array<i32>} : memref<4x128xf32, #tpu.memory_space<vmem>>, vector<16xf32>,
    %sub3A_1659 = arith.subf %select_n3A_1654, %get3A_1658 : vector<16xf32>
    %neg3A_1660 = arith.constant 0.000000e+00 : f32
    %neg3A_1661 = vector.broadcast %neg3A_1660 : f32 to vector<16xf32>
    %neg3A_1662 = arith.subf %neg3A_1661, %sub3A_1659 : vector<16xf32>
    %exp3A_1663 = math.exp %neg3A_1662 : vector<16xf32>
    %add3A_1664 = arith.constant 1.000000e+00 : f32
    %add3A_1665 = vector.broadcast %add3A_1664 : f32 to vector<16xf32>
    %add3A_1666 = arith.addf %add3A_1665, %exp3A_1663 : vector<16xf32>
    %div3A_1667 = arith.constant 1.000000e+00 : f32
    %div3A_1668 = vector.broadcast %div3A_1667 : f32 to vector<16xf32>
    %div3A_1669 = arith.divf %div3A_1668, %add3A_1666 : vector<16xf32>
    %swap3A_1670 = arith.constant 448 : index
    %swap3A_1671 = tpu.vector_load %arg14[%swap3A_1670] {strides = array<i32>} : memref<512xf32, #tpu.memory_space<vmem>>, vector<16xf32>,
    tpu.vector_store %arg14[%swap3A_1670], %div3A_1669 {strides = array<i32>} : memref<512xf32, #tpu.memory_space<vmem>>, vector<16xf32>,
    %get3A_1672 = arith.constant 3 : i32
    %get3A_1673 = arith.index_cast %get3A_1672 : i32 to index
    %get3A_1674 = arith.constant 80 : index
    %get3A_1675 = tpu.vector_load %arg8[%get3A_1673, %get3A_1674] {strides = array<i32>} : memref<4x128xi32, #tpu.memory_space<vmem>>, vector<16xi32>,
    %lt3A_1676 = arith.constant 524288 : i32
    %lt3A_1677 = vector.broadcast %lt3A_1676 : i32 to vector<16xi32>
    %lt3A_1678 = arith.cmpi slt, %get3A_1675, %lt3A_1677 : vector<16xi32>
    %get3A_1679 = arith.constant 3 : i32
    %get3A_1680 = arith.index_cast %get3A_1679 : i32 to index
    %get3A_1681 = arith.constant 80 : index
    %get3A_1682 = tpu.vector_load %arg11[%get3A_1680, %get3A_1681] {strides = array<i32>} : memref<4x128xf32, #tpu.memory_space<vmem>>, vector<16xf32>,
    %get3A_1683 = arith.constant 3 : i32
    %get3A_1684 = arith.index_cast %get3A_1683 : i32 to index
    %get3A_1685 = arith.constant 80 : index
    %get3A_1686 = tpu.vector_load %arg12[%get3A_1684, %get3A_1685] {strides = array<i32>} : memref<4x128xf32, #tpu.memory_space<vmem>>, vector<16xf32>,
    %select_n3A_1687 = arith.select %lt3A_1678, %get3A_1682, %get3A_1686 : vector<16xi1>, vector<16xf32>
    %get3A_1688 = arith.constant 3 : i32
    %get3A_1689 = arith.index_cast %get3A_1688 : i32 to index
    %get3A_1690 = arith.constant 80 : index
    %get3A_1691 = tpu.vector_load %arg13[%get3A_1689, %get3A_1690] {strides = array<i32>} : memref<4x128xf32, #tpu.memory_space<vmem>>, vector<16xf32>,
    %sub3A_1692 = arith.subf %select_n3A_1687, %get3A_1691 : vector<16xf32>
    %neg3A_1693 = arith.constant 0.000000e+00 : f32
    %neg3A_1694 = vector.broadcast %neg3A_1693 : f32 to vector<16xf32>
    %neg3A_1695 = arith.subf %neg3A_1694, %sub3A_1692 : vector<16xf32>
    %exp3A_1696 = math.exp %neg3A_1695 : vector<16xf32>
    %add3A_1697 = arith.constant 1.000000e+00 : f32
    %add3A_1698 = vector.broadcast %add3A_1697 : f32 to vector<16xf32>
    %add3A_1699 = arith.addf %add3A_1698, %exp3A_1696 : vector<16xf32>
    %div3A_1700 = arith.constant 1.000000e+00 : f32
    %div3A_1701 = vector.broadcast %div3A_1700 : f32 to vector<16xf32>
    %div3A_1702 = arith.divf %div3A_1701, %add3A_1699 : vector<16xf32>
    %swap3A_1703 = arith.constant 464 : index
    %swap3A_1704 = tpu.vector_load %arg14[%swap3A_1703] {strides = array<i32>} : memref<512xf32, #tpu.memory_space<vmem>>, vector<16xf32>,
    tpu.vector_store %arg14[%swap3A_1703], %div3A_1702 {strides = array<i32>} : memref<512xf32, #tpu.memory_space<vmem>>, vector<16xf32>,
    %get3A_1705 = arith.constant 3 : i32
    %get3A_1706 = arith.index_cast %get3A_1705 : i32 to index
    %get3A_1707 = arith.constant 96 : index
    %get3A_1708 = tpu.vector_load %arg8[%get3A_1706, %get3A_1707] {strides = array<i32>} : memref<4x128xi32, #tpu.memory_space<vmem>>, vector<16xi32>,
    %lt3A_1709 = arith.constant 524288 : i32
    %lt3A_1710 = vector.broadcast %lt3A_1709 : i32 to vector<16xi32>
    %lt3A_1711 = arith.cmpi slt, %get3A_1708, %lt3A_1710 : vector<16xi32>
    %get3A_1712 = arith.constant 3 : i32
    %get3A_1713 = arith.index_cast %get3A_1712 : i32 to index
    %get3A_1714 = arith.constant 96 : index
    %get3A_1715 = tpu.vector_load %arg11[%get3A_1713, %get3A_1714] {strides = array<i32>} : memref<4x128xf32, #tpu.memory_space<vmem>>, vector<16xf32>,
    %get3A_1716 = arith.constant 3 : i32
    %get3A_1717 = arith.index_cast %get3A_1716 : i32 to index
    %get3A_1718 = arith.constant 96 : index
    %get3A_1719 = tpu.vector_load %arg12[%get3A_1717, %get3A_1718] {strides = array<i32>} : memref<4x128xf32, #tpu.memory_space<vmem>>, vector<16xf32>,
    %select_n3A_1720 = arith.select %lt3A_1711, %get3A_1715, %get3A_1719 : vector<16xi1>, vector<16xf32>
    %get3A_1721 = arith.constant 3 : i32
    %get3A_1722 = arith.index_cast %get3A_1721 : i32 to index
    %get3A_1723 = arith.constant 96 : index
    %get3A_1724 = tpu.vector_load %arg13[%get3A_1722, %get3A_1723] {strides = array<i32>} : memref<4x128xf32, #tpu.memory_space<vmem>>, vector<16xf32>,
    %sub3A_1725 = arith.subf %select_n3A_1720, %get3A_1724 : vector<16xf32>
    %neg3A_1726 = arith.constant 0.000000e+00 : f32
    %neg3A_1727 = vector.broadcast %neg3A_1726 : f32 to vector<16xf32>
    %neg3A_1728 = arith.subf %neg3A_1727, %sub3A_1725 : vector<16xf32>
    %exp3A_1729 = math.exp %neg3A_1728 : vector<16xf32>
    %add3A_1730 = arith.constant 1.000000e+00 : f32
    %add3A_1731 = vector.broadcast %add3A_1730 : f32 to vector<16xf32>
    %add3A_1732 = arith.addf %add3A_1731, %exp3A_1729 : vector<16xf32>
    %div3A_1733 = arith.constant 1.000000e+00 : f32
    %div3A_1734 = vector.broadcast %div3A_1733 : f32 to vector<16xf32>
    %div3A_1735 = arith.divf %div3A_1734, %add3A_1732 : vector<16xf32>
    %swap3A_1736 = arith.constant 480 : index
    %swap3A_1737 = tpu.vector_load %arg14[%swap3A_1736] {strides = array<i32>} : memref<512xf32, #tpu.memory_space<vmem>>, vector<16xf32>,
    tpu.vector_store %arg14[%swap3A_1736], %div3A_1735 {strides = array<i32>} : memref<512xf32, #tpu.memory_space<vmem>>, vector<16xf32>,
    %get3A_1738 = arith.constant 3 : i32
    %get3A_1739 = arith.index_cast %get3A_1738 : i32 to index
    %get3A_1740 = arith.constant 112 : index
    %get3A_1741 = tpu.vector_load %arg8[%get3A_1739, %get3A_1740] {strides = array<i32>} : memref<4x128xi32, #tpu.memory_space<vmem>>, vector<16xi32>,
    %lt3A_1742 = arith.constant 524288 : i32
    %lt3A_1743 = vector.broadcast %lt3A_1742 : i32 to vector<16xi32>
    %lt3A_1744 = arith.cmpi slt, %get3A_1741, %lt3A_1743 : vector<16xi32>
    %get3A_1745 = arith.constant 3 : i32
    %get3A_1746 = arith.index_cast %get3A_1745 : i32 to index
    %get3A_1747 = arith.constant 112 : index
    %get3A_1748 = tpu.vector_load %arg11[%get3A_1746, %get3A_1747] {strides = array<i32>} : memref<4x128xf32, #tpu.memory_space<vmem>>, vector<16xf32>,
    %get3A_1749 = arith.constant 3 : i32
    %get3A_1750 = arith.index_cast %get3A_1749 : i32 to index
    %get3A_1751 = arith.constant 112 : index
    %get3A_1752 = tpu.vector_load %arg12[%get3A_1750, %get3A_1751] {strides = array<i32>} : memref<4x128xf32, #tpu.memory_space<vmem>>, vector<16xf32>,
    %select_n3A_1753 = arith.select %lt3A_1744, %get3A_1748, %get3A_1752 : vector<16xi1>, vector<16xf32>
    %get3A_1754 = arith.constant 3 : i32
    %get3A_1755 = arith.index_cast %get3A_1754 : i32 to index
    %get3A_1756 = arith.constant 112 : index
    %get3A_1757 = tpu.vector_load %arg13[%get3A_1755, %get3A_1756] {strides = array<i32>} : memref<4x128xf32, #tpu.memory_space<vmem>>, vector<16xf32>,
    %sub3A_1758 = arith.subf %select_n3A_1753, %get3A_1757 : vector<16xf32>
    %neg3A_1759 = arith.constant 0.000000e+00 : f32
    %neg3A_1760 = vector.broadcast %neg3A_1759 : f32 to vector<16xf32>
    %neg3A_1761 = arith.subf %neg3A_1760, %sub3A_1758 : vector<16xf32>
    %exp3A_1762 = math.exp %neg3A_1761 : vector<16xf32>
    %add3A_1763 = arith.constant 1.000000e+00 : f32
    %add3A_1764 = vector.broadcast %add3A_1763 : f32 to vector<16xf32>
    %add3A_1765 = arith.addf %add3A_1764, %exp3A_1762 : vector<16xf32>
    %div3A_1766 = arith.constant 1.000000e+00 : f32
    %div3A_1767 = vector.broadcast %div3A_1766 : f32 to vector<16xf32>
    %div3A_1768 = arith.divf %div3A_1767, %add3A_1765 : vector<16xf32>
    %swap3A_1769 = arith.constant 496 : index
    %swap3A_1770 = tpu.vector_load %arg14[%swap3A_1769] {strides = array<i32>} : memref<512xf32, #tpu.memory_space<vmem>>, vector<16xf32>,
    tpu.vector_store %arg14[%swap3A_1769], %div3A_1768 {strides = array<i32>} : memref<512xf32, #tpu.memory_space<vmem>>, vector<16xf32>,
    %mul3A_1771 = arith.constant 512 : i32
    %mul3A_1772 = arith.muli %add3A, %mul3A_1771 : i32
    "tpu.region"() ({
      %run_scoped3A = tpu.sem_alloc : memref<!tpu.dma_semaphore, #tpu.memory_space<semaphore_mem>>
      %dma_start3A_1773 = tpu.memref_slice %arg7[%mul3A_1772] : memref<16384xf32, #tpu.memory_space<hbm>> -> memref<512xf32, #tpu.memory_space<hbm>>
      %dma_start3A_1774 = tpu.memref_slice %arg7[%mul3A_1772] : memref<16384xf32, #tpu.memory_space<hbm>> -> memref<512xf32, #tpu.memory_space<hbm>>
      tpu.enqueue_dma source(%arg14 : memref<512xf32, #tpu.memory_space<vmem>>) target(%dma_start3A_1774 : memref<512xf32, #tpu.memory_space<hbm>>) target_semaphore(%run_scoped3A : memref<!tpu.dma_semaphore, #tpu.memory_space<semaphore_mem>>)
      %dma_wait3A_1775 = tpu.memref_slice %arg7[%mul3A_1772] : memref<16384xf32, #tpu.memory_space<hbm>> -> memref<512xf32, #tpu.memory_space<hbm>>
      %dma_wait3A_1776 = tpu.memref_slice %arg7[%mul3A_1772] : memref<16384xf32, #tpu.memory_space<hbm>> -> memref<512xf32, #tpu.memory_space<hbm>>
      tpu.wait_dma2 semaphore(%run_scoped3A : memref<!tpu.dma_semaphore, #tpu.memory_space<semaphore_mem>>) src(%arg14 : memref<512xf32, #tpu.memory_space<vmem>>) dst(%dma_wait3A_1776 : memref<512xf32, #tpu.memory_space<hbm>>)
      tpu.yield
    }) : () -> ()
    return
  }
}

module attributes {stable_mosaic.version = 14 : i64} {
  func.func @_rowsum_body(%arg0: i32, %arg1: memref<64x16384xf32, #tpu.memory_space<vmem>>, %arg2: memref<16384xf32, #tpu.memory_space<vmem>>) attributes {dimension_semantics = [#tpu.dimension_semantics<arbitrary>], iteration_bounds = array<i64: 7>, scalar_prefetch = 0 : i64, scratch_operands = 0 : i64, tpu.core_type = #tpu.core_type<tc>, window_params = [{transform_indices = @transform_0, window_bounds = array<i64: 64, 16384>}, {transform_indices = @transform_1, window_bounds = array<i64: 16384>}]} {
    %broadcast_in_dim3A = arith.constant 1.000000e+00 : f32
    %broadcast_in_dim3A_0 = vector.broadcast %broadcast_in_dim3A : f32 to vector<1x64xf32>
    %get3A = arith.constant 0 : index
    %get3A_1 = arith.constant 0 : index
    %get3A_2 = vector.load %arg1[%get3A, %get3A_1] : memref<64x16384xf32, #tpu.memory_space<vmem>>, vector<64x16384xf32>
    %dot_general3A = arith.constant dense<0.000000e+00> : vector<1x16384xf32>
    %dot_general3A_3 = tpu.matmul %broadcast_in_dim3A_0, %get3A_2, %dot_general3A {dimension_numbers = #tpu.dot_dimension_numbers<[1], [0], [0], [1], [0, 0, 1, 1], [], []>, transpose_lhs_hint = false} : vector<1x64xf32>, vector<64x16384xf32>, vector<1x16384xf32> -> vector<1x16384xf32>
    %reshape3A = vector.shape_cast %dot_general3A_3 : vector<1x16384xf32> to vector<16384xf32>
    %swap3A = arith.constant 0 : index
    %swap3A_4 = vector.load %arg2[%swap3A] : memref<16384xf32, #tpu.memory_space<vmem>>, vector<16384xf32>
    tpu.vector_store %arg2[%swap3A], %reshape3A {strides = array<i32>} : memref<16384xf32, #tpu.memory_space<vmem>>, vector<16384xf32>,
    return
  }
  func.func @transform_0(%arg0: i32) -> (i32, i32) {
    %add3A = arith.constant 0 : i32
    %add3A_0 = arith.addi %arg0, %add3A : i32
    %c0_i32 = arith.constant 0 : i32
    %c0_i32_1 = arith.constant 0 : i32
    return %c0_i32, %add3A_0 : i32, i32
  }
  func.func @transform_1(%arg0: i32) -> i32 {
    %add3A = arith.constant 0 : i32
    %add3A_0 = arith.addi %arg0, %add3A : i32
    %c0_i32 = arith.constant 0 : i32
    return %add3A_0 : i32
  }
}

module attributes {stable_mosaic.version = 14 : i64} {
  func.func @_rowsum_body(%arg0: i32, %arg1: memref<64x16384xf32, #tpu.memory_space<vmem>>, %arg2: memref<16384xf32, #tpu.memory_space<vmem>>) attributes {dimension_semantics = [#tpu.dimension_semantics<arbitrary>], iteration_bounds = array<i64: 30>, scalar_prefetch = 0 : i64, scratch_operands = 0 : i64, tpu.core_type = #tpu.core_type<tc>, window_params = [{transform_indices = @transform_0, window_bounds = array<i64: 64, 16384>}, {transform_indices = @transform_1, window_bounds = array<i64: 16384>}]} {
    %broadcast_in_dim3A = arith.constant 1.000000e+00 : f32
    %broadcast_in_dim3A_0 = vector.broadcast %broadcast_in_dim3A : f32 to vector<1x64xf32>
    %get3A = arith.constant 0 : index
    %get3A_1 = arith.constant 0 : index
    %get3A_2 = vector.load %arg1[%get3A, %get3A_1] : memref<64x16384xf32, #tpu.memory_space<vmem>>, vector<64x16384xf32>
    %dot_general3A = arith.constant dense<0.000000e+00> : vector<1x16384xf32>
    %dot_general3A_3 = tpu.matmul %broadcast_in_dim3A_0, %get3A_2, %dot_general3A {dimension_numbers = #tpu.dot_dimension_numbers<[1], [0], [0], [1], [0, 0, 1, 1], [], []>, transpose_lhs_hint = false} : vector<1x64xf32>, vector<64x16384xf32>, vector<1x16384xf32> -> vector<1x16384xf32>
    %reshape3A = vector.shape_cast %dot_general3A_3 : vector<1x16384xf32> to vector<16384xf32>
    %swap3A = arith.constant 0 : index
    %swap3A_4 = vector.load %arg2[%swap3A] : memref<16384xf32, #tpu.memory_space<vmem>>, vector<16384xf32>
    tpu.vector_store %arg2[%swap3A], %reshape3A {strides = array<i32>} : memref<16384xf32, #tpu.memory_space<vmem>>, vector<16384xf32>,
    return
  }
  func.func @transform_0(%arg0: i32) -> (i32, i32) {
    %add3A = arith.constant 32 : i32
    %add3A_0 = arith.addi %arg0, %add3A : i32
    %c0_i32 = arith.constant 0 : i32
    %c0_i32_1 = arith.constant 0 : i32
    return %c0_i32, %add3A_0 : i32, i32
  }
  func.func @transform_1(%arg0: i32) -> i32 {
    %add3A = arith.constant 32 : i32
    %add3A_0 = arith.addi %arg0, %add3A : i32
    %c0_i32 = arith.constant 0 : i32
    return %add3A_0 : i32
  }
}

</mosaic_0001>

<sc_bundles>
// kernel: _irt.6.cloned.1.call-start
scs
__scs_entry_jumppad:
0x0: {  	(pc) =	sbr.rel $0x88, $3  }
0x1: {  	(tag) =	ssettag $0x0;
	lr =	simm.s32 $0x1  }
0x2: {  	[smem:$0x3F9D] =	sst lr;
	_ =	strace $0xD0000000  }
0x3: {  	_ = 	snop  }
0x4: {  	_ = 	snop  }
0x5: {  	_ = 	snop  }
0x6: {  	_ = 	snop  }
0x7: {  	_ = 	snop  }
__scs_overlays_trampoline_lowered:
0x8: {  	[smem:$0x3FAC] =	sst s0  }
0x9: {  	[smem:$0x3FAD] =	sst s1  }
0xa: {  	[smem:$0x3FAE] =	sst s2  }
0xb: {  	[smem:$0x3FAF] =	sst s3  }
0xc: {  	[smem:$0x3FB0] =	sst s4  }
0xd: {  	[smem:$0x3FB1] =	sst s5  }
0xe: {  	[smem:$0x3FB2] =	sst s6  }
0xf: {  	[smem:$0x3FB3] =	sst s7  }
0x10: {  	[smem:$0x3FB4] =	sst s8  }
0x11: {  	[smem:$0x3FB5] =	sst s9;
	s0 =	simm.s32 @!p0 $0x0  }
0x12: {  	s1 =	sld [smem:$0x3F9B];
	s0 =	simm.s32 @p0 $0x1  }
0x13: {  	[smem:$0x3FB6] =	sst s0;
	s0 =	simm.s32 @!p1 $0x0  }
0x14: {  	s2 =	sld [smem:$0x3F9A];
	s0 =	simm.s32 @p1 $0x1  }
0x15: {  	[smem:$0x3FB7] =	sst s0;
	s0 =	simm.s32 @!p2 $0x0  }
0x16: {  	s3 =	sld [smem:$0x3FDB];
	s0 =	simm.s32 @p2 $0x1  }
0x17: {  	s4 =	simm.s32 $0x1BF5;
	[smem:$0x3FB9] =	sst s0  }
0x18: {  	s0 =	sld [smem:$0x3F9C];
	_ =	swait.ge [sflag:s4], $0x0  }
0x19: {  	s7 =	sld [smem:$0x3F9D]  }
0x1a: {  	s8 =	sadd.s32 $0xFFFFE003, lr  }
0x1b: {  	s9 =	sadd.s32 $0xFFFFFEF7, lr;
	s5 =	simm.s32 $0xFFFFFFFF;
	p2 =	slt.u32 s8, $0xFFFFF086  }
0x1c: {  	p1 =	slt.u32 s9, $0xF7A;
	s5 =	simm.s32 @!p2 $0x0  }
0x1d: {  	s5 =	simm.s32 @p1 $0x1;
	p0 =	seq.s32 s7, s2  }
0x1e: {  	s7 =	smul.u32 @!p0 $0xF7A, s2;
	p2 =	seq.s32 @!p0 s5, $0x0  }
0x1f: {  	s9 =	smul.u32 $0xF7A, s1;
	s8 =	simm.s32 @!p0 $0x1BF5;
	p2 =	por !p2, p0  }
0x20: {  	[sflag:s8] =	ssyncset.s32 @!p0 $0xFFFFF086;
	s6 =	sadd.s32 @!p0 s3, s7;
	s7 =	simm.s32 @!p0 $0x108  }
0x21: {  	s3 =	sadd.s32 s3, s9;
	s6 =	sadd.s32 @!p0 $0x88, s6;
	s7 =	simm.s32 @p2 $0x1082  }
0x22: {  	[simem:s7], [sflag:s8] =	dma.local @!p0 [hbm:s6], $0xF7A  }
0x23: {  	s9 =	sor.u32 $0xD0000000, s2;
	s6 =	simm.s32 $0x108;
	_ =	swait.ge @!p0 [sflag:s8], $0x0  }
0x24: {  	s3 =	sadd.s32 $0x88, s3;
	s6 =	simm.s32 @!p1 $0x1082;
	[sflag:s4] =	ssyncset.s32 $0xFFFFF086  }
0x25: {  	[simem:s6], [sflag:s4] =	dma.local [hbm:s3], $0xF7A  }
0x26: {  	[smem:$0x3F9D] =	sst s1;
	(tag) =	ssettag s2;
	_ =	strace s9  }
0x27: {  	s1 =	sld [smem:$0x3FAD]  }
0x28: {  	s2 =	sld [smem:$0x3FAE]  }
0x29: {  	s4 =	sld [smem:$0x3FB0]  }
0x2a: {  	p0 =	seq.s32 s5, $0x0;
	s5 =	sld [smem:$0x3FB1]  }
0x2b: {  	s6 =	sld [smem:$0x3FB2]  }
0x2c: {  	s7 =	sld [smem:$0x3FB3]  }
0x2d: {  	s3 =	simm.s32 $0x108;
	s8 =	sld [smem:$0x3FB4]  }
0x2e: {  	s3 =	simm.s32 @!p0 $0x1082;
	s9 =	sld [smem:$0x3FB5]  }
0x2f: {  	lr =	sadd.s32 s0, s3;
	s0 =	sld [smem:$0x3FAC]  }
0x30: {  	s3 =	sld [smem:$0x3FAF]  }
0x31: {  	[smem:$0x3FB8] =	sst s10  }
0x32: {  	s10 =	sld [smem:$0x3FB6];
	_ =	sdelay $0x3  }
0x33: {  	p0 =	seq.s32 s10, $0x1;
	s10 =	sld [smem:$0x3FB8];
	_ =	sdelay $0x3  }
0x34: {  	[smem:$0x3FB8] =	sst s10  }
0x35: {  	s10 =	sld [smem:$0x3FB7];
	_ =	sdelay $0x3  }
0x36: {  	p1 =	seq.s32 s10, $0x1;
	s10 =	sld [smem:$0x3FB8];
	_ =	sdelay $0x3  }
0x37: {  	[smem:$0x3FB8] =	sst s10  }
0x38: {  	s10 =	sld [smem:$0x3FB9]  }
0x39: {  	_ = 	snop;
	(pc) =	sbr.ind lr, $3  }
0x3a: {  	_ = 	snop  }
0x3b: {  	_ = 	snop  }
0x3c: {  	p2 =	seq.s32 s10, $0x1;
	s10 =	sld [smem:$0x3FB8]  }
0x3d: {  	_ =	shalt  }
0x3e: {  	_ =	shalt  }
0x3f: {  	_ =	shalt  }
0x40: {  	_ =	shalt  }
0x41: {  	_ =	shalt  }
0x42: {  	_ =	shalt  }
0x43: {  	_ =	shalt  }
0x44: {  	_ =	shalt  }
0x45: {  	_ =	shalt  }
0x46: {  	_ =	shalt  }
0x47: {  	_ =	shalt  }
0x48: {  	_ =	shalt  }
0x49: {  	_ =	shalt  }
0x4a: {  	_ =	shalt  }
0x4b: {  	_ =	shalt  }
0x4c: {  	_ =	shalt  }
0x4d: {  	_ =	shalt  }
0x4e: {  	_ =	shalt  }
0x4f: {  	_ =	shalt  }
0x50: {  	_ =	shalt  }
0x51: {  	_ =	shalt  }
0x52: {  	_ =	shalt  }
0x53: {  	_ =	shalt  }
0x54: {  	_ =	shalt  }
0x55: {  	_ =	shalt  }
0x56: {  	_ =	shalt  }
0x57: {  	_ =	shalt  }
0x58: {  	_ =	shalt  }
0x59: {  	_ =	shalt  }
0x5a: {  	_ =	shalt  }
0x5b: {  	_ =	shalt  }
0x5c: {  	_ =	shalt  }
0x5d: {  	_ =	shalt  }
0x5e: {  	_ =	shalt  }
0x5f: {  	_ =	shalt  }
0x60: {  	_ =	shalt  }
0x61: {  	_ =	shalt  }
0x62: {  	_ =	shalt  }
0x63: {  	_ =	shalt  }
0x64: {  	_ =	shalt  }
0x65: {  	_ =	shalt  }
0x66: {  	_ =	shalt  }
0x67: {  	_ =	shalt  }
0x68: {  	_ =	shalt  }
0x69: {  	_ =	shalt  }
0x6a: {  	_ =	shalt  }
0x6b: {  	_ =	shalt  }
0x6c: {  	_ =	shalt  }
0x6d: {  	_ =	shalt  }
0x6e: {  	_ =	shalt  }
0x6f: {  	_ =	shalt  }
0x70: {  	_ =	shalt  }
0x71: {  	_ =	shalt  }
0x72: {  	_ =	shalt  }
0x73: {  	_ =	shalt  }
0x74: {  	_ =	shalt  }
0x75: {  	_ =	shalt  }
0x76: {  	_ =	shalt  }
0x77: {  	_ =	shalt  }
0x78: {  	_ =	shalt  }
0x79: {  	_ =	shalt  }
0x7a: {  	_ =	shalt  }
0x7b: {  	_ =	shalt  }
0x7c: {  	_ =	shalt  }
0x7d: {  	_ =	shalt  }
0x7e: {  	_ =	shalt  }
0x7f: {  	_ =	shalt  }
0x80: {  	_ =	shalt  }
0x81: {  	_ =	shalt  }
0x82: {  	_ =	shalt  }
0x83: {  	_ =	shalt  }
0x84: {  	_ =	shalt  }
0x85: {  	_ =	shalt  }
0x86: {  	_ =	shalt  }
0x87: {  	_ =	shalt  }
.Lfunc_end0:
.L_simem_size_0:
called_computation_lowered:
.L_overlay_start_0:
0x88: {  	s2 =	sld [smem:$0x3FD9]  }
0x89: {  	s3 =	sld [smem:$0x3FFE];
	_ =	sdelay $0x1  }
0x8a: {  	s1 =	srdreg.scid  }
0x8b: {  	s0 =	sand.u32 $0x1, s1  }
0x8c: {  	s17 =	sshll.u32 s0, $0xA;
	s2 =	sadd.s32 s3, s2  }
0x8d: {  	s2 =	sadd.s32 s2, s17  }
0x8e: {  	[smem:$0x3FC4] =	sst s2  }
0x8f: {  	_ = 	snop  }
0x90: {  	s2 =	sld [smem:$0x3FC7];
	(tm) =	ssettm $0x1  }
0x91: {  	s18 =	sld [smem:$0x3FFB];
	_ =	sdelay $0x3  }
0x92: {  	_ =	strace s18  }
0x93: {  	s3 =	sld [smem:$0x3FFC];
	_ =	sdelay $0x3  }
0x94: {  	_ =	strace s3  }
0x95: {  	s3 =	sld [smem:$0x3FFD];
	_ =	sdelay $0x3  }
0x96: {  	_ =	strace s3  }
0x97: {  	_ =	strace $0x8FFFFFFF  }
0x98: {  	s19 =	sld [smem:$0x3FDB];
	_ =	sdelay $0x1  }
0x99: {  	s4 =	simm.s32 $_scs_section_size  }
0x9a: {  	s5 =	simm.s32 $_size__tile_overlayer_lowered;
	s6 =	simm.s32 $_tile_overlayer_lowered  }
0x9b: {  	s22 =	simm.s32 $0x1BFF;
	s21 =	sshll.u32 s6, $0x1;
	s3 =	sadd.s32 s4, s19  }
0x9c: {  	s7 =	simm.s32 $0x0;
	s20 =	sshll.u32 s5, $0x1;
	s5 =	sadd.s32 s21, s3  }
0x9d: {  	[timem:s7], [sflag:s22] =	dma.local [hbm:s5], s20  }
0x9e: {  	_ =	swait.ge [sflag:s22], s20  }
0x9f: {  	s4 =	ssub.s32 $0x0, s20;
	[sflag:s22] =	ssyncset.done $0x0  }
0xa0: {  	[sflag:s22] =	ssyncadd.s32 s4;
	_ =	sdelay $0x1  }
0xa1: {  	s23 =	simm.s32 $0x1B8B  }
0xa2: {  	_ =	swait.ge [sflag:s23], $0x1  }
0xa3: {  	[sflag:s23] =	ssyncset.done $0x0  }
0xa4: {  	s25 =	simm.s32 $0x1B8E;
	s24 =	sld [smem:$0x3FFE];
	[sflag:s23] =	ssyncadd.s32 $0xFFFFFFFF  }
0xa5: {  	s26 =	simm.s32 $execute0_lowered;
	[smem:$0x3FD2] =	sst s25  }
0xa6: {  	s5 =	sshll.u32 s26, $0x1;
	_ =	strace $0x80000046;
	[dreg:$0x1] =	wrdreg $0xFFFFFFFF  }
0xa7: {  	s28 =	simm.s32 $_size_execute0_lowered;
	s3 =	sadd.s32 s3, s5;
	[dreg:$0x0] =	wrdreg $0x0  }
0xa8: {  	s5 =	sshll.u32 s28, $0x1;
	[dreg:$0x2] =	wrdreg s3  }
0xa9: {  	[dreg:$0x3] =	wrdreg s5  }
0xaa: {  	[dreg:$0x4] =	wrdreg $0xC0  }
0xab: {  	_ =	task [dreg:s7], $0x5FFFF  }
0xac: {  	[dreg:$0x1] =	wrdreg $0xFFFFFFFF  }
0xad: {  	[dreg:$0x0] =	wrdreg $0x60  }
0xae: {  	[dreg:$0x2] =	wrdreg s2  }
0xaf: {  	[dreg:$0x3] =	wrdreg s24  }
0xb0: {  	[dreg:$0x4] =	wrdreg $0x9  }
0xb1: {  	_ =	task.clear_ibuf [dreg:s7], $0x5FFFF;
	_ =	strace $0x90000046  }
0xb2: {  	s29 =	simm.s32 $0x9;
	_ =	strace $0x80000048  }
0xb3: {  	_ =	swait.ge [sflag:s29], $0x1  }
0xb4: {  	[sflag:s29] =	ssyncadd.s32 $0xFFFFFFFF  }
0xb5: {  	_ =	strace $0x90000048  }
0xb6: {  	_ =	sfence  }
0xb7: {  	s30 =	sld [smem:$0x0];
	_ =	sdelay $0x2  }
0xb8: {  	s31 =	sshll.u32 s1, $0xD;
	s1 =	sshrl.u32 s1, $0x2  }
0xb9: {  	s3 =	sand.u32 $0x4000, s31;
	s1 =	sadd.s32 s1, s30  }
0xba: {  	s0 =	sor.u32 s3, s0;
	s1 =	sshll.u32 s1, $0x11  }
0xbb: {  	s0 =	sor.u32 s1, s0  }
0xbc: {  	s0 =	sadd.s32 $0x8F2B, s0  }
0xbd: {  	[sflag:s0] =	ssyncadd.remote.s32 $0x1  }
0xbe: {  	_ =	sfence.sel $0xFFFF  }
0xbf: {  	[dreg:$0x0] =	wrdreg $0xFFFFFFFF;
	(pc) =	sbr.abs _section_cstart, $3  }
0xc0: {  	[dreg:$0x1] =	wrdreg $0xFFFFFFFF  }
0xc1: {  	_ =	task.clear_ibuf [dreg:s7], $0x2FFFF;
	_ =	strace $0x9FFFFFFF  }
0xc2: {  	(tm) =	ssettm $0x7FFFFFFF  }
0xc3: {  	_ =	shalt  }
tec
execute0_lowered:
.L_overlay_start_1:
0x0: {  	(tag) =	ssettag $0x1  }
0x1: {  	s3 =	rddreg [dreg:$0x0]  }
0x2: {  	s4 =	rddreg [dreg:$0x1];
	s2 =	srdreg.scid  }
0x3: {  	s0 =	rddreg [dreg:$0x2];
	s1 =	stileid.u32;
	s9 =	simm.s32 $0x1  }
0x4: {  	s10 =	simm.s32 $0x10000;
	s11 =	simm.s32 $0x2;
	s12 =	simm.s32 $0x0  }
0x5: {  	s5 =	sand.u32 $0x1, s2;
	s2 =	simm.s32 $0x0;
	s6 =	sshll.u32 s1, $0xF  }
0x6: {  	s7 =	sshll.u32 s5, $0xE;
	[smem:$0x7FF] =	sst s2;
	s5 =	ssub.s32 $0x2, s5  }
0x7: {  	s6 =	sor.u32 s7, s6;
	_ =	strace $0x80000047;
	s8 =	sshrl.u32 s5, $0x1  }
0x8: {  	s7 =	sshrl.u32 s6, $0x3;
	s5 =	ssub.s32 s5, s8;
	s3 =	sadd.s32 s3, s6  }
0x9: {  	s6 =	simm.s32 $0x1000;
	s8 =	simm.s32 $0x8000;
	s4 =	sadd.s32 s7, s4  }
0xa: {  	s5 =	smax.u32 s5, $0x1;
	s7 =	simm.s32 $0x7A1400;
	s4 =	sadd.s32 $0xC00, s4  }
.LBB2_1:
0xb: {  	[tilespmem:s2], [sflag:$0x1] =	stream.strided.gather [hbm4b:s3+s6], $0x8000, s7, s6, $0x38;
	[tilespmem:$0x14000] =	vst v63  }
0xc: {  	s14 =	simm.s32 $0x0  }
.LBB2_3:
0xd: {  	s13 =	sor.u32 $0x1, s14  }
0xe: {  	s13 =	sshll.u32 s13, $0x9  }
0xf: {  	s30 =	sadd.s32 s13, s3  }
0x10: {  	[tilespmem:s8], [sflag:$0x1] =	stream.strided.gather [hbm4b:s30+s6], $0x8000, s7, s6, $0x38;
	[tilespmem:$0x14000] =	vst v63  }
0x11: {  	s15 =	smov.u32 s14;
	s14 =	simm.s32 $0x0;
	_ =	swait.ge [sflag:s9], $0x8000  }
0x12: {  	s16 =	sand.u32 $0x70, s14;
	s17 =	sand.u32 $0xC00, s14;
	[sflag:s9] =	ssyncset.done $0x0  }
0x13: {  	s17 =	sor.u32 s16, s17;
	[sflag:s9] =	ssyncadd.s32 $0xFFFF8000  }
0x14: {  	v2 =	vld [tilespmem:s17+$0x80]  }
0x15: {  	v3 =	vld [tilespmem:s17+$0x0]  }
0x16: {  	v4 =	vld [tilespmem:s17+$0x100]  }
0x17: {  	v5 =	vld [tilespmem:s17+$0x180]  }
0x18: {  	v6 =	vld [tilespmem:s17+$0x200]  }
0x19: {  	s18 =	sor.u32 s14, s14;
	v7 =	vld [tilespmem:s17+$0x280]  }
0x1a: {  	s18 =	sor.u32 $0x380, s18;
	v8 =	vld [tilespmem:s17+$0x300]  }
0x1b: {  	v9 =	vld [tilespmem:s18+$0x0]  }
0x1c: {  	v10 =	vld [tilespmem:s17+$0x1000]  }
0x1d: {  	v11 =	vld [tilespmem:s17+$0x1080]  }
0x1e: {  	v12 =	vld [tilespmem:s17+$0x1100]  }
0x1f: {  	v13 =	vld [tilespmem:s17+$0x1180]  }
0x20: {  	v14 =	vld [tilespmem:s17+$0x1200]  }
0x21: {  	v15 =	vld [tilespmem:s17+$0x1280]  }
0x22: {  	v16 =	vld [tilespmem:s17+$0x1300]  }
0x23: {  	v17 =	vld [tilespmem:s17+$0x1380]  }
0x24: {  	v18 =	vld [tilespmem:s17+$0x2000]  }
0x25: {  	v19 =	vld [tilespmem:s17+$0x2080]  }
0x26: {  	v20 =	vld [tilespmem:s17+$0x2100]  }
0x27: {  	v21 =	vld [tilespmem:s17+$0x2180]  }
0x28: {  	v22 =	vld [tilespmem:s17+$0x2200]  }
0x29: {  	v23 =	vld [tilespmem:s17+$0x2280]  }
0x2a: {  	v24 =	vld [tilespmem:s17+$0x2300]  }
0x2b: {  	v25 =	vld [tilespmem:s17+$0x2380]  }
0x2c: {  	v26 =	vld [tilespmem:s17+$0x3000]  }
0x2d: {  	v27 =	vld [tilespmem:s17+$0x3080]  }
0x2e: {  	v28 =	vld [tilespmem:s17+$0x3100]  }
0x2f: {  	v29 =	vld [tilespmem:s17+$0x3180]  }
0x30: {  	v30 =	vld [tilespmem:s17+$0x3200]  }
0x31: {  	v31 =	vld [tilespmem:s17+$0x3280]  }
0x32: {  	v32 =	vld [tilespmem:s17+$0x3300]  }
0x33: {  	v33 =	vld [tilespmem:s17+$0x3380]  }
0x34: {  	v34 =	vld [tilespmem:s17+$0x4000]  }
0x35: {  	v35 =	vld [tilespmem:s17+$0x4080]  }
0x36: {  	v36 =	vld [tilespmem:s17+$0x4100]  }
0x37: {  	v37 =	vld [tilespmem:s17+$0x4180]  }
0x38: {  	v38 =	vld [tilespmem:s17+$0x4200]  }
0x39: {  	v39 =	vld [tilespmem:s17+$0x4280]  }
0x3a: {  	v40 =	vld [tilespmem:s17+$0x4300]  }
0x3b: {  	v41 =	vld [tilespmem:s17+$0x4380]  }
0x3c: {  	v42 =	vld [tilespmem:s17+$0x5000]  }
0x3d: {  	v43 =	vld [tilespmem:s17+$0x5080]  }
0x3e: {  	v44 =	vld [tilespmem:s17+$0x5100]  }
0x3f: {  	v45 =	vld [tilespmem:s17+$0x5180]  }
0x40: {  	v0 =	vld [tilespmem:s17+$0x5200]  }
0x41: {  	v1 =	vld [tilespmem:s17+$0x5280];
	v46 =	vadd.f32 v2, v3;
	v47 =	vadd.f32 v5, v4  }
0x42: {  	v3 =	vld [tilespmem:s17+$0x5300];
	v6 =	vadd.f32 v7, v6;
	v7 =	vadd.f32 v9, v8  }
0x43: {  	v5 =	vld [tilespmem:s17+$0x5380];
	v8 =	vadd.f32 v11, v10;
	v9 =	vadd.f32 v13, v12  }
0x44: {  	v2 =	vld [tilespmem:s17+$0x6000];
	v10 =	vadd.f32 v15, v14;
	v11 =	vadd.f32 v17, v16  }
0x45: {  	v4 =	vld [tilespmem:s17+$0x6080];
	v16 =	vadd.f32 v21, v20;
	v17 =	vadd.f32 v23, v22  }
0x46: {  	v20 =	vadd.f32 v29, v28;
	v14 =	vld [tilespmem:s17+$0x6300];
	v21 =	vadd.f32 v31, v30  }
0x47: {  	v22 =	vadd.f32 v33, v32;
	v15 =	vld [tilespmem:s17+$0x6380];
	v12 =	vadd.f32 v47, v46  }
0x48: {  	v13 =	vadd.f32 v7, v6;
	v6 =	vld [tilespmem:s17+$0x6100];
	v63 =	vadd.f32 v9, v8  }
0x49: {  	v10 =	vadd.f32 v11, v10;
	v7 =	vld [tilespmem:s17+$0x6180];
	v9 =	vadd.f32 v19, v18  }
0x4a: {  	v8 =	vld [tilespmem:s17+$0x6200];
	v18 =	vadd.f32 v25, v24;
	v19 =	vadd.f32 v27, v26  }
0x4b: {  	v11 =	vld [tilespmem:s17+$0x6280];
	v25 =	vadd.f32 v41, v40;
	v26 =	vadd.f32 v43, v42  }
0x4c: {  	v27 =	vadd.f32 v45, v44;
	v23 =	vadd.f32 v16, v9;
	v16 =	vld [tilespmem:s17+$0x7000]  }
0x4d: {  	v24 =	vadd.f32 v18, v17;
	v19 =	vadd.f32 v20, v19;
	v17 =	vld [tilespmem:s17+$0x7080]  }
0x4e: {  	v20 =	vadd.f32 v22, v21;
	v9 =	vadd.f32 v13, v12;
	v18 =	vld [tilespmem:s17+$0x7100]  }
0x4f: {  	s31 =	sshll.u32 s15, $0x9;
	v10 =	vadd.f32 v10, v63;
	v22 =	vadd.f32 v35, v34;
	v21 =	vld [tilespmem:s17+$0x7280]  }
0x50: {  	s18 =	sand.u32 $0x3FFFFE00, s31;
	v12 =	vadd.f32 v24, v23;
	v13 =	vadd.f32 v20, v19;
	v19 =	vld [tilespmem:s17+$0x7180]  }
0x51: {  	s19 =	simm.s32 $0x10;
	s20 =	simm.s32 $0x0;
	s18 =	sadd.s32 $0x10000, s18;
	v23 =	vadd.f32 v37, v36;
	v20 =	vld [tilespmem:s17+$0x7200];
	v24 =	vadd.f32 v39, v38  }
.LBB2_4:
0x52: {  	p0 =	sne.s32 s19, $0x1F0;
	v28 =	vld [tilespmem:s17+$0x7300];
	v0 =	vadd.f32 v1, v0;
	v1 =	vadd.f32 v5, v3  }
0x53: {  	v5 =	vadd.f32 v23, v22;
	v22 =	vadd.f32 v25, v24;
	v3 =	vld [tilespmem:s17+$0x7380]  }
0x54: {  	v23 =	vadd.f32 v27, v26;
	v0 =	vadd.f32 v1, v0  }
0x55: {  	v1 =	vadd.f32 v4, v2;
	v2 =	vadd.f32 v7, v6  }
0x56: {  	v4 =	vadd.f32 v11, v8;
	v6 =	vadd.f32 v15, v14  }
0x57: {  	v7 =	vadd.f32 v17, v16;
	v8 =	vadd.f32 v19, v18  }
0x58: {  	v11 =	vadd.f32 v21, v20;
	v3 =	vadd.f32 v3, v28  }
0x59: {  	v1 =	vadd.f32 v2, v1;
	v2 =	vadd.f32 v6, v4  }
0x5a: {  	v4 =	vadd.f32 v8, v7;
	v3 =	vadd.f32 v3, v11  }
0x5b: {  	v5 =	vadd.f32 v22, v5;
	v0 =	vadd.f32 v0, v23  }
0x5c: {  	v1 =	vadd.f32 v2, v1;
	v2 =	vadd.f32 v3, v4  }
0x5d: {  	v3 =	vadd.f32 v10, v9;
	v4 =	vadd.f32 v13, v12  }
0x5e: {  	v0 =	vadd.f32 v0, v5;
	v1 =	vadd.f32 v2, v1;
	_ =	sdelay $0x1  }
0x5f: {  	v2 =	vadd.f32 v4, v3;
	v0 =	vadd.f32 v1, v0  }
0x60: {  	s17 =	sand.u32 $0x180, s14;
	s14 =	smov.u32 s19  }
0x61: {  	s20 =	sadd.s32 $0x80, s20;
	s17 =	sadd.s32 s17, s18;
	v0 =	vadd.f32 v0, v2  }
0x62: {  	s21 =	sand.u32 $0xC00, s20;
	s22 =	sadd.s32 s16, s17;
	s16 =	sand.u32 $0x70, s19  }
0x63: {  	s17 =	sor.u32 s16, s21;
	[tilespmem:s22+$0x0] =	vst v0  }
0x64: {  	v2 =	vld [tilespmem:s17+$0x80]  }
0x65: {  	v3 =	vld [tilespmem:s17+$0x0]  }
0x66: {  	v4 =	vld [tilespmem:s17+$0x100]  }
0x67: {  	v5 =	vld [tilespmem:s17+$0x180]  }
0x68: {  	v6 =	vld [tilespmem:s17+$0x200]  }
0x69: {  	s21 =	sor.u32 s20, s19;
	v7 =	vld [tilespmem:s17+$0x280]  }
0x6a: {  	s21 =	sor.u32 $0x380, s21;
	v8 =	vld [tilespmem:s17+$0x300]  }
0x6b: {  	v9 =	vld [tilespmem:s21+$0x0]  }
0x6c: {  	v10 =	vld [tilespmem:s17+$0x1000]  }
0x6d: {  	v11 =	vld [tilespmem:s17+$0x1080]  }
0x6e: {  	v12 =	vld [tilespmem:s17+$0x1100]  }
0x6f: {  	v13 =	vld [tilespmem:s17+$0x1180]  }
0x70: {  	v14 =	vld [tilespmem:s17+$0x1200]  }
0x71: {  	v15 =	vld [tilespmem:s17+$0x1280]  }
0x72: {  	v16 =	vld [tilespmem:s17+$0x1300]  }
0x73: {  	v17 =	vld [tilespmem:s17+$0x1380]  }
0x74: {  	v18 =	vld [tilespmem:s17+$0x2000]  }
0x75: {  	v19 =	vld [tilespmem:s17+$0x2080]  }
0x76: {  	v20 =	vld [tilespmem:s17+$0x2100]  }
0x77: {  	v21 =	vld [tilespmem:s17+$0x2180]  }
0x78: {  	v22 =	vld [tilespmem:s17+$0x2200]  }
0x79: {  	v23 =	vld [tilespmem:s17+$0x2280]  }
0x7a: {  	v24 =	vld [tilespmem:s17+$0x2300]  }
0x7b: {  	v25 =	vld [tilespmem:s17+$0x2380]  }
0x7c: {  	v26 =	vld [tilespmem:s17+$0x3000]  }
0x7d: {  	v27 =	vld [tilespmem:s17+$0x3080]  }
0x7e: {  	v28 =	vld [tilespmem:s17+$0x3100]  }
0x7f: {  	v29 =	vld [tilespmem:s17+$0x3180]  }
0x80: {  	v30 =	vld [tilespmem:s17+$0x3200]  }
0x81: {  	v31 =	vld [tilespmem:s17+$0x3280]  }
0x82: {  	v32 =	vld [tilespmem:s17+$0x3300]  }
0x83: {  	v33 =	vld [tilespmem:s17+$0x3380]  }
0x84: {  	v34 =	vld [tilespmem:s17+$0x4000]  }
0x85: {  	v35 =	vld [tilespmem:s17+$0x4080]  }
0x86: {  	v36 =	vld [tilespmem:s17+$0x4100]  }
0x87: {  	v37 =	vld [tilespmem:s17+$0x4180]  }
0x88: {  	v38 =	vld [tilespmem:s17+$0x4200]  }
0x89: {  	v39 =	vld [tilespmem:s17+$0x4280]  }
0x8a: {  	v40 =	vld [tilespmem:s17+$0x4300]  }
0x8b: {  	v41 =	vld [tilespmem:s17+$0x4380]  }
0x8c: {  	v42 =	vld [tilespmem:s17+$0x5000]  }
0x8d: {  	v43 =	vld [tilespmem:s17+$0x5080]  }
0x8e: {  	v44 =	vld [tilespmem:s17+$0x5100]  }
0x8f: {  	v45 =	vld [tilespmem:s17+$0x5180]  }
0x90: {  	v0 =	vld [tilespmem:s17+$0x5200]  }
0x91: {  	v46 =	vadd.f32 v2, v3;
	v47 =	vadd.f32 v5, v4;
	v1 =	vld [tilespmem:s17+$0x5280]  }
0x92: {  	v6 =	vadd.f32 v7, v6;
	v7 =	vadd.f32 v9, v8;
	v3 =	vld [tilespmem:s17+$0x5300]  }
0x93: {  	v8 =	vadd.f32 v11, v10;
	v9 =	vadd.f32 v13, v12;
	v5 =	vld [tilespmem:s17+$0x5380]  }
0x94: {  	v10 =	vadd.f32 v15, v14;
	v11 =	vadd.f32 v17, v16;
	v2 =	vld [tilespmem:s17+$0x6000]  }
0x95: {  	v12 =	vadd.f32 v47, v46;
	v13 =	vadd.f32 v7, v6;
	v4 =	vld [tilespmem:s17+$0x6080]  }
0x96: {  	v46 =	vadd.f32 v9, v8;
	v10 =	vadd.f32 v11, v10;
	v6 =	vld [tilespmem:s17+$0x6100]  }
0x97: {  	v9 =	vadd.f32 v19, v18;
	v16 =	vadd.f32 v21, v20;
	v7 =	vld [tilespmem:s17+$0x6180]  }
0x98: {  	v17 =	vadd.f32 v23, v22;
	v18 =	vadd.f32 v25, v24;
	v8 =	vld [tilespmem:s17+$0x6200]  }
0x99: {  	v19 =	vadd.f32 v27, v26;
	v20 =	vadd.f32 v29, v28;
	v11 =	vld [tilespmem:s17+$0x6280]  }
0x9a: {  	v21 =	vadd.f32 v31, v30;
	v22 =	vadd.f32 v33, v32;
	v14 =	vld [tilespmem:s17+$0x6300]  }
0x9b: {  	v23 =	vadd.f32 v16, v9;
	v24 =	vadd.f32 v18, v17;
	v15 =	vld [tilespmem:s17+$0x6380]  }
0x9c: {  	v19 =	vadd.f32 v20, v19;
	v20 =	vadd.f32 v22, v21;
	v16 =	vld [tilespmem:s17+$0x7000]  }
.Ltmp0:
0x9d: {  	v10 =	vadd.f32 v10, v46;
	v9 =	vadd.f32 v13, v12;
	v17 =	vld [tilespmem:s17+$0x7080];
	(pc) =	sbr.rel @p0 .LBB2_4-.Ltmp0, $4  }
0x9e: {  	v12 =	vadd.f32 v24, v23;
	v13 =	vadd.f32 v20, v19;
	v18 =	vld [tilespmem:s17+$0x7100]  }
0x9f: {  	v22 =	vadd.f32 v35, v34;
	v23 =	vadd.f32 v37, v36;
	v19 =	vld [tilespmem:s17+$0x7180]  }
0xa0: {  	v24 =	vadd.f32 v39, v38;
	v25 =	vadd.f32 v41, v40;
	v20 =	vld [tilespmem:s17+$0x7200]  }
0xa1: {  	s19 =	sadd.s32 $0x10, s19;
	v26 =	vadd.f32 v43, v42;
	v27 =	vadd.f32 v45, v44;
	v21 =	vld [tilespmem:s17+$0x7280]  }
0xa2: {  	v28 =	vld [tilespmem:s17+$0x7300];
	v0 =	vadd.f32 v1, v0;
	v1 =	vadd.f32 v5, v3  }
0xa3: {  	v3 =	vld [tilespmem:s17+$0x7380];
	v5 =	vadd.f32 v23, v22;
	v22 =	vadd.f32 v25, v24  }
0xa4: {  	v23 =	vadd.f32 v27, v26;
	v0 =	vadd.f32 v1, v0  }
0xa5: {  	v1 =	vadd.f32 v4, v2;
	v2 =	vadd.f32 v7, v6  }
0xa6: {  	v4 =	vadd.f32 v11, v8;
	v6 =	vadd.f32 v15, v14  }
0xa7: {  	v7 =	vadd.f32 v17, v16;
	v8 =	vadd.f32 v19, v18  }
0xa8: {  	v11 =	vadd.f32 v21, v20;
	v3 =	vadd.f32 v3, v28  }
0xa9: {  	v1 =	vadd.f32 v2, v1;
	v2 =	vadd.f32 v6, v4  }
0xaa: {  	v4 =	vadd.f32 v8, v7;
	v3 =	vadd.f32 v3, v11  }
0xab: {  	v5 =	vadd.f32 v22, v5;
	v0 =	vadd.f32 v0, v23  }
0xac: {  	v1 =	vadd.f32 v2, v1;
	v2 =	vadd.f32 v3, v4  }
0xad: {  	v0 =	vadd.f32 v0, v5;
	v3 =	vadd.f32 v10, v9  }
0xae: {  	v4 =	vadd.f32 v13, v12;
	v1 =	vadd.f32 v2, v1;
	_ =	sdelay $0x1  }
0xaf: {  	v2 =	vadd.f32 v4, v3;
	v0 =	vadd.f32 v1, v0  }
0xb0: {  	s29 =	sand.u32 $0x180, s14  }
0xb1: {  	s14 =	sadd.s32 $0x2, s15;
	p0 =	sgt.u32 s15, $0x1D;
	s30 =	sadd.s32 s29, s18;
	v0 =	vadd.f32 v0, v2  }
0xb2: {  	s17 =	sshll.u32 @!p0 s14, $0x9;
	s18 =	simm.s32 @!p0 $0x0;
	s15 =	sadd.s32 s16, s30  }
0xb3: {  	s16 =	sadd.s32 @!p0 s17, s3;
	s17 =	simm.s32 @!p0 $0x7A1400;
	[tilespmem:s15+$0x0] =	vst v0;
	s15 =	simm.s32 @!p0 $0x1000  }
0xb4: {  	[tilespmem:s18], [sflag:$0x1] =	stream.strided.gather @!p0 [hbm4b:s16+s15], $0x8000, s17, s15, $0x38;
	[tilespmem:$0x14000] =	vst v63  }
0xb5: {  	s16 =	simm.s32 $0x0;
	_ =	swait.ge [sflag:s9], $0x8000  }
0xb6: {  	s15 =	sand.u32 $0x70, s16;
	s31 =	sand.u32 $0xC00, s16;
	[sflag:s9] =	ssyncset.done $0x0  }
0xb7: {  	s17 =	sor.u32 s15, s31;
	[sflag:s9] =	ssyncadd.s32 $0xFFFF8000  }
0xb8: {  	v2 =	vld [tilespmem:s17+$0x8080]  }
0xb9: {  	v3 =	vld [tilespmem:s17+$0x8000]  }
0xba: {  	v4 =	vld [tilespmem:s17+$0x8100]  }
0xbb: {  	v5 =	vld [tilespmem:s17+$0x8180]  }
0xbc: {  	v6 =	vld [tilespmem:s17+$0x8200]  }
0xbd: {  	v7 =	vld [tilespmem:s17+$0x8280]  }
0xbe: {  	v8 =	vld [tilespmem:s17+$0x8300]  }
0xbf: {  	v9 =	vld [tilespmem:s17+$0x8380]  }
0xc0: {  	v10 =	vld [tilespmem:s17+$0x9000]  }
0xc1: {  	v11 =	vld [tilespmem:s17+$0x9080]  }
0xc2: {  	v12 =	vld [tilespmem:s17+$0x9100]  }
0xc3: {  	v13 =	vld [tilespmem:s17+$0x9180]  }
0xc4: {  	v14 =	vld [tilespmem:s17+$0x9200]  }
0xc5: {  	v15 =	vld [tilespmem:s17+$0x9280]  }
0xc6: {  	v16 =	vld [tilespmem:s17+$0x9300]  }
0xc7: {  	v17 =	vld [tilespmem:s17+$0x9380]  }
0xc8: {  	v18 =	vld [tilespmem:s17+$0xA000]  }
0xc9: {  	v19 =	vld [tilespmem:s17+$0xA080]  }
0xca: {  	v20 =	vld [tilespmem:s17+$0xA100]  }
0xcb: {  	v21 =	vld [tilespmem:s17+$0xA180]  }
0xcc: {  	v22 =	vld [tilespmem:s17+$0xA200]  }
0xcd: {  	v23 =	vld [tilespmem:s17+$0xA280]  }
0xce: {  	v24 =	vld [tilespmem:s17+$0xA300]  }
0xcf: {  	v25 =	vld [tilespmem:s17+$0xA380]  }
0xd0: {  	v26 =	vld [tilespmem:s17+$0xB000]  }
0xd1: {  	v27 =	vld [tilespmem:s17+$0xB080]  }
0xd2: {  	v28 =	vld [tilespmem:s17+$0xB100]  }
0xd3: {  	v29 =	vld [tilespmem:s17+$0xB180]  }
0xd4: {  	v30 =	vld [tilespmem:s17+$0xB200]  }
0xd5: {  	v31 =	vld [tilespmem:s17+$0xB280]  }
0xd6: {  	v32 =	vld [tilespmem:s17+$0xB300]  }
0xd7: {  	v33 =	vld [tilespmem:s17+$0xB380]  }
0xd8: {  	v34 =	vld [tilespmem:s17+$0xC000]  }
0xd9: {  	v35 =	vld [tilespmem:s17+$0xC080]  }
0xda: {  	v36 =	vld [tilespmem:s17+$0xC100]  }
0xdb: {  	v37 =	vld [tilespmem:s17+$0xC180]  }
0xdc: {  	v38 =	vld [tilespmem:s17+$0xC200]  }
0xdd: {  	v39 =	vld [tilespmem:s17+$0xC280]  }
0xde: {  	v40 =	vld [tilespmem:s17+$0xC300]  }
0xdf: {  	v41 =	vld [tilespmem:s17+$0xC380]  }
0xe0: {  	v42 =	vld [tilespmem:s17+$0xD000]  }
0xe1: {  	v43 =	vld [tilespmem:s17+$0xD080]  }
0xe2: {  	v44 =	vld [tilespmem:s17+$0xD100]  }
0xe3: {  	v45 =	vld [tilespmem:s17+$0xD180]  }
0xe4: {  	v0 =	vld [tilespmem:s17+$0xD200]  }
0xe5: {  	v1 =	vld [tilespmem:s17+$0xD280];
	v46 =	vadd.f32 v2, v3;
	v47 =	vadd.f32 v5, v4  }
0xe6: {  	v3 =	vld [tilespmem:s17+$0xD300];
	v6 =	vadd.f32 v7, v6;
	v7 =	vadd.f32 v9, v8  }
0xe7: {  	v5 =	vld [tilespmem:s17+$0xD380];
	v8 =	vadd.f32 v11, v10;
	v9 =	vadd.f32 v13, v12  }
0xe8: {  	v2 =	vld [tilespmem:s17+$0xE000];
	v10 =	vadd.f32 v15, v14;
	v11 =	vadd.f32 v17, v16  }
0xe9: {  	v4 =	vld [tilespmem:s17+$0xE080];
	v16 =	vadd.f32 v21, v20;
	v17 =	vadd.f32 v23, v22  }
0xea: {  	v20 =	vadd.f32 v29, v28;
	v14 =	vld [tilespmem:s17+$0xE300];
	v21 =	vadd.f32 v31, v30  }
0xeb: {  	v22 =	vadd.f32 v33, v32;
	v15 =	vld [tilespmem:s17+$0xE380];
	v12 =	vadd.f32 v47, v46  }
0xec: {  	v13 =	vadd.f32 v7, v6;
	v6 =	vld [tilespmem:s17+$0xE100];
	v63 =	vadd.f32 v9, v8  }
0xed: {  	v10 =	vadd.f32 v11, v10;
	v7 =	vld [tilespmem:s17+$0xE180];
	v9 =	vadd.f32 v19, v18  }
0xee: {  	v8 =	vld [tilespmem:s17+$0xE200];
	v18 =	vadd.f32 v25, v24;
	v19 =	vadd.f32 v27, v26  }
0xef: {  	v11 =	vld [tilespmem:s17+$0xE280];
	v25 =	vadd.f32 v41, v40;
	v26 =	vadd.f32 v43, v42  }
0xf0: {  	v27 =	vadd.f32 v45, v44;
	v23 =	vadd.f32 v16, v9;
	v16 =	vld [tilespmem:s17+$0xF000]  }
0xf1: {  	v24 =	vadd.f32 v18, v17;
	v19 =	vadd.f32 v20, v19;
	v17 =	vld [tilespmem:s17+$0xF080]  }
0xf2: {  	v20 =	vadd.f32 v22, v21;
	v9 =	vadd.f32 v13, v12;
	v18 =	vld [tilespmem:s17+$0xF100]  }
0xf3: {  	v10 =	vadd.f32 v10, v63;
	v22 =	vadd.f32 v35, v34;
	v21 =	vld [tilespmem:s17+$0xF280]  }
0xf4: {  	s13 =	sand.u32 $0x3FFFFE00, s13;
	v12 =	vadd.f32 v24, v23;
	v13 =	vadd.f32 v20, v19;
	v19 =	vld [tilespmem:s17+$0xF180]  }
0xf5: {  	s19 =	simm.s32 $0x0;
	s13 =	sadd.s32 $0x10000, s13;
	s18 =	simm.s32 $0x10;
	v23 =	vadd.f32 v37, v36;
	v20 =	vld [tilespmem:s17+$0xF200];
	v24 =	vadd.f32 v39, v38  }
.LBB2_6:
0xf6: {  	p1 =	seq.s32 s18, $0x1F0;
	v28 =	vld [tilespmem:s17+$0xF300];
	v0 =	vadd.f32 v1, v0;
	v1 =	vadd.f32 v5, v3  }
0xf7: {  	v5 =	vadd.f32 v23, v22;
	v22 =	vadd.f32 v25, v24;
	v3 =	vld [tilespmem:s17+$0xF380]  }
0xf8: {  	v23 =	vadd.f32 v27, v26;
	v0 =	vadd.f32 v1, v0  }
0xf9: {  	v1 =	vadd.f32 v4, v2;
	v2 =	vadd.f32 v7, v6  }
0xfa: {  	v4 =	vadd.f32 v11, v8;
	v6 =	vadd.f32 v15, v14  }
0xfb: {  	v7 =	vadd.f32 v17, v16;
	v8 =	vadd.f32 v19, v18  }
0xfc: {  	v11 =	vadd.f32 v21, v20;
	v3 =	vadd.f32 v3, v28  }
0xfd: {  	v1 =	vadd.f32 v2, v1;
	v2 =	vadd.f32 v6, v4  }
0xfe: {  	v4 =	vadd.f32 v8, v7;
	v3 =	vadd.f32 v3, v11  }
0xff: {  	v5 =	vadd.f32 v22, v5;
	v0 =	vadd.f32 v0, v23  }
0x100: {  	v1 =	vadd.f32 v2, v1;
	v2 =	vadd.f32 v3, v4  }
0x101: {  	v3 =	vadd.f32 v10, v9;
	v4 =	vadd.f32 v13, v12  }
0x102: {  	v0 =	vadd.f32 v0, v5;
	v1 =	vadd.f32 v2, v1;
	_ =	sdelay $0x1  }
0x103: {  	v2 =	vadd.f32 v4, v3;
	v0 =	vadd.f32 v1, v0  }
0x104: {  	s17 =	sand.u32 $0x180, s16;
	s16 =	smov.u32 s18  }
0x105: {  	s19 =	sadd.s32 $0x80, s19;
	s17 =	sadd.s32 s17, s13;
	v0 =	vadd.f32 v0, v2  }
0x106: {  	s20 =	sand.u32 $0xC00, s19;
	s21 =	sadd.s32 s15, s17;
	s15 =	sand.u32 $0x70, s18  }
0x107: {  	s17 =	sor.u32 s15, s20;
	[tilespmem:s21+$0x0] =	vst v0  }
0x108: {  	v2 =	vld [tilespmem:s17+$0x8080]  }
0x109: {  	v3 =	vld [tilespmem:s17+$0x8000]  }
0x10a: {  	v4 =	vld [tilespmem:s17+$0x8100]  }
0x10b: {  	v5 =	vld [tilespmem:s17+$0x8180]  }
0x10c: {  	v6 =	vld [tilespmem:s17+$0x8200]  }
0x10d: {  	v7 =	vld [tilespmem:s17+$0x8280]  }
0x10e: {  	v8 =	vld [tilespmem:s17+$0x8300]  }
0x10f: {  	v9 =	vld [tilespmem:s17+$0x8380]  }
0x110: {  	v10 =	vld [tilespmem:s17+$0x9000]  }
0x111: {  	v11 =	vld [tilespmem:s17+$0x9080]  }
0x112: {  	v12 =	vld [tilespmem:s17+$0x9100]  }
0x113: {  	v13 =	vld [tilespmem:s17+$0x9180]  }
0x114: {  	v14 =	vld [tilespmem:s17+$0x9200]  }
0x115: {  	v15 =	vld [tilespmem:s17+$0x9280]  }
0x116: {  	v16 =	vld [tilespmem:s17+$0x9300]  }
0x117: {  	v17 =	vld [tilespmem:s17+$0x9380]  }
0x118: {  	v18 =	vld [tilespmem:s17+$0xA000]  }
0x119: {  	v19 =	vld [tilespmem:s17+$0xA080]  }
0x11a: {  	v20 =	vld [tilespmem:s17+$0xA100]  }
0x11b: {  	v21 =	vld [tilespmem:s17+$0xA180]  }
0x11c: {  	v22 =	vld [tilespmem:s17+$0xA200]  }
0x11d: {  	v23 =	vld [tilespmem:s17+$0xA280]  }
0x11e: {  	v24 =	vld [tilespmem:s17+$0xA300]  }
0x11f: {  	v25 =	vld [tilespmem:s17+$0xA380]  }
0x120: {  	v26 =	vld [tilespmem:s17+$0xB000]  }
0x121: {  	v27 =	vld [tilespmem:s17+$0xB080]  }
0x122: {  	v28 =	vld [tilespmem:s17+$0xB100]  }
0x123: {  	v29 =	vld [tilespmem:s17+$0xB180]  }
0x124: {  	v30 =	vld [tilespmem:s17+$0xB200]  }
0x125: {  	v31 =	vld [tilespmem:s17+$0xB280]  }
0x126: {  	v32 =	vld [tilespmem:s17+$0xB300]  }
0x127: {  	v33 =	vld [tilespmem:s17+$0xB380]  }
0x128: {  	v34 =	vld [tilespmem:s17+$0xC000]  }
0x129: {  	v35 =	vld [tilespmem:s17+$0xC080]  }
0x12a: {  	v36 =	vld [tilespmem:s17+$0xC100]  }
0x12b: {  	v37 =	vld [tilespmem:s17+$0xC180]  }
0x12c: {  	v38 =	vld [tilespmem:s17+$0xC200]  }
0x12d: {  	v39 =	vld [tilespmem:s17+$0xC280]  }
0x12e: {  	v40 =	vld [tilespmem:s17+$0xC300]  }
0x12f: {  	v41 =	vld [tilespmem:s17+$0xC380]  }
0x130: {  	v42 =	vld [tilespmem:s17+$0xD000]  }
0x131: {  	v43 =	vld [tilespmem:s17+$0xD080]  }
0x132: {  	v44 =	vld [tilespmem:s17+$0xD100]  }
0x133: {  	v45 =	vld [tilespmem:s17+$0xD180]  }
0x134: {  	v0 =	vld [tilespmem:s17+$0xD200]  }
0x135: {  	v46 =	vadd.f32 v2, v3;
	v47 =	vadd.f32 v5, v4;
	v1 =	vld [tilespmem:s17+$0xD280]  }
0x136: {  	v6 =	vadd.f32 v7, v6;
	v7 =	vadd.f32 v9, v8;
	v3 =	vld [tilespmem:s17+$0xD300]  }
0x137: {  	v8 =	vadd.f32 v11, v10;
	v9 =	vadd.f32 v13, v12;
	v5 =	vld [tilespmem:s17+$0xD380]  }
0x138: {  	v10 =	vadd.f32 v15, v14;
	v11 =	vadd.f32 v17, v16;
	v2 =	vld [tilespmem:s17+$0xE000]  }
0x139: {  	v12 =	vadd.f32 v47, v46;
	v13 =	vadd.f32 v7, v6;
	v4 =	vld [tilespmem:s17+$0xE080]  }
0x13a: {  	v46 =	vadd.f32 v9, v8;
	v10 =	vadd.f32 v11, v10;
	v6 =	vld [tilespmem:s17+$0xE100]  }
0x13b: {  	v9 =	vadd.f32 v19, v18;
	v16 =	vadd.f32 v21, v20;
	v7 =	vld [tilespmem:s17+$0xE180]  }
0x13c: {  	v17 =	vadd.f32 v23, v22;
	v18 =	vadd.f32 v25, v24;
	v8 =	vld [tilespmem:s17+$0xE200]  }
0x13d: {  	v19 =	vadd.f32 v27, v26;
	v20 =	vadd.f32 v29, v28;
	v11 =	vld [tilespmem:s17+$0xE280]  }
0x13e: {  	v21 =	vadd.f32 v31, v30;
	v22 =	vadd.f32 v33, v32;
	v14 =	vld [tilespmem:s17+$0xE300]  }
0x13f: {  	v23 =	vadd.f32 v16, v9;
	v24 =	vadd.f32 v18, v17;
	v15 =	vld [tilespmem:s17+$0xE380]  }
0x140: {  	v19 =	vadd.f32 v20, v19;
	v20 =	vadd.f32 v22, v21;
	v16 =	vld [tilespmem:s17+$0xF000]  }
.Ltmp1:
0x141: {  	v10 =	vadd.f32 v10, v46;
	v9 =	vadd.f32 v13, v12;
	v17 =	vld [tilespmem:s17+$0xF080];
	(pc) =	sbr.rel @!p1 .LBB2_6-.Ltmp1, $4  }
0x142: {  	v12 =	vadd.f32 v24, v23;
	v13 =	vadd.f32 v20, v19;
	v18 =	vld [tilespmem:s17+$0xF100]  }
0x143: {  	v22 =	vadd.f32 v35, v34;
	v23 =	vadd.f32 v37, v36;
	v19 =	vld [tilespmem:s17+$0xF180]  }
0x144: {  	v24 =	vadd.f32 v39, v38;
	v25 =	vadd.f32 v41, v40;
	v20 =	vld [tilespmem:s17+$0xF200]  }
0x145: {  	s18 =	sadd.s32 $0x10, s18;
	v26 =	vadd.f32 v43, v42;
	v27 =	vadd.f32 v45, v44;
	v21 =	vld [tilespmem:s17+$0xF280]  }
0x146: {  	v28 =	vld [tilespmem:s17+$0xF300];
	v0 =	vadd.f32 v1, v0;
	v46 =	vadd.f32 v5, v3  }
0x147: {  	v47 =	vld [tilespmem:s17+$0xF380];
	v48 =	vadd.f32 v23, v22;
	v49 =	vadd.f32 v25, v24  }
0x148: {  	v51 =	vadd.f32 v4, v2;
	v52 =	vadd.f32 v7, v6  }
0x149: {  	v53 =	vadd.f32 v11, v8;
	v54 =	vadd.f32 v15, v14  }
0x14a: {  	v55 =	vadd.f32 v17, v16;
	v50 =	vadd.f32 v27, v26  }
0x14b: {  	v0 =	vadd.f32 v46, v0;
	v56 =	vadd.f32 v19, v18  }
0x14c: {  	v57 =	vadd.f32 v21, v20;
	v3 =	vadd.f32 v47, v28  }
0x14d: {  	v1 =	vadd.f32 v52, v51;
	v58 =	vadd.f32 v54, v53  }
0x14e: {  	v59 =	vadd.f32 v56, v55;
	v3 =	vadd.f32 v3, v57  }
0x14f: {  	v5 =	vadd.f32 v49, v48;
	v0 =	vadd.f32 v0, v50  }
0x150: {  	v1 =	vadd.f32 v58, v1;
	v60 =	vadd.f32 v3, v59  }
0x151: {  	v61 =	vadd.f32 v10, v9;
	v62 =	vadd.f32 v13, v12  }
0x152: {  	v0 =	vadd.f32 v0, v5;
	v1 =	vadd.f32 v60, v1;
	_ =	sdelay $0x1  }
0x153: {  	v63 =	vadd.f32 v62, v61;
	v0 =	vadd.f32 v1, v0  }
0x154: {  	s16 =	sand.u32 $0x180, s16  }
0x155: {  	s13 =	sadd.s32 s16, s13;
	v0 =	vadd.f32 v0, v63  }
0x156: {  	s13 =	sadd.s32 s15, s13  }
0x157: {  	[tilespmem:s13+$0x0] =	vst v0  }
.Ltmp2:
0x158: {  	(pc) =	sbr.rel @!p0 .LBB2_3-.Ltmp2, $1  }
0x159: {  	_ =	sdelay $0x3  }
0x15a: {  	s12 =	sadd.s32 $0x1, s12  }
0x15b: {  	p0 =	sne.s32 s12, s5  }
.Ltmp3:
0x15c: {  	_ = 	snop;
	(pc) =	sbr.rel @p0 .LBB2_1-.Ltmp3, $4  }
0x15d: {  	[hbm4b:s4+s2] =	stream.linear.scatter [tilespmem:s10], [sflag:$0x2], $0x4000, $0x38;
	[tilespmem:$0x14000] =	vst v63  }
0x15e: {  	_ =	swait.ge [sflag:s11], $0x4000  }
0x15f: {  	[sflag:s11] =	ssyncset.done $0x0  }
0x160: {  	[sflag:s11] =	ssyncadd.s32 $0xFFFFC000  }
0x161: {  	_ =	sfence.sel $0x180000  }
0x162: {  	[bflag:$0x0] =	sbarrier.arrive $0xFFFF  }
0x163: {  	p0 =	sne.s32 s1, $0x0;
	_ =	strace $0x90000047  }
0x164: {  	s0 =	sadd.s32 @!p0 $0x100000, s0;
	[bflag:$0x2] =	sbarrier.arrive $0xFFFF  }
0x165: {  	[sflag:s0] =	ssyncadd.tile.s32 @!p0 $0x1;
	_ =	shalt  }
.Lfunc_end2:
_tile_overlayer_lowered:
.L_overlay_start_2:
0x166: {  	(tag) =	ssettag $0x2  }
0x167: {  	s0 =	rddreg [dreg:$0x0];
	s2 =	stileid.u32  }
0x168: {  	s1 =	rddreg [dreg:$0x1];
	p0 =	sne.s32 s2, $0x0  }
0x169: {  	s3 =	rddreg [dreg:$0x2];
	[bflag:$0x3] =	sbarrier.arrive $0xFFFF;
	s2 =	simm.s32 @!p0 $0x1C02  }
0x16a: {  	[timem:s3], [sflag:s2] =	dma.local @!p0 [hbm:s0], s1  }
0x16b: {  	s0 =	simm.s32 @!p0 $0x2  }
0x16c: {  	_ =	swait.ge @!p0 [sflag:s0], s1  }
0x16d: {  	s1 =	ssub.s32 @!p0 $0x0, s1;
	[sflag:s0] =	ssyncset.done @!p0 $0x0  }
0x16e: {  	[sflag:s0] =	ssyncadd.s32 @!p0 s1  }
0x16f: {  	[bflag:$0x3] =	sbarrier.arrive $0xFFFF  }
0x170: {  	_ =	shalt  }

// kernel: _irt.9.cloned.1.call-start
scs
__scs_entry_jumppad:
0x0: {  	(pc) =	sbr.rel $0x88, $3  }
0x1: {  	(tag) =	ssettag $0x0;
	lr =	simm.s32 $0x1  }
0x2: {  	[smem:$0x3F9D] =	sst lr;
	_ =	strace $0xD0000000  }
0x3: {  	_ = 	snop  }
0x4: {  	_ = 	snop  }
0x5: {  	_ = 	snop  }
0x6: {  	_ = 	snop  }
0x7: {  	_ = 	snop  }
__scs_overlays_trampoline_lowered:
0x8: {  	[smem:$0x3FAC] =	sst s0  }
0x9: {  	[smem:$0x3FAD] =	sst s1  }
0xa: {  	[smem:$0x3FAE] =	sst s2  }
0xb: {  	[smem:$0x3FAF] =	sst s3  }
0xc: {  	[smem:$0x3FB0] =	sst s4  }
0xd: {  	[smem:$0x3FB1] =	sst s5  }
0xe: {  	[smem:$0x3FB2] =	sst s6  }
0xf: {  	[smem:$0x3FB3] =	sst s7  }
0x10: {  	[smem:$0x3FB4] =	sst s8  }
0x11: {  	[smem:$0x3FB5] =	sst s9;
	s0 =	simm.s32 @!p0 $0x0  }
0x12: {  	s1 =	sld [smem:$0x3F9B];
	s0 =	simm.s32 @p0 $0x1  }
0x13: {  	[smem:$0x3FB6] =	sst s0;
	s0 =	simm.s32 @!p1 $0x0  }
0x14: {  	s2 =	sld [smem:$0x3F9A];
	s0 =	simm.s32 @p1 $0x1  }
0x15: {  	[smem:$0x3FB7] =	sst s0;
	s0 =	simm.s32 @!p2 $0x0  }
0x16: {  	s3 =	sld [smem:$0x3FDB];
	s0 =	simm.s32 @p2 $0x1  }
0x17: {  	s4 =	simm.s32 $0x1BF5;
	[smem:$0x3FB9] =	sst s0  }
0x18: {  	s0 =	sld [smem:$0x3F9C];
	_ =	swait.ge [sflag:s4], $0x0  }
0x19: {  	s7 =	sld [smem:$0x3F9D]  }
0x1a: {  	s8 =	sadd.s32 $0xFFFFE003, lr  }
0x1b: {  	s9 =	sadd.s32 $0xFFFFFEF7, lr;
	s5 =	simm.s32 $0xFFFFFFFF;
	p2 =	slt.u32 s8, $0xFFFFF086  }
0x1c: {  	p1 =	slt.u32 s9, $0xF7A;
	s5 =	simm.s32 @!p2 $0x0  }
0x1d: {  	s5 =	simm.s32 @p1 $0x1;
	p0 =	seq.s32 s7, s2  }
0x1e: {  	s7 =	smul.u32 @!p0 $0xF7A, s2;
	p2 =	seq.s32 @!p0 s5, $0x0  }
0x1f: {  	s9 =	smul.u32 $0xF7A, s1;
	s8 =	simm.s32 @!p0 $0x1BF5;
	p2 =	por !p2, p0  }
0x20: {  	[sflag:s8] =	ssyncset.s32 @!p0 $0xFFFFF086;
	s6 =	sadd.s32 @!p0 s3, s7;
	s7 =	simm.s32 @!p0 $0x108  }
0x21: {  	s3 =	sadd.s32 s3, s9;
	s6 =	sadd.s32 @!p0 $0x88, s6;
	s7 =	simm.s32 @p2 $0x1082  }
0x22: {  	[simem:s7], [sflag:s8] =	dma.local @!p0 [hbm:s6], $0xF7A  }
0x23: {  	s9 =	sor.u32 $0xD0000000, s2;
	s6 =	simm.s32 $0x108;
	_ =	swait.ge @!p0 [sflag:s8], $0x0  }
0x24: {  	s3 =	sadd.s32 $0x88, s3;
	s6 =	simm.s32 @!p1 $0x1082;
	[sflag:s4] =	ssyncset.s32 $0xFFFFF086  }
0x25: {  	[simem:s6], [sflag:s4] =	dma.local [hbm:s3], $0xF7A  }
0x26: {  	[smem:$0x3F9D] =	sst s1;
	(tag) =	ssettag s2;
	_ =	strace s9  }
0x27: {  	s1 =	sld [smem:$0x3FAD]  }
0x28: {  	s2 =	sld [smem:$0x3FAE]  }
0x29: {  	s4 =	sld [smem:$0x3FB0]  }
0x2a: {  	p0 =	seq.s32 s5, $0x0;
	s5 =	sld [smem:$0x3FB1]  }
0x2b: {  	s6 =	sld [smem:$0x3FB2]  }
0x2c: {  	s7 =	sld [smem:$0x3FB3]  }
0x2d: {  	s3 =	simm.s32 $0x108;
	s8 =	sld [smem:$0x3FB4]  }
0x2e: {  	s3 =	simm.s32 @!p0 $0x1082;
	s9 =	sld [smem:$0x3FB5]  }
0x2f: {  	lr =	sadd.s32 s0, s3;
	s0 =	sld [smem:$0x3FAC]  }
0x30: {  	s3 =	sld [smem:$0x3FAF]  }
0x31: {  	[smem:$0x3FB8] =	sst s10  }
0x32: {  	s10 =	sld [smem:$0x3FB6];
	_ =	sdelay $0x3  }
0x33: {  	p0 =	seq.s32 s10, $0x1;
	s10 =	sld [smem:$0x3FB8];
	_ =	sdelay $0x3  }
0x34: {  	[smem:$0x3FB8] =	sst s10  }
0x35: {  	s10 =	sld [smem:$0x3FB7];
	_ =	sdelay $0x3  }
0x36: {  	p1 =	seq.s32 s10, $0x1;
	s10 =	sld [smem:$0x3FB8];
	_ =	sdelay $0x3  }
0x37: {  	[smem:$0x3FB8] =	sst s10  }
0x38: {  	s10 =	sld [smem:$0x3FB9]  }
0x39: {  	_ = 	snop;
	(pc) =	sbr.ind lr, $3  }
0x3a: {  	_ = 	snop  }
0x3b: {  	_ = 	snop  }
0x3c: {  	p2 =	seq.s32 s10, $0x1;
	s10 =	sld [smem:$0x3FB8]  }
0x3d: {  	_ =	shalt  }
0x3e: {  	_ =	shalt  }
0x3f: {  	_ =	shalt  }
0x40: {  	_ =	shalt  }
0x41: {  	_ =	shalt  }
0x42: {  	_ =	shalt  }
0x43: {  	_ =	shalt  }
0x44: {  	_ =	shalt  }
0x45: {  	_ =	shalt  }
0x46: {  	_ =	shalt  }
0x47: {  	_ =	shalt  }
0x48: {  	_ =	shalt  }
0x49: {  	_ =	shalt  }
0x4a: {  	_ =	shalt  }
0x4b: {  	_ =	shalt  }
0x4c: {  	_ =	shalt  }
0x4d: {  	_ =	shalt  }
0x4e: {  	_ =	shalt  }
0x4f: {  	_ =	shalt  }
0x50: {  	_ =	shalt  }
0x51: {  	_ =	shalt  }
0x52: {  	_ =	shalt  }
0x53: {  	_ =	shalt  }
0x54: {  	_ =	shalt  }
0x55: {  	_ =	shalt  }
0x56: {  	_ =	shalt  }
0x57: {  	_ =	shalt  }
0x58: {  	_ =	shalt  }
0x59: {  	_ =	shalt  }
0x5a: {  	_ =	shalt  }
0x5b: {  	_ =	shalt  }
0x5c: {  	_ =	shalt  }
0x5d: {  	_ =	shalt  }
0x5e: {  	_ =	shalt  }
0x5f: {  	_ =	shalt  }
0x60: {  	_ =	shalt  }
0x61: {  	_ =	shalt  }
0x62: {  	_ =	shalt  }
0x63: {  	_ =	shalt  }
0x64: {  	_ =	shalt  }
0x65: {  	_ =	shalt  }
0x66: {  	_ =	shalt  }
0x67: {  	_ =	shalt  }
0x68: {  	_ =	shalt  }
0x69: {  	_ =	shalt  }
0x6a: {  	_ =	shalt  }
0x6b: {  	_ =	shalt  }
0x6c: {  	_ =	shalt  }
0x6d: {  	_ =	shalt  }
0x6e: {  	_ =	shalt  }
0x6f: {  	_ =	shalt  }
0x70: {  	_ =	shalt  }
0x71: {  	_ =	shalt  }
0x72: {  	_ =	shalt  }
0x73: {  	_ =	shalt  }
0x74: {  	_ =	shalt  }
0x75: {  	_ =	shalt  }
0x76: {  	_ =	shalt  }
0x77: {  	_ =	shalt  }
0x78: {  	_ =	shalt  }
0x79: {  	_ =	shalt  }
0x7a: {  	_ =	shalt  }
0x7b: {  	_ =	shalt  }
0x7c: {  	_ =	shalt  }
0x7d: {  	_ =	shalt  }
0x7e: {  	_ =	shalt  }
0x7f: {  	_ =	shalt  }
0x80: {  	_ =	shalt  }
0x81: {  	_ =	shalt  }
0x82: {  	_ =	shalt  }
0x83: {  	_ =	shalt  }
0x84: {  	_ =	shalt  }
0x85: {  	_ =	shalt  }
0x86: {  	_ =	shalt  }
0x87: {  	_ =	shalt  }
.Lfunc_end0:
.L_simem_size_0:
called_computation.1_lowered:
.L_overlay_start_0:
0x88: {  	s2 =	sld [smem:$0x3FD9]  }
0x89: {  	s3 =	sld [smem:$0x3FFE];
	_ =	sdelay $0x1  }
0x8a: {  	s1 =	srdreg.scid  }
0x8b: {  	s0 =	sand.u32 $0x1, s1  }
0x8c: {  	s17 =	sshll.u32 s0, $0xA;
	s2 =	sadd.s32 s3, s2  }
0x8d: {  	s2 =	sadd.s32 s2, s17  }
0x8e: {  	[smem:$0x3FC4] =	sst s2  }
0x8f: {  	_ = 	snop  }
0x90: {  	s2 =	sld [smem:$0x3FC9]  }
0x91: {  	s18 =	sld [smem:$0x3FC8]  }
0x92: {  	s4 =	sld [smem:$0x3FD0];
	(tm) =	ssettm $0x1  }
0x93: {  	s5 =	sld [smem:$0x3FFB];
	_ =	sdelay $0x3  }
0x94: {  	_ =	strace s5  }
0x95: {  	s5 =	sld [smem:$0x3FFC];
	_ =	sdelay $0x3  }
0x96: {  	_ =	strace s5  }
0x97: {  	s5 =	sld [smem:$0x3FFD];
	_ =	sdelay $0x3  }
0x98: {  	_ =	strace s5  }
0x99: {  	_ =	strace $0x8FFFFFFF  }
0x9a: {  	s19 =	sld [smem:$0x3FDB];
	_ =	sdelay $0x1  }
0x9b: {  	s6 =	simm.s32 $_scs_section_size  }
0x9c: {  	s7 =	simm.s32 $_size__tile_overlayer_lowered;
	s8 =	simm.s32 $_tile_overlayer_lowered  }
0x9d: {  	s22 =	simm.s32 $0x1BFF;
	s21 =	sshll.u32 s8, $0x1;
	s5 =	sadd.s32 s6, s19  }
0x9e: {  	s9 =	simm.s32 $0x0;
	s20 =	sshll.u32 s7, $0x1;
	s7 =	sadd.s32 s21, s5  }
0x9f: {  	[timem:s9], [sflag:s22] =	dma.local [hbm:s7], s20  }
0xa0: {  	_ =	swait.ge [sflag:s22], s20  }
0xa1: {  	s6 =	ssub.s32 $0x0, s20;
	[sflag:s22] =	ssyncset.done $0x0  }
0xa2: {  	[sflag:s22] =	ssyncadd.s32 s6;
	_ =	sdelay $0x1  }
0xa3: {  	s23 =	simm.s32 $0x1B8B  }
0xa4: {  	_ =	swait.ge [sflag:s23], $0x1  }
0xa5: {  	[sflag:s23] =	ssyncset.done $0x0  }
0xa6: {  	s25 =	simm.s32 $0x1B8E;
	s24 =	sld [smem:$0x3FFE];
	[sflag:s23] =	ssyncadd.s32 $0xFFFFFFFF  }
0xa7: {  	s26 =	simm.s32 $execute0_lowered;
	[smem:$0x3FD2] =	sst s25  }
0xa8: {  	s7 =	sshll.u32 s26, $0x1;
	_ =	strace $0x80000049;
	[dreg:$0x1] =	wrdreg $0xFFFFFFFF  }
0xa9: {  	s28 =	simm.s32 $_size_execute0_lowered;
	s5 =	sadd.s32 s5, s7;
	[dreg:$0x0] =	wrdreg $0x0  }
0xaa: {  	s7 =	sshll.u32 s28, $0x1;
	[dreg:$0x2] =	wrdreg s5  }
0xab: {  	[dreg:$0x3] =	wrdreg s7  }
0xac: {  	[dreg:$0x4] =	wrdreg $0xC0  }
0xad: {  	_ =	task [dreg:s9], $0x5FFFF  }
0xae: {  	[dreg:$0x1] =	wrdreg $0xFFFFFFFF  }
0xaf: {  	[dreg:$0x0] =	wrdreg $0x60  }
0xb0: {  	[dreg:$0x2] =	wrdreg s2  }
0xb1: {  	[dreg:$0x3] =	wrdreg s18  }
0xb2: {  	[dreg:$0x4] =	wrdreg s24  }
0xb3: {  	[dreg:$0x5] =	wrdreg s4  }
0xb4: {  	[dreg:$0x6] =	wrdreg $0x9  }
0xb5: {  	_ =	task.clear_ibuf [dreg:s9], $0x7FFFF;
	_ =	strace $0x90000049  }
0xb6: {  	s29 =	simm.s32 $0x9;
	_ =	strace $0x8000004B  }
0xb7: {  	_ =	swait.ge [sflag:s29], $0x1  }
0xb8: {  	[sflag:s29] =	ssyncadd.s32 $0xFFFFFFFF  }
0xb9: {  	_ =	strace $0x9000004B  }
0xba: {  	_ =	sfence  }
0xbb: {  	s30 =	sld [smem:$0x0];
	_ =	sdelay $0x2  }
0xbc: {  	s31 =	sshll.u32 s1, $0xD;
	s1 =	sshrl.u32 s1, $0x2  }
0xbd: {  	s3 =	sand.u32 $0x4000, s31;
	s1 =	sadd.s32 s1, s30  }
0xbe: {  	s0 =	sor.u32 s3, s0;
	s1 =	sshll.u32 s1, $0x11  }
0xbf: {  	s0 =	sor.u32 s1, s0  }
0xc0: {  	s0 =	sadd.s32 $0x8F2B, s0  }
0xc1: {  	[sflag:s0] =	ssyncadd.remote.s32 $0x1  }
0xc2: {  	_ =	sfence.sel $0xFFFF  }
0xc3: {  	[dreg:$0x0] =	wrdreg $0xFFFFFFFF;
	(pc) =	sbr.abs _section_cstart, $3  }
0xc4: {  	[dreg:$0x1] =	wrdreg $0xFFFFFFFF  }
0xc5: {  	_ =	task.clear_ibuf [dreg:s9], $0x2FFFF;
	_ =	strace $0x9FFFFFFF  }
0xc6: {  	(tm) =	ssettm $0x7FFFFFFF  }
0xc7: {  	_ =	shalt  }
tec
execute0_lowered:
.L_overlay_start_1:
0x0: {  	(tag) =	ssettag $0x1  }
0x1: {  	s0 =	rddreg [dreg:$0x0]  }
0x2: {  	s5 =	rddreg [dreg:$0x1]  }
0x3: {  	s6 =	rddreg [dreg:$0x2]  }
0x4: {  	s7 =	rddreg [dreg:$0x3];
	s3 =	srdreg.scid  }
0x5: {  	s2 =	simm.s32 $0x0;
	s1 =	stileid.u32;
	s26 =	simm.s32 $0x400  }
0x6: {  	s11 =	simm.s32 $0x800;
	s12 =	simm.s32 $0xA00;
	s13 =	simm.s32 $0x480  }
0x7: {  	s14 =	simm.s32 $0x680;
	s15 =	simm.s32 $0x880;
	s16 =	simm.s32 $0x280  }
0x8: {  	s17 =	simm.s32 $0xA80;
	s18 =	simm.s32 $0x500;
	s19 =	simm.s32 $0x700  }
0x9: {  	s20 =	simm.s32 $0x100;
	s21 =	simm.s32 $0x900;
	s22 =	simm.s32 $0x300  }
0xa: {  	s23 =	simm.s32 $0xB00;
	s28 =	simm.s32 $0x980;
	s29 =	simm.s32 $0x380  }
0xb: {  	s30 =	simm.s32 $0xB80;
	s31 =	simm.s32 $0x1;
	s8 =	sand.u32 $0x1, s3  }
0xc: {  	[smem:$0x7FF] =	sst s2;
	s4 =	sshll.u32 s1, $0x7;
	s3 =	sadd.s32 $0xC00, s6  }
0xd: {  	s9 =	sshll.u32 s8, $0x6;
	_ =	strace $0x8000004A;
	s8 =	ssub.s32 $0x2, s8  }
0xe: {  	[dreg:$0x8] =	wrdreg s26;
	s26 =	simm.s32 $0x180;
	s9 =	sor.u32 s9, s4  }
0xf: {  	s4 =	sadd.s32 $0x13E00, s6;
	s10 =	sshrl.u32 s8, $0x1;
	s0 =	sadd.s32 s0, s9  }
0x10: {  	s24 =	sadd.s32 s5, s9;
	s8 =	ssub.s32 s8, s10;
	s25 =	sadd.s32 s7, s9  }
0x11: {  	s5 =	sadd.s32 $0x10C00, s6;
	s7 =	simm.s32 $0x2;
	[dreg:$0x5] =	wrdreg s0  }
0x12: {  	s9 =	simm.s32 $0x80;
	s10 =	simm.s32 $0x600;
	[dreg:$0x6] =	wrdreg s24  }
0x13: {  	[dreg:$0x7] =	wrdreg s25;
	s6 =	smax.u32 s8, $0x1;
	s8 =	simm.s32 $0x200  }
0x14: {  	s24 =	simm.s32 $0x580;
	s25 =	simm.s32 $0x780;
	s0 =	simm.s32 $0xC00  }
.LBB2_1:
0x15: {  	s1 =	rddreg [dreg:$0x5]  }
0x16: {  	[tilespmem:s2], [sflag:$0x2] =	stream.linear.gather [hbm4b:s1+s2], $0x200, $0x38;
	[tilespmem:$0xE00] =	vst v63  }
0x17: {  	_ =	swait.ge [sflag:s7], $0x200  }
0x18: {  	[sflag:s7] =	ssyncset.done $0x0  }
0x19: {  	s1 =	rddreg [dreg:$0x6];
	[sflag:s7] =	ssyncadd.s32 $0xFFFFFE00  }
0x1a: {  	[tilespmem:s8], [sflag:$0x2] =	stream.linear.gather [hbm4b:s1+s2], $0x200, $0x38;
	[tilespmem:$0xE00] =	vst v63  }
0x1b: {  	_ =	swait.ge [sflag:s7], $0x200  }
0x1c: {  	[sflag:s7] =	ssyncset.done $0x0  }
0x1d: {  	[sflag:s7] =	ssyncadd.s32 $0xFFFFFE00  }
0x1e: {  	v0 =	vld [tilespmem:$0x0]  }
0x1f: {  	v1 =	vld [tilespmem:$0x10]  }
0x20: {  	v2 =	vld [tilespmem:$0x20]  }
0x21: {  	v3 =	vld [tilespmem:$0x30]  }
0x22: {  	v4 =	vld [tilespmem:$0x40]  }
0x23: {  	v6 =	vld [tilespmem:$0x50];
	vm0 =	vlt.s32 v0, $0x80000;
	v5 =	vadd.s32 $0xFFF80000, v0  }
0x24: {  	v7 =	vld [tilespmem:$0x60];
	vm13 =	vlt.s32 v1, $0x80000;
	v46 =	vadd.s32 $0xFFF80000, v1;
	v0 =	vsel vm0, v0, v5  }
0x25: {  	v49 =	vld [tilespmem:$0x70];
	vm14 =	vlt.s32 v2, $0x80000;
	v48 =	vadd.s32 $0xFFF80000, v2;
	v47 =	vsel vm13, v1, v46;
	[tilespmem:$0x400] =	vst v0  }
0x26: {  	v52 =	vld [tilespmem:$0x80];
	vm15 =	vlt.s32 v3, $0x80000;
	v51 =	vadd.s32 $0xFFF80000, v3;
	v50 =	vsel vm14, v2, v48;
	[tilespmem:$0x410] =	vst v47  }
0x27: {  	v55 =	vld [tilespmem:$0x90];
	vm4 =	vlt.s32 v4, $0x80000;
	v54 =	vadd.s32 $0xFFF80000, v4;
	v53 =	vsel vm15, v3, v51;
	[tilespmem:$0x420] =	vst v50  }
0x28: {  	v58 =	vld [tilespmem:$0xA0];
	vm5 =	vlt.s32 v6, $0x80000;
	v57 =	vadd.s32 $0xFFF80000, v6;
	v56 =	vsel vm4, v4, v54;
	[tilespmem:$0x430] =	vst v53  }
0x29: {  	v61 =	vld [tilespmem:$0xB0];
	vm6 =	vlt.s32 v7, $0x80000;
	v60 =	vadd.s32 $0xFFF80000, v7;
	v59 =	vsel vm5, v6, v57;
	[tilespmem:$0x440] =	vst v56  }
0x2a: {  	v9 =	vld [tilespmem:$0xC0];
	vm7 =	vlt.s32 v49, $0x80000;
	v63 =	vadd.s32 $0xFFF80000, v49;
	v62 =	vsel vm6, v7, v60;
	[tilespmem:$0x450] =	vst v59  }
0x2b: {  	v12 =	vld [tilespmem:$0xD0];
	vm8 =	vlt.s32 v52, $0x80000;
	v11 =	vadd.s32 $0xFFF80000, v52;
	v10 =	vsel vm7, v49, v63;
	[tilespmem:$0x460] =	vst v62  }
0x2c: {  	v15 =	vld [tilespmem:$0xE0];
	vm9 =	vlt.s32 v55, $0x80000;
	v14 =	vadd.s32 $0xFFF80000, v55;
	v13 =	vsel vm8, v52, v11;
	[tilespmem:$0x470] =	vst v10  }
0x2d: {  	v18 =	vld [tilespmem:$0xF0];
	vm10 =	vlt.s32 v58, $0x80000;
	v17 =	vadd.s32 $0xFFF80000, v58;
	v16 =	vsel vm9, v55, v14;
	[tilespmem:$0x480] =	vst v13  }
0x2e: {  	v21 =	vld [tilespmem:$0x100];
	vm11 =	vlt.s32 v61, $0x80000;
	v20 =	vadd.s32 $0xFFF80000, v61;
	v19 =	vsel vm10, v58, v17;
	[tilespmem:$0x490] =	vst v16  }
0x2f: {  	v24 =	vld [tilespmem:$0x110];
	vm12 =	vlt.s32 v9, $0x80000;
	v23 =	vadd.s32 $0xFFF80000, v9;
	v22 =	vsel vm11, v61, v20;
	[tilespmem:$0x4A0] =	vst v19  }
0x30: {  	v27 =	vld [tilespmem:$0x120];
	v26 =	vadd.s32 $0xFFF80000, v12;
	v25 =	vsel vm12, v9, v23;
	vm13 =	vlt.s32 v12, $0x80000;
	[tilespmem:$0x4B0] =	vst v22  }
0x31: {  	v30 =	vld [tilespmem:$0x130];
	v29 =	vadd.s32 $0xFFF80000, v15;
	vm14 =	vlt.s32 v15, $0x80000;
	[tilespmem:$0x4C0] =	vst v25;
	v28 =	vsel vm13, v12, v26  }
0x32: {  	v33 =	vld [tilespmem:$0x140];
	v32 =	vadd.s32 $0xFFF80000, v18;
	vm15 =	vlt.s32 v18, $0x80000;
	v31 =	vsel vm14, v15, v29;
	[tilespmem:$0x4D0] =	vst v28  }
0x33: {  	v36 =	vld [tilespmem:$0x150];
	v35 =	vadd.s32 $0xFFF80000, v21;
	vm4 =	vlt.s32 v21, $0x80000;
	v34 =	vsel vm15, v18, v32;
	[tilespmem:$0x4E0] =	vst v31  }
0x34: {  	v39 =	vld [tilespmem:$0x160];
	v38 =	vadd.s32 $0xFFF80000, v24;
	vm5 =	vlt.s32 v24, $0x80000;
	v37 =	vsel vm4, v21, v35;
	[tilespmem:$0x4F0] =	vst v34  }
0x35: {  	v42 =	vld [tilespmem:$0x170];
	v41 =	vadd.s32 $0xFFF80000, v27;
	vm6 =	vlt.s32 v27, $0x80000;
	v40 =	vsel vm5, v24, v38;
	[tilespmem:$0x500] =	vst v37  }
0x36: {  	v45 =	vld [tilespmem:$0x180];
	v44 =	vadd.s32 $0xFFF80000, v30;
	vm7 =	vlt.s32 v30, $0x80000;
	v43 =	vsel vm6, v27, v41;
	[tilespmem:$0x510] =	vst v40  }
0x37: {  	vm8 =	vlt.s32 v33, $0x80000;
	v48 =	vld [tilespmem:$0x190];
	v46 =	vsel vm7, v30, v44;
	v47 =	vadd.s32 $0xFFF80000, v33;
	[tilespmem:$0x520] =	vst v43  }
0x38: {  	vm9 =	vlt.s32 v36, $0x80000;
	v51 =	vld [tilespmem:$0x1A0];
	v50 =	vadd.s32 $0xFFF80000, v36;
	[tilespmem:$0x530] =	vst v46;
	v49 =	vsel vm8, v33, v47  }
0x39: {  	vm10 =	vlt.s32 v39, $0x80000;
	v54 =	vld [tilespmem:$0x1B0];
	v53 =	vadd.s32 $0xFFF80000, v39;
	v52 =	vsel vm9, v36, v50;
	[tilespmem:$0x540] =	vst v49  }
0x3a: {  	vm11 =	vlt.s32 v42, $0x80000;
	v57 =	vld [tilespmem:$0x1C0];
	v56 =	vadd.s32 $0xFFF80000, v42;
	v55 =	vsel vm10, v39, v53;
	[tilespmem:$0x550] =	vst v52  }
0x3b: {  	vm12 =	vlt.s32 v45, $0x80000;
	v60 =	vld [tilespmem:$0x1D0];
	v59 =	vadd.s32 $0xFFF80000, v45;
	v58 =	vsel vm11, v42, v56;
	[tilespmem:$0x560] =	vst v55  }
0x3c: {  	v63 =	vld [tilespmem:$0x1E0];
	v61 =	vsel vm12, v45, v59;
	[tilespmem:$0x570] =	vst v58;
	vm13 =	vlt.s32 v48, $0x80000;
	v62 =	vadd.s32 $0xFFF80000, v48  }
0x3d: {  	v11 =	vld [tilespmem:$0x1F0];
	[tilespmem:$0x580] =	vst v61;
	vm14 =	vlt.s32 v51, $0x80000;
	v10 =	vadd.s32 $0xFFF80000, v51;
	v9 =	vsel vm13, v48, v62  }
0x3e: {  	vm15 =	vlt.s32 v54, $0x80000;
	v13 =	vadd.s32 $0xFFF80000, v54;
	v12 =	vsel vm14, v51, v10;
	[tilespmem:$0x590] =	vst v9  }
0x3f: {  	vm4 =	vlt.s32 v57, $0x80000;
	v15 =	vadd.s32 $0xFFF80000, v57;
	v14 =	vsel vm15, v54, v13;
	[tilespmem:$0x5A0] =	vst v12  }
0x40: {  	vm5 =	vlt.s32 v60, $0x80000;
	v17 =	vadd.s32 $0xFFF80000, v60;
	v16 =	vsel vm4, v57, v15;
	[tilespmem:$0x5B0] =	vst v14  }
0x41: {  	vm6 =	vlt.s32 v63, $0x80000;
	v19 =	vadd.s32 $0xFFF80000, v63;
	v18 =	vsel vm5, v60, v17;
	[tilespmem:$0x5C0] =	vst v16  }
0x42: {  	vm7 =	vlt.s32 v11, $0x80000;
	v21 =	vadd.s32 $0xFFF80000, v11;
	v20 =	vsel vm6, v63, v19;
	[tilespmem:$0x5D0] =	vst v18  }
0x43: {  	v22 =	vsel vm7, v11, v21;
	[tilespmem:$0x5E0] =	vst v20  }
0x44: {  	s1 =	rddreg [dreg:$0x8];
	[tilespmem:$0x5F0] =	vst v22  }
0x45: {  	[tilespmem:s10], [sflag:$0x1] =	stream.indirect.gather [hbm4b:s3+s9], $0x1, s1, s9, $0xb8;
	[tilespmem:$0xE00] =	vst v63  }
0x46: {  	_ = 	snop  }
0x47: {  	[tilespmem:s11], [sflag:$0x1] =	stream.indirect.gather [hbm4b:s4+s9], $0x1, s2, s9, $0xb8;
	[tilespmem:$0xE00] =	vst v63  }
0x48: {  	_ = 	snop  }
0x49: {  	[tilespmem:s12], [sflag:$0x1] =	stream.indirect.gather [hbm4b:s5+s9], $0x1, s8, s9, $0xb8;
	[tilespmem:$0xE00] =	vst v63  }
0x4a: {  	_ = 	snop  }
0x4b: {  	[tilespmem:s14], [sflag:$0x1] =	stream.indirect.gather [hbm4b:s3+s9], $0x1, s13, s9, $0xb8;
	[tilespmem:$0xE00] =	vst v63  }
0x4c: {  	_ = 	snop  }
0x4d: {  	[tilespmem:s15], [sflag:$0x1] =	stream.indirect.gather [hbm4b:s4+s9], $0x1, s9, s9, $0xb8;
	[tilespmem:$0xE00] =	vst v63  }
0x4e: {  	_ = 	snop  }
0x4f: {  	[tilespmem:s17], [sflag:$0x1] =	stream.indirect.gather [hbm4b:s5+s9], $0x1, s16, s9, $0xb8;
	[tilespmem:$0xE00] =	vst v63  }
0x50: {  	_ = 	snop  }
0x51: {  	[tilespmem:s19], [sflag:$0x1] =	stream.indirect.gather [hbm4b:s3+s9], $0x1, s18, s9, $0xb8;
	[tilespmem:$0xE00] =	vst v63  }
0x52: {  	_ = 	snop  }
0x53: {  	[tilespmem:s21], [sflag:$0x1] =	stream.indirect.gather [hbm4b:s4+s9], $0x1, s20, s9, $0xb8;
	[tilespmem:$0xE00] =	vst v63  }
0x54: {  	_ = 	snop  }
0x55: {  	[tilespmem:s23], [sflag:$0x1] =	stream.indirect.gather [hbm4b:s5+s9], $0x1, s22, s9, $0xb8;
	[tilespmem:$0xE00] =	vst v63  }
0x56: {  	_ = 	snop  }
0x57: {  	[tilespmem:s25], [sflag:$0x1] =	stream.indirect.gather [hbm4b:s3+s9], $0x1, s24, s9, $0xb8;
	[tilespmem:$0xE00] =	vst v63  }
0x58: {  	_ = 	snop  }
0x59: {  	[tilespmem:s28], [sflag:$0x1] =	stream.indirect.gather [hbm4b:s4+s9], $0x1, s26, s9, $0xb8;
	[tilespmem:$0xE00] =	vst v63  }
0x5a: {  	_ = 	snop  }
0x5b: {  	[tilespmem:s30], [sflag:$0x1] =	stream.indirect.gather [hbm4b:s5+s9], $0x1, s29, s9, $0xb8;
	[tilespmem:$0xE00] =	vst v63  }
0x5c: {  	_ =	swait.ge [sflag:s31], $0x80  }
0x5d: {  	[sflag:s31] =	ssyncset.done $0x0  }
0x5e: {  	[sflag:s31] =	ssyncadd.s32 $0xFFFFFF80  }
0x5f: {  	_ =	swait.ge [sflag:s31], $0x80  }
0x60: {  	[sflag:s31] =	ssyncset.done $0x0  }
0x61: {  	[sflag:s31] =	ssyncadd.s32 $0xFFFFFF80  }
0x62: {  	_ =	swait.ge [sflag:s31], $0x80  }
0x63: {  	[sflag:s31] =	ssyncset.done $0x0  }
0x64: {  	[sflag:s31] =	ssyncadd.s32 $0xFFFFFF80  }
0x65: {  	_ =	swait.ge [sflag:s31], $0x80  }
0x66: {  	[sflag:s31] =	ssyncset.done $0x0  }
0x67: {  	[sflag:s31] =	ssyncadd.s32 $0xFFFFFF80  }
0x68: {  	_ =	swait.ge [sflag:s31], $0x80  }
0x69: {  	[sflag:s31] =	ssyncset.done $0x0  }
0x6a: {  	[sflag:s31] =	ssyncadd.s32 $0xFFFFFF80  }
0x6b: {  	_ =	swait.ge [sflag:s31], $0x80  }
0x6c: {  	[sflag:s31] =	ssyncset.done $0x0  }
0x6d: {  	[sflag:s31] =	ssyncadd.s32 $0xFFFFFF80  }
0x6e: {  	_ =	swait.ge [sflag:s31], $0x80  }
0x6f: {  	[sflag:s31] =	ssyncset.done $0x0  }
0x70: {  	[sflag:s31] =	ssyncadd.s32 $0xFFFFFF80  }
0x71: {  	_ =	swait.ge [sflag:s31], $0x80  }
0x72: {  	[sflag:s31] =	ssyncset.done $0x0  }
0x73: {  	[sflag:s31] =	ssyncadd.s32 $0xFFFFFF80  }
0x74: {  	_ =	swait.ge [sflag:s31], $0x80  }
0x75: {  	[sflag:s31] =	ssyncset.done $0x0  }
0x76: {  	[sflag:s31] =	ssyncadd.s32 $0xFFFFFF80  }
0x77: {  	_ =	swait.ge [sflag:s31], $0x80  }
0x78: {  	[sflag:s31] =	ssyncset.done $0x0  }
0x79: {  	[sflag:s31] =	ssyncadd.s32 $0xFFFFFF80  }
0x7a: {  	_ =	swait.ge [sflag:s31], $0x80  }
0x7b: {  	[sflag:s31] =	ssyncset.done $0x0  }
0x7c: {  	[sflag:s31] =	ssyncadd.s32 $0xFFFFFF80  }
0x7d: {  	_ =	swait.ge [sflag:s31], $0x80  }
0x7e: {  	[sflag:s31] =	ssyncset.done $0x0  }
0x7f: {  	[sflag:s31] =	ssyncadd.s32 $0xFFFFFF80  }
0x80: {  	v23 =	vld [tilespmem:$0x0]  }
0x81: {  	v24 =	vld [tilespmem:$0x600]  }
0x82: {  	v25 =	vld [tilespmem:$0x800]  }
0x83: {  	v26 =	vld [tilespmem:$0xA00];
	_ =	sdelay $0x2  }
0x84: {  	vm8 =	vlt.s32 v23, $0x80000  }
0x85: {  	v0 =	vsel vm8, v24, v25  }
0x86: {  	v0 =	vsub.f32 v26, v0;
	_ =	sdelay $0x1  }
0x87: {  	v0 =	vadd.f32 $0.0e+00, v0;
	_ =	sdelay $0x1  }
0x88: {  	v0 =	vmul.f32 $1.442695020e+00, v0  }
0x89: {  	v27 =	vld [tilespmem:$0x10]  }
0x8a: {  	v28 =	vld [tilespmem:$0x610];
	(erf) = vpow2.f32 v0  }
0x8b: {  	v29 =	vld [tilespmem:$0x810]  }
0x8c: {  	v30 =	vld [tilespmem:$0xA10];
	_ =	sdelay $0x2  }
0x8d: {  	vm9 =	vlt.s32 v27, $0x80000  }
0x8e: {  	v0 =	vsel vm9, v28, v29  }
0x8f: {  	v0 =	vsub.f32 v30, v0;
	_ =	sdelay $0x1  }
0x90: {  	v0 =	vadd.f32 $0.0e+00, v0;
	v31 =	vpop (erf)  }
0x91: {  	v1 =	vadd.f32 $1.000000000e+00, v31  }
0x92: {  	v32 =	vld [tilespmem:$0x20];
	v0 =	vmul.f32 $1.442695020e+00, v0  }
0x93: {  	v33 =	vld [tilespmem:$0x620];
	(erf) = vrcp.f32 v1  }
0x94: {  	v34 =	vld [tilespmem:$0x820];
	(erf) = vpow2.f32 v0;
	_ =	sdelay $0x1  }
0x95: {  	v35 =	vld [tilespmem:$0xA20];
	_ =	sdelay $0x1  }
0x96: {  	vm10 =	vlt.s32 v32, $0x80000  }
0x97: {  	v0 =	vsel vm10, v33, v34;
	_ =	sdelay $0x1  }
0x98: {  	v36 =	vsub.f32 v35, v0  }
0x99: {  	v0 =	vpop (erf)  }
0x9a: {  	v1 =	vadd.f32 $0.0e+00, v36;
	v37 =	vpop (erf)  }
0x9b: {  	v2 =	vadd.f32 $1.000000000e+00, v37  }
0x9c: {  	v38 =	vld [tilespmem:$0x30];
	v1 =	vmul.f32 $1.442695020e+00, v1  }
0x9d: {  	v39 =	vld [tilespmem:$0x630];
	(erf) = vrcp.f32 v2  }
0x9e: {  	v40 =	vld [tilespmem:$0x830];
	(erf) = vpow2.f32 v1;
	_ =	sdelay $0x1  }
0x9f: {  	v41 =	vld [tilespmem:$0xA30];
	_ =	sdelay $0x1  }
0xa0: {  	vm11 =	vlt.s32 v38, $0x80000  }
0xa1: {  	v1 =	vsel vm11, v39, v40;
	_ =	sdelay $0x1  }
0xa2: {  	v42 =	vsub.f32 v41, v1  }
0xa3: {  	v1 =	vpop (erf)  }
0xa4: {  	v2 =	vadd.f32 $0.0e+00, v42;
	v43 =	vpop (erf)  }
0xa5: {  	v3 =	vadd.f32 $1.000000000e+00, v43  }
0xa6: {  	v44 =	vld [tilespmem:$0x40];
	v2 =	vmul.f32 $1.442695020e+00, v2  }
0xa7: {  	v45 =	vld [tilespmem:$0x640];
	(erf) = vrcp.f32 v3  }
0xa8: {  	v46 =	vld [tilespmem:$0x840];
	(erf) = vpow2.f32 v2;
	_ =	sdelay $0x1  }
0xa9: {  	v47 =	vld [tilespmem:$0xA40];
	_ =	sdelay $0x1  }
0xaa: {  	vm12 =	vlt.s32 v44, $0x80000  }
0xab: {  	v2 =	vsel vm12, v45, v46;
	_ =	sdelay $0x1  }
0xac: {  	v48 =	vsub.f32 v47, v2  }
0xad: {  	v2 =	vpop (erf)  }
0xae: {  	v3 =	vadd.f32 $0.0e+00, v48;
	v49 =	vpop (erf)  }
0xaf: {  	v4 =	vadd.f32 $1.000000000e+00, v49  }
0xb0: {  	v50 =	vld [tilespmem:$0x50];
	v3 =	vmul.f32 $1.442695020e+00, v3  }
0xb1: {  	v51 =	vld [tilespmem:$0x650];
	(erf) = vrcp.f32 v4  }
0xb2: {  	v52 =	vld [tilespmem:$0x850];
	(erf) = vpow2.f32 v3;
	_ =	sdelay $0x1  }
0xb3: {  	v53 =	vld [tilespmem:$0xA50];
	_ =	sdelay $0x1  }
0xb4: {  	vm13 =	vlt.s32 v50, $0x80000  }
0xb5: {  	v3 =	vsel vm13, v51, v52;
	_ =	sdelay $0x1  }
0xb6: {  	v54 =	vsub.f32 v53, v3  }
0xb7: {  	v3 =	vpop (erf)  }
0xb8: {  	v4 =	vadd.f32 $0.0e+00, v54;
	v55 =	vpop (erf)  }
0xb9: {  	v5 =	vadd.f32 $1.000000000e+00, v55  }
0xba: {  	v56 =	vld [tilespmem:$0x60];
	v4 =	vmul.f32 $1.442695020e+00, v4  }
0xbb: {  	v57 =	vld [tilespmem:$0x660];
	(erf) = vrcp.f32 v5  }
0xbc: {  	v58 =	vld [tilespmem:$0x860];
	(erf) = vpow2.f32 v4;
	_ =	sdelay $0x1  }
0xbd: {  	v59 =	vld [tilespmem:$0xA60];
	_ =	sdelay $0x1  }
0xbe: {  	vm14 =	vlt.s32 v56, $0x80000  }
0xbf: {  	v4 =	vsel vm14, v57, v58;
	_ =	sdelay $0x1  }
0xc0: {  	v60 =	vsub.f32 v59, v4  }
0xc1: {  	v4 =	vpop (erf)  }
0xc2: {  	v5 =	vadd.f32 $0.0e+00, v60;
	v61 =	vpop (erf)  }
0xc3: {  	v6 =	vadd.f32 $1.000000000e+00, v61  }
0xc4: {  	v62 =	vld [tilespmem:$0x70];
	v5 =	vmul.f32 $1.442695020e+00, v5  }
0xc5: {  	v63 =	vld [tilespmem:$0x670];
	(erf) = vrcp.f32 v6  }
0xc6: {  	v12 =	vld [tilespmem:$0x870];
	(erf) = vpow2.f32 v5;
	_ =	sdelay $0x1  }
0xc7: {  	v8 =	vld [tilespmem:$0xA70];
	_ =	sdelay $0x1  }
0xc8: {  	vm15 =	vlt.s32 v62, $0x80000  }
0xc9: {  	v5 =	vsel vm15, v63, v12;
	_ =	sdelay $0x1  }
0xca: {  	v13 =	vsub.f32 v8, v5  }
0xcb: {  	v5 =	vpop (erf)  }
0xcc: {  	v6 =	vadd.f32 $0.0e+00, v13;
	v14 =	vpop (erf)  }
0xcd: {  	v7 =	vadd.f32 $1.000000000e+00, v14  }
0xce: {  	v15 =	vld [tilespmem:$0x80];
	v6 =	vmul.f32 $1.442695020e+00, v6  }
0xcf: {  	v16 =	vld [tilespmem:$0x680];
	(erf) = vrcp.f32 v7  }
0xd0: {  	v17 =	vld [tilespmem:$0x880];
	(erf) = vpow2.f32 v6;
	_ =	sdelay $0x1  }
0xd1: {  	v9 =	vld [tilespmem:$0xA80];
	_ =	sdelay $0x1  }
0xd2: {  	vm4 =	vlt.s32 v15, $0x80000  }
0xd3: {  	v6 =	vsel vm4, v16, v17;
	_ =	sdelay $0x1  }
0xd4: {  	v18 =	vsub.f32 v9, v6  }
0xd5: {  	v6 =	vpop (erf)  }
0xd6: {  	v7 =	vadd.f32 $0.0e+00, v18;
	v19 =	vpop (erf)  }
0xd7: {  	v8 =	vadd.f32 $1.000000000e+00, v19  }
0xd8: {  	v20 =	vld [tilespmem:$0x90];
	v7 =	vmul.f32 $1.442695020e+00, v7  }
0xd9: {  	v21 =	vld [tilespmem:$0x690];
	(erf) = vrcp.f32 v8  }
0xda: {  	v22 =	vld [tilespmem:$0x890];
	(erf) = vpow2.f32 v7;
	_ =	sdelay $0x1  }
0xdb: {  	v10 =	vld [tilespmem:$0xA90];
	_ =	sdelay $0x1  }
0xdc: {  	vm5 =	vlt.s32 v20, $0x80000  }
0xdd: {  	v7 =	vsel vm5, v21, v22;
	_ =	sdelay $0x1  }
0xde: {  	v23 =	vsub.f32 v10, v7  }
0xdf: {  	v7 =	vpop (erf)  }
0xe0: {  	v8 =	vadd.f32 $0.0e+00, v23;
	v24 =	vpop (erf)  }
0xe1: {  	v9 =	vadd.f32 $1.000000000e+00, v24  }
0xe2: {  	v27 =	vld [tilespmem:$0x8A0];
	v8 =	vmul.f32 $1.442695020e+00, v8  }
0xe3: {  	v25 =	vld [tilespmem:$0xA0];
	(erf) = vrcp.f32 v9  }
0xe4: {  	v26 =	vld [tilespmem:$0x6A0];
	(erf) = vpow2.f32 v8;
	_ =	sdelay $0x1  }
0xe5: {  	v11 =	vld [tilespmem:$0xAA0];
	_ =	sdelay $0x1  }
0xe6: {  	vm6 =	vlt.s32 v25, $0x80000  }
0xe7: {  	v8 =	vsel vm6, v26, v27;
	_ =	sdelay $0x1  }
0xe8: {  	v28 =	vsub.f32 v11, v8  }
0xe9: {  	v8 =	vpop (erf)  }
0xea: {  	v9 =	vadd.f32 $0.0e+00, v28;
	v29 =	vpop (erf)  }
0xeb: {  	v10 =	vadd.f32 $1.000000000e+00, v29  }
0xec: {  	v32 =	vld [tilespmem:$0x8B0];
	v9 =	vmul.f32 $1.442695020e+00, v9  }
0xed: {  	v30 =	vld [tilespmem:$0xB0];
	(erf) = vrcp.f32 v10  }
0xee: {  	v31 =	vld [tilespmem:$0x6B0];
	(erf) = vpow2.f32 v9;
	_ =	sdelay $0x1  }
0xef: {  	v12 =	vld [tilespmem:$0xAB0];
	_ =	sdelay $0x1  }
0xf0: {  	vm7 =	vlt.s32 v30, $0x80000  }
0xf1: {  	v9 =	vsel vm7, v31, v32;
	_ =	sdelay $0x1  }
0xf2: {  	v33 =	vsub.f32 v12, v9  }
0xf3: {  	v9 =	vpop (erf)  }
0xf4: {  	v10 =	vadd.f32 $0.0e+00, v33;
	v34 =	vpop (erf)  }
0xf5: {  	v11 =	vadd.f32 $1.000000000e+00, v34  }
0xf6: {  	v35 =	vld [tilespmem:$0xC0];
	v10 =	vmul.f32 $1.442695020e+00, v10  }
0xf7: {  	v36 =	vld [tilespmem:$0x6C0];
	(erf) = vrcp.f32 v11  }
0xf8: {  	v37 =	vld [tilespmem:$0x8C0];
	(erf) = vpow2.f32 v10;
	_ =	sdelay $0x1  }
0xf9: {  	v13 =	vld [tilespmem:$0xAC0];
	_ =	sdelay $0x1  }
0xfa: {  	vm8 =	vlt.s32 v35, $0x80000  }
0xfb: {  	v10 =	vsel vm8, v36, v37;
	_ =	sdelay $0x1  }
0xfc: {  	v38 =	vsub.f32 v13, v10  }
0xfd: {  	v10 =	vpop (erf)  }
0xfe: {  	v11 =	vadd.f32 $0.0e+00, v38;
	v39 =	vpop (erf)  }
0xff: {  	v12 =	vadd.f32 $1.000000000e+00, v39  }
0x100: {  	v40 =	vld [tilespmem:$0xD0];
	v11 =	vmul.f32 $1.442695020e+00, v11  }
0x101: {  	v41 =	vld [tilespmem:$0x6D0];
	(erf) = vrcp.f32 v12  }
0x102: {  	v42 =	vld [tilespmem:$0x8D0];
	(erf) = vpow2.f32 v11;
	_ =	sdelay $0x1  }
0x103: {  	v14 =	vld [tilespmem:$0xAD0];
	_ =	sdelay $0x1  }
0x104: {  	vm9 =	vlt.s32 v40, $0x80000  }
0x105: {  	v11 =	vsel vm9, v41, v42;
	_ =	sdelay $0x1  }
0x106: {  	v43 =	vsub.f32 v14, v11  }
0x107: {  	v11 =	vpop (erf)  }
0x108: {  	v12 =	vadd.f32 $0.0e+00, v43;
	v44 =	vpop (erf)  }
0x109: {  	v13 =	vadd.f32 $1.000000000e+00, v44  }
0x10a: {  	v45 =	vld [tilespmem:$0xE0];
	v12 =	vmul.f32 $1.442695020e+00, v12  }
0x10b: {  	v46 =	vld [tilespmem:$0x6E0];
	(erf) = vrcp.f32 v13  }
0x10c: {  	v47 =	vld [tilespmem:$0x8E0];
	(erf) = vpow2.f32 v12;
	_ =	sdelay $0x1  }
0x10d: {  	v15 =	vld [tilespmem:$0xAE0];
	_ =	sdelay $0x1  }
0x10e: {  	vm10 =	vlt.s32 v45, $0x80000  }
0x10f: {  	v12 =	vsel vm10, v46, v47;
	_ =	sdelay $0x1  }
0x110: {  	v48 =	vsub.f32 v15, v12  }
0x111: {  	v12 =	vpop (erf)  }
0x112: {  	v13 =	vadd.f32 $0.0e+00, v48;
	v49 =	vpop (erf)  }
0x113: {  	v14 =	vadd.f32 $1.000000000e+00, v49  }
0x114: {  	v50 =	vld [tilespmem:$0xF0];
	v13 =	vmul.f32 $1.442695020e+00, v13  }
0x115: {  	v51 =	vld [tilespmem:$0x6F0];
	(erf) = vrcp.f32 v14  }
0x116: {  	v52 =	vld [tilespmem:$0x8F0];
	(erf) = vpow2.f32 v13;
	_ =	sdelay $0x1  }
0x117: {  	v16 =	vld [tilespmem:$0xAF0];
	_ =	sdelay $0x1  }
0x118: {  	vm11 =	vlt.s32 v50, $0x80000  }
0x119: {  	v13 =	vsel vm11, v51, v52;
	_ =	sdelay $0x1  }
0x11a: {  	v53 =	vsub.f32 v16, v13  }
0x11b: {  	v13 =	vpop (erf)  }
0x11c: {  	v14 =	vadd.f32 $0.0e+00, v53;
	v54 =	vpop (erf)  }
0x11d: {  	v15 =	vadd.f32 $1.000000000e+00, v54  }
0x11e: {  	v56 =	vld [tilespmem:$0x700];
	v14 =	vmul.f32 $1.442695020e+00, v14  }
0x11f: {  	v55 =	vld [tilespmem:$0x100];
	(erf) = vrcp.f32 v15  }
0x120: {  	v57 =	vld [tilespmem:$0x900];
	(erf) = vpow2.f32 v14;
	_ =	sdelay $0x1  }
0x121: {  	v17 =	vld [tilespmem:$0xB00];
	_ =	sdelay $0x1  }
0x122: {  	vm12 =	vlt.s32 v55, $0x80000  }
0x123: {  	v14 =	vsel vm12, v56, v57;
	_ =	sdelay $0x1  }
0x124: {  	v58 =	vsub.f32 v17, v14  }
0x125: {  	v14 =	vpop (erf)  }
0x126: {  	v15 =	vadd.f32 $0.0e+00, v58;
	v59 =	vpop (erf)  }
0x127: {  	v16 =	vadd.f32 $1.000000000e+00, v59  }
0x128: {  	v62 =	vld [tilespmem:$0x910];
	v15 =	vmul.f32 $1.442695020e+00, v15  }
0x129: {  	v60 =	vld [tilespmem:$0x110];
	(erf) = vrcp.f32 v16  }
0x12a: {  	v61 =	vld [tilespmem:$0x710];
	(erf) = vpow2.f32 v15;
	_ =	sdelay $0x1  }
0x12b: {  	v18 =	vld [tilespmem:$0xB10];
	_ =	sdelay $0x1  }
0x12c: {  	vm13 =	vlt.s32 v60, $0x80000  }
0x12d: {  	v15 =	vsel vm13, v61, v62;
	_ =	sdelay $0x1  }
0x12e: {  	v63 =	vsub.f32 v18, v15  }
0x12f: {  	v15 =	vpop (erf)  }
0x130: {  	v16 =	vadd.f32 $0.0e+00, v63;
	v20 =	vpop (erf)  }
0x131: {  	v17 =	vadd.f32 $1.000000000e+00, v20  }
0x132: {  	v21 =	vld [tilespmem:$0x120];
	v16 =	vmul.f32 $1.442695020e+00, v16  }
0x133: {  	v22 =	vld [tilespmem:$0x720];
	(erf) = vrcp.f32 v17  }
0x134: {  	v23 =	vld [tilespmem:$0x920];
	(erf) = vpow2.f32 v16;
	_ =	sdelay $0x1  }
0x135: {  	v19 =	vld [tilespmem:$0xB20];
	_ =	sdelay $0x1  }
0x136: {  	vm14 =	vlt.s32 v21, $0x80000  }
0x137: {  	v16 =	vsel vm14, v22, v23;
	_ =	sdelay $0x1  }
0x138: {  	v24 =	vsub.f32 v19, v16  }
0x139: {  	v16 =	vpop (erf)  }
0x13a: {  	v17 =	vadd.f32 $0.0e+00, v24;
	v25 =	vpop (erf)  }
0x13b: {  	v18 =	vadd.f32 $1.000000000e+00, v25  }
0x13c: {  	v26 =	vld [tilespmem:$0x130];
	v17 =	vmul.f32 $1.442695020e+00, v17  }
0x13d: {  	v27 =	vld [tilespmem:$0x730];
	(erf) = vrcp.f32 v18  }
0x13e: {  	v28 =	vld [tilespmem:$0x930];
	(erf) = vpow2.f32 v17;
	_ =	sdelay $0x1  }
0x13f: {  	v20 =	vld [tilespmem:$0xB30];
	_ =	sdelay $0x1  }
0x140: {  	vm15 =	vlt.s32 v26, $0x80000  }
0x141: {  	v17 =	vsel vm15, v27, v28;
	_ =	sdelay $0x1  }
0x142: {  	v29 =	vsub.f32 v20, v17  }
0x143: {  	v17 =	vpop (erf)  }
0x144: {  	v18 =	vadd.f32 $0.0e+00, v29;
	v30 =	vpop (erf)  }
0x145: {  	v19 =	vadd.f32 $1.000000000e+00, v30  }
0x146: {  	v31 =	vld [tilespmem:$0x140];
	v18 =	vmul.f32 $1.442695020e+00, v18  }
0x147: {  	v32 =	vld [tilespmem:$0x740];
	(erf) = vrcp.f32 v19  }
0x148: {  	v33 =	vld [tilespmem:$0x940];
	(erf) = vpow2.f32 v18;
	_ =	sdelay $0x1  }
0x149: {  	v21 =	vld [tilespmem:$0xB40];
	_ =	sdelay $0x1  }
0x14a: {  	vm4 =	vlt.s32 v31, $0x80000  }
0x14b: {  	v18 =	vsel vm4, v32, v33;
	_ =	sdelay $0x1  }
0x14c: {  	v34 =	vsub.f32 v21, v18  }
0x14d: {  	v18 =	vpop (erf)  }
0x14e: {  	v19 =	vadd.f32 $0.0e+00, v34;
	v35 =	vpop (erf)  }
0x14f: {  	v20 =	vadd.f32 $1.000000000e+00, v35  }
0x150: {  	v36 =	vld [tilespmem:$0x150];
	v19 =	vmul.f32 $1.442695020e+00, v19  }
0x151: {  	v37 =	vld [tilespmem:$0x750];
	(erf) = vrcp.f32 v20  }
0x152: {  	v38 =	vld [tilespmem:$0x950];
	(erf) = vpow2.f32 v19;
	_ =	sdelay $0x1  }
0x153: {  	v22 =	vld [tilespmem:$0xB50];
	_ =	sdelay $0x1  }
0x154: {  	vm5 =	vlt.s32 v36, $0x80000  }
0x155: {  	v19 =	vsel vm5, v37, v38;
	_ =	sdelay $0x1  }
0x156: {  	v39 =	vsub.f32 v22, v19  }
0x157: {  	v19 =	vpop (erf)  }
0x158: {  	v20 =	vadd.f32 $0.0e+00, v39;
	v40 =	vpop (erf)  }
0x159: {  	v21 =	vadd.f32 $1.000000000e+00, v40  }
0x15a: {  	v41 =	vld [tilespmem:$0x160];
	v20 =	vmul.f32 $1.442695020e+00, v20  }
0x15b: {  	v42 =	vld [tilespmem:$0x760];
	(erf) = vrcp.f32 v21  }
0x15c: {  	v43 =	vld [tilespmem:$0x960];
	(erf) = vpow2.f32 v20;
	_ =	sdelay $0x1  }
0x15d: {  	v23 =	vld [tilespmem:$0xB60];
	_ =	sdelay $0x1  }
0x15e: {  	vm6 =	vlt.s32 v41, $0x80000  }
0x15f: {  	v20 =	vsel vm6, v42, v43;
	_ =	sdelay $0x1  }
0x160: {  	v44 =	vsub.f32 v23, v20  }
0x161: {  	v20 =	vpop (erf)  }
0x162: {  	v21 =	vadd.f32 $0.0e+00, v44;
	v45 =	vpop (erf)  }
0x163: {  	v22 =	vadd.f32 $1.000000000e+00, v45  }
0x164: {  	v46 =	vld [tilespmem:$0x170];
	v21 =	vmul.f32 $1.442695020e+00, v21  }
0x165: {  	v47 =	vld [tilespmem:$0x770];
	(erf) = vrcp.f32 v22  }
0x166: {  	v48 =	vld [tilespmem:$0x970];
	(erf) = vpow2.f32 v21;
	_ =	sdelay $0x1  }
0x167: {  	v24 =	vld [tilespmem:$0xB70];
	_ =	sdelay $0x1  }
0x168: {  	vm7 =	vlt.s32 v46, $0x80000  }
0x169: {  	v21 =	vsel vm7, v47, v48;
	_ =	sdelay $0x1  }
0x16a: {  	v49 =	vsub.f32 v24, v21  }
0x16b: {  	v21 =	vpop (erf)  }
0x16c: {  	v22 =	vadd.f32 $0.0e+00, v49;
	v50 =	vpop (erf)  }
0x16d: {  	v23 =	vadd.f32 $1.000000000e+00, v50  }
0x16e: {  	v51 =	vld [tilespmem:$0x180];
	v22 =	vmul.f32 $1.442695020e+00, v22  }
0x16f: {  	v52 =	vld [tilespmem:$0x780];
	(erf) = vrcp.f32 v23  }
0x170: {  	v53 =	vld [tilespmem:$0x980];
	(erf) = vpow2.f32 v22;
	_ =	sdelay $0x1  }
0x171: {  	v25 =	vld [tilespmem:$0xB80];
	_ =	sdelay $0x1  }
0x172: {  	vm8 =	vlt.s32 v51, $0x80000  }
0x173: {  	v22 =	vsel vm8, v52, v53;
	_ =	sdelay $0x1  }
0x174: {  	v54 =	vsub.f32 v25, v22  }
0x175: {  	v22 =	vpop (erf)  }
0x176: {  	v23 =	vadd.f32 $0.0e+00, v54;
	v55 =	vpop (erf)  }
0x177: {  	v24 =	vadd.f32 $1.000000000e+00, v55  }
0x178: {  	v23 =	vmul.f32 $1.442695020e+00, v23  }
0x179: {  	v56 =	vld [tilespmem:$0x190];
	(erf) = vrcp.f32 v24  }
0x17a: {  	v57 =	vld [tilespmem:$0x790];
	(erf) = vpow2.f32 v23  }
0x17b: {  	v58 =	vld [tilespmem:$0x990]  }
0x17c: {  	v26 =	vld [tilespmem:$0xB90];
	_ =	sdelay $0x2  }
0x17d: {  	vm9 =	vlt.s32 v56, $0x80000  }
0x17e: {  	v23 =	vsel vm9, v57, v58  }
0x17f: {  	v23 =	vsub.f32 v26, v23  }
0x180: {  	v24 =	vpop (erf)  }
0x181: {  	v23 =	vadd.f32 $0.0e+00, v23;
	v59 =	vpop (erf)  }
0x182: {  	v25 =	vadd.f32 $1.000000000e+00, v59  }
0x183: {  	v23 =	vmul.f32 $1.442695020e+00, v23  }
0x184: {  	v60 =	vld [tilespmem:$0x1A0];
	(erf) = vrcp.f32 v25  }
0x185: {  	v61 =	vld [tilespmem:$0x7A0];
	(erf) = vpow2.f32 v23  }
0x186: {  	v62 =	vld [tilespmem:$0x9A0]  }
0x187: {  	v27 =	vld [tilespmem:$0xBA0];
	_ =	sdelay $0x2  }
0x188: {  	vm10 =	vlt.s32 v60, $0x80000  }
0x189: {  	v23 =	vsel vm10, v61, v62  }
0x18a: {  	v23 =	vsub.f32 v27, v23  }
0x18b: {  	v63 =	vpop (erf)  }
0x18c: {  	v23 =	vadd.f32 $0.0e+00, v23;
	v34 =	vpop (erf)  }
0x18d: {  	v26 =	vadd.f32 $1.000000000e+00, v34  }
0x18e: {  	v23 =	vmul.f32 $1.442695020e+00, v23  }
0x18f: {  	v36 =	vld [tilespmem:$0x7B0];
	(erf) = vrcp.f32 v26  }
0x190: {  	v35 =	vld [tilespmem:$0x1B0];
	(erf) = vpow2.f32 v23  }
0x191: {  	v37 =	vld [tilespmem:$0x9B0]  }
0x192: {  	v28 =	vld [tilespmem:$0xBB0];
	_ =	sdelay $0x2  }
0x193: {  	vm11 =	vlt.s32 v35, $0x80000  }
0x194: {  	v23 =	vsel vm11, v36, v37  }
0x195: {  	v23 =	vsub.f32 v28, v23  }
0x196: {  	v38 =	vpop (erf)  }
0x197: {  	v23 =	vadd.f32 $0.0e+00, v23;
	v39 =	vpop (erf)  }
0x198: {  	v27 =	vadd.f32 $1.000000000e+00, v39  }
0x199: {  	v23 =	vmul.f32 $1.442695020e+00, v23  }
0x19a: {  	v41 =	vld [tilespmem:$0x7C0];
	(erf) = vrcp.f32 v27  }
0x19b: {  	v40 =	vld [tilespmem:$0x1C0];
	(erf) = vpow2.f32 v23  }
0x19c: {  	v42 =	vld [tilespmem:$0x9C0]  }
0x19d: {  	v29 =	vld [tilespmem:$0xBC0];
	_ =	sdelay $0x2  }
0x19e: {  	vm12 =	vlt.s32 v40, $0x80000  }
0x19f: {  	v23 =	vsel vm12, v41, v42  }
0x1a0: {  	v23 =	vsub.f32 v29, v23  }
0x1a1: {  	v43 =	vpop (erf)  }
0x1a2: {  	v23 =	vadd.f32 $0.0e+00, v23;
	v44 =	vpop (erf)  }
0x1a3: {  	v28 =	vadd.f32 $1.000000000e+00, v44  }
0x1a4: {  	v23 =	vmul.f32 $1.442695020e+00, v23  }
0x1a5: {  	v46 =	vld [tilespmem:$0x7D0];
	(erf) = vrcp.f32 v28  }
0x1a6: {  	v45 =	vld [tilespmem:$0x1D0];
	(erf) = vpow2.f32 v23  }
0x1a7: {  	v47 =	vld [tilespmem:$0x9D0]  }
0x1a8: {  	v30 =	vld [tilespmem:$0xBD0];
	_ =	sdelay $0x2  }
0x1a9: {  	vm13 =	vlt.s32 v45, $0x80000  }
0x1aa: {  	v23 =	vsel vm13, v46, v47  }
0x1ab: {  	v23 =	vsub.f32 v30, v23  }
0x1ac: {  	v48 =	vpop (erf)  }
0x1ad: {  	v23 =	vadd.f32 $0.0e+00, v23;
	v49 =	vpop (erf)  }
0x1ae: {  	v29 =	vadd.f32 $1.000000000e+00, v49  }
0x1af: {  	v23 =	vmul.f32 $1.442695020e+00, v23  }
0x1b0: {  	v51 =	vld [tilespmem:$0x7E0];
	(erf) = vrcp.f32 v29  }
0x1b1: {  	v50 =	vld [tilespmem:$0x1E0];
	(erf) = vpow2.f32 v23  }
0x1b2: {  	v52 =	vld [tilespmem:$0x9E0]  }
0x1b3: {  	v31 =	vld [tilespmem:$0xBE0];
	_ =	sdelay $0x2  }
0x1b4: {  	vm14 =	vlt.s32 v50, $0x80000  }
0x1b5: {  	v23 =	vsel vm14, v51, v52  }
0x1b6: {  	v23 =	vsub.f32 v31, v23  }
0x1b7: {  	v53 =	vpop (erf)  }
0x1b8: {  	v23 =	vadd.f32 $0.0e+00, v23;
	v54 =	vpop (erf)  }
0x1b9: {  	v30 =	vadd.f32 $1.000000000e+00, v54  }
0x1ba: {  	v23 =	vmul.f32 $1.442695020e+00, v23  }
0x1bb: {  	v56 =	vld [tilespmem:$0x7F0];
	(erf) = vrcp.f32 v30  }
0x1bc: {  	v55 =	vld [tilespmem:$0x1F0];
	(erf) = vpow2.f32 v23  }
0x1bd: {  	v57 =	vld [tilespmem:$0x9F0]  }
0x1be: {  	v32 =	vld [tilespmem:$0xBF0];
	_ =	sdelay $0x1  }
0x1bf: {  	[tilespmem:$0xC00] =	vst v0  }
0x1c0: {  	[tilespmem:$0xC10] =	vst v1;
	vm15 =	vlt.s32 v55, $0x80000  }
0x1c1: {  	[tilespmem:$0xC20] =	vst v2;
	v58 =	vsel vm15, v56, v57  }
0x1c2: {  	[tilespmem:$0xC30] =	vst v3;
	v0 =	vsub.f32 v32, v58  }
0x1c3: {  	[tilespmem:$0xC40] =	vst v4;
	v59 =	vpop (erf)  }
0x1c4: {  	[tilespmem:$0xC50] =	vst v5;
	v0 =	vadd.f32 $0.0e+00, v0;
	v60 =	vpop (erf)  }
0x1c5: {  	[tilespmem:$0xC60] =	vst v6;
	v2 =	vadd.f32 $1.000000000e+00, v60  }
0x1c6: {  	[tilespmem:$0xC70] =	vst v7;
	v0 =	vmul.f32 $1.442695020e+00, v0  }
0x1c7: {  	[tilespmem:$0xC80] =	vst v8;
	(erf) = vrcp.f32 v2  }
0x1c8: {  	[tilespmem:$0xC90] =	vst v9;
	(erf) = vpow2.f32 v0  }
0x1c9: {  	[tilespmem:$0xCA0] =	vst v10  }
0x1ca: {  	[tilespmem:$0xCB0] =	vst v11  }
0x1cb: {  	[tilespmem:$0xCC0] =	vst v12  }
0x1cc: {  	[tilespmem:$0xCD0] =	vst v13  }
0x1cd: {  	[tilespmem:$0xCE0] =	vst v14  }
0x1ce: {  	[tilespmem:$0xCF0] =	vst v15  }
0x1cf: {  	[tilespmem:$0xD00] =	vst v16  }
0x1d0: {  	[tilespmem:$0xD10] =	vst v17;
	v61 =	vpop (erf)  }
0x1d1: {  	[tilespmem:$0xD20] =	vst v18;
	v62 =	vpop (erf)  }
0x1d2: {  	[tilespmem:$0xD30] =	vst v19;
	v2 =	vadd.f32 $1.000000000e+00, v62  }
0x1d3: {  	[tilespmem:$0xD40] =	vst v20  }
0x1d4: {  	[tilespmem:$0xD50] =	vst v21;
	(erf) = vrcp.f32 v2  }
0x1d5: {  	[tilespmem:$0xD60] =	vst v22  }
0x1d6: {  	[tilespmem:$0xD70] =	vst v24  }
0x1d7: {  	[tilespmem:$0xD80] =	vst v63  }
0x1d8: {  	[tilespmem:$0xD90] =	vst v38  }
0x1d9: {  	[tilespmem:$0xDA0] =	vst v43  }
0x1da: {  	[tilespmem:$0xDB0] =	vst v48  }
0x1db: {  	[tilespmem:$0xDC0] =	vst v53  }
0x1dc: {  	[tilespmem:$0xDD0] =	vst v59  }
0x1dd: {  	p0 =	sne.s32 s6, $0x1;
	[tilespmem:$0xDE0] =	vst v61;
	v63 =	vpop (erf)  }
.Ltmp0:
0x1de: {  	s1 =	rddreg [dreg:$0x7];
	[tilespmem:$0xDF0] =	vst v63;
	(pc) =	sbr.rel @p0 .LBB2_1-.Ltmp0, $4  }
0x1df: {  	[hbm4b:s1+s2] =	stream.linear.scatter [tilespmem:s0], [sflag:$0x2], $0x200, $0x38;
	[tilespmem:$0xE00] =	vst v63  }
0x1e0: {  	_ =	swait.ge [sflag:s7], $0x200  }
0x1e1: {  	[sflag:s7] =	ssyncset.done $0x0  }
0x1e2: {  	s6 =	sadd.s32 $0xFFFFFFFF, s6;
	[sflag:s7] =	ssyncadd.s32 $0xFFFFFE00  }
0x1e3: {  	_ =	sfence.sel $0x180000  }
0x1e4: {  	[bflag:$0x0] =	sbarrier.arrive $0xFFFF  }
0x1e5: {  	_ =	strace $0x9000004A  }
0x1e6: {  	s0 =	stileid.u32;
	[bflag:$0x2] =	sbarrier.arrive $0xFFFF  }
0x1e7: {  	p0 =	sne.s32 s0, $0x0;
	s0 =	rddreg [dreg:$0x4]  }
0x1e8: {  	s0 =	sadd.s32 @!p0 $0x100000, s0  }
0x1e9: {  	[sflag:s0] =	ssyncadd.tile.s32 @!p0 $0x1;
	_ =	shalt  }
.Lfunc_end2:
_tile_overlayer_lowered:
.L_overlay_start_2:
0x1ea: {  	(tag) =	ssettag $0x2  }
0x1eb: {  	s0 =	rddreg [dreg:$0x0];
	s2 =	stileid.u32  }
0x1ec: {  	s1 =	rddreg [dreg:$0x1];
	p0 =	sne.s32 s2, $0x0  }
0x1ed: {  	s3 =	rddreg [dreg:$0x2];
	[bflag:$0x3] =	sbarrier.arrive $0xFFFF;
	s2 =	simm.s32 @!p0 $0x1C02  }
0x1ee: {  	[timem:s3], [sflag:s2] =	dma.local @!p0 [hbm:s0], s1  }
0x1ef: {  	s0 =	simm.s32 @!p0 $0x2  }
0x1f0: {  	_ =	swait.ge @!p0 [sflag:s0], s1  }
0x1f1: {  	s1 =	ssub.s32 @!p0 $0x0, s1;
	[sflag:s0] =	ssyncset.done @!p0 $0x0  }
0x1f2: {  	[sflag:s0] =	ssyncadd.s32 @!p0 s1  }
0x1f3: {  	[bflag:$0x3] =	sbarrier.arrive $0xFFFF  }
0x1f4: {  	_ =	shalt  }

</sc_bundles>
